<compile_context>
chip_gen: v7x
topology: tpu7x:2x2x1
jax: 0.10.2.dev20260603
libtpu: 0.0.44.dev20260713+nightly
codegen_flags: <defaults>
</compile_context>

<pallas_src>
import functools

import jax
import jax.numpy as jnp
from jax import lax
from jax.experimental import pallas as pl
from jax.experimental.pallas import tpu as pltpu
from jax.experimental.pallas import tpu_sc as plsc

N = 4096
E = 262144
D_IN = 256
D_EDGE = 4
D_OUT = 256

NC = 2
NS = 16
NW = NC * NS
K = 128
EAROW = 16
HN = 2 * N
HRPT = HN // NS
NHALF = 2

_mesh = plsc.VectorSubcoreMesh(core_axis_name="c", subcore_axis_name="s")


def _h_body(x_ref, w_ref, b_ref, h_ref):
    h_ref[...] = (
        jnp.dot(x_ref[...], w_ref[...], preferred_element_type=jnp.float32)
        + b_ref[...]
    )


@functools.cache
def _make_gather(e_tot):
    epw = e_tot // NW
    nchunk = epw // K

    @functools.partial(
        pl.kernel,
        out_type=(
            jax.ShapeDtypeStruct((e_tot, D_OUT), jnp.float32),
            jax.ShapeDtypeStruct((NW, D_EDGE, epw), jnp.float32),
        ),
        mesh=_mesh,
        scratch_types=[
            pltpu.VMEM((K,), jnp.int32),
            pltpu.VMEM((K,), jnp.int32),
            pltpu.VMEM((D_EDGE, K), jnp.int32),
            pltpu.VMEM((K, D_OUT), jnp.float32),
            pltpu.VMEM((D_EDGE, K, EAROW), jnp.float32),
            pltpu.VMEM((D_EDGE, epw), jnp.float32),
            pltpu.SemaphoreType.DMA,
            pltpu.SemaphoreType.DMA,
        ],
        compiler_params=pltpu.CompilerParams(
            use_tc_tiling_on_sc=False, needs_layout_passes=False),
    )
    def gather(h_hbm, row_hbm, col_hbm, ea_hbm, g0_hbm, eg_hbm,
               ridx_v, cidx_v, qidx_v, hrows_v, erows_v, eg_v, sem_h, sem_e):
        c = lax.axis_index("c")
        s = lax.axis_index("s")
        wid = s * NC + c
        base0 = wid * epw
        lane = lax.iota(jnp.int32, 16)

        def body(j, carry):
            base = base0 + j * K
            pltpu.sync_copy(row_hbm.at[pl.ds(base, K)], ridx_v)
            pltpu.sync_copy(col_hbm.at[pl.ds(base, K)], cidx_v)
            for i in range(K // 16):
                sl = pl.ds(i * 16, 16)
                r = ridx_v[sl]
                cc = cidx_v[sl]
                bq = (r << 10) + ((cc >> 7) << 5) + ((cc >> 4) & 7)
                for f in range(D_EDGE):
                    qidx_v[f, sl] = bq + f * 8
            cp_h = pltpu.async_copy(h_hbm.at[ridx_v], hrows_v, sem_h)
            cps = [pltpu.async_copy(ea_hbm.at[qidx_v.at[f]], erows_v.at[f],
                                    sem_e)
                   for f in range(D_EDGE)]
            cp_h.wait()
            for cp in cps:
                cp.wait()
            for f in range(D_EDGE):
                fvec = jnp.full((16,), f, jnp.int32)
                for g in range(K // 16):
                    sl = pl.ds(g * 16, 16)
                    trow = lane + g * 16
                    ccol = cidx_v[sl] & 15
                    vals = plsc.load_gather(erows_v, [fvec, trow, ccol])
                    eg_v[f, pl.ds(j * K + g * 16, 16)] = vals
            pltpu.sync_copy(hrows_v, g0_hbm.at[pl.ds(base, K)])
            return carry

        lax.fori_loop(0, nchunk, body, 0)
        pltpu.sync_copy(eg_v, eg_hbm.at[wid])

    return gather


def _mlp_body(g0_ref, eg_ref, w1e_ref, w2_ref, b2_ref, out_ref):
    egb = eg_ref[0]
    ew = lax.dot_general(egb, w1e_ref[...], (((0,), (0,)), ((), ())),
                         preferred_element_type=jnp.float32)
    h1 = jnp.maximum(g0_ref[...] + ew, 0.0)
    h2 = (
        jnp.dot(h1.astype(jnp.bfloat16), w2_ref[...],
                preferred_element_type=jnp.float32)
        + b2_ref[...]
    )
    out_ref[...] = jnp.maximum(h2, 0.0)


@functools.cache
def _make_scatter(e_tot):
    epw = e_tot // NW
    nchunk = epw // K

    @functools.partial(
        pl.kernel,
        out_type=jax.ShapeDtypeStruct((NC * HN, 128), jnp.float32),
        mesh=_mesh,
        scratch_types=[
            pltpu.VMEM((K,), jnp.int32),
            pltpu.VMEM((2, K), jnp.int32),
            pltpu.VMEM((2 * K, 128), jnp.float32),
            pltpu.VMEM_SHARED((HN, 128), jnp.float32),
        ],
        compiler_params=pltpu.CompilerParams(
            use_tc_tiling_on_sc=False, needs_layout_passes=False),
    )
    def scatter(out2t_hbm, col_hbm, zeros_hbm, part_hbm,
                cidx_v, didx_v, rows_v, acc_sh):
        c = lax.axis_index("c")
        s = lax.axis_index("s")
        wid = s * NC + c
        base0 = wid * epw
        lane = lax.iota(jnp.int32, 16)
        lane7 = lane & 7
        lhalf = lax.shift_right_logical(lane, 3) & 1

        pltpu.sync_copy(zeros_hbm.at[pl.ds(s * HRPT, HRPT)],
                        acc_sh.at[pl.ds(s * HRPT, HRPT)])
        plsc.subcore_barrier()

        def body(j, carry):
            base = base0 + j * K
            pltpu.sync_copy(col_hbm.at[pl.ds(base, K)], cidx_v)
            pltpu.sync_copy(out2t_hbm.at[pl.ds(2 * base, 2 * K)], rows_v)
            for g in range(2 * K // 16):
                cols = plsc.load_gather(cidx_v, [g * 8 + lane7])
                d = 2 * cols + lhalf
                didx_v[g // 8, pl.ds((g % 8) * 16, 16)] = d
            for q in range(2):
                pltpu.sync_copy(rows_v.at[pl.ds(q * K, K)],
                                acc_sh.at[didx_v.at[q]], add=True)
            return carry

        lax.fori_loop(0, nchunk, body, 0)
        plsc.subcore_barrier()

        pltpu.sync_copy(acc_sh.at[pl.ds(s * HRPT, HRPT)],
                        part_hbm.at[pl.ds(c * HN + s * HRPT, HRPT)])

    return scatter


def _combine_body(p0_ref, p1_ref, o_ref):
    o_ref[...] = (p0_ref[0] + p0_ref[1]) + (p1_ref[0] + p1_ref[1])


def kernel(x, edge_index, edge_attr, W1, b1, W2, b2):
    row = edge_index[0]
    col = edge_index[1]
    W1eT = W1[:, D_IN:].T
    W2Tb = W2.T.astype(jnp.bfloat16)
    ea_flat = (edge_attr.reshape(N, N // 128, 128, D_EDGE)
               .transpose(0, 1, 3, 2)
               .reshape(N * N * D_EDGE // EAROW, EAROW))

    H = pl.pallas_call(
        _h_body,
        out_shape=jax.ShapeDtypeStruct((N, D_OUT), jnp.float32),
    )(x, W1[:, :D_IN].T, b1.reshape(1, D_OUT))

    EH = E // NHALF
    gather = _make_gather(EH)
    scatter = _make_scatter(EH)
    zeros = jnp.zeros((HN, 128), jnp.float32)

    B = 2048
    BPW = max(1, (EH // NW) // B)

    parts = []
    for h in range(NHALF):
        row_h = lax.slice_in_dim(row, h * EH, (h + 1) * EH)
        col_h = lax.slice_in_dim(col, h * EH, (h + 1) * EH)

        g0, eg = gather(H, row_h, col_h, ea_flat)

        out2 = pl.pallas_call(
            _mlp_body,
            grid=(EH // B,),
            in_specs=[
                pl.BlockSpec((B, D_OUT), lambda i: (i, 0)),
                pl.BlockSpec((1, D_EDGE, B),
                             lambda i, bpw=BPW: (i // bpw, 0, i % bpw)),
                pl.BlockSpec((D_EDGE, D_OUT), lambda i: (0, 0)),
                pl.BlockSpec((D_OUT, D_OUT), lambda i: (0, 0)),
                pl.BlockSpec((1, D_OUT), lambda i: (0, 0)),
            ],
            out_specs=pl.BlockSpec((B, D_OUT), lambda i: (i, 0)),
            out_shape=jax.ShapeDtypeStruct((EH, D_OUT), jnp.float32),
        )(g0, eg, W1eT, W2Tb, b2.reshape(1, D_OUT))

        out2t = (out2.reshape(EH // 8, 8, 2, 128)
                 .transpose(0, 2, 1, 3)
                 .reshape(2 * EH, 128))
        parts.append(scatter(out2t, col_h, zeros))

    BR = 512
    out = pl.pallas_call(
        _combine_body,
        grid=(N // BR,),
        in_specs=[pl.BlockSpec((NC, BR, D_OUT), lambda i: (0, i, 0)),
                  pl.BlockSpec((NC, BR, D_OUT), lambda i: (0, i, 0))],
        out_specs=pl.BlockSpec((BR, D_OUT), lambda i: (i, 0)),
        out_shape=jax.ShapeDtypeStruct((N, D_OUT), jnp.float32),
    )(parts[0].reshape(NC, N, D_OUT), parts[1].reshape(NC, N, D_OUT))
    return out

# --- scband reference (transcript-rebuilt; emitter-appended) ---
"""Pipeline reference for scband-graph-sagewith-edge-features-22368189678239 (READ-ONLY COPY).

The authoritative reference and input builder live on the scoring server;
editing this copy changes nothing except your own understanding.
"""

import jax, jax.numpy as jnp
import numpy as np

N = 4096
E = 262144
D_IN = 256
D_EDGE = 4
D_OUT = 256


def setup_inputs(seed: int = 0) -> dict:
    key = jax.random.key(seed)
    ks = jax.random.split(key, 7)
    x = jax.random.normal(ks[0], (N, D_IN), dtype=jnp.float32)
    edge_index = jax.random.randint(ks[1], (2, E), 0, N, dtype=jnp.int32)
    edge_attr = jax.random.normal(ks[2], (N, N, D_EDGE), dtype=jnp.float32)
    # Learned parameters (torch nn.Linear convention: W [out, in], y = x @ W.T + b)
    W1 = jax.random.normal(ks[3], (D_OUT, D_IN + D_EDGE), dtype=jnp.float32) * 0.05
    b1 = jnp.zeros((D_OUT,), dtype=jnp.float32)
    W2 = jax.random.normal(ks[4], (D_OUT, D_OUT), dtype=jnp.float32) * 0.05
    b2 = jnp.zeros((D_OUT,), dtype=jnp.float32)
    return {"x": x, "edge_index": edge_index, "edge_attr": edge_attr,
            "W1": W1, "b1": b1, "W2": W2, "b2": b2}


def reference(x, edge_index, edge_attr, W1, b1, W2, b2):
    row, col = edge_index[0], edge_index[1]
    x_col = x[col]  # computed in the original forward but unused
    x_row = x[row]
    # dense pairwise edge-feature lookup: edge_attr[row, col] -> [E, D_EDGE]
    edge_feature = edge_attr[row, col]
    out = jnp.concatenate([x_row, edge_feature], axis=-1)
    out = out @ W1.T + b1
    out = jax.nn.relu(out)
    out = out @ W2.T + b2
    out = jax.nn.relu(out)
    # global_add_pool with batch=col == segment-sum over destination nodes
    out = jax.ops.segment_sum(out, col, num_segments=x.shape[0])
    return out

if __name__ == "__main__":
    import jax
    _d = setup_inputs()
    print(jax.jit(kernel)(*tuple(_d.values())))

</pallas_src>

<mosaic_0001>
#map = affine_map<(d0, d1) -> (0, 0)>
#map1 = affine_map<(d0, d1) -> (0)>
module attributes {stable_mosaic.version = 14 : i64} {
  func.func @scatter(%arg0: i32, %arg1: i32, %arg2: memref<262144x128xf32, #tpu.memory_space<hbm>>, %arg3: memref<131072xi32, #tpu.memory_space<hbm>>, %arg4: memref<8192x128xf32, #tpu.memory_space<hbm>>, %arg5: memref<16384x128xf32, #tpu.memory_space<hbm>>, %arg6: memref<128xi32, #tpu.memory_space<vmem>>, %arg7: memref<2x128xi32, #tpu.memory_space<vmem>>, %arg8: memref<256x128xf32, #tpu.memory_space<vmem>>, %arg9: memref<8192x128xf32, #tpu.memory_space<vmem_shared>>) attributes {dimension_semantics = [#tpu.dimension_semantics<core_parallel>, #tpu.dimension_semantics<subcore_parallel>], iteration_bounds = array<i64: 2, 16>, scalar_prefetch = 0 : i64, scratch_operands = 4 : i64, tpu.core_type = #tpu.core_type<sc_vector_subcore>, window_params = [{transform_indices = #map}, {transform_indices = #map1}, {transform_indices = #map}, {transform_indices = #map}]} {
    %mul3A = arith.constant 2 : i32
    %mul3A_0 = arith.muli %arg1, %mul3A : i32
    %add3A = arith.addi %mul3A_0, %arg0 : i32
    %mul3A_1 = arith.constant 4096 : i32
    %mul3A_2 = arith.muli %add3A, %mul3A_1 : i32
    %iota3A = tpu.iota {dimensions = array<i32: 0>} : vector<16xi32>
    %and3A = arith.constant 7 : i32
    %and3A_3 = vector.broadcast %and3A : i32 to vector<16xi32>
    %and3A_4 = arith.andi %iota3A, %and3A_3 : vector<16xi32>
    %shift_right_logical3A = arith.constant 3 : i32
    %shift_right_logical3A_5 = vector.broadcast %shift_right_logical3A : i32 to vector<16xi32>
    %shift_right_logical3A_6 = arith.shrui %iota3A, %shift_right_logical3A_5 : vector<16xi32>
    %and3A_7 = arith.constant 1 : i32
    %and3A_8 = vector.broadcast %and3A_7 : i32 to vector<16xi32>
    %and3A_9 = arith.andi %shift_right_logical3A_6, %and3A_8 : vector<16xi32>
    %mul3A_10 = arith.constant 512 : i32
    %mul3A_11 = arith.muli %arg1, %mul3A_10 : i32
    %mul3A_12 = arith.constant 512 : i32
    %mul3A_13 = arith.muli %arg1, %mul3A_12 : i32
    "tpu.region"() ({
      %run_scoped3A = tpu.sem_alloc : memref<!tpu.dma_semaphore, #tpu.memory_space<semaphore_mem>>
      %dma_start3A = arith.constant 0 : i32
      %dma_start3A_27 = tpu.memref_slice %arg9[%mul3A_13, %dma_start3A] : memref<8192x128xf32, #tpu.memory_space<vmem_shared>> -> memref<512x128xf32, #tpu.memory_space<vmem_shared>>
      %dma_start3A_28 = arith.constant 0 : i32
      %dma_start3A_29 = tpu.memref_slice %arg4[%mul3A_11, %dma_start3A_28] : memref<8192x128xf32, #tpu.memory_space<hbm>> -> memref<512x128xf32, #tpu.memory_space<hbm>>
      tpu.enqueue_dma source(%dma_start3A_29 : memref<512x128xf32, #tpu.memory_space<hbm>>) target(%dma_start3A_27 : memref<512x128xf32, #tpu.memory_space<vmem_shared>>) target_semaphore(%run_scoped3A : memref<!tpu.dma_semaphore, #tpu.memory_space<semaphore_mem>>)
      %dma_wait3A = arith.constant 0 : i32
      %dma_wait3A_30 = tpu.memref_slice %arg9[%mul3A_13, %dma_wait3A] : memref<8192x128xf32, #tpu.memory_space<vmem_shared>> -> memref<512x128xf32, #tpu.memory_space<vmem_shared>>
      %dma_wait3A_31 = arith.constant 0 : i32
      %dma_wait3A_32 = tpu.memref_slice %arg4[%mul3A_11, %dma_wait3A_31] : memref<8192x128xf32, #tpu.memory_space<hbm>> -> memref<512x128xf32, #tpu.memory_space<hbm>>
      tpu.wait_dma2 semaphore(%run_scoped3A : memref<!tpu.dma_semaphore, #tpu.memory_space<semaphore_mem>>) src(%dma_wait3A_32 : memref<512x128xf32, #tpu.memory_space<hbm>>) dst(%dma_wait3A_30 : memref<512x128xf32, #tpu.memory_space<vmem_shared>>)
      tpu.yield
    }) : () -> ()
    %barrier3A = arith.constant 0 : index
    tpu.barrier barrier_id(%barrier3A)
    %scan3A = arith.constant 0 : i32
    %scan3A_14 = arith.constant 0 : i32
    %scan3A_15 = arith.constant 32 : i32
    %scan3A_16 = arith.addi %scan3A_14, %scan3A_15 : i32
    %scan3A_17 = arith.constant 1 : i32
    scf.for %scan3A_27 = %scan3A_14 to %scan3A_16 step %scan3A_17  : i32 {
      %mul3A_28 = arith.constant 128 : i32
      %mul3A_29 = arith.muli %scan3A_27, %mul3A_28 : i32
      %add3A_30 = arith.addi %mul3A_2, %mul3A_29 : i32
      "tpu.region"() ({
        %run_scoped3A_224 = tpu.sem_alloc : memref<!tpu.dma_semaphore, #tpu.memory_space<semaphore_mem>>
        %dma_start3A = tpu.memref_slice %arg3[%add3A_30] : memref<131072xi32, #tpu.memory_space<hbm>> -> memref<128xi32, #tpu.memory_space<hbm>>
        %dma_start3A_225 = tpu.memref_slice %arg3[%add3A_30] : memref<131072xi32, #tpu.memory_space<hbm>> -> memref<128xi32, #tpu.memory_space<hbm>>
        tpu.enqueue_dma source(%dma_start3A_225 : memref<128xi32, #tpu.memory_space<hbm>>) target(%arg6 : memref<128xi32, #tpu.memory_space<vmem>>) target_semaphore(%run_scoped3A_224 : memref<!tpu.dma_semaphore, #tpu.memory_space<semaphore_mem>>)
        %dma_wait3A = tpu.memref_slice %arg3[%add3A_30] : memref<131072xi32, #tpu.memory_space<hbm>> -> memref<128xi32, #tpu.memory_space<hbm>>
        %dma_wait3A_226 = tpu.memref_slice %arg3[%add3A_30] : memref<131072xi32, #tpu.memory_space<hbm>> -> memref<128xi32, #tpu.memory_space<hbm>>
        tpu.wait_dma2 semaphore(%run_scoped3A_224 : memref<!tpu.dma_semaphore, #tpu.memory_space<semaphore_mem>>) src(%dma_wait3A_226 : memref<128xi32, #tpu.memory_space<hbm>>) dst(%arg6 : memref<128xi32, #tpu.memory_space<vmem>>)
        tpu.yield
      }) : () -> ()
      %mul3A_31 = arith.constant 2 : i32
      %mul3A_32 = arith.muli %mul3A_31, %add3A_30 : i32
      "tpu.region"() ({
        %run_scoped3A_224 = tpu.sem_alloc : memref<!tpu.dma_semaphore, #tpu.memory_space<semaphore_mem>>
        %dma_start3A = arith.constant 0 : i32
        %dma_start3A_225 = tpu.memref_slice %arg2[%mul3A_32, %dma_start3A] : memref<262144x128xf32, #tpu.memory_space<hbm>> -> memref<256x128xf32, #tpu.memory_space<hbm>>
        %dma_start3A_226 = arith.constant 0 : i32
        %dma_start3A_227 = tpu.memref_slice %arg2[%mul3A_32, %dma_start3A_226] : memref<262144x128xf32, #tpu.memory_space<hbm>> -> memref<256x128xf32, #tpu.memory_space<hbm>>
        tpu.enqueue_dma source(%dma_start3A_227 : memref<256x128xf32, #tpu.memory_space<hbm>>) target(%arg8 : memref<256x128xf32, #tpu.memory_space<vmem>>) target_semaphore(%run_scoped3A_224 : memref<!tpu.dma_semaphore, #tpu.memory_space<semaphore_mem>>)
        %dma_wait3A = arith.constant 0 : i32
        %dma_wait3A_228 = tpu.memref_slice %arg2[%mul3A_32, %dma_wait3A] : memref<262144x128xf32, #tpu.memory_space<hbm>> -> memref<256x128xf32, #tpu.memory_space<hbm>>
        %dma_wait3A_229 = arith.constant 0 : i32
        %dma_wait3A_230 = tpu.memref_slice %arg2[%mul3A_32, %dma_wait3A_229] : memref<262144x128xf32, #tpu.memory_space<hbm>> -> memref<256x128xf32, #tpu.memory_space<hbm>>
        tpu.wait_dma2 semaphore(%run_scoped3A_224 : memref<!tpu.dma_semaphore, #tpu.memory_space<semaphore_mem>>) src(%dma_wait3A_230 : memref<256x128xf32, #tpu.memory_space<hbm>>) dst(%arg8 : memref<256x128xf32, #tpu.memory_space<vmem>>)
        tpu.yield
      }) : () -> ()
      %add3A_33 = arith.constant 0 : i32
      %add3A_34 = vector.broadcast %add3A_33 : i32 to vector<16xi32>
      %add3A_35 = arith.addi %add3A_34, %and3A_4 : vector<16xi32>
      %gather3A = tpu.vector_load_idx %arg6[%add3A_35] : memref<128xi32, #tpu.memory_space<vmem>>[vector<16xi32>], vector<16xi32>,
      %mul3A_36 = arith.constant 2 : i32
      %mul3A_37 = vector.broadcast %mul3A_36 : i32 to vector<16xi32>
      %mul3A_38 = arith.muli %mul3A_37, %gather3A : vector<16xi32>
      %add3A_39 = arith.addi %mul3A_38, %and3A_9 : vector<16xi32>
      %swap3A = arith.constant 0 : i32
      %swap3A_40 = arith.index_cast %swap3A : i32 to index
      %swap3A_41 = arith.constant 0 : index
      %swap3A_42 = tpu.vector_load %arg7[%swap3A_40, %swap3A_41] {strides = array<i32>} : memref<2x128xi32, #tpu.memory_space<vmem>>, vector<16xi32>,
      tpu.vector_store %arg7[%swap3A_40, %swap3A_41], %add3A_39 {strides = array<i32>} : memref<2x128xi32, #tpu.memory_space<vmem>>, vector<16xi32>,
      %add3A_43 = arith.constant 8 : i32
      %add3A_44 = vector.broadcast %add3A_43 : i32 to vector<16xi32>
      %add3A_45 = arith.addi %add3A_44, %and3A_4 : vector<16xi32>
      %gather3A_46 = tpu.vector_load_idx %arg6[%add3A_45] : memref<128xi32, #tpu.memory_space<vmem>>[vector<16xi32>], vector<16xi32>,
      %mul3A_47 = arith.constant 2 : i32
      %mul3A_48 = vector.broadcast %mul3A_47 : i32 to vector<16xi32>
      %mul3A_49 = arith.muli %mul3A_48, %gather3A_46 : vector<16xi32>
      %add3A_50 = arith.addi %mul3A_49, %and3A_9 : vector<16xi32>
      %swap3A_51 = arith.constant 0 : i32
      %swap3A_52 = arith.index_cast %swap3A_51 : i32 to index
      %swap3A_53 = arith.constant 16 : index
      %swap3A_54 = tpu.vector_load %arg7[%swap3A_52, %swap3A_53] {strides = array<i32>} : memref<2x128xi32, #tpu.memory_space<vmem>>, vector<16xi32>,
      tpu.vector_store %arg7[%swap3A_52, %swap3A_53], %add3A_50 {strides = array<i32>} : memref<2x128xi32, #tpu.memory_space<vmem>>, vector<16xi32>,
      %add3A_55 = arith.constant 16 : i32
      %add3A_56 = vector.broadcast %add3A_55 : i32 to vector<16xi32>
      %add3A_57 = arith.addi %add3A_56, %and3A_4 : vector<16xi32>
      %gather3A_58 = tpu.vector_load_idx %arg6[%add3A_57] : memref<128xi32, #tpu.memory_space<vmem>>[vector<16xi32>], vector<16xi32>,
      %mul3A_59 = arith.constant 2 : i32
      %mul3A_60 = vector.broadcast %mul3A_59 : i32 to vector<16xi32>
      %mul3A_61 = arith.muli %mul3A_60, %gather3A_58 : vector<16xi32>
      %add3A_62 = arith.addi %mul3A_61, %and3A_9 : vector<16xi32>
      %swap3A_63 = arith.constant 0 : i32
      %swap3A_64 = arith.index_cast %swap3A_63 : i32 to index
      %swap3A_65 = arith.constant 32 : index
      %swap3A_66 = tpu.vector_load %arg7[%swap3A_64, %swap3A_65] {strides = array<i32>} : memref<2x128xi32, #tpu.memory_space<vmem>>, vector<16xi32>,
      tpu.vector_store %arg7[%swap3A_64, %swap3A_65], %add3A_62 {strides = array<i32>} : memref<2x128xi32, #tpu.memory_space<vmem>>, vector<16xi32>,
      %add3A_67 = arith.constant 24 : i32
      %add3A_68 = vector.broadcast %add3A_67 : i32 to vector<16xi32>
      %add3A_69 = arith.addi %add3A_68, %and3A_4 : vector<16xi32>
      %gather3A_70 = tpu.vector_load_idx %arg6[%add3A_69] : memref<128xi32, #tpu.memory_space<vmem>>[vector<16xi32>], vector<16xi32>,
      %mul3A_71 = arith.constant 2 : i32
      %mul3A_72 = vector.broadcast %mul3A_71 : i32 to vector<16xi32>
      %mul3A_73 = arith.muli %mul3A_72, %gather3A_70 : vector<16xi32>
      %add3A_74 = arith.addi %mul3A_73, %and3A_9 : vector<16xi32>
      %swap3A_75 = arith.constant 0 : i32
      %swap3A_76 = arith.index_cast %swap3A_75 : i32 to index
      %swap3A_77 = arith.constant 48 : index
      %swap3A_78 = tpu.vector_load %arg7[%swap3A_76, %swap3A_77] {strides = array<i32>} : memref<2x128xi32, #tpu.memory_space<vmem>>, vector<16xi32>,
      tpu.vector_store %arg7[%swap3A_76, %swap3A_77], %add3A_74 {strides = array<i32>} : memref<2x128xi32, #tpu.memory_space<vmem>>, vector<16xi32>,
      %add3A_79 = arith.constant 32 : i32
      %add3A_80 = vector.broadcast %add3A_79 : i32 to vector<16xi32>
      %add3A_81 = arith.addi %add3A_80, %and3A_4 : vector<16xi32>
      %gather3A_82 = tpu.vector_load_idx %arg6[%add3A_81] : memref<128xi32, #tpu.memory_space<vmem>>[vector<16xi32>], vector<16xi32>,
      %mul3A_83 = arith.constant 2 : i32
      %mul3A_84 = vector.broadcast %mul3A_83 : i32 to vector<16xi32>
      %mul3A_85 = arith.muli %mul3A_84, %gather3A_82 : vector<16xi32>
      %add3A_86 = arith.addi %mul3A_85, %and3A_9 : vector<16xi32>
      %swap3A_87 = arith.constant 0 : i32
      %swap3A_88 = arith.index_cast %swap3A_87 : i32 to index
      %swap3A_89 = arith.constant 64 : index
      %swap3A_90 = tpu.vector_load %arg7[%swap3A_88, %swap3A_89] {strides = array<i32>} : memref<2x128xi32, #tpu.memory_space<vmem>>, vector<16xi32>,
      tpu.vector_store %arg7[%swap3A_88, %swap3A_89], %add3A_86 {strides = array<i32>} : memref<2x128xi32, #tpu.memory_space<vmem>>, vector<16xi32>,
      %add3A_91 = arith.constant 40 : i32
      %add3A_92 = vector.broadcast %add3A_91 : i32 to vector<16xi32>
      %add3A_93 = arith.addi %add3A_92, %and3A_4 : vector<16xi32>
      %gather3A_94 = tpu.vector_load_idx %arg6[%add3A_93] : memref<128xi32, #tpu.memory_space<vmem>>[vector<16xi32>], vector<16xi32>,
      %mul3A_95 = arith.constant 2 : i32
      %mul3A_96 = vector.broadcast %mul3A_95 : i32 to vector<16xi32>
      %mul3A_97 = arith.muli %mul3A_96, %gather3A_94 : vector<16xi32>
      %add3A_98 = arith.addi %mul3A_97, %and3A_9 : vector<16xi32>
      %swap3A_99 = arith.constant 0 : i32
      %swap3A_100 = arith.index_cast %swap3A_99 : i32 to index
      %swap3A_101 = arith.constant 80 : index
      %swap3A_102 = tpu.vector_load %arg7[%swap3A_100, %swap3A_101] {strides = array<i32>} : memref<2x128xi32, #tpu.memory_space<vmem>>, vector<16xi32>,
      tpu.vector_store %arg7[%swap3A_100, %swap3A_101], %add3A_98 {strides = array<i32>} : memref<2x128xi32, #tpu.memory_space<vmem>>, vector<16xi32>,
      %add3A_103 = arith.constant 48 : i32
      %add3A_104 = vector.broadcast %add3A_103 : i32 to vector<16xi32>
      %add3A_105 = arith.addi %add3A_104, %and3A_4 : vector<16xi32>
      %gather3A_106 = tpu.vector_load_idx %arg6[%add3A_105] : memref<128xi32, #tpu.memory_space<vmem>>[vector<16xi32>], vector<16xi32>,
      %mul3A_107 = arith.constant 2 : i32
      %mul3A_108 = vector.broadcast %mul3A_107 : i32 to vector<16xi32>
      %mul3A_109 = arith.muli %mul3A_108, %gather3A_106 : vector<16xi32>
      %add3A_110 = arith.addi %mul3A_109, %and3A_9 : vector<16xi32>
      %swap3A_111 = arith.constant 0 : i32
      %swap3A_112 = arith.index_cast %swap3A_111 : i32 to index
      %swap3A_113 = arith.constant 96 : index
      %swap3A_114 = tpu.vector_load %arg7[%swap3A_112, %swap3A_113] {strides = array<i32>} : memref<2x128xi32, #tpu.memory_space<vmem>>, vector<16xi32>,
      tpu.vector_store %arg7[%swap3A_112, %swap3A_113], %add3A_110 {strides = array<i32>} : memref<2x128xi32, #tpu.memory_space<vmem>>, vector<16xi32>,
      %add3A_115 = arith.constant 56 : i32
      %add3A_116 = vector.broadcast %add3A_115 : i32 to vector<16xi32>
      %add3A_117 = arith.addi %add3A_116, %and3A_4 : vector<16xi32>
      %gather3A_118 = tpu.vector_load_idx %arg6[%add3A_117] : memref<128xi32, #tpu.memory_space<vmem>>[vector<16xi32>], vector<16xi32>,
      %mul3A_119 = arith.constant 2 : i32
      %mul3A_120 = vector.broadcast %mul3A_119 : i32 to vector<16xi32>
      %mul3A_121 = arith.muli %mul3A_120, %gather3A_118 : vector<16xi32>
      %add3A_122 = arith.addi %mul3A_121, %and3A_9 : vector<16xi32>
      %swap3A_123 = arith.constant 0 : i32
      %swap3A_124 = arith.index_cast %swap3A_123 : i32 to index
      %swap3A_125 = arith.constant 112 : index
      %swap3A_126 = tpu.vector_load %arg7[%swap3A_124, %swap3A_125] {strides = array<i32>} : memref<2x128xi32, #tpu.memory_space<vmem>>, vector<16xi32>,
      tpu.vector_store %arg7[%swap3A_124, %swap3A_125], %add3A_122 {strides = array<i32>} : memref<2x128xi32, #tpu.memory_space<vmem>>, vector<16xi32>,
      %add3A_127 = arith.constant 64 : i32
      %add3A_128 = vector.broadcast %add3A_127 : i32 to vector<16xi32>
      %add3A_129 = arith.addi %add3A_128, %and3A_4 : vector<16xi32>
      %gather3A_130 = tpu.vector_load_idx %arg6[%add3A_129] : memref<128xi32, #tpu.memory_space<vmem>>[vector<16xi32>], vector<16xi32>,
      %mul3A_131 = arith.constant 2 : i32
      %mul3A_132 = vector.broadcast %mul3A_131 : i32 to vector<16xi32>
      %mul3A_133 = arith.muli %mul3A_132, %gather3A_130 : vector<16xi32>
      %add3A_134 = arith.addi %mul3A_133, %and3A_9 : vector<16xi32>
      %swap3A_135 = arith.constant 1 : i32
      %swap3A_136 = arith.index_cast %swap3A_135 : i32 to index
      %swap3A_137 = arith.constant 0 : index
      %swap3A_138 = tpu.vector_load %arg7[%swap3A_136, %swap3A_137] {strides = array<i32>} : memref<2x128xi32, #tpu.memory_space<vmem>>, vector<16xi32>,
      tpu.vector_store %arg7[%swap3A_136, %swap3A_137], %add3A_134 {strides = array<i32>} : memref<2x128xi32, #tpu.memory_space<vmem>>, vector<16xi32>,
      %add3A_139 = arith.constant 72 : i32
      %add3A_140 = vector.broadcast %add3A_139 : i32 to vector<16xi32>
      %add3A_141 = arith.addi %add3A_140, %and3A_4 : vector<16xi32>
      %gather3A_142 = tpu.vector_load_idx %arg6[%add3A_141] : memref<128xi32, #tpu.memory_space<vmem>>[vector<16xi32>], vector<16xi32>,
      %mul3A_143 = arith.constant 2 : i32
      %mul3A_144 = vector.broadcast %mul3A_143 : i32 to vector<16xi32>
      %mul3A_145 = arith.muli %mul3A_144, %gather3A_142 : vector<16xi32>
      %add3A_146 = arith.addi %mul3A_145, %and3A_9 : vector<16xi32>
      %swap3A_147 = arith.constant 1 : i32
      %swap3A_148 = arith.index_cast %swap3A_147 : i32 to index
      %swap3A_149 = arith.constant 16 : index
      %swap3A_150 = tpu.vector_load %arg7[%swap3A_148, %swap3A_149] {strides = array<i32>} : memref<2x128xi32, #tpu.memory_space<vmem>>, vector<16xi32>,
      tpu.vector_store %arg7[%swap3A_148, %swap3A_149], %add3A_146 {strides = array<i32>} : memref<2x128xi32, #tpu.memory_space<vmem>>, vector<16xi32>,
      %add3A_151 = arith.constant 80 : i32
      %add3A_152 = vector.broadcast %add3A_151 : i32 to vector<16xi32>
      %add3A_153 = arith.addi %add3A_152, %and3A_4 : vector<16xi32>
      %gather3A_154 = tpu.vector_load_idx %arg6[%add3A_153] : memref<128xi32, #tpu.memory_space<vmem>>[vector<16xi32>], vector<16xi32>,
      %mul3A_155 = arith.constant 2 : i32
      %mul3A_156 = vector.broadcast %mul3A_155 : i32 to vector<16xi32>
      %mul3A_157 = arith.muli %mul3A_156, %gather3A_154 : vector<16xi32>
      %add3A_158 = arith.addi %mul3A_157, %and3A_9 : vector<16xi32>
      %swap3A_159 = arith.constant 1 : i32
      %swap3A_160 = arith.index_cast %swap3A_159 : i32 to index
      %swap3A_161 = arith.constant 32 : index
      %swap3A_162 = tpu.vector_load %arg7[%swap3A_160, %swap3A_161] {strides = array<i32>} : memref<2x128xi32, #tpu.memory_space<vmem>>, vector<16xi32>,
      tpu.vector_store %arg7[%swap3A_160, %swap3A_161], %add3A_158 {strides = array<i32>} : memref<2x128xi32, #tpu.memory_space<vmem>>, vector<16xi32>,
      %add3A_163 = arith.constant 88 : i32
      %add3A_164 = vector.broadcast %add3A_163 : i32 to vector<16xi32>
      %add3A_165 = arith.addi %add3A_164, %and3A_4 : vector<16xi32>
      %gather3A_166 = tpu.vector_load_idx %arg6[%add3A_165] : memref<128xi32, #tpu.memory_space<vmem>>[vector<16xi32>], vector<16xi32>,
      %mul3A_167 = arith.constant 2 : i32
      %mul3A_168 = vector.broadcast %mul3A_167 : i32 to vector<16xi32>
      %mul3A_169 = arith.muli %mul3A_168, %gather3A_166 : vector<16xi32>
      %add3A_170 = arith.addi %mul3A_169, %and3A_9 : vector<16xi32>
      %swap3A_171 = arith.constant 1 : i32
      %swap3A_172 = arith.index_cast %swap3A_171 : i32 to index
      %swap3A_173 = arith.constant 48 : index
      %swap3A_174 = tpu.vector_load %arg7[%swap3A_172, %swap3A_173] {strides = array<i32>} : memref<2x128xi32, #tpu.memory_space<vmem>>, vector<16xi32>,
      tpu.vector_store %arg7[%swap3A_172, %swap3A_173], %add3A_170 {strides = array<i32>} : memref<2x128xi32, #tpu.memory_space<vmem>>, vector<16xi32>,
      %add3A_175 = arith.constant 96 : i32
      %add3A_176 = vector.broadcast %add3A_175 : i32 to vector<16xi32>
      %add3A_177 = arith.addi %add3A_176, %and3A_4 : vector<16xi32>
      %gather3A_178 = tpu.vector_load_idx %arg6[%add3A_177] : memref<128xi32, #tpu.memory_space<vmem>>[vector<16xi32>], vector<16xi32>,
      %mul3A_179 = arith.constant 2 : i32
      %mul3A_180 = vector.broadcast %mul3A_179 : i32 to vector<16xi32>
      %mul3A_181 = arith.muli %mul3A_180, %gather3A_178 : vector<16xi32>
      %add3A_182 = arith.addi %mul3A_181, %and3A_9 : vector<16xi32>
      %swap3A_183 = arith.constant 1 : i32
      %swap3A_184 = arith.index_cast %swap3A_183 : i32 to index
      %swap3A_185 = arith.constant 64 : index
      %swap3A_186 = tpu.vector_load %arg7[%swap3A_184, %swap3A_185] {strides = array<i32>} : memref<2x128xi32, #tpu.memory_space<vmem>>, vector<16xi32>,
      tpu.vector_store %arg7[%swap3A_184, %swap3A_185], %add3A_182 {strides = array<i32>} : memref<2x128xi32, #tpu.memory_space<vmem>>, vector<16xi32>,
      %add3A_187 = arith.constant 104 : i32
      %add3A_188 = vector.broadcast %add3A_187 : i32 to vector<16xi32>
      %add3A_189 = arith.addi %add3A_188, %and3A_4 : vector<16xi32>
      %gather3A_190 = tpu.vector_load_idx %arg6[%add3A_189] : memref<128xi32, #tpu.memory_space<vmem>>[vector<16xi32>], vector<16xi32>,
      %mul3A_191 = arith.constant 2 : i32
      %mul3A_192 = vector.broadcast %mul3A_191 : i32 to vector<16xi32>
      %mul3A_193 = arith.muli %mul3A_192, %gather3A_190 : vector<16xi32>
      %add3A_194 = arith.addi %mul3A_193, %and3A_9 : vector<16xi32>
      %swap3A_195 = arith.constant 1 : i32
      %swap3A_196 = arith.index_cast %swap3A_195 : i32 to index
      %swap3A_197 = arith.constant 80 : index
      %swap3A_198 = tpu.vector_load %arg7[%swap3A_196, %swap3A_197] {strides = array<i32>} : memref<2x128xi32, #tpu.memory_space<vmem>>, vector<16xi32>,
      tpu.vector_store %arg7[%swap3A_196, %swap3A_197], %add3A_194 {strides = array<i32>} : memref<2x128xi32, #tpu.memory_space<vmem>>, vector<16xi32>,
      %add3A_199 = arith.constant 112 : i32
      %add3A_200 = vector.broadcast %add3A_199 : i32 to vector<16xi32>
      %add3A_201 = arith.addi %add3A_200, %and3A_4 : vector<16xi32>
      %gather3A_202 = tpu.vector_load_idx %arg6[%add3A_201] : memref<128xi32, #tpu.memory_space<vmem>>[vector<16xi32>], vector<16xi32>,
      %mul3A_203 = arith.constant 2 : i32
      %mul3A_204 = vector.broadcast %mul3A_203 : i32 to vector<16xi32>
      %mul3A_205 = arith.muli %mul3A_204, %gather3A_202 : vector<16xi32>
      %add3A_206 = arith.addi %mul3A_205, %and3A_9 : vector<16xi32>
      %swap3A_207 = arith.constant 1 : i32
      %swap3A_208 = arith.index_cast %swap3A_207 : i32 to index
      %swap3A_209 = arith.constant 96 : index
      %swap3A_210 = tpu.vector_load %arg7[%swap3A_208, %swap3A_209] {strides = array<i32>} : memref<2x128xi32, #tpu.memory_space<vmem>>, vector<16xi32>,
      tpu.vector_store %arg7[%swap3A_208, %swap3A_209], %add3A_206 {strides = array<i32>} : memref<2x128xi32, #tpu.memory_space<vmem>>, vector<16xi32>,
      %add3A_211 = arith.constant 120 : i32
      %add3A_212 = vector.broadcast %add3A_211 : i32 to vector<16xi32>
      %add3A_213 = arith.addi %add3A_212, %and3A_4 : vector<16xi32>
      %gather3A_214 = tpu.vector_load_idx %arg6[%add3A_213] : memref<128xi32, #tpu.memory_space<vmem>>[vector<16xi32>], vector<16xi32>,
      %mul3A_215 = arith.constant 2 : i32
      %mul3A_216 = vector.broadcast %mul3A_215 : i32 to vector<16xi32>
      %mul3A_217 = arith.muli %mul3A_216, %gather3A_214 : vector<16xi32>
      %add3A_218 = arith.addi %mul3A_217, %and3A_9 : vector<16xi32>
      %swap3A_219 = arith.constant 1 : i32
      %swap3A_220 = arith.index_cast %swap3A_219 : i32 to index
      %swap3A_221 = arith.constant 112 : index
      %swap3A_222 = tpu.vector_load %arg7[%swap3A_220, %swap3A_221] {strides = array<i32>} : memref<2x128xi32, #tpu.memory_space<vmem>>, vector<16xi32>,
      tpu.vector_store %arg7[%swap3A_220, %swap3A_221], %add3A_218 {strides = array<i32>} : memref<2x128xi32, #tpu.memory_space<vmem>>, vector<16xi32>,
      %run_scoped3A = arith.constant 0 : i32
      "tpu.region"() ({
        %run_scoped3A_224 = tpu.sem_alloc : memref<!tpu.dma_semaphore, #tpu.memory_space<semaphore_mem>>
        %dma_start3A = arith.constant 0 : i32
        %dma_start3A_225 = arith.constant 0 : i32
        %dma_start3A_226 = tpu.memref_slice %arg8[%dma_start3A, %dma_start3A_225] : memref<256x128xf32, #tpu.memory_space<vmem>> -> memref<128x128xf32, #tpu.memory_space<vmem>>
        %dma_start3A_227 = arith.constant 0 : i32
        %dma_start3A_228 = tpu.memref_slice %arg7[%run_scoped3A, %dma_start3A_227] : memref<2x128xi32, #tpu.memory_space<vmem>> -> memref<1x128xi32, #tpu.memory_space<vmem>>
        %dma_start3A_229 = tpu.memref_squeeze %dma_start3A_228 : memref<1x128xi32, #tpu.memory_space<vmem>> -> memref<128xi32, #tpu.memory_space<vmem>>
        %dma_start3A_230 = arith.constant 0 : i32
        %dma_start3A_231 = arith.constant 0 : i32
        %dma_start3A_232 = tpu.memref_slice %arg9[%dma_start3A_230, %dma_start3A_231] : memref<8192x128xf32, #tpu.memory_space<vmem_shared>> -> memref<8192x128xf32, #tpu.memory_space<vmem_shared>>
        tpu.enqueue_indirect_dma source(%dma_start3A_226 : memref<128x128xf32, #tpu.memory_space<vmem>>) target(%dma_start3A_232 : memref<8192x128xf32, #tpu.memory_space<vmem_shared>>) offsets(%dma_start3A_229 : memref<128xi32, #tpu.memory_space<vmem>>) semaphore(%run_scoped3A_224 : memref<!tpu.dma_semaphore, #tpu.memory_space<semaphore_mem>>) {add = true}
        %dma_wait3A = arith.constant 0 : i32
        %dma_wait3A_233 = arith.constant 0 : i32
        %dma_wait3A_234 = tpu.memref_slice %arg8[%dma_wait3A, %dma_wait3A_233] : memref<256x128xf32, #tpu.memory_space<vmem>> -> memref<128x128xf32, #tpu.memory_space<vmem>>
        %dma_wait3A_235 = arith.constant 0 : i32
        %dma_wait3A_236 = tpu.memref_slice %arg7[%run_scoped3A, %dma_wait3A_235] : memref<2x128xi32, #tpu.memory_space<vmem>> -> memref<1x128xi32, #tpu.memory_space<vmem>>
        %dma_wait3A_237 = tpu.memref_squeeze %dma_wait3A_236 : memref<1x128xi32, #tpu.memory_space<vmem>> -> memref<128xi32, #tpu.memory_space<vmem>>
        %dma_wait3A_238 = arith.constant 0 : i32
        %dma_wait3A_239 = arith.constant 0 : i32
        %dma_wait3A_240 = tpu.memref_slice %arg9[%dma_wait3A_238, %dma_wait3A_239] : memref<8192x128xf32, #tpu.memory_space<vmem_shared>> -> memref<8192x128xf32, #tpu.memory_space<vmem_shared>>
        tpu.wait_indirect_dma semaphore(%run_scoped3A_224 : memref<!tpu.dma_semaphore, #tpu.memory_space<semaphore_mem>>) src(%dma_wait3A_234 : memref<128x128xf32, #tpu.memory_space<vmem>>) dst(%dma_wait3A_240 : memref<8192x128xf32, #tpu.memory_space<vmem_shared>>)
        tpu.yield
      }) : () -> ()
      %run_scoped3A_223 = arith.constant 1 : i32
      "tpu.region"() ({
        %run_scoped3A_224 = tpu.sem_alloc : memref<!tpu.dma_semaphore, #tpu.memory_space<semaphore_mem>>
        %dma_start3A = arith.constant 128 : i32
        %dma_start3A_225 = arith.constant 0 : i32
        %dma_start3A_226 = tpu.memref_slice %arg8[%dma_start3A, %dma_start3A_225] : memref<256x128xf32, #tpu.memory_space<vmem>> -> memref<128x128xf32, #tpu.memory_space<vmem>>
        %dma_start3A_227 = arith.constant 0 : i32
        %dma_start3A_228 = tpu.memref_slice %arg7[%run_scoped3A_223, %dma_start3A_227] : memref<2x128xi32, #tpu.memory_space<vmem>> -> memref<1x128xi32, #tpu.memory_space<vmem>>
        %dma_start3A_229 = tpu.memref_squeeze %dma_start3A_228 : memref<1x128xi32, #tpu.memory_space<vmem>> -> memref<128xi32, #tpu.memory_space<vmem>>
        %dma_start3A_230 = arith.constant 0 : i32
        %dma_start3A_231 = arith.constant 0 : i32
        %dma_start3A_232 = tpu.memref_slice %arg9[%dma_start3A_230, %dma_start3A_231] : memref<8192x128xf32, #tpu.memory_space<vmem_shared>> -> memref<8192x128xf32, #tpu.memory_space<vmem_shared>>
        tpu.enqueue_indirect_dma source(%dma_start3A_226 : memref<128x128xf32, #tpu.memory_space<vmem>>) target(%dma_start3A_232 : memref<8192x128xf32, #tpu.memory_space<vmem_shared>>) offsets(%dma_start3A_229 : memref<128xi32, #tpu.memory_space<vmem>>) semaphore(%run_scoped3A_224 : memref<!tpu.dma_semaphore, #tpu.memory_space<semaphore_mem>>) {add = true}
        %dma_wait3A = arith.constant 128 : i32
        %dma_wait3A_233 = arith.constant 0 : i32
        %dma_wait3A_234 = tpu.memref_slice %arg8[%dma_wait3A, %dma_wait3A_233] : memref<256x128xf32, #tpu.memory_space<vmem>> -> memref<128x128xf32, #tpu.memory_space<vmem>>
        %dma_wait3A_235 = arith.constant 0 : i32
        %dma_wait3A_236 = tpu.memref_slice %arg7[%run_scoped3A_223, %dma_wait3A_235] : memref<2x128xi32, #tpu.memory_space<vmem>> -> memref<1x128xi32, #tpu.memory_space<vmem>>
        %dma_wait3A_237 = tpu.memref_squeeze %dma_wait3A_236 : memref<1x128xi32, #tpu.memory_space<vmem>> -> memref<128xi32, #tpu.memory_space<vmem>>
        %dma_wait3A_238 = arith.constant 0 : i32
        %dma_wait3A_239 = arith.constant 0 : i32
        %dma_wait3A_240 = tpu.memref_slice %arg9[%dma_wait3A_238, %dma_wait3A_239] : memref<8192x128xf32, #tpu.memory_space<vmem_shared>> -> memref<8192x128xf32, #tpu.memory_space<vmem_shared>>
        tpu.wait_indirect_dma semaphore(%run_scoped3A_224 : memref<!tpu.dma_semaphore, #tpu.memory_space<semaphore_mem>>) src(%dma_wait3A_234 : memref<128x128xf32, #tpu.memory_space<vmem>>) dst(%dma_wait3A_240 : memref<8192x128xf32, #tpu.memory_space<vmem_shared>>)
        tpu.yield
      }) : () -> ()
    }
    %scan3A_18 = arith.constant 32 : i32
    %barrier3A_19 = arith.constant 0 : index
    tpu.barrier barrier_id(%barrier3A_19)
    %mul3A_20 = arith.constant 512 : i32
    %mul3A_21 = arith.muli %arg1, %mul3A_20 : i32
    %mul3A_22 = arith.constant 8192 : i32
    %mul3A_23 = arith.muli %arg0, %mul3A_22 : i32
    %mul3A_24 = arith.constant 512 : i32
    %mul3A_25 = arith.muli %arg1, %mul3A_24 : i32
    %add3A_26 = arith.addi %mul3A_23, %mul3A_25 : i32
    "tpu.region"() ({
      %run_scoped3A = tpu.sem_alloc : memref<!tpu.dma_semaphore, #tpu.memory_space<semaphore_mem>>
      %dma_start3A = arith.constant 0 : i32
      %dma_start3A_27 = tpu.memref_slice %arg5[%add3A_26, %dma_start3A] : memref<16384x128xf32, #tpu.memory_space<hbm>> -> memref<512x128xf32, #tpu.memory_space<hbm>>
      %dma_start3A_28 = arith.constant 0 : i32
      %dma_start3A_29 = tpu.memref_slice %arg9[%mul3A_21, %dma_start3A_28] : memref<8192x128xf32, #tpu.memory_space<vmem_shared>> -> memref<512x128xf32, #tpu.memory_space<vmem_shared>>
      tpu.enqueue_dma source(%dma_start3A_29 : memref<512x128xf32, #tpu.memory_space<vmem_shared>>) target(%dma_start3A_27 : memref<512x128xf32, #tpu.memory_space<hbm>>) target_semaphore(%run_scoped3A : memref<!tpu.dma_semaphore, #tpu.memory_space<semaphore_mem>>)
      %dma_wait3A = arith.constant 0 : i32
      %dma_wait3A_30 = tpu.memref_slice %arg5[%add3A_26, %dma_wait3A] : memref<16384x128xf32, #tpu.memory_space<hbm>> -> memref<512x128xf32, #tpu.memory_space<hbm>>
      %dma_wait3A_31 = arith.constant 0 : i32
      %dma_wait3A_32 = tpu.memref_slice %arg9[%mul3A_21, %dma_wait3A_31] : memref<8192x128xf32, #tpu.memory_space<vmem_shared>> -> memref<512x128xf32, #tpu.memory_space<vmem_shared>>
      tpu.wait_dma2 semaphore(%run_scoped3A : memref<!tpu.dma_semaphore, #tpu.memory_space<semaphore_mem>>) src(%dma_wait3A_32 : memref<512x128xf32, #tpu.memory_space<vmem_shared>>) dst(%dma_wait3A_30 : memref<512x128xf32, #tpu.memory_space<hbm>>)
      tpu.yield
    }) : () -> ()
    return
  }
}

#map = affine_map<(d0, d1) -> (0, 0)>
#map1 = affine_map<(d0, d1) -> (0)>
#map2 = affine_map<(d0, d1) -> (0, 0, 0)>
module attributes {stable_mosaic.version = 14 : i64} {
  func.func @gather(%arg0: i32, %arg1: i32, %arg2: memref<4096x256xf32, #tpu.memory_space<hbm>>, %arg3: memref<131072xi32, #tpu.memory_space<hbm>>, %arg4: memref<131072xi32, #tpu.memory_space<hbm>>, %arg5: memref<4194304x16xf32, #tpu.memory_space<hbm>>, %arg6: memref<131072x256xf32, #tpu.memory_space<hbm>>, %arg7: memref<32x4x4096xf32, #tpu.memory_space<hbm>>, %arg8: memref<128xi32, #tpu.memory_space<vmem>>, %arg9: memref<128xi32, #tpu.memory_space<vmem>>, %arg10: memref<4x128xi32, #tpu.memory_space<vmem>>, %arg11: memref<128x256xf32, #tpu.memory_space<vmem>>, %arg12: memref<4x128x16xf32, #tpu.memory_space<vmem>>, %arg13: memref<4x4096xf32, #tpu.memory_space<vmem>>, %arg14: memref<!tpu.dma_semaphore, #tpu.memory_space<semaphore_mem>>, %arg15: memref<!tpu.dma_semaphore, #tpu.memory_space<semaphore_mem>>) attributes {dimension_semantics = [#tpu.dimension_semantics<core_parallel>, #tpu.dimension_semantics<subcore_parallel>], iteration_bounds = array<i64: 2, 16>, scalar_prefetch = 0 : i64, scratch_operands = 8 : i64, tpu.core_type = #tpu.core_type<sc_vector_subcore>, window_params = [{transform_indices = #map}, {transform_indices = #map1}, {transform_indices = #map1}, {transform_indices = #map}, {transform_indices = #map}, {transform_indices = #map2}]} {
    %mul3A = arith.constant 2 : i32
    %mul3A_0 = arith.muli %arg1, %mul3A : i32
    %add3A = arith.addi %mul3A_0, %arg0 : i32
    %mul3A_1 = arith.constant 4096 : i32
    %mul3A_2 = arith.muli %add3A, %mul3A_1 : i32
    %iota3A = tpu.iota {dimensions = array<i32: 0>} : vector<16xi32>
    %scan3A = arith.constant 0 : i32
    %scan3A_3 = arith.constant 0 : i32
    %scan3A_4 = arith.constant 32 : i32
    %scan3A_5 = arith.addi %scan3A_3, %scan3A_4 : i32
    %scan3A_6 = arith.constant 1 : i32
    scf.for %scan3A_8 = %scan3A_3 to %scan3A_5 step %scan3A_6  : i32 {
      %mul3A_9 = arith.constant 128 : i32
      %mul3A_10 = arith.muli %scan3A_8, %mul3A_9 : i32
      %add3A_11 = arith.addi %mul3A_2, %mul3A_10 : i32
      "tpu.region"() ({
        %run_scoped3A = tpu.sem_alloc : memref<!tpu.dma_semaphore, #tpu.memory_space<semaphore_mem>>
        %dma_start3A_1049 = tpu.memref_slice %arg3[%add3A_11] : memref<131072xi32, #tpu.memory_space<hbm>> -> memref<128xi32, #tpu.memory_space<hbm>>
        %dma_start3A_1050 = tpu.memref_slice %arg3[%add3A_11] : memref<131072xi32, #tpu.memory_space<hbm>> -> memref<128xi32, #tpu.memory_space<hbm>>
        tpu.enqueue_dma source(%dma_start3A_1050 : memref<128xi32, #tpu.memory_space<hbm>>) target(%arg8 : memref<128xi32, #tpu.memory_space<vmem>>) target_semaphore(%run_scoped3A : memref<!tpu.dma_semaphore, #tpu.memory_space<semaphore_mem>>)
        %dma_wait3A_1051 = tpu.memref_slice %arg3[%add3A_11] : memref<131072xi32, #tpu.memory_space<hbm>> -> memref<128xi32, #tpu.memory_space<hbm>>
        %dma_wait3A_1052 = tpu.memref_slice %arg3[%add3A_11] : memref<131072xi32, #tpu.memory_space<hbm>> -> memref<128xi32, #tpu.memory_space<hbm>>
        tpu.wait_dma2 semaphore(%run_scoped3A : memref<!tpu.dma_semaphore, #tpu.memory_space<semaphore_mem>>) src(%dma_wait3A_1052 : memref<128xi32, #tpu.memory_space<hbm>>) dst(%arg8 : memref<128xi32, #tpu.memory_space<vmem>>)
        tpu.yield
      }) : () -> ()
      "tpu.region"() ({
        %run_scoped3A = tpu.sem_alloc : memref<!tpu.dma_semaphore, #tpu.memory_space<semaphore_mem>>
        %dma_start3A_1049 = tpu.memref_slice %arg4[%add3A_11] : memref<131072xi32, #tpu.memory_space<hbm>> -> memref<128xi32, #tpu.memory_space<hbm>>
        %dma_start3A_1050 = tpu.memref_slice %arg4[%add3A_11] : memref<131072xi32, #tpu.memory_space<hbm>> -> memref<128xi32, #tpu.memory_space<hbm>>
        tpu.enqueue_dma source(%dma_start3A_1050 : memref<128xi32, #tpu.memory_space<hbm>>) target(%arg9 : memref<128xi32, #tpu.memory_space<vmem>>) target_semaphore(%run_scoped3A : memref<!tpu.dma_semaphore, #tpu.memory_space<semaphore_mem>>)
        %dma_wait3A_1051 = tpu.memref_slice %arg4[%add3A_11] : memref<131072xi32, #tpu.memory_space<hbm>> -> memref<128xi32, #tpu.memory_space<hbm>>
        %dma_wait3A_1052 = tpu.memref_slice %arg4[%add3A_11] : memref<131072xi32, #tpu.memory_space<hbm>> -> memref<128xi32, #tpu.memory_space<hbm>>
        tpu.wait_dma2 semaphore(%run_scoped3A : memref<!tpu.dma_semaphore, #tpu.memory_space<semaphore_mem>>) src(%dma_wait3A_1052 : memref<128xi32, #tpu.memory_space<hbm>>) dst(%arg9 : memref<128xi32, #tpu.memory_space<vmem>>)
        tpu.yield
      }) : () -> ()
      %get3A = arith.constant 0 : index
      %get3A_12 = tpu.vector_load %arg8[%get3A] {strides = array<i32>} : memref<128xi32, #tpu.memory_space<vmem>>, vector<16xi32>,
      %get3A_13 = arith.constant 0 : index
      %get3A_14 = tpu.vector_load %arg9[%get3A_13] {strides = array<i32>} : memref<128xi32, #tpu.memory_space<vmem>>, vector<16xi32>,
      %shift_left3A = arith.constant 10 : i32
      %shift_left3A_15 = vector.broadcast %shift_left3A : i32 to vector<16xi32>
      %shift_left3A_16 = arith.shli %get3A_12, %shift_left3A_15 : vector<16xi32>
      %shift_right_arithmetic3A = arith.constant 7 : i32
      %shift_right_arithmetic3A_17 = vector.broadcast %shift_right_arithmetic3A : i32 to vector<16xi32>
      %shift_right_arithmetic3A_18 = arith.shrsi %get3A_14, %shift_right_arithmetic3A_17 : vector<16xi32>
      %shift_left3A_19 = arith.constant 5 : i32
      %shift_left3A_20 = vector.broadcast %shift_left3A_19 : i32 to vector<16xi32>
      %shift_left3A_21 = arith.shli %shift_right_arithmetic3A_18, %shift_left3A_20 : vector<16xi32>
      %add3A_22 = arith.addi %shift_left3A_16, %shift_left3A_21 : vector<16xi32>
      %shift_right_arithmetic3A_23 = arith.constant 4 : i32
      %shift_right_arithmetic3A_24 = vector.broadcast %shift_right_arithmetic3A_23 : i32 to vector<16xi32>
      %shift_right_arithmetic3A_25 = arith.shrsi %get3A_14, %shift_right_arithmetic3A_24 : vector<16xi32>
      %and3A = arith.constant 7 : i32
      %and3A_26 = vector.broadcast %and3A : i32 to vector<16xi32>
      %and3A_27 = arith.andi %shift_right_arithmetic3A_25, %and3A_26 : vector<16xi32>
      %add3A_28 = arith.addi %add3A_22, %and3A_27 : vector<16xi32>
      %add3A_29 = arith.constant 0 : i32
      %add3A_30 = vector.broadcast %add3A_29 : i32 to vector<16xi32>
      %add3A_31 = arith.addi %add3A_28, %add3A_30 : vector<16xi32>
      %swap3A = arith.constant 0 : i32
      %swap3A_32 = arith.index_cast %swap3A : i32 to index
      %swap3A_33 = arith.constant 0 : index
      %swap3A_34 = tpu.vector_load %arg10[%swap3A_32, %swap3A_33] {strides = array<i32>} : memref<4x128xi32, #tpu.memory_space<vmem>>, vector<16xi32>,
      tpu.vector_store %arg10[%swap3A_32, %swap3A_33], %add3A_31 {strides = array<i32>} : memref<4x128xi32, #tpu.memory_space<vmem>>, vector<16xi32>,
      %add3A_35 = arith.constant 8 : i32
      %add3A_36 = vector.broadcast %add3A_35 : i32 to vector<16xi32>
      %add3A_37 = arith.addi %add3A_28, %add3A_36 : vector<16xi32>
      %swap3A_38 = arith.constant 1 : i32
      %swap3A_39 = arith.index_cast %swap3A_38 : i32 to index
      %swap3A_40 = arith.constant 0 : index
      %swap3A_41 = tpu.vector_load %arg10[%swap3A_39, %swap3A_40] {strides = array<i32>} : memref<4x128xi32, #tpu.memory_space<vmem>>, vector<16xi32>,
      tpu.vector_store %arg10[%swap3A_39, %swap3A_40], %add3A_37 {strides = array<i32>} : memref<4x128xi32, #tpu.memory_space<vmem>>, vector<16xi32>,
      %add3A_42 = arith.constant 16 : i32
      %add3A_43 = vector.broadcast %add3A_42 : i32 to vector<16xi32>
      %add3A_44 = arith.addi %add3A_28, %add3A_43 : vector<16xi32>
      %swap3A_45 = arith.constant 2 : i32
      %swap3A_46 = arith.index_cast %swap3A_45 : i32 to index
      %swap3A_47 = arith.constant 0 : index
      %swap3A_48 = tpu.vector_load %arg10[%swap3A_46, %swap3A_47] {strides = array<i32>} : memref<4x128xi32, #tpu.memory_space<vmem>>, vector<16xi32>,
      tpu.vector_store %arg10[%swap3A_46, %swap3A_47], %add3A_44 {strides = array<i32>} : memref<4x128xi32, #tpu.memory_space<vmem>>, vector<16xi32>,
      %add3A_49 = arith.constant 24 : i32
      %add3A_50 = vector.broadcast %add3A_49 : i32 to vector<16xi32>
      %add3A_51 = arith.addi %add3A_28, %add3A_50 : vector<16xi32>
      %swap3A_52 = arith.constant 3 : i32
      %swap3A_53 = arith.index_cast %swap3A_52 : i32 to index
      %swap3A_54 = arith.constant 0 : index
      %swap3A_55 = tpu.vector_load %arg10[%swap3A_53, %swap3A_54] {strides = array<i32>} : memref<4x128xi32, #tpu.memory_space<vmem>>, vector<16xi32>,
      tpu.vector_store %arg10[%swap3A_53, %swap3A_54], %add3A_51 {strides = array<i32>} : memref<4x128xi32, #tpu.memory_space<vmem>>, vector<16xi32>,
      %get3A_56 = arith.constant 16 : index
      %get3A_57 = tpu.vector_load %arg8[%get3A_56] {strides = array<i32>} : memref<128xi32, #tpu.memory_space<vmem>>, vector<16xi32>,
      %get3A_58 = arith.constant 16 : index
      %get3A_59 = tpu.vector_load %arg9[%get3A_58] {strides = array<i32>} : memref<128xi32, #tpu.memory_space<vmem>>, vector<16xi32>,
      %shift_left3A_60 = arith.constant 10 : i32
      %shift_left3A_61 = vector.broadcast %shift_left3A_60 : i32 to vector<16xi32>
      %shift_left3A_62 = arith.shli %get3A_57, %shift_left3A_61 : vector<16xi32>
      %shift_right_arithmetic3A_63 = arith.constant 7 : i32
      %shift_right_arithmetic3A_64 = vector.broadcast %shift_right_arithmetic3A_63 : i32 to vector<16xi32>
      %shift_right_arithmetic3A_65 = arith.shrsi %get3A_59, %shift_right_arithmetic3A_64 : vector<16xi32>
      %shift_left3A_66 = arith.constant 5 : i32
      %shift_left3A_67 = vector.broadcast %shift_left3A_66 : i32 to vector<16xi32>
      %shift_left3A_68 = arith.shli %shift_right_arithmetic3A_65, %shift_left3A_67 : vector<16xi32>
      %add3A_69 = arith.addi %shift_left3A_62, %shift_left3A_68 : vector<16xi32>
      %shift_right_arithmetic3A_70 = arith.constant 4 : i32
      %shift_right_arithmetic3A_71 = vector.broadcast %shift_right_arithmetic3A_70 : i32 to vector<16xi32>
      %shift_right_arithmetic3A_72 = arith.shrsi %get3A_59, %shift_right_arithmetic3A_71 : vector<16xi32>
      %and3A_73 = arith.constant 7 : i32
      %and3A_74 = vector.broadcast %and3A_73 : i32 to vector<16xi32>
      %and3A_75 = arith.andi %shift_right_arithmetic3A_72, %and3A_74 : vector<16xi32>
      %add3A_76 = arith.addi %add3A_69, %and3A_75 : vector<16xi32>
      %add3A_77 = arith.constant 0 : i32
      %add3A_78 = vector.broadcast %add3A_77 : i32 to vector<16xi32>
      %add3A_79 = arith.addi %add3A_76, %add3A_78 : vector<16xi32>
      %swap3A_80 = arith.constant 0 : i32
      %swap3A_81 = arith.index_cast %swap3A_80 : i32 to index
      %swap3A_82 = arith.constant 16 : index
      %swap3A_83 = tpu.vector_load %arg10[%swap3A_81, %swap3A_82] {strides = array<i32>} : memref<4x128xi32, #tpu.memory_space<vmem>>, vector<16xi32>,
      tpu.vector_store %arg10[%swap3A_81, %swap3A_82], %add3A_79 {strides = array<i32>} : memref<4x128xi32, #tpu.memory_space<vmem>>, vector<16xi32>,
      %add3A_84 = arith.constant 8 : i32
      %add3A_85 = vector.broadcast %add3A_84 : i32 to vector<16xi32>
      %add3A_86 = arith.addi %add3A_76, %add3A_85 : vector<16xi32>
      %swap3A_87 = arith.constant 1 : i32
      %swap3A_88 = arith.index_cast %swap3A_87 : i32 to index
      %swap3A_89 = arith.constant 16 : index
      %swap3A_90 = tpu.vector_load %arg10[%swap3A_88, %swap3A_89] {strides = array<i32>} : memref<4x128xi32, #tpu.memory_space<vmem>>, vector<16xi32>,
      tpu.vector_store %arg10[%swap3A_88, %swap3A_89], %add3A_86 {strides = array<i32>} : memref<4x128xi32, #tpu.memory_space<vmem>>, vector<16xi32>,
      %add3A_91 = arith.constant 16 : i32
      %add3A_92 = vector.broadcast %add3A_91 : i32 to vector<16xi32>
      %add3A_93 = arith.addi %add3A_76, %add3A_92 : vector<16xi32>
      %swap3A_94 = arith.constant 2 : i32
      %swap3A_95 = arith.index_cast %swap3A_94 : i32 to index
      %swap3A_96 = arith.constant 16 : index
      %swap3A_97 = tpu.vector_load %arg10[%swap3A_95, %swap3A_96] {strides = array<i32>} : memref<4x128xi32, #tpu.memory_space<vmem>>, vector<16xi32>,
      tpu.vector_store %arg10[%swap3A_95, %swap3A_96], %add3A_93 {strides = array<i32>} : memref<4x128xi32, #tpu.memory_space<vmem>>, vector<16xi32>,
      %add3A_98 = arith.constant 24 : i32
      %add3A_99 = vector.broadcast %add3A_98 : i32 to vector<16xi32>
      %add3A_100 = arith.addi %add3A_76, %add3A_99 : vector<16xi32>
      %swap3A_101 = arith.constant 3 : i32
      %swap3A_102 = arith.index_cast %swap3A_101 : i32 to index
      %swap3A_103 = arith.constant 16 : index
      %swap3A_104 = tpu.vector_load %arg10[%swap3A_102, %swap3A_103] {strides = array<i32>} : memref<4x128xi32, #tpu.memory_space<vmem>>, vector<16xi32>,
      tpu.vector_store %arg10[%swap3A_102, %swap3A_103], %add3A_100 {strides = array<i32>} : memref<4x128xi32, #tpu.memory_space<vmem>>, vector<16xi32>,
      %get3A_105 = arith.constant 32 : index
      %get3A_106 = tpu.vector_load %arg8[%get3A_105] {strides = array<i32>} : memref<128xi32, #tpu.memory_space<vmem>>, vector<16xi32>,
      %get3A_107 = arith.constant 32 : index
      %get3A_108 = tpu.vector_load %arg9[%get3A_107] {strides = array<i32>} : memref<128xi32, #tpu.memory_space<vmem>>, vector<16xi32>,
      %shift_left3A_109 = arith.constant 10 : i32
      %shift_left3A_110 = vector.broadcast %shift_left3A_109 : i32 to vector<16xi32>
      %shift_left3A_111 = arith.shli %get3A_106, %shift_left3A_110 : vector<16xi32>
      %shift_right_arithmetic3A_112 = arith.constant 7 : i32
      %shift_right_arithmetic3A_113 = vector.broadcast %shift_right_arithmetic3A_112 : i32 to vector<16xi32>
      %shift_right_arithmetic3A_114 = arith.shrsi %get3A_108, %shift_right_arithmetic3A_113 : vector<16xi32>
      %shift_left3A_115 = arith.constant 5 : i32
      %shift_left3A_116 = vector.broadcast %shift_left3A_115 : i32 to vector<16xi32>
      %shift_left3A_117 = arith.shli %shift_right_arithmetic3A_114, %shift_left3A_116 : vector<16xi32>
      %add3A_118 = arith.addi %shift_left3A_111, %shift_left3A_117 : vector<16xi32>
      %shift_right_arithmetic3A_119 = arith.constant 4 : i32
      %shift_right_arithmetic3A_120 = vector.broadcast %shift_right_arithmetic3A_119 : i32 to vector<16xi32>
      %shift_right_arithmetic3A_121 = arith.shrsi %get3A_108, %shift_right_arithmetic3A_120 : vector<16xi32>
      %and3A_122 = arith.constant 7 : i32
      %and3A_123 = vector.broadcast %and3A_122 : i32 to vector<16xi32>
      %and3A_124 = arith.andi %shift_right_arithmetic3A_121, %and3A_123 : vector<16xi32>
      %add3A_125 = arith.addi %add3A_118, %and3A_124 : vector<16xi32>
      %add3A_126 = arith.constant 0 : i32
      %add3A_127 = vector.broadcast %add3A_126 : i32 to vector<16xi32>
      %add3A_128 = arith.addi %add3A_125, %add3A_127 : vector<16xi32>
      %swap3A_129 = arith.constant 0 : i32
      %swap3A_130 = arith.index_cast %swap3A_129 : i32 to index
      %swap3A_131 = arith.constant 32 : index
      %swap3A_132 = tpu.vector_load %arg10[%swap3A_130, %swap3A_131] {strides = array<i32>} : memref<4x128xi32, #tpu.memory_space<vmem>>, vector<16xi32>,
      tpu.vector_store %arg10[%swap3A_130, %swap3A_131], %add3A_128 {strides = array<i32>} : memref<4x128xi32, #tpu.memory_space<vmem>>, vector<16xi32>,
      %add3A_133 = arith.constant 8 : i32
      %add3A_134 = vector.broadcast %add3A_133 : i32 to vector<16xi32>
      %add3A_135 = arith.addi %add3A_125, %add3A_134 : vector<16xi32>
      %swap3A_136 = arith.constant 1 : i32
      %swap3A_137 = arith.index_cast %swap3A_136 : i32 to index
      %swap3A_138 = arith.constant 32 : index
      %swap3A_139 = tpu.vector_load %arg10[%swap3A_137, %swap3A_138] {strides = array<i32>} : memref<4x128xi32, #tpu.memory_space<vmem>>, vector<16xi32>,
      tpu.vector_store %arg10[%swap3A_137, %swap3A_138], %add3A_135 {strides = array<i32>} : memref<4x128xi32, #tpu.memory_space<vmem>>, vector<16xi32>,
      %add3A_140 = arith.constant 16 : i32
      %add3A_141 = vector.broadcast %add3A_140 : i32 to vector<16xi32>
      %add3A_142 = arith.addi %add3A_125, %add3A_141 : vector<16xi32>
      %swap3A_143 = arith.constant 2 : i32
      %swap3A_144 = arith.index_cast %swap3A_143 : i32 to index
      %swap3A_145 = arith.constant 32 : index
      %swap3A_146 = tpu.vector_load %arg10[%swap3A_144, %swap3A_145] {strides = array<i32>} : memref<4x128xi32, #tpu.memory_space<vmem>>, vector<16xi32>,
      tpu.vector_store %arg10[%swap3A_144, %swap3A_145], %add3A_142 {strides = array<i32>} : memref<4x128xi32, #tpu.memory_space<vmem>>, vector<16xi32>,
      %add3A_147 = arith.constant 24 : i32
      %add3A_148 = vector.broadcast %add3A_147 : i32 to vector<16xi32>
      %add3A_149 = arith.addi %add3A_125, %add3A_148 : vector<16xi32>
      %swap3A_150 = arith.constant 3 : i32
      %swap3A_151 = arith.index_cast %swap3A_150 : i32 to index
      %swap3A_152 = arith.constant 32 : index
      %swap3A_153 = tpu.vector_load %arg10[%swap3A_151, %swap3A_152] {strides = array<i32>} : memref<4x128xi32, #tpu.memory_space<vmem>>, vector<16xi32>,
      tpu.vector_store %arg10[%swap3A_151, %swap3A_152], %add3A_149 {strides = array<i32>} : memref<4x128xi32, #tpu.memory_space<vmem>>, vector<16xi32>,
      %get3A_154 = arith.constant 48 : index
      %get3A_155 = tpu.vector_load %arg8[%get3A_154] {strides = array<i32>} : memref<128xi32, #tpu.memory_space<vmem>>, vector<16xi32>,
      %get3A_156 = arith.constant 48 : index
      %get3A_157 = tpu.vector_load %arg9[%get3A_156] {strides = array<i32>} : memref<128xi32, #tpu.memory_space<vmem>>, vector<16xi32>,
      %shift_left3A_158 = arith.constant 10 : i32
      %shift_left3A_159 = vector.broadcast %shift_left3A_158 : i32 to vector<16xi32>
      %shift_left3A_160 = arith.shli %get3A_155, %shift_left3A_159 : vector<16xi32>
      %shift_right_arithmetic3A_161 = arith.constant 7 : i32
      %shift_right_arithmetic3A_162 = vector.broadcast %shift_right_arithmetic3A_161 : i32 to vector<16xi32>
      %shift_right_arithmetic3A_163 = arith.shrsi %get3A_157, %shift_right_arithmetic3A_162 : vector<16xi32>
      %shift_left3A_164 = arith.constant 5 : i32
      %shift_left3A_165 = vector.broadcast %shift_left3A_164 : i32 to vector<16xi32>
      %shift_left3A_166 = arith.shli %shift_right_arithmetic3A_163, %shift_left3A_165 : vector<16xi32>
      %add3A_167 = arith.addi %shift_left3A_160, %shift_left3A_166 : vector<16xi32>
      %shift_right_arithmetic3A_168 = arith.constant 4 : i32
      %shift_right_arithmetic3A_169 = vector.broadcast %shift_right_arithmetic3A_168 : i32 to vector<16xi32>
      %shift_right_arithmetic3A_170 = arith.shrsi %get3A_157, %shift_right_arithmetic3A_169 : vector<16xi32>
      %and3A_171 = arith.constant 7 : i32
      %and3A_172 = vector.broadcast %and3A_171 : i32 to vector<16xi32>
      %and3A_173 = arith.andi %shift_right_arithmetic3A_170, %and3A_172 : vector<16xi32>
      %add3A_174 = arith.addi %add3A_167, %and3A_173 : vector<16xi32>
      %add3A_175 = arith.constant 0 : i32
      %add3A_176 = vector.broadcast %add3A_175 : i32 to vector<16xi32>
      %add3A_177 = arith.addi %add3A_174, %add3A_176 : vector<16xi32>
      %swap3A_178 = arith.constant 0 : i32
      %swap3A_179 = arith.index_cast %swap3A_178 : i32 to index
      %swap3A_180 = arith.constant 48 : index
      %swap3A_181 = tpu.vector_load %arg10[%swap3A_179, %swap3A_180] {strides = array<i32>} : memref<4x128xi32, #tpu.memory_space<vmem>>, vector<16xi32>,
      tpu.vector_store %arg10[%swap3A_179, %swap3A_180], %add3A_177 {strides = array<i32>} : memref<4x128xi32, #tpu.memory_space<vmem>>, vector<16xi32>,
      %add3A_182 = arith.constant 8 : i32
      %add3A_183 = vector.broadcast %add3A_182 : i32 to vector<16xi32>
      %add3A_184 = arith.addi %add3A_174, %add3A_183 : vector<16xi32>
      %swap3A_185 = arith.constant 1 : i32
      %swap3A_186 = arith.index_cast %swap3A_185 : i32 to index
      %swap3A_187 = arith.constant 48 : index
      %swap3A_188 = tpu.vector_load %arg10[%swap3A_186, %swap3A_187] {strides = array<i32>} : memref<4x128xi32, #tpu.memory_space<vmem>>, vector<16xi32>,
      tpu.vector_store %arg10[%swap3A_186, %swap3A_187], %add3A_184 {strides = array<i32>} : memref<4x128xi32, #tpu.memory_space<vmem>>, vector<16xi32>,
      %add3A_189 = arith.constant 16 : i32
      %add3A_190 = vector.broadcast %add3A_189 : i32 to vector<16xi32>
      %add3A_191 = arith.addi %add3A_174, %add3A_190 : vector<16xi32>
      %swap3A_192 = arith.constant 2 : i32
      %swap3A_193 = arith.index_cast %swap3A_192 : i32 to index
      %swap3A_194 = arith.constant 48 : index
      %swap3A_195 = tpu.vector_load %arg10[%swap3A_193, %swap3A_194] {strides = array<i32>} : memref<4x128xi32, #tpu.memory_space<vmem>>, vector<16xi32>,
      tpu.vector_store %arg10[%swap3A_193, %swap3A_194], %add3A_191 {strides = array<i32>} : memref<4x128xi32, #tpu.memory_space<vmem>>, vector<16xi32>,
      %add3A_196 = arith.constant 24 : i32
      %add3A_197 = vector.broadcast %add3A_196 : i32 to vector<16xi32>
      %add3A_198 = arith.addi %add3A_174, %add3A_197 : vector<16xi32>
      %swap3A_199 = arith.constant 3 : i32
      %swap3A_200 = arith.index_cast %swap3A_199 : i32 to index
      %swap3A_201 = arith.constant 48 : index
      %swap3A_202 = tpu.vector_load %arg10[%swap3A_200, %swap3A_201] {strides = array<i32>} : memref<4x128xi32, #tpu.memory_space<vmem>>, vector<16xi32>,
      tpu.vector_store %arg10[%swap3A_200, %swap3A_201], %add3A_198 {strides = array<i32>} : memref<4x128xi32, #tpu.memory_space<vmem>>, vector<16xi32>,
      %get3A_203 = arith.constant 64 : index
      %get3A_204 = tpu.vector_load %arg8[%get3A_203] {strides = array<i32>} : memref<128xi32, #tpu.memory_space<vmem>>, vector<16xi32>,
      %get3A_205 = arith.constant 64 : index
      %get3A_206 = tpu.vector_load %arg9[%get3A_205] {strides = array<i32>} : memref<128xi32, #tpu.memory_space<vmem>>, vector<16xi32>,
      %shift_left3A_207 = arith.constant 10 : i32
      %shift_left3A_208 = vector.broadcast %shift_left3A_207 : i32 to vector<16xi32>
      %shift_left3A_209 = arith.shli %get3A_204, %shift_left3A_208 : vector<16xi32>
      %shift_right_arithmetic3A_210 = arith.constant 7 : i32
      %shift_right_arithmetic3A_211 = vector.broadcast %shift_right_arithmetic3A_210 : i32 to vector<16xi32>
      %shift_right_arithmetic3A_212 = arith.shrsi %get3A_206, %shift_right_arithmetic3A_211 : vector<16xi32>
      %shift_left3A_213 = arith.constant 5 : i32
      %shift_left3A_214 = vector.broadcast %shift_left3A_213 : i32 to vector<16xi32>
      %shift_left3A_215 = arith.shli %shift_right_arithmetic3A_212, %shift_left3A_214 : vector<16xi32>
      %add3A_216 = arith.addi %shift_left3A_209, %shift_left3A_215 : vector<16xi32>
      %shift_right_arithmetic3A_217 = arith.constant 4 : i32
      %shift_right_arithmetic3A_218 = vector.broadcast %shift_right_arithmetic3A_217 : i32 to vector<16xi32>
      %shift_right_arithmetic3A_219 = arith.shrsi %get3A_206, %shift_right_arithmetic3A_218 : vector<16xi32>
      %and3A_220 = arith.constant 7 : i32
      %and3A_221 = vector.broadcast %and3A_220 : i32 to vector<16xi32>
      %and3A_222 = arith.andi %shift_right_arithmetic3A_219, %and3A_221 : vector<16xi32>
      %add3A_223 = arith.addi %add3A_216, %and3A_222 : vector<16xi32>
      %add3A_224 = arith.constant 0 : i32
      %add3A_225 = vector.broadcast %add3A_224 : i32 to vector<16xi32>
      %add3A_226 = arith.addi %add3A_223, %add3A_225 : vector<16xi32>
      %swap3A_227 = arith.constant 0 : i32
      %swap3A_228 = arith.index_cast %swap3A_227 : i32 to index
      %swap3A_229 = arith.constant 64 : index
      %swap3A_230 = tpu.vector_load %arg10[%swap3A_228, %swap3A_229] {strides = array<i32>} : memref<4x128xi32, #tpu.memory_space<vmem>>, vector<16xi32>,
      tpu.vector_store %arg10[%swap3A_228, %swap3A_229], %add3A_226 {strides = array<i32>} : memref<4x128xi32, #tpu.memory_space<vmem>>, vector<16xi32>,
      %add3A_231 = arith.constant 8 : i32
      %add3A_232 = vector.broadcast %add3A_231 : i32 to vector<16xi32>
      %add3A_233 = arith.addi %add3A_223, %add3A_232 : vector<16xi32>
      %swap3A_234 = arith.constant 1 : i32
      %swap3A_235 = arith.index_cast %swap3A_234 : i32 to index
      %swap3A_236 = arith.constant 64 : index
      %swap3A_237 = tpu.vector_load %arg10[%swap3A_235, %swap3A_236] {strides = array<i32>} : memref<4x128xi32, #tpu.memory_space<vmem>>, vector<16xi32>,
      tpu.vector_store %arg10[%swap3A_235, %swap3A_236], %add3A_233 {strides = array<i32>} : memref<4x128xi32, #tpu.memory_space<vmem>>, vector<16xi32>,
      %add3A_238 = arith.constant 16 : i32
      %add3A_239 = vector.broadcast %add3A_238 : i32 to vector<16xi32>
      %add3A_240 = arith.addi %add3A_223, %add3A_239 : vector<16xi32>
      %swap3A_241 = arith.constant 2 : i32
      %swap3A_242 = arith.index_cast %swap3A_241 : i32 to index
      %swap3A_243 = arith.constant 64 : index
      %swap3A_244 = tpu.vector_load %arg10[%swap3A_242, %swap3A_243] {strides = array<i32>} : memref<4x128xi32, #tpu.memory_space<vmem>>, vector<16xi32>,
      tpu.vector_store %arg10[%swap3A_242, %swap3A_243], %add3A_240 {strides = array<i32>} : memref<4x128xi32, #tpu.memory_space<vmem>>, vector<16xi32>,
      %add3A_245 = arith.constant 24 : i32
      %add3A_246 = vector.broadcast %add3A_245 : i32 to vector<16xi32>
      %add3A_247 = arith.addi %add3A_223, %add3A_246 : vector<16xi32>
      %swap3A_248 = arith.constant 3 : i32
      %swap3A_249 = arith.index_cast %swap3A_248 : i32 to index
      %swap3A_250 = arith.constant 64 : index
      %swap3A_251 = tpu.vector_load %arg10[%swap3A_249, %swap3A_250] {strides = array<i32>} : memref<4x128xi32, #tpu.memory_space<vmem>>, vector<16xi32>,
      tpu.vector_store %arg10[%swap3A_249, %swap3A_250], %add3A_247 {strides = array<i32>} : memref<4x128xi32, #tpu.memory_space<vmem>>, vector<16xi32>,
      %get3A_252 = arith.constant 80 : index
      %get3A_253 = tpu.vector_load %arg8[%get3A_252] {strides = array<i32>} : memref<128xi32, #tpu.memory_space<vmem>>, vector<16xi32>,
      %get3A_254 = arith.constant 80 : index
      %get3A_255 = tpu.vector_load %arg9[%get3A_254] {strides = array<i32>} : memref<128xi32, #tpu.memory_space<vmem>>, vector<16xi32>,
      %shift_left3A_256 = arith.constant 10 : i32
      %shift_left3A_257 = vector.broadcast %shift_left3A_256 : i32 to vector<16xi32>
      %shift_left3A_258 = arith.shli %get3A_253, %shift_left3A_257 : vector<16xi32>
      %shift_right_arithmetic3A_259 = arith.constant 7 : i32
      %shift_right_arithmetic3A_260 = vector.broadcast %shift_right_arithmetic3A_259 : i32 to vector<16xi32>
      %shift_right_arithmetic3A_261 = arith.shrsi %get3A_255, %shift_right_arithmetic3A_260 : vector<16xi32>
      %shift_left3A_262 = arith.constant 5 : i32
      %shift_left3A_263 = vector.broadcast %shift_left3A_262 : i32 to vector<16xi32>
      %shift_left3A_264 = arith.shli %shift_right_arithmetic3A_261, %shift_left3A_263 : vector<16xi32>
      %add3A_265 = arith.addi %shift_left3A_258, %shift_left3A_264 : vector<16xi32>
      %shift_right_arithmetic3A_266 = arith.constant 4 : i32
      %shift_right_arithmetic3A_267 = vector.broadcast %shift_right_arithmetic3A_266 : i32 to vector<16xi32>
      %shift_right_arithmetic3A_268 = arith.shrsi %get3A_255, %shift_right_arithmetic3A_267 : vector<16xi32>
      %and3A_269 = arith.constant 7 : i32
      %and3A_270 = vector.broadcast %and3A_269 : i32 to vector<16xi32>
      %and3A_271 = arith.andi %shift_right_arithmetic3A_268, %and3A_270 : vector<16xi32>
      %add3A_272 = arith.addi %add3A_265, %and3A_271 : vector<16xi32>
      %add3A_273 = arith.constant 0 : i32
      %add3A_274 = vector.broadcast %add3A_273 : i32 to vector<16xi32>
      %add3A_275 = arith.addi %add3A_272, %add3A_274 : vector<16xi32>
      %swap3A_276 = arith.constant 0 : i32
      %swap3A_277 = arith.index_cast %swap3A_276 : i32 to index
      %swap3A_278 = arith.constant 80 : index
      %swap3A_279 = tpu.vector_load %arg10[%swap3A_277, %swap3A_278] {strides = array<i32>} : memref<4x128xi32, #tpu.memory_space<vmem>>, vector<16xi32>,
      tpu.vector_store %arg10[%swap3A_277, %swap3A_278], %add3A_275 {strides = array<i32>} : memref<4x128xi32, #tpu.memory_space<vmem>>, vector<16xi32>,
      %add3A_280 = arith.constant 8 : i32
      %add3A_281 = vector.broadcast %add3A_280 : i32 to vector<16xi32>
      %add3A_282 = arith.addi %add3A_272, %add3A_281 : vector<16xi32>
      %swap3A_283 = arith.constant 1 : i32
      %swap3A_284 = arith.index_cast %swap3A_283 : i32 to index
      %swap3A_285 = arith.constant 80 : index
      %swap3A_286 = tpu.vector_load %arg10[%swap3A_284, %swap3A_285] {strides = array<i32>} : memref<4x128xi32, #tpu.memory_space<vmem>>, vector<16xi32>,
      tpu.vector_store %arg10[%swap3A_284, %swap3A_285], %add3A_282 {strides = array<i32>} : memref<4x128xi32, #tpu.memory_space<vmem>>, vector<16xi32>,
      %add3A_287 = arith.constant 16 : i32
      %add3A_288 = vector.broadcast %add3A_287 : i32 to vector<16xi32>
      %add3A_289 = arith.addi %add3A_272, %add3A_288 : vector<16xi32>
      %swap3A_290 = arith.constant 2 : i32
      %swap3A_291 = arith.index_cast %swap3A_290 : i32 to index
      %swap3A_292 = arith.constant 80 : index
      %swap3A_293 = tpu.vector_load %arg10[%swap3A_291, %swap3A_292] {strides = array<i32>} : memref<4x128xi32, #tpu.memory_space<vmem>>, vector<16xi32>,
      tpu.vector_store %arg10[%swap3A_291, %swap3A_292], %add3A_289 {strides = array<i32>} : memref<4x128xi32, #tpu.memory_space<vmem>>, vector<16xi32>,
      %add3A_294 = arith.constant 24 : i32
      %add3A_295 = vector.broadcast %add3A_294 : i32 to vector<16xi32>
      %add3A_296 = arith.addi %add3A_272, %add3A_295 : vector<16xi32>
      %swap3A_297 = arith.constant 3 : i32
      %swap3A_298 = arith.index_cast %swap3A_297 : i32 to index
      %swap3A_299 = arith.constant 80 : index
      %swap3A_300 = tpu.vector_load %arg10[%swap3A_298, %swap3A_299] {strides = array<i32>} : memref<4x128xi32, #tpu.memory_space<vmem>>, vector<16xi32>,
      tpu.vector_store %arg10[%swap3A_298, %swap3A_299], %add3A_296 {strides = array<i32>} : memref<4x128xi32, #tpu.memory_space<vmem>>, vector<16xi32>,
      %get3A_301 = arith.constant 96 : index
      %get3A_302 = tpu.vector_load %arg8[%get3A_301] {strides = array<i32>} : memref<128xi32, #tpu.memory_space<vmem>>, vector<16xi32>,
      %get3A_303 = arith.constant 96 : index
      %get3A_304 = tpu.vector_load %arg9[%get3A_303] {strides = array<i32>} : memref<128xi32, #tpu.memory_space<vmem>>, vector<16xi32>,
      %shift_left3A_305 = arith.constant 10 : i32
      %shift_left3A_306 = vector.broadcast %shift_left3A_305 : i32 to vector<16xi32>
      %shift_left3A_307 = arith.shli %get3A_302, %shift_left3A_306 : vector<16xi32>
      %shift_right_arithmetic3A_308 = arith.constant 7 : i32
      %shift_right_arithmetic3A_309 = vector.broadcast %shift_right_arithmetic3A_308 : i32 to vector<16xi32>
      %shift_right_arithmetic3A_310 = arith.shrsi %get3A_304, %shift_right_arithmetic3A_309 : vector<16xi32>
      %shift_left3A_311 = arith.constant 5 : i32
      %shift_left3A_312 = vector.broadcast %shift_left3A_311 : i32 to vector<16xi32>
      %shift_left3A_313 = arith.shli %shift_right_arithmetic3A_310, %shift_left3A_312 : vector<16xi32>
      %add3A_314 = arith.addi %shift_left3A_307, %shift_left3A_313 : vector<16xi32>
      %shift_right_arithmetic3A_315 = arith.constant 4 : i32
      %shift_right_arithmetic3A_316 = vector.broadcast %shift_right_arithmetic3A_315 : i32 to vector<16xi32>
      %shift_right_arithmetic3A_317 = arith.shrsi %get3A_304, %shift_right_arithmetic3A_316 : vector<16xi32>
      %and3A_318 = arith.constant 7 : i32
      %and3A_319 = vector.broadcast %and3A_318 : i32 to vector<16xi32>
      %and3A_320 = arith.andi %shift_right_arithmetic3A_317, %and3A_319 : vector<16xi32>
      %add3A_321 = arith.addi %add3A_314, %and3A_320 : vector<16xi32>
      %add3A_322 = arith.constant 0 : i32
      %add3A_323 = vector.broadcast %add3A_322 : i32 to vector<16xi32>
      %add3A_324 = arith.addi %add3A_321, %add3A_323 : vector<16xi32>
      %swap3A_325 = arith.constant 0 : i32
      %swap3A_326 = arith.index_cast %swap3A_325 : i32 to index
      %swap3A_327 = arith.constant 96 : index
      %swap3A_328 = tpu.vector_load %arg10[%swap3A_326, %swap3A_327] {strides = array<i32>} : memref<4x128xi32, #tpu.memory_space<vmem>>, vector<16xi32>,
      tpu.vector_store %arg10[%swap3A_326, %swap3A_327], %add3A_324 {strides = array<i32>} : memref<4x128xi32, #tpu.memory_space<vmem>>, vector<16xi32>,
      %add3A_329 = arith.constant 8 : i32
      %add3A_330 = vector.broadcast %add3A_329 : i32 to vector<16xi32>
      %add3A_331 = arith.addi %add3A_321, %add3A_330 : vector<16xi32>
      %swap3A_332 = arith.constant 1 : i32
      %swap3A_333 = arith.index_cast %swap3A_332 : i32 to index
      %swap3A_334 = arith.constant 96 : index
      %swap3A_335 = tpu.vector_load %arg10[%swap3A_333, %swap3A_334] {strides = array<i32>} : memref<4x128xi32, #tpu.memory_space<vmem>>, vector<16xi32>,
      tpu.vector_store %arg10[%swap3A_333, %swap3A_334], %add3A_331 {strides = array<i32>} : memref<4x128xi32, #tpu.memory_space<vmem>>, vector<16xi32>,
      %add3A_336 = arith.constant 16 : i32
      %add3A_337 = vector.broadcast %add3A_336 : i32 to vector<16xi32>
      %add3A_338 = arith.addi %add3A_321, %add3A_337 : vector<16xi32>
      %swap3A_339 = arith.constant 2 : i32
      %swap3A_340 = arith.index_cast %swap3A_339 : i32 to index
      %swap3A_341 = arith.constant 96 : index
      %swap3A_342 = tpu.vector_load %arg10[%swap3A_340, %swap3A_341] {strides = array<i32>} : memref<4x128xi32, #tpu.memory_space<vmem>>, vector<16xi32>,
      tpu.vector_store %arg10[%swap3A_340, %swap3A_341], %add3A_338 {strides = array<i32>} : memref<4x128xi32, #tpu.memory_space<vmem>>, vector<16xi32>,
      %add3A_343 = arith.constant 24 : i32
      %add3A_344 = vector.broadcast %add3A_343 : i32 to vector<16xi32>
      %add3A_345 = arith.addi %add3A_321, %add3A_344 : vector<16xi32>
      %swap3A_346 = arith.constant 3 : i32
      %swap3A_347 = arith.index_cast %swap3A_346 : i32 to index
      %swap3A_348 = arith.constant 96 : index
      %swap3A_349 = tpu.vector_load %arg10[%swap3A_347, %swap3A_348] {strides = array<i32>} : memref<4x128xi32, #tpu.memory_space<vmem>>, vector<16xi32>,
      tpu.vector_store %arg10[%swap3A_347, %swap3A_348], %add3A_345 {strides = array<i32>} : memref<4x128xi32, #tpu.memory_space<vmem>>, vector<16xi32>,
      %get3A_350 = arith.constant 112 : index
      %get3A_351 = tpu.vector_load %arg8[%get3A_350] {strides = array<i32>} : memref<128xi32, #tpu.memory_space<vmem>>, vector<16xi32>,
      %get3A_352 = arith.constant 112 : index
      %get3A_353 = tpu.vector_load %arg9[%get3A_352] {strides = array<i32>} : memref<128xi32, #tpu.memory_space<vmem>>, vector<16xi32>,
      %shift_left3A_354 = arith.constant 10 : i32
      %shift_left3A_355 = vector.broadcast %shift_left3A_354 : i32 to vector<16xi32>
      %shift_left3A_356 = arith.shli %get3A_351, %shift_left3A_355 : vector<16xi32>
      %shift_right_arithmetic3A_357 = arith.constant 7 : i32
      %shift_right_arithmetic3A_358 = vector.broadcast %shift_right_arithmetic3A_357 : i32 to vector<16xi32>
      %shift_right_arithmetic3A_359 = arith.shrsi %get3A_353, %shift_right_arithmetic3A_358 : vector<16xi32>
      %shift_left3A_360 = arith.constant 5 : i32
      %shift_left3A_361 = vector.broadcast %shift_left3A_360 : i32 to vector<16xi32>
      %shift_left3A_362 = arith.shli %shift_right_arithmetic3A_359, %shift_left3A_361 : vector<16xi32>
      %add3A_363 = arith.addi %shift_left3A_356, %shift_left3A_362 : vector<16xi32>
      %shift_right_arithmetic3A_364 = arith.constant 4 : i32
      %shift_right_arithmetic3A_365 = vector.broadcast %shift_right_arithmetic3A_364 : i32 to vector<16xi32>
      %shift_right_arithmetic3A_366 = arith.shrsi %get3A_353, %shift_right_arithmetic3A_365 : vector<16xi32>
      %and3A_367 = arith.constant 7 : i32
      %and3A_368 = vector.broadcast %and3A_367 : i32 to vector<16xi32>
      %and3A_369 = arith.andi %shift_right_arithmetic3A_366, %and3A_368 : vector<16xi32>
      %add3A_370 = arith.addi %add3A_363, %and3A_369 : vector<16xi32>
      %add3A_371 = arith.constant 0 : i32
      %add3A_372 = vector.broadcast %add3A_371 : i32 to vector<16xi32>
      %add3A_373 = arith.addi %add3A_370, %add3A_372 : vector<16xi32>
      %swap3A_374 = arith.constant 0 : i32
      %swap3A_375 = arith.index_cast %swap3A_374 : i32 to index
      %swap3A_376 = arith.constant 112 : index
      %swap3A_377 = tpu.vector_load %arg10[%swap3A_375, %swap3A_376] {strides = array<i32>} : memref<4x128xi32, #tpu.memory_space<vmem>>, vector<16xi32>,
      tpu.vector_store %arg10[%swap3A_375, %swap3A_376], %add3A_373 {strides = array<i32>} : memref<4x128xi32, #tpu.memory_space<vmem>>, vector<16xi32>,
      %add3A_378 = arith.constant 8 : i32
      %add3A_379 = vector.broadcast %add3A_378 : i32 to vector<16xi32>
      %add3A_380 = arith.addi %add3A_370, %add3A_379 : vector<16xi32>
      %swap3A_381 = arith.constant 1 : i32
      %swap3A_382 = arith.index_cast %swap3A_381 : i32 to index
      %swap3A_383 = arith.constant 112 : index
      %swap3A_384 = tpu.vector_load %arg10[%swap3A_382, %swap3A_383] {strides = array<i32>} : memref<4x128xi32, #tpu.memory_space<vmem>>, vector<16xi32>,
      tpu.vector_store %arg10[%swap3A_382, %swap3A_383], %add3A_380 {strides = array<i32>} : memref<4x128xi32, #tpu.memory_space<vmem>>, vector<16xi32>,
      %add3A_385 = arith.constant 16 : i32
      %add3A_386 = vector.broadcast %add3A_385 : i32 to vector<16xi32>
      %add3A_387 = arith.addi %add3A_370, %add3A_386 : vector<16xi32>
      %swap3A_388 = arith.constant 2 : i32
      %swap3A_389 = arith.index_cast %swap3A_388 : i32 to index
      %swap3A_390 = arith.constant 112 : index
      %swap3A_391 = tpu.vector_load %arg10[%swap3A_389, %swap3A_390] {strides = array<i32>} : memref<4x128xi32, #tpu.memory_space<vmem>>, vector<16xi32>,
      tpu.vector_store %arg10[%swap3A_389, %swap3A_390], %add3A_387 {strides = array<i32>} : memref<4x128xi32, #tpu.memory_space<vmem>>, vector<16xi32>,
      %add3A_392 = arith.constant 24 : i32
      %add3A_393 = vector.broadcast %add3A_392 : i32 to vector<16xi32>
      %add3A_394 = arith.addi %add3A_370, %add3A_393 : vector<16xi32>
      %swap3A_395 = arith.constant 3 : i32
      %swap3A_396 = arith.index_cast %swap3A_395 : i32 to index
      %swap3A_397 = arith.constant 112 : index
      %swap3A_398 = tpu.vector_load %arg10[%swap3A_396, %swap3A_397] {strides = array<i32>} : memref<4x128xi32, #tpu.memory_space<vmem>>, vector<16xi32>,
      tpu.vector_store %arg10[%swap3A_396, %swap3A_397], %add3A_394 {strides = array<i32>} : memref<4x128xi32, #tpu.memory_space<vmem>>, vector<16xi32>,
      %dma_start3A = arith.constant 0 : i32
      %dma_start3A_399 = arith.constant 0 : i32
      %dma_start3A_400 = tpu.memref_slice %arg2[%dma_start3A, %dma_start3A_399] : memref<4096x256xf32, #tpu.memory_space<hbm>> -> memref<4096x256xf32, #tpu.memory_space<hbm>>
      tpu.enqueue_indirect_dma source(%dma_start3A_400 : memref<4096x256xf32, #tpu.memory_space<hbm>>) target(%arg11 : memref<128x256xf32, #tpu.memory_space<vmem>>) offsets(%arg8 : memref<128xi32, #tpu.memory_space<vmem>>) semaphore(%arg14 : memref<!tpu.dma_semaphore, #tpu.memory_space<semaphore_mem>>)
      %dma_start3A_401 = arith.constant 0 : i32
      %dma_start3A_402 = arith.constant 0 : i32
      %dma_start3A_403 = arith.constant 0 : i32
      %dma_start3A_404 = arith.constant 0 : i32
      %dma_start3A_405 = tpu.memref_slice %arg12[%dma_start3A_402, %dma_start3A_403, %dma_start3A_404] : memref<4x128x16xf32, #tpu.memory_space<vmem>> -> memref<1x128x16xf32, #tpu.memory_space<vmem>>
      %dma_start3A_406 = tpu.memref_squeeze %dma_start3A_405 : memref<1x128x16xf32, #tpu.memory_space<vmem>> -> memref<128x16xf32, #tpu.memory_space<vmem>>
      %dma_start3A_407 = arith.constant 0 : i32
      %dma_start3A_408 = tpu.memref_slice %arg10[%dma_start3A_401, %dma_start3A_407] : memref<4x128xi32, #tpu.memory_space<vmem>> -> memref<1x128xi32, #tpu.memory_space<vmem>>
      %dma_start3A_409 = tpu.memref_squeeze %dma_start3A_408 : memref<1x128xi32, #tpu.memory_space<vmem>> -> memref<128xi32, #tpu.memory_space<vmem>>
      %dma_start3A_410 = arith.constant 0 : i32
      %dma_start3A_411 = arith.constant 0 : i32
      %dma_start3A_412 = tpu.memref_slice %arg5[%dma_start3A_410, %dma_start3A_411] : memref<4194304x16xf32, #tpu.memory_space<hbm>> -> memref<4194304x16xf32, #tpu.memory_space<hbm>>
      tpu.enqueue_indirect_dma source(%dma_start3A_412 : memref<4194304x16xf32, #tpu.memory_space<hbm>>) target(%dma_start3A_406 : memref<128x16xf32, #tpu.memory_space<vmem>>) offsets(%dma_start3A_409 : memref<128xi32, #tpu.memory_space<vmem>>) semaphore(%arg15 : memref<!tpu.dma_semaphore, #tpu.memory_space<semaphore_mem>>)
      %dma_start3A_413 = arith.constant 1 : i32
      %dma_start3A_414 = arith.constant 1 : i32
      %dma_start3A_415 = arith.constant 0 : i32
      %dma_start3A_416 = arith.constant 0 : i32
      %dma_start3A_417 = tpu.memref_slice %arg12[%dma_start3A_414, %dma_start3A_415, %dma_start3A_416] : memref<4x128x16xf32, #tpu.memory_space<vmem>> -> memref<1x128x16xf32, #tpu.memory_space<vmem>>
      %dma_start3A_418 = tpu.memref_squeeze %dma_start3A_417 : memref<1x128x16xf32, #tpu.memory_space<vmem>> -> memref<128x16xf32, #tpu.memory_space<vmem>>
      %dma_start3A_419 = arith.constant 0 : i32
      %dma_start3A_420 = tpu.memref_slice %arg10[%dma_start3A_413, %dma_start3A_419] : memref<4x128xi32, #tpu.memory_space<vmem>> -> memref<1x128xi32, #tpu.memory_space<vmem>>
      %dma_start3A_421 = tpu.memref_squeeze %dma_start3A_420 : memref<1x128xi32, #tpu.memory_space<vmem>> -> memref<128xi32, #tpu.memory_space<vmem>>
      %dma_start3A_422 = arith.constant 0 : i32
      %dma_start3A_423 = arith.constant 0 : i32
      %dma_start3A_424 = tpu.memref_slice %arg5[%dma_start3A_422, %dma_start3A_423] : memref<4194304x16xf32, #tpu.memory_space<hbm>> -> memref<4194304x16xf32, #tpu.memory_space<hbm>>
      tpu.enqueue_indirect_dma source(%dma_start3A_424 : memref<4194304x16xf32, #tpu.memory_space<hbm>>) target(%dma_start3A_418 : memref<128x16xf32, #tpu.memory_space<vmem>>) offsets(%dma_start3A_421 : memref<128xi32, #tpu.memory_space<vmem>>) semaphore(%arg15 : memref<!tpu.dma_semaphore, #tpu.memory_space<semaphore_mem>>)
      %dma_start3A_425 = arith.constant 2 : i32
      %dma_start3A_426 = arith.constant 2 : i32
      %dma_start3A_427 = arith.constant 0 : i32
      %dma_start3A_428 = arith.constant 0 : i32
      %dma_start3A_429 = tpu.memref_slice %arg12[%dma_start3A_426, %dma_start3A_427, %dma_start3A_428] : memref<4x128x16xf32, #tpu.memory_space<vmem>> -> memref<1x128x16xf32, #tpu.memory_space<vmem>>
      %dma_start3A_430 = tpu.memref_squeeze %dma_start3A_429 : memref<1x128x16xf32, #tpu.memory_space<vmem>> -> memref<128x16xf32, #tpu.memory_space<vmem>>
      %dma_start3A_431 = arith.constant 0 : i32
      %dma_start3A_432 = tpu.memref_slice %arg10[%dma_start3A_425, %dma_start3A_431] : memref<4x128xi32, #tpu.memory_space<vmem>> -> memref<1x128xi32, #tpu.memory_space<vmem>>
      %dma_start3A_433 = tpu.memref_squeeze %dma_start3A_432 : memref<1x128xi32, #tpu.memory_space<vmem>> -> memref<128xi32, #tpu.memory_space<vmem>>
      %dma_start3A_434 = arith.constant 0 : i32
      %dma_start3A_435 = arith.constant 0 : i32
      %dma_start3A_436 = tpu.memref_slice %arg5[%dma_start3A_434, %dma_start3A_435] : memref<4194304x16xf32, #tpu.memory_space<hbm>> -> memref<4194304x16xf32, #tpu.memory_space<hbm>>
      tpu.enqueue_indirect_dma source(%dma_start3A_436 : memref<4194304x16xf32, #tpu.memory_space<hbm>>) target(%dma_start3A_430 : memref<128x16xf32, #tpu.memory_space<vmem>>) offsets(%dma_start3A_433 : memref<128xi32, #tpu.memory_space<vmem>>) semaphore(%arg15 : memref<!tpu.dma_semaphore, #tpu.memory_space<semaphore_mem>>)
      %dma_start3A_437 = arith.constant 3 : i32
      %dma_start3A_438 = arith.constant 3 : i32
      %dma_start3A_439 = arith.constant 0 : i32
      %dma_start3A_440 = arith.constant 0 : i32
      %dma_start3A_441 = tpu.memref_slice %arg12[%dma_start3A_438, %dma_start3A_439, %dma_start3A_440] : memref<4x128x16xf32, #tpu.memory_space<vmem>> -> memref<1x128x16xf32, #tpu.memory_space<vmem>>
      %dma_start3A_442 = tpu.memref_squeeze %dma_start3A_441 : memref<1x128x16xf32, #tpu.memory_space<vmem>> -> memref<128x16xf32, #tpu.memory_space<vmem>>
      %dma_start3A_443 = arith.constant 0 : i32
      %dma_start3A_444 = tpu.memref_slice %arg10[%dma_start3A_437, %dma_start3A_443] : memref<4x128xi32, #tpu.memory_space<vmem>> -> memref<1x128xi32, #tpu.memory_space<vmem>>
      %dma_start3A_445 = tpu.memref_squeeze %dma_start3A_444 : memref<1x128xi32, #tpu.memory_space<vmem>> -> memref<128xi32, #tpu.memory_space<vmem>>
      %dma_start3A_446 = arith.constant 0 : i32
      %dma_start3A_447 = arith.constant 0 : i32
      %dma_start3A_448 = tpu.memref_slice %arg5[%dma_start3A_446, %dma_start3A_447] : memref<4194304x16xf32, #tpu.memory_space<hbm>> -> memref<4194304x16xf32, #tpu.memory_space<hbm>>
      tpu.enqueue_indirect_dma source(%dma_start3A_448 : memref<4194304x16xf32, #tpu.memory_space<hbm>>) target(%dma_start3A_442 : memref<128x16xf32, #tpu.memory_space<vmem>>) offsets(%dma_start3A_445 : memref<128xi32, #tpu.memory_space<vmem>>) semaphore(%arg15 : memref<!tpu.dma_semaphore, #tpu.memory_space<semaphore_mem>>)
      %dma_wait3A = arith.constant 0 : i32
      %dma_wait3A_449 = arith.constant 0 : i32
      %dma_wait3A_450 = tpu.memref_slice %arg2[%dma_wait3A, %dma_wait3A_449] : memref<4096x256xf32, #tpu.memory_space<hbm>> -> memref<4096x256xf32, #tpu.memory_space<hbm>>
      tpu.wait_indirect_dma semaphore(%arg14 : memref<!tpu.dma_semaphore, #tpu.memory_space<semaphore_mem>>) src(%dma_wait3A_450 : memref<4096x256xf32, #tpu.memory_space<hbm>>) dst(%arg11 : memref<128x256xf32, #tpu.memory_space<vmem>>)
      %dma_wait3A_451 = arith.constant 0 : i32
      %dma_wait3A_452 = arith.constant 0 : i32
      %dma_wait3A_453 = arith.constant 0 : i32
      %dma_wait3A_454 = arith.constant 0 : i32
      %dma_wait3A_455 = tpu.memref_slice %arg12[%dma_wait3A_452, %dma_wait3A_453, %dma_wait3A_454] : memref<4x128x16xf32, #tpu.memory_space<vmem>> -> memref<1x128x16xf32, #tpu.memory_space<vmem>>
      %dma_wait3A_456 = tpu.memref_squeeze %dma_wait3A_455 : memref<1x128x16xf32, #tpu.memory_space<vmem>> -> memref<128x16xf32, #tpu.memory_space<vmem>>
      %dma_wait3A_457 = arith.constant 0 : i32
      %dma_wait3A_458 = tpu.memref_slice %arg10[%dma_wait3A_451, %dma_wait3A_457] : memref<4x128xi32, #tpu.memory_space<vmem>> -> memref<1x128xi32, #tpu.memory_space<vmem>>
      %dma_wait3A_459 = tpu.memref_squeeze %dma_wait3A_458 : memref<1x128xi32, #tpu.memory_space<vmem>> -> memref<128xi32, #tpu.memory_space<vmem>>
      %dma_wait3A_460 = arith.constant 0 : i32
      %dma_wait3A_461 = arith.constant 0 : i32
      %dma_wait3A_462 = tpu.memref_slice %arg5[%dma_wait3A_460, %dma_wait3A_461] : memref<4194304x16xf32, #tpu.memory_space<hbm>> -> memref<4194304x16xf32, #tpu.memory_space<hbm>>
      tpu.wait_indirect_dma semaphore(%arg15 : memref<!tpu.dma_semaphore, #tpu.memory_space<semaphore_mem>>) src(%dma_wait3A_462 : memref<4194304x16xf32, #tpu.memory_space<hbm>>) dst(%dma_wait3A_456 : memref<128x16xf32, #tpu.memory_space<vmem>>)
      %dma_wait3A_463 = arith.constant 1 : i32
      %dma_wait3A_464 = arith.constant 1 : i32
      %dma_wait3A_465 = arith.constant 0 : i32
      %dma_wait3A_466 = arith.constant 0 : i32
      %dma_wait3A_467 = tpu.memref_slice %arg12[%dma_wait3A_464, %dma_wait3A_465, %dma_wait3A_466] : memref<4x128x16xf32, #tpu.memory_space<vmem>> -> memref<1x128x16xf32, #tpu.memory_space<vmem>>
      %dma_wait3A_468 = tpu.memref_squeeze %dma_wait3A_467 : memref<1x128x16xf32, #tpu.memory_space<vmem>> -> memref<128x16xf32, #tpu.memory_space<vmem>>
      %dma_wait3A_469 = arith.constant 0 : i32
      %dma_wait3A_470 = tpu.memref_slice %arg10[%dma_wait3A_463, %dma_wait3A_469] : memref<4x128xi32, #tpu.memory_space<vmem>> -> memref<1x128xi32, #tpu.memory_space<vmem>>
      %dma_wait3A_471 = tpu.memref_squeeze %dma_wait3A_470 : memref<1x128xi32, #tpu.memory_space<vmem>> -> memref<128xi32, #tpu.memory_space<vmem>>
      %dma_wait3A_472 = arith.constant 0 : i32
      %dma_wait3A_473 = arith.constant 0 : i32
      %dma_wait3A_474 = tpu.memref_slice %arg5[%dma_wait3A_472, %dma_wait3A_473] : memref<4194304x16xf32, #tpu.memory_space<hbm>> -> memref<4194304x16xf32, #tpu.memory_space<hbm>>
      tpu.wait_indirect_dma semaphore(%arg15 : memref<!tpu.dma_semaphore, #tpu.memory_space<semaphore_mem>>) src(%dma_wait3A_474 : memref<4194304x16xf32, #tpu.memory_space<hbm>>) dst(%dma_wait3A_468 : memref<128x16xf32, #tpu.memory_space<vmem>>)
      %dma_wait3A_475 = arith.constant 2 : i32
      %dma_wait3A_476 = arith.constant 2 : i32
      %dma_wait3A_477 = arith.constant 0 : i32
      %dma_wait3A_478 = arith.constant 0 : i32
      %dma_wait3A_479 = tpu.memref_slice %arg12[%dma_wait3A_476, %dma_wait3A_477, %dma_wait3A_478] : memref<4x128x16xf32, #tpu.memory_space<vmem>> -> memref<1x128x16xf32, #tpu.memory_space<vmem>>
      %dma_wait3A_480 = tpu.memref_squeeze %dma_wait3A_479 : memref<1x128x16xf32, #tpu.memory_space<vmem>> -> memref<128x16xf32, #tpu.memory_space<vmem>>
      %dma_wait3A_481 = arith.constant 0 : i32
      %dma_wait3A_482 = tpu.memref_slice %arg10[%dma_wait3A_475, %dma_wait3A_481] : memref<4x128xi32, #tpu.memory_space<vmem>> -> memref<1x128xi32, #tpu.memory_space<vmem>>
      %dma_wait3A_483 = tpu.memref_squeeze %dma_wait3A_482 : memref<1x128xi32, #tpu.memory_space<vmem>> -> memref<128xi32, #tpu.memory_space<vmem>>
      %dma_wait3A_484 = arith.constant 0 : i32
      %dma_wait3A_485 = arith.constant 0 : i32
      %dma_wait3A_486 = tpu.memref_slice %arg5[%dma_wait3A_484, %dma_wait3A_485] : memref<4194304x16xf32, #tpu.memory_space<hbm>> -> memref<4194304x16xf32, #tpu.memory_space<hbm>>
      tpu.wait_indirect_dma semaphore(%arg15 : memref<!tpu.dma_semaphore, #tpu.memory_space<semaphore_mem>>) src(%dma_wait3A_486 : memref<4194304x16xf32, #tpu.memory_space<hbm>>) dst(%dma_wait3A_480 : memref<128x16xf32, #tpu.memory_space<vmem>>)
      %dma_wait3A_487 = arith.constant 3 : i32
      %dma_wait3A_488 = arith.constant 3 : i32
      %dma_wait3A_489 = arith.constant 0 : i32
      %dma_wait3A_490 = arith.constant 0 : i32
      %dma_wait3A_491 = tpu.memref_slice %arg12[%dma_wait3A_488, %dma_wait3A_489, %dma_wait3A_490] : memref<4x128x16xf32, #tpu.memory_space<vmem>> -> memref<1x128x16xf32, #tpu.memory_space<vmem>>
      %dma_wait3A_492 = tpu.memref_squeeze %dma_wait3A_491 : memref<1x128x16xf32, #tpu.memory_space<vmem>> -> memref<128x16xf32, #tpu.memory_space<vmem>>
      %dma_wait3A_493 = arith.constant 0 : i32
      %dma_wait3A_494 = tpu.memref_slice %arg10[%dma_wait3A_487, %dma_wait3A_493] : memref<4x128xi32, #tpu.memory_space<vmem>> -> memref<1x128xi32, #tpu.memory_space<vmem>>
      %dma_wait3A_495 = tpu.memref_squeeze %dma_wait3A_494 : memref<1x128xi32, #tpu.memory_space<vmem>> -> memref<128xi32, #tpu.memory_space<vmem>>
      %dma_wait3A_496 = arith.constant 0 : i32
      %dma_wait3A_497 = arith.constant 0 : i32
      %dma_wait3A_498 = tpu.memref_slice %arg5[%dma_wait3A_496, %dma_wait3A_497] : memref<4194304x16xf32, #tpu.memory_space<hbm>> -> memref<4194304x16xf32, #tpu.memory_space<hbm>>
      tpu.wait_indirect_dma semaphore(%arg15 : memref<!tpu.dma_semaphore, #tpu.memory_space<semaphore_mem>>) src(%dma_wait3A_498 : memref<4194304x16xf32, #tpu.memory_space<hbm>>) dst(%dma_wait3A_492 : memref<128x16xf32, #tpu.memory_space<vmem>>)
      %broadcast_in_dim3A = arith.constant 0 : i32
      %broadcast_in_dim3A_499 = vector.broadcast %broadcast_in_dim3A : i32 to vector<16xi32>
      %add3A_500 = arith.constant 0 : i32
      %add3A_501 = vector.broadcast %add3A_500 : i32 to vector<16xi32>
      %add3A_502 = arith.addi %iota3A, %add3A_501 : vector<16xi32>
      %get3A_503 = arith.constant 0 : index
      %get3A_504 = tpu.vector_load %arg9[%get3A_503] {strides = array<i32>} : memref<128xi32, #tpu.memory_space<vmem>>, vector<16xi32>,
      %and3A_505 = arith.constant 15 : i32
      %and3A_506 = vector.broadcast %and3A_505 : i32 to vector<16xi32>
      %and3A_507 = arith.andi %get3A_504, %and3A_506 : vector<16xi32>
      %gather3A = tpu.vector_load_idx %arg12[%broadcast_in_dim3A_499, %add3A_502, %and3A_507] : memref<4x128x16xf32, #tpu.memory_space<vmem>>[vector<16xi32>, vector<16xi32>, vector<16xi32>], vector<16xf32>,
      %mul3A_508 = arith.constant 128 : i32
      %mul3A_509 = arith.muli %scan3A_8, %mul3A_508 : i32
      %add3A_510 = arith.constant 0 : i32
      %add3A_511 = arith.addi %mul3A_509, %add3A_510 : i32
      %swap3A_512 = arith.constant 0 : i32
      %swap3A_513 = arith.index_cast %swap3A_512 : i32 to index
      %swap3A_514 = arith.index_cast %add3A_511 : i32 to index
      %swap3A_515 = tpu.vector_load %arg13[%swap3A_513, %swap3A_514] {strides = array<i32>} : memref<4x4096xf32, #tpu.memory_space<vmem>>, vector<16xf32>,
      tpu.vector_store %arg13[%swap3A_513, %swap3A_514], %gather3A {strides = array<i32>} : memref<4x4096xf32, #tpu.memory_space<vmem>>, vector<16xf32>,
      %add3A_516 = arith.constant 16 : i32
      %add3A_517 = vector.broadcast %add3A_516 : i32 to vector<16xi32>
      %add3A_518 = arith.addi %iota3A, %add3A_517 : vector<16xi32>
      %get3A_519 = arith.constant 16 : index
      %get3A_520 = tpu.vector_load %arg9[%get3A_519] {strides = array<i32>} : memref<128xi32, #tpu.memory_space<vmem>>, vector<16xi32>,
      %and3A_521 = arith.constant 15 : i32
      %and3A_522 = vector.broadcast %and3A_521 : i32 to vector<16xi32>
      %and3A_523 = arith.andi %get3A_520, %and3A_522 : vector<16xi32>
      %gather3A_524 = tpu.vector_load_idx %arg12[%broadcast_in_dim3A_499, %add3A_518, %and3A_523] : memref<4x128x16xf32, #tpu.memory_space<vmem>>[vector<16xi32>, vector<16xi32>, vector<16xi32>], vector<16xf32>,
      %mul3A_525 = arith.constant 128 : i32
      %mul3A_526 = arith.muli %scan3A_8, %mul3A_525 : i32
      %add3A_527 = arith.constant 16 : i32
      %add3A_528 = arith.addi %mul3A_526, %add3A_527 : i32
      %swap3A_529 = arith.constant 0 : i32
      %swap3A_530 = arith.index_cast %swap3A_529 : i32 to index
      %swap3A_531 = arith.index_cast %add3A_528 : i32 to index
      %swap3A_532 = tpu.vector_load %arg13[%swap3A_530, %swap3A_531] {strides = array<i32>} : memref<4x4096xf32, #tpu.memory_space<vmem>>, vector<16xf32>,
      tpu.vector_store %arg13[%swap3A_530, %swap3A_531], %gather3A_524 {strides = array<i32>} : memref<4x4096xf32, #tpu.memory_space<vmem>>, vector<16xf32>,
      %add3A_533 = arith.constant 32 : i32
      %add3A_534 = vector.broadcast %add3A_533 : i32 to vector<16xi32>
      %add3A_535 = arith.addi %iota3A, %add3A_534 : vector<16xi32>
      %get3A_536 = arith.constant 32 : index
      %get3A_537 = tpu.vector_load %arg9[%get3A_536] {strides = array<i32>} : memref<128xi32, #tpu.memory_space<vmem>>, vector<16xi32>,
      %and3A_538 = arith.constant 15 : i32
      %and3A_539 = vector.broadcast %and3A_538 : i32 to vector<16xi32>
      %and3A_540 = arith.andi %get3A_537, %and3A_539 : vector<16xi32>
      %gather3A_541 = tpu.vector_load_idx %arg12[%broadcast_in_dim3A_499, %add3A_535, %and3A_540] : memref<4x128x16xf32, #tpu.memory_space<vmem>>[vector<16xi32>, vector<16xi32>, vector<16xi32>], vector<16xf32>,
      %mul3A_542 = arith.constant 128 : i32
      %mul3A_543 = arith.muli %scan3A_8, %mul3A_542 : i32
      %add3A_544 = arith.constant 32 : i32
      %add3A_545 = arith.addi %mul3A_543, %add3A_544 : i32
      %swap3A_546 = arith.constant 0 : i32
      %swap3A_547 = arith.index_cast %swap3A_546 : i32 to index
      %swap3A_548 = arith.index_cast %add3A_545 : i32 to index
      %swap3A_549 = tpu.vector_load %arg13[%swap3A_547, %swap3A_548] {strides = array<i32>} : memref<4x4096xf32, #tpu.memory_space<vmem>>, vector<16xf32>,
      tpu.vector_store %arg13[%swap3A_547, %swap3A_548], %gather3A_541 {strides = array<i32>} : memref<4x4096xf32, #tpu.memory_space<vmem>>, vector<16xf32>,
      %add3A_550 = arith.constant 48 : i32
      %add3A_551 = vector.broadcast %add3A_550 : i32 to vector<16xi32>
      %add3A_552 = arith.addi %iota3A, %add3A_551 : vector<16xi32>
      %get3A_553 = arith.constant 48 : index
      %get3A_554 = tpu.vector_load %arg9[%get3A_553] {strides = array<i32>} : memref<128xi32, #tpu.memory_space<vmem>>, vector<16xi32>,
      %and3A_555 = arith.constant 15 : i32
      %and3A_556 = vector.broadcast %and3A_555 : i32 to vector<16xi32>
      %and3A_557 = arith.andi %get3A_554, %and3A_556 : vector<16xi32>
      %gather3A_558 = tpu.vector_load_idx %arg12[%broadcast_in_dim3A_499, %add3A_552, %and3A_557] : memref<4x128x16xf32, #tpu.memory_space<vmem>>[vector<16xi32>, vector<16xi32>, vector<16xi32>], vector<16xf32>,
      %mul3A_559 = arith.constant 128 : i32
      %mul3A_560 = arith.muli %scan3A_8, %mul3A_559 : i32
      %add3A_561 = arith.constant 48 : i32
      %add3A_562 = arith.addi %mul3A_560, %add3A_561 : i32
      %swap3A_563 = arith.constant 0 : i32
      %swap3A_564 = arith.index_cast %swap3A_563 : i32 to index
      %swap3A_565 = arith.index_cast %add3A_562 : i32 to index
      %swap3A_566 = tpu.vector_load %arg13[%swap3A_564, %swap3A_565] {strides = array<i32>} : memref<4x4096xf32, #tpu.memory_space<vmem>>, vector<16xf32>,
      tpu.vector_store %arg13[%swap3A_564, %swap3A_565], %gather3A_558 {strides = array<i32>} : memref<4x4096xf32, #tpu.memory_space<vmem>>, vector<16xf32>,
      %add3A_567 = arith.constant 64 : i32
      %add3A_568 = vector.broadcast %add3A_567 : i32 to vector<16xi32>
      %add3A_569 = arith.addi %iota3A, %add3A_568 : vector<16xi32>
      %get3A_570 = arith.constant 64 : index
      %get3A_571 = tpu.vector_load %arg9[%get3A_570] {strides = array<i32>} : memref<128xi32, #tpu.memory_space<vmem>>, vector<16xi32>,
      %and3A_572 = arith.constant 15 : i32
      %and3A_573 = vector.broadcast %and3A_572 : i32 to vector<16xi32>
      %and3A_574 = arith.andi %get3A_571, %and3A_573 : vector<16xi32>
      %gather3A_575 = tpu.vector_load_idx %arg12[%broadcast_in_dim3A_499, %add3A_569, %and3A_574] : memref<4x128x16xf32, #tpu.memory_space<vmem>>[vector<16xi32>, vector<16xi32>, vector<16xi32>], vector<16xf32>,
      %mul3A_576 = arith.constant 128 : i32
      %mul3A_577 = arith.muli %scan3A_8, %mul3A_576 : i32
      %add3A_578 = arith.constant 64 : i32
      %add3A_579 = arith.addi %mul3A_577, %add3A_578 : i32
      %swap3A_580 = arith.constant 0 : i32
      %swap3A_581 = arith.index_cast %swap3A_580 : i32 to index
      %swap3A_582 = arith.index_cast %add3A_579 : i32 to index
      %swap3A_583 = tpu.vector_load %arg13[%swap3A_581, %swap3A_582] {strides = array<i32>} : memref<4x4096xf32, #tpu.memory_space<vmem>>, vector<16xf32>,
      tpu.vector_store %arg13[%swap3A_581, %swap3A_582], %gather3A_575 {strides = array<i32>} : memref<4x4096xf32, #tpu.memory_space<vmem>>, vector<16xf32>,
      %add3A_584 = arith.constant 80 : i32
      %add3A_585 = vector.broadcast %add3A_584 : i32 to vector<16xi32>
      %add3A_586 = arith.addi %iota3A, %add3A_585 : vector<16xi32>
      %get3A_587 = arith.constant 80 : index
      %get3A_588 = tpu.vector_load %arg9[%get3A_587] {strides = array<i32>} : memref<128xi32, #tpu.memory_space<vmem>>, vector<16xi32>,
      %and3A_589 = arith.constant 15 : i32
      %and3A_590 = vector.broadcast %and3A_589 : i32 to vector<16xi32>
      %and3A_591 = arith.andi %get3A_588, %and3A_590 : vector<16xi32>
      %gather3A_592 = tpu.vector_load_idx %arg12[%broadcast_in_dim3A_499, %add3A_586, %and3A_591] : memref<4x128x16xf32, #tpu.memory_space<vmem>>[vector<16xi32>, vector<16xi32>, vector<16xi32>], vector<16xf32>,
      %mul3A_593 = arith.constant 128 : i32
      %mul3A_594 = arith.muli %scan3A_8, %mul3A_593 : i32
      %add3A_595 = arith.constant 80 : i32
      %add3A_596 = arith.addi %mul3A_594, %add3A_595 : i32
      %swap3A_597 = arith.constant 0 : i32
      %swap3A_598 = arith.index_cast %swap3A_597 : i32 to index
      %swap3A_599 = arith.index_cast %add3A_596 : i32 to index
      %swap3A_600 = tpu.vector_load %arg13[%swap3A_598, %swap3A_599] {strides = array<i32>} : memref<4x4096xf32, #tpu.memory_space<vmem>>, vector<16xf32>,
      tpu.vector_store %arg13[%swap3A_598, %swap3A_599], %gather3A_592 {strides = array<i32>} : memref<4x4096xf32, #tpu.memory_space<vmem>>, vector<16xf32>,
      %add3A_601 = arith.constant 96 : i32
      %add3A_602 = vector.broadcast %add3A_601 : i32 to vector<16xi32>
      %add3A_603 = arith.addi %iota3A, %add3A_602 : vector<16xi32>
      %get3A_604 = arith.constant 96 : index
      %get3A_605 = tpu.vector_load %arg9[%get3A_604] {strides = array<i32>} : memref<128xi32, #tpu.memory_space<vmem>>, vector<16xi32>,
      %and3A_606 = arith.constant 15 : i32
      %and3A_607 = vector.broadcast %and3A_606 : i32 to vector<16xi32>
      %and3A_608 = arith.andi %get3A_605, %and3A_607 : vector<16xi32>
      %gather3A_609 = tpu.vector_load_idx %arg12[%broadcast_in_dim3A_499, %add3A_603, %and3A_608] : memref<4x128x16xf32, #tpu.memory_space<vmem>>[vector<16xi32>, vector<16xi32>, vector<16xi32>], vector<16xf32>,
      %mul3A_610 = arith.constant 128 : i32
      %mul3A_611 = arith.muli %scan3A_8, %mul3A_610 : i32
      %add3A_612 = arith.constant 96 : i32
      %add3A_613 = arith.addi %mul3A_611, %add3A_612 : i32
      %swap3A_614 = arith.constant 0 : i32
      %swap3A_615 = arith.index_cast %swap3A_614 : i32 to index
      %swap3A_616 = arith.index_cast %add3A_613 : i32 to index
      %swap3A_617 = tpu.vector_load %arg13[%swap3A_615, %swap3A_616] {strides = array<i32>} : memref<4x4096xf32, #tpu.memory_space<vmem>>, vector<16xf32>,
      tpu.vector_store %arg13[%swap3A_615, %swap3A_616], %gather3A_609 {strides = array<i32>} : memref<4x4096xf32, #tpu.memory_space<vmem>>, vector<16xf32>,
      %add3A_618 = arith.constant 112 : i32
      %add3A_619 = vector.broadcast %add3A_618 : i32 to vector<16xi32>
      %add3A_620 = arith.addi %iota3A, %add3A_619 : vector<16xi32>
      %get3A_621 = arith.constant 112 : index
      %get3A_622 = tpu.vector_load %arg9[%get3A_621] {strides = array<i32>} : memref<128xi32, #tpu.memory_space<vmem>>, vector<16xi32>,
      %and3A_623 = arith.constant 15 : i32
      %and3A_624 = vector.broadcast %and3A_623 : i32 to vector<16xi32>
      %and3A_625 = arith.andi %get3A_622, %and3A_624 : vector<16xi32>
      %gather3A_626 = tpu.vector_load_idx %arg12[%broadcast_in_dim3A_499, %add3A_620, %and3A_625] : memref<4x128x16xf32, #tpu.memory_space<vmem>>[vector<16xi32>, vector<16xi32>, vector<16xi32>], vector<16xf32>,
      %mul3A_627 = arith.constant 128 : i32
      %mul3A_628 = arith.muli %scan3A_8, %mul3A_627 : i32
      %add3A_629 = arith.constant 112 : i32
      %add3A_630 = arith.addi %mul3A_628, %add3A_629 : i32
      %swap3A_631 = arith.constant 0 : i32
      %swap3A_632 = arith.index_cast %swap3A_631 : i32 to index
      %swap3A_633 = arith.index_cast %add3A_630 : i32 to index
      %swap3A_634 = tpu.vector_load %arg13[%swap3A_632, %swap3A_633] {strides = array<i32>} : memref<4x4096xf32, #tpu.memory_space<vmem>>, vector<16xf32>,
      tpu.vector_store %arg13[%swap3A_632, %swap3A_633], %gather3A_626 {strides = array<i32>} : memref<4x4096xf32, #tpu.memory_space<vmem>>, vector<16xf32>,
      %broadcast_in_dim3A_635 = arith.constant 1 : i32
      %broadcast_in_dim3A_636 = vector.broadcast %broadcast_in_dim3A_635 : i32 to vector<16xi32>
      %add3A_637 = arith.constant 0 : i32
      %add3A_638 = vector.broadcast %add3A_637 : i32 to vector<16xi32>
      %add3A_639 = arith.addi %iota3A, %add3A_638 : vector<16xi32>
      %get3A_640 = arith.constant 0 : index
      %get3A_641 = tpu.vector_load %arg9[%get3A_640] {strides = array<i32>} : memref<128xi32, #tpu.memory_space<vmem>>, vector<16xi32>,
      %and3A_642 = arith.constant 15 : i32
      %and3A_643 = vector.broadcast %and3A_642 : i32 to vector<16xi32>
      %and3A_644 = arith.andi %get3A_641, %and3A_643 : vector<16xi32>
      %gather3A_645 = tpu.vector_load_idx %arg12[%broadcast_in_dim3A_636, %add3A_639, %and3A_644] : memref<4x128x16xf32, #tpu.memory_space<vmem>>[vector<16xi32>, vector<16xi32>, vector<16xi32>], vector<16xf32>,
      %mul3A_646 = arith.constant 128 : i32
      %mul3A_647 = arith.muli %scan3A_8, %mul3A_646 : i32
      %add3A_648 = arith.constant 0 : i32
      %add3A_649 = arith.addi %mul3A_647, %add3A_648 : i32
      %swap3A_650 = arith.constant 1 : i32
      %swap3A_651 = arith.index_cast %swap3A_650 : i32 to index
      %swap3A_652 = arith.index_cast %add3A_649 : i32 to index
      %swap3A_653 = tpu.vector_load %arg13[%swap3A_651, %swap3A_652] {strides = array<i32>} : memref<4x4096xf32, #tpu.memory_space<vmem>>, vector<16xf32>,
      tpu.vector_store %arg13[%swap3A_651, %swap3A_652], %gather3A_645 {strides = array<i32>} : memref<4x4096xf32, #tpu.memory_space<vmem>>, vector<16xf32>,
      %add3A_654 = arith.constant 16 : i32
      %add3A_655 = vector.broadcast %add3A_654 : i32 to vector<16xi32>
      %add3A_656 = arith.addi %iota3A, %add3A_655 : vector<16xi32>
      %get3A_657 = arith.constant 16 : index
      %get3A_658 = tpu.vector_load %arg9[%get3A_657] {strides = array<i32>} : memref<128xi32, #tpu.memory_space<vmem>>, vector<16xi32>,
      %and3A_659 = arith.constant 15 : i32
      %and3A_660 = vector.broadcast %and3A_659 : i32 to vector<16xi32>
      %and3A_661 = arith.andi %get3A_658, %and3A_660 : vector<16xi32>
      %gather3A_662 = tpu.vector_load_idx %arg12[%broadcast_in_dim3A_636, %add3A_656, %and3A_661] : memref<4x128x16xf32, #tpu.memory_space<vmem>>[vector<16xi32>, vector<16xi32>, vector<16xi32>], vector<16xf32>,
      %mul3A_663 = arith.constant 128 : i32
      %mul3A_664 = arith.muli %scan3A_8, %mul3A_663 : i32
      %add3A_665 = arith.constant 16 : i32
      %add3A_666 = arith.addi %mul3A_664, %add3A_665 : i32
      %swap3A_667 = arith.constant 1 : i32
      %swap3A_668 = arith.index_cast %swap3A_667 : i32 to index
      %swap3A_669 = arith.index_cast %add3A_666 : i32 to index
      %swap3A_670 = tpu.vector_load %arg13[%swap3A_668, %swap3A_669] {strides = array<i32>} : memref<4x4096xf32, #tpu.memory_space<vmem>>, vector<16xf32>,
      tpu.vector_store %arg13[%swap3A_668, %swap3A_669], %gather3A_662 {strides = array<i32>} : memref<4x4096xf32, #tpu.memory_space<vmem>>, vector<16xf32>,
      %add3A_671 = arith.constant 32 : i32
      %add3A_672 = vector.broadcast %add3A_671 : i32 to vector<16xi32>
      %add3A_673 = arith.addi %iota3A, %add3A_672 : vector<16xi32>
      %get3A_674 = arith.constant 32 : index
      %get3A_675 = tpu.vector_load %arg9[%get3A_674] {strides = array<i32>} : memref<128xi32, #tpu.memory_space<vmem>>, vector<16xi32>,
      %and3A_676 = arith.constant 15 : i32
      %and3A_677 = vector.broadcast %and3A_676 : i32 to vector<16xi32>
      %and3A_678 = arith.andi %get3A_675, %and3A_677 : vector<16xi32>
      %gather3A_679 = tpu.vector_load_idx %arg12[%broadcast_in_dim3A_636, %add3A_673, %and3A_678] : memref<4x128x16xf32, #tpu.memory_space<vmem>>[vector<16xi32>, vector<16xi32>, vector<16xi32>], vector<16xf32>,
      %mul3A_680 = arith.constant 128 : i32
      %mul3A_681 = arith.muli %scan3A_8, %mul3A_680 : i32
      %add3A_682 = arith.constant 32 : i32
      %add3A_683 = arith.addi %mul3A_681, %add3A_682 : i32
      %swap3A_684 = arith.constant 1 : i32
      %swap3A_685 = arith.index_cast %swap3A_684 : i32 to index
      %swap3A_686 = arith.index_cast %add3A_683 : i32 to index
      %swap3A_687 = tpu.vector_load %arg13[%swap3A_685, %swap3A_686] {strides = array<i32>} : memref<4x4096xf32, #tpu.memory_space<vmem>>, vector<16xf32>,
      tpu.vector_store %arg13[%swap3A_685, %swap3A_686], %gather3A_679 {strides = array<i32>} : memref<4x4096xf32, #tpu.memory_space<vmem>>, vector<16xf32>,
      %add3A_688 = arith.constant 48 : i32
      %add3A_689 = vector.broadcast %add3A_688 : i32 to vector<16xi32>
      %add3A_690 = arith.addi %iota3A, %add3A_689 : vector<16xi32>
      %get3A_691 = arith.constant 48 : index
      %get3A_692 = tpu.vector_load %arg9[%get3A_691] {strides = array<i32>} : memref<128xi32, #tpu.memory_space<vmem>>, vector<16xi32>,
      %and3A_693 = arith.constant 15 : i32
      %and3A_694 = vector.broadcast %and3A_693 : i32 to vector<16xi32>
      %and3A_695 = arith.andi %get3A_692, %and3A_694 : vector<16xi32>
      %gather3A_696 = tpu.vector_load_idx %arg12[%broadcast_in_dim3A_636, %add3A_690, %and3A_695] : memref<4x128x16xf32, #tpu.memory_space<vmem>>[vector<16xi32>, vector<16xi32>, vector<16xi32>], vector<16xf32>,
      %mul3A_697 = arith.constant 128 : i32
      %mul3A_698 = arith.muli %scan3A_8, %mul3A_697 : i32
      %add3A_699 = arith.constant 48 : i32
      %add3A_700 = arith.addi %mul3A_698, %add3A_699 : i32
      %swap3A_701 = arith.constant 1 : i32
      %swap3A_702 = arith.index_cast %swap3A_701 : i32 to index
      %swap3A_703 = arith.index_cast %add3A_700 : i32 to index
      %swap3A_704 = tpu.vector_load %arg13[%swap3A_702, %swap3A_703] {strides = array<i32>} : memref<4x4096xf32, #tpu.memory_space<vmem>>, vector<16xf32>,
      tpu.vector_store %arg13[%swap3A_702, %swap3A_703], %gather3A_696 {strides = array<i32>} : memref<4x4096xf32, #tpu.memory_space<vmem>>, vector<16xf32>,
      %add3A_705 = arith.constant 64 : i32
      %add3A_706 = vector.broadcast %add3A_705 : i32 to vector<16xi32>
      %add3A_707 = arith.addi %iota3A, %add3A_706 : vector<16xi32>
      %get3A_708 = arith.constant 64 : index
      %get3A_709 = tpu.vector_load %arg9[%get3A_708] {strides = array<i32>} : memref<128xi32, #tpu.memory_space<vmem>>, vector<16xi32>,
      %and3A_710 = arith.constant 15 : i32
      %and3A_711 = vector.broadcast %and3A_710 : i32 to vector<16xi32>
      %and3A_712 = arith.andi %get3A_709, %and3A_711 : vector<16xi32>
      %gather3A_713 = tpu.vector_load_idx %arg12[%broadcast_in_dim3A_636, %add3A_707, %and3A_712] : memref<4x128x16xf32, #tpu.memory_space<vmem>>[vector<16xi32>, vector<16xi32>, vector<16xi32>], vector<16xf32>,
      %mul3A_714 = arith.constant 128 : i32
      %mul3A_715 = arith.muli %scan3A_8, %mul3A_714 : i32
      %add3A_716 = arith.constant 64 : i32
      %add3A_717 = arith.addi %mul3A_715, %add3A_716 : i32
      %swap3A_718 = arith.constant 1 : i32
      %swap3A_719 = arith.index_cast %swap3A_718 : i32 to index
      %swap3A_720 = arith.index_cast %add3A_717 : i32 to index
      %swap3A_721 = tpu.vector_load %arg13[%swap3A_719, %swap3A_720] {strides = array<i32>} : memref<4x4096xf32, #tpu.memory_space<vmem>>, vector<16xf32>,
      tpu.vector_store %arg13[%swap3A_719, %swap3A_720], %gather3A_713 {strides = array<i32>} : memref<4x4096xf32, #tpu.memory_space<vmem>>, vector<16xf32>,
      %add3A_722 = arith.constant 80 : i32
      %add3A_723 = vector.broadcast %add3A_722 : i32 to vector<16xi32>
      %add3A_724 = arith.addi %iota3A, %add3A_723 : vector<16xi32>
      %get3A_725 = arith.constant 80 : index
      %get3A_726 = tpu.vector_load %arg9[%get3A_725] {strides = array<i32>} : memref<128xi32, #tpu.memory_space<vmem>>, vector<16xi32>,
      %and3A_727 = arith.constant 15 : i32
      %and3A_728 = vector.broadcast %and3A_727 : i32 to vector<16xi32>
      %and3A_729 = arith.andi %get3A_726, %and3A_728 : vector<16xi32>
      %gather3A_730 = tpu.vector_load_idx %arg12[%broadcast_in_dim3A_636, %add3A_724, %and3A_729] : memref<4x128x16xf32, #tpu.memory_space<vmem>>[vector<16xi32>, vector<16xi32>, vector<16xi32>], vector<16xf32>,
      %mul3A_731 = arith.constant 128 : i32
      %mul3A_732 = arith.muli %scan3A_8, %mul3A_731 : i32
      %add3A_733 = arith.constant 80 : i32
      %add3A_734 = arith.addi %mul3A_732, %add3A_733 : i32
      %swap3A_735 = arith.constant 1 : i32
      %swap3A_736 = arith.index_cast %swap3A_735 : i32 to index
      %swap3A_737 = arith.index_cast %add3A_734 : i32 to index
      %swap3A_738 = tpu.vector_load %arg13[%swap3A_736, %swap3A_737] {strides = array<i32>} : memref<4x4096xf32, #tpu.memory_space<vmem>>, vector<16xf32>,
      tpu.vector_store %arg13[%swap3A_736, %swap3A_737], %gather3A_730 {strides = array<i32>} : memref<4x4096xf32, #tpu.memory_space<vmem>>, vector<16xf32>,
      %add3A_739 = arith.constant 96 : i32
      %add3A_740 = vector.broadcast %add3A_739 : i32 to vector<16xi32>
      %add3A_741 = arith.addi %iota3A, %add3A_740 : vector<16xi32>
      %get3A_742 = arith.constant 96 : index
      %get3A_743 = tpu.vector_load %arg9[%get3A_742] {strides = array<i32>} : memref<128xi32, #tpu.memory_space<vmem>>, vector<16xi32>,
      %and3A_744 = arith.constant 15 : i32
      %and3A_745 = vector.broadcast %and3A_744 : i32 to vector<16xi32>
      %and3A_746 = arith.andi %get3A_743, %and3A_745 : vector<16xi32>
      %gather3A_747 = tpu.vector_load_idx %arg12[%broadcast_in_dim3A_636, %add3A_741, %and3A_746] : memref<4x128x16xf32, #tpu.memory_space<vmem>>[vector<16xi32>, vector<16xi32>, vector<16xi32>], vector<16xf32>,
      %mul3A_748 = arith.constant 128 : i32
      %mul3A_749 = arith.muli %scan3A_8, %mul3A_748 : i32
      %add3A_750 = arith.constant 96 : i32
      %add3A_751 = arith.addi %mul3A_749, %add3A_750 : i32
      %swap3A_752 = arith.constant 1 : i32
      %swap3A_753 = arith.index_cast %swap3A_752 : i32 to index
      %swap3A_754 = arith.index_cast %add3A_751 : i32 to index
      %swap3A_755 = tpu.vector_load %arg13[%swap3A_753, %swap3A_754] {strides = array<i32>} : memref<4x4096xf32, #tpu.memory_space<vmem>>, vector<16xf32>,
      tpu.vector_store %arg13[%swap3A_753, %swap3A_754], %gather3A_747 {strides = array<i32>} : memref<4x4096xf32, #tpu.memory_space<vmem>>, vector<16xf32>,
      %add3A_756 = arith.constant 112 : i32
      %add3A_757 = vector.broadcast %add3A_756 : i32 to vector<16xi32>
      %add3A_758 = arith.addi %iota3A, %add3A_757 : vector<16xi32>
      %get3A_759 = arith.constant 112 : index
      %get3A_760 = tpu.vector_load %arg9[%get3A_759] {strides = array<i32>} : memref<128xi32, #tpu.memory_space<vmem>>, vector<16xi32>,
      %and3A_761 = arith.constant 15 : i32
      %and3A_762 = vector.broadcast %and3A_761 : i32 to vector<16xi32>
      %and3A_763 = arith.andi %get3A_760, %and3A_762 : vector<16xi32>
      %gather3A_764 = tpu.vector_load_idx %arg12[%broadcast_in_dim3A_636, %add3A_758, %and3A_763] : memref<4x128x16xf32, #tpu.memory_space<vmem>>[vector<16xi32>, vector<16xi32>, vector<16xi32>], vector<16xf32>,
      %mul3A_765 = arith.constant 128 : i32
      %mul3A_766 = arith.muli %scan3A_8, %mul3A_765 : i32
      %add3A_767 = arith.constant 112 : i32
      %add3A_768 = arith.addi %mul3A_766, %add3A_767 : i32
      %swap3A_769 = arith.constant 1 : i32
      %swap3A_770 = arith.index_cast %swap3A_769 : i32 to index
      %swap3A_771 = arith.index_cast %add3A_768 : i32 to index
      %swap3A_772 = tpu.vector_load %arg13[%swap3A_770, %swap3A_771] {strides = array<i32>} : memref<4x4096xf32, #tpu.memory_space<vmem>>, vector<16xf32>,
      tpu.vector_store %arg13[%swap3A_770, %swap3A_771], %gather3A_764 {strides = array<i32>} : memref<4x4096xf32, #tpu.memory_space<vmem>>, vector<16xf32>,
      %broadcast_in_dim3A_773 = arith.constant 2 : i32
      %broadcast_in_dim3A_774 = vector.broadcast %broadcast_in_dim3A_773 : i32 to vector<16xi32>
      %add3A_775 = arith.constant 0 : i32
      %add3A_776 = vector.broadcast %add3A_775 : i32 to vector<16xi32>
      %add3A_777 = arith.addi %iota3A, %add3A_776 : vector<16xi32>
      %get3A_778 = arith.constant 0 : index
      %get3A_779 = tpu.vector_load %arg9[%get3A_778] {strides = array<i32>} : memref<128xi32, #tpu.memory_space<vmem>>, vector<16xi32>,
      %and3A_780 = arith.constant 15 : i32
      %and3A_781 = vector.broadcast %and3A_780 : i32 to vector<16xi32>
      %and3A_782 = arith.andi %get3A_779, %and3A_781 : vector<16xi32>
      %gather3A_783 = tpu.vector_load_idx %arg12[%broadcast_in_dim3A_774, %add3A_777, %and3A_782] : memref<4x128x16xf32, #tpu.memory_space<vmem>>[vector<16xi32>, vector<16xi32>, vector<16xi32>], vector<16xf32>,
      %mul3A_784 = arith.constant 128 : i32
      %mul3A_785 = arith.muli %scan3A_8, %mul3A_784 : i32
      %add3A_786 = arith.constant 0 : i32
      %add3A_787 = arith.addi %mul3A_785, %add3A_786 : i32
      %swap3A_788 = arith.constant 2 : i32
      %swap3A_789 = arith.index_cast %swap3A_788 : i32 to index
      %swap3A_790 = arith.index_cast %add3A_787 : i32 to index
      %swap3A_791 = tpu.vector_load %arg13[%swap3A_789, %swap3A_790] {strides = array<i32>} : memref<4x4096xf32, #tpu.memory_space<vmem>>, vector<16xf32>,
      tpu.vector_store %arg13[%swap3A_789, %swap3A_790], %gather3A_783 {strides = array<i32>} : memref<4x4096xf32, #tpu.memory_space<vmem>>, vector<16xf32>,
      %add3A_792 = arith.constant 16 : i32
      %add3A_793 = vector.broadcast %add3A_792 : i32 to vector<16xi32>
      %add3A_794 = arith.addi %iota3A, %add3A_793 : vector<16xi32>
      %get3A_795 = arith.constant 16 : index
      %get3A_796 = tpu.vector_load %arg9[%get3A_795] {strides = array<i32>} : memref<128xi32, #tpu.memory_space<vmem>>, vector<16xi32>,
      %and3A_797 = arith.constant 15 : i32
      %and3A_798 = vector.broadcast %and3A_797 : i32 to vector<16xi32>
      %and3A_799 = arith.andi %get3A_796, %and3A_798 : vector<16xi32>
      %gather3A_800 = tpu.vector_load_idx %arg12[%broadcast_in_dim3A_774, %add3A_794, %and3A_799] : memref<4x128x16xf32, #tpu.memory_space<vmem>>[vector<16xi32>, vector<16xi32>, vector<16xi32>], vector<16xf32>,
      %mul3A_801 = arith.constant 128 : i32
      %mul3A_802 = arith.muli %scan3A_8, %mul3A_801 : i32
      %add3A_803 = arith.constant 16 : i32
      %add3A_804 = arith.addi %mul3A_802, %add3A_803 : i32
      %swap3A_805 = arith.constant 2 : i32
      %swap3A_806 = arith.index_cast %swap3A_805 : i32 to index
      %swap3A_807 = arith.index_cast %add3A_804 : i32 to index
      %swap3A_808 = tpu.vector_load %arg13[%swap3A_806, %swap3A_807] {strides = array<i32>} : memref<4x4096xf32, #tpu.memory_space<vmem>>, vector<16xf32>,
      tpu.vector_store %arg13[%swap3A_806, %swap3A_807], %gather3A_800 {strides = array<i32>} : memref<4x4096xf32, #tpu.memory_space<vmem>>, vector<16xf32>,
      %add3A_809 = arith.constant 32 : i32
      %add3A_810 = vector.broadcast %add3A_809 : i32 to vector<16xi32>
      %add3A_811 = arith.addi %iota3A, %add3A_810 : vector<16xi32>
      %get3A_812 = arith.constant 32 : index
      %get3A_813 = tpu.vector_load %arg9[%get3A_812] {strides = array<i32>} : memref<128xi32, #tpu.memory_space<vmem>>, vector<16xi32>,
      %and3A_814 = arith.constant 15 : i32
      %and3A_815 = vector.broadcast %and3A_814 : i32 to vector<16xi32>
      %and3A_816 = arith.andi %get3A_813, %and3A_815 : vector<16xi32>
      %gather3A_817 = tpu.vector_load_idx %arg12[%broadcast_in_dim3A_774, %add3A_811, %and3A_816] : memref<4x128x16xf32, #tpu.memory_space<vmem>>[vector<16xi32>, vector<16xi32>, vector<16xi32>], vector<16xf32>,
      %mul3A_818 = arith.constant 128 : i32
      %mul3A_819 = arith.muli %scan3A_8, %mul3A_818 : i32
      %add3A_820 = arith.constant 32 : i32
      %add3A_821 = arith.addi %mul3A_819, %add3A_820 : i32
      %swap3A_822 = arith.constant 2 : i32
      %swap3A_823 = arith.index_cast %swap3A_822 : i32 to index
      %swap3A_824 = arith.index_cast %add3A_821 : i32 to index
      %swap3A_825 = tpu.vector_load %arg13[%swap3A_823, %swap3A_824] {strides = array<i32>} : memref<4x4096xf32, #tpu.memory_space<vmem>>, vector<16xf32>,
      tpu.vector_store %arg13[%swap3A_823, %swap3A_824], %gather3A_817 {strides = array<i32>} : memref<4x4096xf32, #tpu.memory_space<vmem>>, vector<16xf32>,
      %add3A_826 = arith.constant 48 : i32
      %add3A_827 = vector.broadcast %add3A_826 : i32 to vector<16xi32>
      %add3A_828 = arith.addi %iota3A, %add3A_827 : vector<16xi32>
      %get3A_829 = arith.constant 48 : index
      %get3A_830 = tpu.vector_load %arg9[%get3A_829] {strides = array<i32>} : memref<128xi32, #tpu.memory_space<vmem>>, vector<16xi32>,
      %and3A_831 = arith.constant 15 : i32
      %and3A_832 = vector.broadcast %and3A_831 : i32 to vector<16xi32>
      %and3A_833 = arith.andi %get3A_830, %and3A_832 : vector<16xi32>
      %gather3A_834 = tpu.vector_load_idx %arg12[%broadcast_in_dim3A_774, %add3A_828, %and3A_833] : memref<4x128x16xf32, #tpu.memory_space<vmem>>[vector<16xi32>, vector<16xi32>, vector<16xi32>], vector<16xf32>,
      %mul3A_835 = arith.constant 128 : i32
      %mul3A_836 = arith.muli %scan3A_8, %mul3A_835 : i32
      %add3A_837 = arith.constant 48 : i32
      %add3A_838 = arith.addi %mul3A_836, %add3A_837 : i32
      %swap3A_839 = arith.constant 2 : i32
      %swap3A_840 = arith.index_cast %swap3A_839 : i32 to index
      %swap3A_841 = arith.index_cast %add3A_838 : i32 to index
      %swap3A_842 = tpu.vector_load %arg13[%swap3A_840, %swap3A_841] {strides = array<i32>} : memref<4x4096xf32, #tpu.memory_space<vmem>>, vector<16xf32>,
      tpu.vector_store %arg13[%swap3A_840, %swap3A_841], %gather3A_834 {strides = array<i32>} : memref<4x4096xf32, #tpu.memory_space<vmem>>, vector<16xf32>,
      %add3A_843 = arith.constant 64 : i32
      %add3A_844 = vector.broadcast %add3A_843 : i32 to vector<16xi32>
      %add3A_845 = arith.addi %iota3A, %add3A_844 : vector<16xi32>
      %get3A_846 = arith.constant 64 : index
      %get3A_847 = tpu.vector_load %arg9[%get3A_846] {strides = array<i32>} : memref<128xi32, #tpu.memory_space<vmem>>, vector<16xi32>,
      %and3A_848 = arith.constant 15 : i32
      %and3A_849 = vector.broadcast %and3A_848 : i32 to vector<16xi32>
      %and3A_850 = arith.andi %get3A_847, %and3A_849 : vector<16xi32>
      %gather3A_851 = tpu.vector_load_idx %arg12[%broadcast_in_dim3A_774, %add3A_845, %and3A_850] : memref<4x128x16xf32, #tpu.memory_space<vmem>>[vector<16xi32>, vector<16xi32>, vector<16xi32>], vector<16xf32>,
      %mul3A_852 = arith.constant 128 : i32
      %mul3A_853 = arith.muli %scan3A_8, %mul3A_852 : i32
      %add3A_854 = arith.constant 64 : i32
      %add3A_855 = arith.addi %mul3A_853, %add3A_854 : i32
      %swap3A_856 = arith.constant 2 : i32
      %swap3A_857 = arith.index_cast %swap3A_856 : i32 to index
      %swap3A_858 = arith.index_cast %add3A_855 : i32 to index
      %swap3A_859 = tpu.vector_load %arg13[%swap3A_857, %swap3A_858] {strides = array<i32>} : memref<4x4096xf32, #tpu.memory_space<vmem>>, vector<16xf32>,
      tpu.vector_store %arg13[%swap3A_857, %swap3A_858], %gather3A_851 {strides = array<i32>} : memref<4x4096xf32, #tpu.memory_space<vmem>>, vector<16xf32>,
      %add3A_860 = arith.constant 80 : i32
      %add3A_861 = vector.broadcast %add3A_860 : i32 to vector<16xi32>
      %add3A_862 = arith.addi %iota3A, %add3A_861 : vector<16xi32>
      %get3A_863 = arith.constant 80 : index
      %get3A_864 = tpu.vector_load %arg9[%get3A_863] {strides = array<i32>} : memref<128xi32, #tpu.memory_space<vmem>>, vector<16xi32>,
      %and3A_865 = arith.constant 15 : i32
      %and3A_866 = vector.broadcast %and3A_865 : i32 to vector<16xi32>
      %and3A_867 = arith.andi %get3A_864, %and3A_866 : vector<16xi32>
      %gather3A_868 = tpu.vector_load_idx %arg12[%broadcast_in_dim3A_774, %add3A_862, %and3A_867] : memref<4x128x16xf32, #tpu.memory_space<vmem>>[vector<16xi32>, vector<16xi32>, vector<16xi32>], vector<16xf32>,
      %mul3A_869 = arith.constant 128 : i32
      %mul3A_870 = arith.muli %scan3A_8, %mul3A_869 : i32
      %add3A_871 = arith.constant 80 : i32
      %add3A_872 = arith.addi %mul3A_870, %add3A_871 : i32
      %swap3A_873 = arith.constant 2 : i32
      %swap3A_874 = arith.index_cast %swap3A_873 : i32 to index
      %swap3A_875 = arith.index_cast %add3A_872 : i32 to index
      %swap3A_876 = tpu.vector_load %arg13[%swap3A_874, %swap3A_875] {strides = array<i32>} : memref<4x4096xf32, #tpu.memory_space<vmem>>, vector<16xf32>,
      tpu.vector_store %arg13[%swap3A_874, %swap3A_875], %gather3A_868 {strides = array<i32>} : memref<4x4096xf32, #tpu.memory_space<vmem>>, vector<16xf32>,
      %add3A_877 = arith.constant 96 : i32
      %add3A_878 = vector.broadcast %add3A_877 : i32 to vector<16xi32>
      %add3A_879 = arith.addi %iota3A, %add3A_878 : vector<16xi32>
      %get3A_880 = arith.constant 96 : index
      %get3A_881 = tpu.vector_load %arg9[%get3A_880] {strides = array<i32>} : memref<128xi32, #tpu.memory_space<vmem>>, vector<16xi32>,
      %and3A_882 = arith.constant 15 : i32
      %and3A_883 = vector.broadcast %and3A_882 : i32 to vector<16xi32>
      %and3A_884 = arith.andi %get3A_881, %and3A_883 : vector<16xi32>
      %gather3A_885 = tpu.vector_load_idx %arg12[%broadcast_in_dim3A_774, %add3A_879, %and3A_884] : memref<4x128x16xf32, #tpu.memory_space<vmem>>[vector<16xi32>, vector<16xi32>, vector<16xi32>], vector<16xf32>,
      %mul3A_886 = arith.constant 128 : i32
      %mul3A_887 = arith.muli %scan3A_8, %mul3A_886 : i32
      %add3A_888 = arith.constant 96 : i32
      %add3A_889 = arith.addi %mul3A_887, %add3A_888 : i32
      %swap3A_890 = arith.constant 2 : i32
      %swap3A_891 = arith.index_cast %swap3A_890 : i32 to index
      %swap3A_892 = arith.index_cast %add3A_889 : i32 to index
      %swap3A_893 = tpu.vector_load %arg13[%swap3A_891, %swap3A_892] {strides = array<i32>} : memref<4x4096xf32, #tpu.memory_space<vmem>>, vector<16xf32>,
      tpu.vector_store %arg13[%swap3A_891, %swap3A_892], %gather3A_885 {strides = array<i32>} : memref<4x4096xf32, #tpu.memory_space<vmem>>, vector<16xf32>,
      %add3A_894 = arith.constant 112 : i32
      %add3A_895 = vector.broadcast %add3A_894 : i32 to vector<16xi32>
      %add3A_896 = arith.addi %iota3A, %add3A_895 : vector<16xi32>
      %get3A_897 = arith.constant 112 : index
      %get3A_898 = tpu.vector_load %arg9[%get3A_897] {strides = array<i32>} : memref<128xi32, #tpu.memory_space<vmem>>, vector<16xi32>,
      %and3A_899 = arith.constant 15 : i32
      %and3A_900 = vector.broadcast %and3A_899 : i32 to vector<16xi32>
      %and3A_901 = arith.andi %get3A_898, %and3A_900 : vector<16xi32>
      %gather3A_902 = tpu.vector_load_idx %arg12[%broadcast_in_dim3A_774, %add3A_896, %and3A_901] : memref<4x128x16xf32, #tpu.memory_space<vmem>>[vector<16xi32>, vector<16xi32>, vector<16xi32>], vector<16xf32>,
      %mul3A_903 = arith.constant 128 : i32
      %mul3A_904 = arith.muli %scan3A_8, %mul3A_903 : i32
      %add3A_905 = arith.constant 112 : i32
      %add3A_906 = arith.addi %mul3A_904, %add3A_905 : i32
      %swap3A_907 = arith.constant 2 : i32
      %swap3A_908 = arith.index_cast %swap3A_907 : i32 to index
      %swap3A_909 = arith.index_cast %add3A_906 : i32 to index
      %swap3A_910 = tpu.vector_load %arg13[%swap3A_908, %swap3A_909] {strides = array<i32>} : memref<4x4096xf32, #tpu.memory_space<vmem>>, vector<16xf32>,
      tpu.vector_store %arg13[%swap3A_908, %swap3A_909], %gather3A_902 {strides = array<i32>} : memref<4x4096xf32, #tpu.memory_space<vmem>>, vector<16xf32>,
      %broadcast_in_dim3A_911 = arith.constant 3 : i32
      %broadcast_in_dim3A_912 = vector.broadcast %broadcast_in_dim3A_911 : i32 to vector<16xi32>
      %add3A_913 = arith.constant 0 : i32
      %add3A_914 = vector.broadcast %add3A_913 : i32 to vector<16xi32>
      %add3A_915 = arith.addi %iota3A, %add3A_914 : vector<16xi32>
      %get3A_916 = arith.constant 0 : index
      %get3A_917 = tpu.vector_load %arg9[%get3A_916] {strides = array<i32>} : memref<128xi32, #tpu.memory_space<vmem>>, vector<16xi32>,
      %and3A_918 = arith.constant 15 : i32
      %and3A_919 = vector.broadcast %and3A_918 : i32 to vector<16xi32>
      %and3A_920 = arith.andi %get3A_917, %and3A_919 : vector<16xi32>
      %gather3A_921 = tpu.vector_load_idx %arg12[%broadcast_in_dim3A_912, %add3A_915, %and3A_920] : memref<4x128x16xf32, #tpu.memory_space<vmem>>[vector<16xi32>, vector<16xi32>, vector<16xi32>], vector<16xf32>,
      %mul3A_922 = arith.constant 128 : i32
      %mul3A_923 = arith.muli %scan3A_8, %mul3A_922 : i32
      %add3A_924 = arith.constant 0 : i32
      %add3A_925 = arith.addi %mul3A_923, %add3A_924 : i32
      %swap3A_926 = arith.constant 3 : i32
      %swap3A_927 = arith.index_cast %swap3A_926 : i32 to index
      %swap3A_928 = arith.index_cast %add3A_925 : i32 to index
      %swap3A_929 = tpu.vector_load %arg13[%swap3A_927, %swap3A_928] {strides = array<i32>} : memref<4x4096xf32, #tpu.memory_space<vmem>>, vector<16xf32>,
      tpu.vector_store %arg13[%swap3A_927, %swap3A_928], %gather3A_921 {strides = array<i32>} : memref<4x4096xf32, #tpu.memory_space<vmem>>, vector<16xf32>,
      %add3A_930 = arith.constant 16 : i32
      %add3A_931 = vector.broadcast %add3A_930 : i32 to vector<16xi32>
      %add3A_932 = arith.addi %iota3A, %add3A_931 : vector<16xi32>
      %get3A_933 = arith.constant 16 : index
      %get3A_934 = tpu.vector_load %arg9[%get3A_933] {strides = array<i32>} : memref<128xi32, #tpu.memory_space<vmem>>, vector<16xi32>,
      %and3A_935 = arith.constant 15 : i32
      %and3A_936 = vector.broadcast %and3A_935 : i32 to vector<16xi32>
      %and3A_937 = arith.andi %get3A_934, %and3A_936 : vector<16xi32>
      %gather3A_938 = tpu.vector_load_idx %arg12[%broadcast_in_dim3A_912, %add3A_932, %and3A_937] : memref<4x128x16xf32, #tpu.memory_space<vmem>>[vector<16xi32>, vector<16xi32>, vector<16xi32>], vector<16xf32>,
      %mul3A_939 = arith.constant 128 : i32
      %mul3A_940 = arith.muli %scan3A_8, %mul3A_939 : i32
      %add3A_941 = arith.constant 16 : i32
      %add3A_942 = arith.addi %mul3A_940, %add3A_941 : i32
      %swap3A_943 = arith.constant 3 : i32
      %swap3A_944 = arith.index_cast %swap3A_943 : i32 to index
      %swap3A_945 = arith.index_cast %add3A_942 : i32 to index
      %swap3A_946 = tpu.vector_load %arg13[%swap3A_944, %swap3A_945] {strides = array<i32>} : memref<4x4096xf32, #tpu.memory_space<vmem>>, vector<16xf32>,
      tpu.vector_store %arg13[%swap3A_944, %swap3A_945], %gather3A_938 {strides = array<i32>} : memref<4x4096xf32, #tpu.memory_space<vmem>>, vector<16xf32>,
      %add3A_947 = arith.constant 32 : i32
      %add3A_948 = vector.broadcast %add3A_947 : i32 to vector<16xi32>
      %add3A_949 = arith.addi %iota3A, %add3A_948 : vector<16xi32>
      %get3A_950 = arith.constant 32 : index
      %get3A_951 = tpu.vector_load %arg9[%get3A_950] {strides = array<i32>} : memref<128xi32, #tpu.memory_space<vmem>>, vector<16xi32>,
      %and3A_952 = arith.constant 15 : i32
      %and3A_953 = vector.broadcast %and3A_952 : i32 to vector<16xi32>
      %and3A_954 = arith.andi %get3A_951, %and3A_953 : vector<16xi32>
      %gather3A_955 = tpu.vector_load_idx %arg12[%broadcast_in_dim3A_912, %add3A_949, %and3A_954] : memref<4x128x16xf32, #tpu.memory_space<vmem>>[vector<16xi32>, vector<16xi32>, vector<16xi32>], vector<16xf32>,
      %mul3A_956 = arith.constant 128 : i32
      %mul3A_957 = arith.muli %scan3A_8, %mul3A_956 : i32
      %add3A_958 = arith.constant 32 : i32
      %add3A_959 = arith.addi %mul3A_957, %add3A_958 : i32
      %swap3A_960 = arith.constant 3 : i32
      %swap3A_961 = arith.index_cast %swap3A_960 : i32 to index
      %swap3A_962 = arith.index_cast %add3A_959 : i32 to index
      %swap3A_963 = tpu.vector_load %arg13[%swap3A_961, %swap3A_962] {strides = array<i32>} : memref<4x4096xf32, #tpu.memory_space<vmem>>, vector<16xf32>,
      tpu.vector_store %arg13[%swap3A_961, %swap3A_962], %gather3A_955 {strides = array<i32>} : memref<4x4096xf32, #tpu.memory_space<vmem>>, vector<16xf32>,
      %add3A_964 = arith.constant 48 : i32
      %add3A_965 = vector.broadcast %add3A_964 : i32 to vector<16xi32>
      %add3A_966 = arith.addi %iota3A, %add3A_965 : vector<16xi32>
      %get3A_967 = arith.constant 48 : index
      %get3A_968 = tpu.vector_load %arg9[%get3A_967] {strides = array<i32>} : memref<128xi32, #tpu.memory_space<vmem>>, vector<16xi32>,
      %and3A_969 = arith.constant 15 : i32
      %and3A_970 = vector.broadcast %and3A_969 : i32 to vector<16xi32>
      %and3A_971 = arith.andi %get3A_968, %and3A_970 : vector<16xi32>
      %gather3A_972 = tpu.vector_load_idx %arg12[%broadcast_in_dim3A_912, %add3A_966, %and3A_971] : memref<4x128x16xf32, #tpu.memory_space<vmem>>[vector<16xi32>, vector<16xi32>, vector<16xi32>], vector<16xf32>,
      %mul3A_973 = arith.constant 128 : i32
      %mul3A_974 = arith.muli %scan3A_8, %mul3A_973 : i32
      %add3A_975 = arith.constant 48 : i32
      %add3A_976 = arith.addi %mul3A_974, %add3A_975 : i32
      %swap3A_977 = arith.constant 3 : i32
      %swap3A_978 = arith.index_cast %swap3A_977 : i32 to index
      %swap3A_979 = arith.index_cast %add3A_976 : i32 to index
      %swap3A_980 = tpu.vector_load %arg13[%swap3A_978, %swap3A_979] {strides = array<i32>} : memref<4x4096xf32, #tpu.memory_space<vmem>>, vector<16xf32>,
      tpu.vector_store %arg13[%swap3A_978, %swap3A_979], %gather3A_972 {strides = array<i32>} : memref<4x4096xf32, #tpu.memory_space<vmem>>, vector<16xf32>,
      %add3A_981 = arith.constant 64 : i32
      %add3A_982 = vector.broadcast %add3A_981 : i32 to vector<16xi32>
      %add3A_983 = arith.addi %iota3A, %add3A_982 : vector<16xi32>
      %get3A_984 = arith.constant 64 : index
      %get3A_985 = tpu.vector_load %arg9[%get3A_984] {strides = array<i32>} : memref<128xi32, #tpu.memory_space<vmem>>, vector<16xi32>,
      %and3A_986 = arith.constant 15 : i32
      %and3A_987 = vector.broadcast %and3A_986 : i32 to vector<16xi32>
      %and3A_988 = arith.andi %get3A_985, %and3A_987 : vector<16xi32>
      %gather3A_989 = tpu.vector_load_idx %arg12[%broadcast_in_dim3A_912, %add3A_983, %and3A_988] : memref<4x128x16xf32, #tpu.memory_space<vmem>>[vector<16xi32>, vector<16xi32>, vector<16xi32>], vector<16xf32>,
      %mul3A_990 = arith.constant 128 : i32
      %mul3A_991 = arith.muli %scan3A_8, %mul3A_990 : i32
      %add3A_992 = arith.constant 64 : i32
      %add3A_993 = arith.addi %mul3A_991, %add3A_992 : i32
      %swap3A_994 = arith.constant 3 : i32
      %swap3A_995 = arith.index_cast %swap3A_994 : i32 to index
      %swap3A_996 = arith.index_cast %add3A_993 : i32 to index
      %swap3A_997 = tpu.vector_load %arg13[%swap3A_995, %swap3A_996] {strides = array<i32>} : memref<4x4096xf32, #tpu.memory_space<vmem>>, vector<16xf32>,
      tpu.vector_store %arg13[%swap3A_995, %swap3A_996], %gather3A_989 {strides = array<i32>} : memref<4x4096xf32, #tpu.memory_space<vmem>>, vector<16xf32>,
      %add3A_998 = arith.constant 80 : i32
      %add3A_999 = vector.broadcast %add3A_998 : i32 to vector<16xi32>
      %add3A_1000 = arith.addi %iota3A, %add3A_999 : vector<16xi32>
      %get3A_1001 = arith.constant 80 : index
      %get3A_1002 = tpu.vector_load %arg9[%get3A_1001] {strides = array<i32>} : memref<128xi32, #tpu.memory_space<vmem>>, vector<16xi32>,
      %and3A_1003 = arith.constant 15 : i32
      %and3A_1004 = vector.broadcast %and3A_1003 : i32 to vector<16xi32>
      %and3A_1005 = arith.andi %get3A_1002, %and3A_1004 : vector<16xi32>
      %gather3A_1006 = tpu.vector_load_idx %arg12[%broadcast_in_dim3A_912, %add3A_1000, %and3A_1005] : memref<4x128x16xf32, #tpu.memory_space<vmem>>[vector<16xi32>, vector<16xi32>, vector<16xi32>], vector<16xf32>,
      %mul3A_1007 = arith.constant 128 : i32
      %mul3A_1008 = arith.muli %scan3A_8, %mul3A_1007 : i32
      %add3A_1009 = arith.constant 80 : i32
      %add3A_1010 = arith.addi %mul3A_1008, %add3A_1009 : i32
      %swap3A_1011 = arith.constant 3 : i32
      %swap3A_1012 = arith.index_cast %swap3A_1011 : i32 to index
      %swap3A_1013 = arith.index_cast %add3A_1010 : i32 to index
      %swap3A_1014 = tpu.vector_load %arg13[%swap3A_1012, %swap3A_1013] {strides = array<i32>} : memref<4x4096xf32, #tpu.memory_space<vmem>>, vector<16xf32>,
      tpu.vector_store %arg13[%swap3A_1012, %swap3A_1013], %gather3A_1006 {strides = array<i32>} : memref<4x4096xf32, #tpu.memory_space<vmem>>, vector<16xf32>,
      %add3A_1015 = arith.constant 96 : i32
      %add3A_1016 = vector.broadcast %add3A_1015 : i32 to vector<16xi32>
      %add3A_1017 = arith.addi %iota3A, %add3A_1016 : vector<16xi32>
      %get3A_1018 = arith.constant 96 : index
      %get3A_1019 = tpu.vector_load %arg9[%get3A_1018] {strides = array<i32>} : memref<128xi32, #tpu.memory_space<vmem>>, vector<16xi32>,
      %and3A_1020 = arith.constant 15 : i32
      %and3A_1021 = vector.broadcast %and3A_1020 : i32 to vector<16xi32>
      %and3A_1022 = arith.andi %get3A_1019, %and3A_1021 : vector<16xi32>
      %gather3A_1023 = tpu.vector_load_idx %arg12[%broadcast_in_dim3A_912, %add3A_1017, %and3A_1022] : memref<4x128x16xf32, #tpu.memory_space<vmem>>[vector<16xi32>, vector<16xi32>, vector<16xi32>], vector<16xf32>,
      %mul3A_1024 = arith.constant 128 : i32
      %mul3A_1025 = arith.muli %scan3A_8, %mul3A_1024 : i32
      %add3A_1026 = arith.constant 96 : i32
      %add3A_1027 = arith.addi %mul3A_1025, %add3A_1026 : i32
      %swap3A_1028 = arith.constant 3 : i32
      %swap3A_1029 = arith.index_cast %swap3A_1028 : i32 to index
      %swap3A_1030 = arith.index_cast %add3A_1027 : i32 to index
      %swap3A_1031 = tpu.vector_load %arg13[%swap3A_1029, %swap3A_1030] {strides = array<i32>} : memref<4x4096xf32, #tpu.memory_space<vmem>>, vector<16xf32>,
      tpu.vector_store %arg13[%swap3A_1029, %swap3A_1030], %gather3A_1023 {strides = array<i32>} : memref<4x4096xf32, #tpu.memory_space<vmem>>, vector<16xf32>,
      %add3A_1032 = arith.constant 112 : i32
      %add3A_1033 = vector.broadcast %add3A_1032 : i32 to vector<16xi32>
      %add3A_1034 = arith.addi %iota3A, %add3A_1033 : vector<16xi32>
      %get3A_1035 = arith.constant 112 : index
      %get3A_1036 = tpu.vector_load %arg9[%get3A_1035] {strides = array<i32>} : memref<128xi32, #tpu.memory_space<vmem>>, vector<16xi32>,
      %and3A_1037 = arith.constant 15 : i32
      %and3A_1038 = vector.broadcast %and3A_1037 : i32 to vector<16xi32>
      %and3A_1039 = arith.andi %get3A_1036, %and3A_1038 : vector<16xi32>
      %gather3A_1040 = tpu.vector_load_idx %arg12[%broadcast_in_dim3A_912, %add3A_1034, %and3A_1039] : memref<4x128x16xf32, #tpu.memory_space<vmem>>[vector<16xi32>, vector<16xi32>, vector<16xi32>], vector<16xf32>,
      %mul3A_1041 = arith.constant 128 : i32
      %mul3A_1042 = arith.muli %scan3A_8, %mul3A_1041 : i32
      %add3A_1043 = arith.constant 112 : i32
      %add3A_1044 = arith.addi %mul3A_1042, %add3A_1043 : i32
      %swap3A_1045 = arith.constant 3 : i32
      %swap3A_1046 = arith.index_cast %swap3A_1045 : i32 to index
      %swap3A_1047 = arith.index_cast %add3A_1044 : i32 to index
      %swap3A_1048 = tpu.vector_load %arg13[%swap3A_1046, %swap3A_1047] {strides = array<i32>} : memref<4x4096xf32, #tpu.memory_space<vmem>>, vector<16xf32>,
      tpu.vector_store %arg13[%swap3A_1046, %swap3A_1047], %gather3A_1040 {strides = array<i32>} : memref<4x4096xf32, #tpu.memory_space<vmem>>, vector<16xf32>,
      "tpu.region"() ({
        %run_scoped3A = tpu.sem_alloc : memref<!tpu.dma_semaphore, #tpu.memory_space<semaphore_mem>>
        %dma_start3A_1049 = arith.constant 0 : i32
        %dma_start3A_1050 = tpu.memref_slice %arg6[%add3A_11, %dma_start3A_1049] : memref<131072x256xf32, #tpu.memory_space<hbm>> -> memref<128x256xf32, #tpu.memory_space<hbm>>
        %dma_start3A_1051 = arith.constant 0 : i32
        %dma_start3A_1052 = tpu.memref_slice %arg6[%add3A_11, %dma_start3A_1051] : memref<131072x256xf32, #tpu.memory_space<hbm>> -> memref<128x256xf32, #tpu.memory_space<hbm>>
        tpu.enqueue_dma source(%arg11 : memref<128x256xf32, #tpu.memory_space<vmem>>) target(%dma_start3A_1052 : memref<128x256xf32, #tpu.memory_space<hbm>>) target_semaphore(%run_scoped3A : memref<!tpu.dma_semaphore, #tpu.memory_space<semaphore_mem>>)
        %dma_wait3A_1053 = arith.constant 0 : i32
        %dma_wait3A_1054 = tpu.memref_slice %arg6[%add3A_11, %dma_wait3A_1053] : memref<131072x256xf32, #tpu.memory_space<hbm>> -> memref<128x256xf32, #tpu.memory_space<hbm>>
        %dma_wait3A_1055 = arith.constant 0 : i32
        %dma_wait3A_1056 = tpu.memref_slice %arg6[%add3A_11, %dma_wait3A_1055] : memref<131072x256xf32, #tpu.memory_space<hbm>> -> memref<128x256xf32, #tpu.memory_space<hbm>>
        tpu.wait_dma2 semaphore(%run_scoped3A : memref<!tpu.dma_semaphore, #tpu.memory_space<semaphore_mem>>) src(%arg11 : memref<128x256xf32, #tpu.memory_space<vmem>>) dst(%dma_wait3A_1056 : memref<128x256xf32, #tpu.memory_space<hbm>>)
        tpu.yield
      }) : () -> ()
    }
    %scan3A_7 = arith.constant 32 : i32
    "tpu.region"() ({
      %run_scoped3A = tpu.sem_alloc : memref<!tpu.dma_semaphore, #tpu.memory_space<semaphore_mem>>
      %dma_start3A = arith.constant 0 : i32
      %dma_start3A_8 = arith.constant 0 : i32
      %dma_start3A_9 = tpu.memref_slice %arg7[%add3A, %dma_start3A, %dma_start3A_8] : memref<32x4x4096xf32, #tpu.memory_space<hbm>> -> memref<1x4x4096xf32, #tpu.memory_space<hbm>>
      %dma_start3A_10 = tpu.memref_squeeze %dma_start3A_9 : memref<1x4x4096xf32, #tpu.memory_space<hbm>> -> memref<4x4096xf32, #tpu.memory_space<hbm>>
      %dma_start3A_11 = arith.constant 0 : i32
      %dma_start3A_12 = arith.constant 0 : i32
      %dma_start3A_13 = tpu.memref_slice %arg7[%add3A, %dma_start3A_11, %dma_start3A_12] : memref<32x4x4096xf32, #tpu.memory_space<hbm>> -> memref<1x4x4096xf32, #tpu.memory_space<hbm>>
      %dma_start3A_14 = tpu.memref_squeeze %dma_start3A_13 : memref<1x4x4096xf32, #tpu.memory_space<hbm>> -> memref<4x4096xf32, #tpu.memory_space<hbm>>
      tpu.enqueue_dma source(%arg13 : memref<4x4096xf32, #tpu.memory_space<vmem>>) target(%dma_start3A_14 : memref<4x4096xf32, #tpu.memory_space<hbm>>) target_semaphore(%run_scoped3A : memref<!tpu.dma_semaphore, #tpu.memory_space<semaphore_mem>>)
      %dma_wait3A = arith.constant 0 : i32
      %dma_wait3A_15 = arith.constant 0 : i32
      %dma_wait3A_16 = tpu.memref_slice %arg7[%add3A, %dma_wait3A, %dma_wait3A_15] : memref<32x4x4096xf32, #tpu.memory_space<hbm>> -> memref<1x4x4096xf32, #tpu.memory_space<hbm>>
      %dma_wait3A_17 = tpu.memref_squeeze %dma_wait3A_16 : memref<1x4x4096xf32, #tpu.memory_space<hbm>> -> memref<4x4096xf32, #tpu.memory_space<hbm>>
      %dma_wait3A_18 = arith.constant 0 : i32
      %dma_wait3A_19 = arith.constant 0 : i32
      %dma_wait3A_20 = tpu.memref_slice %arg7[%add3A, %dma_wait3A_18, %dma_wait3A_19] : memref<32x4x4096xf32, #tpu.memory_space<hbm>> -> memref<1x4x4096xf32, #tpu.memory_space<hbm>>
      %dma_wait3A_21 = tpu.memref_squeeze %dma_wait3A_20 : memref<1x4x4096xf32, #tpu.memory_space<hbm>> -> memref<4x4096xf32, #tpu.memory_space<hbm>>
      tpu.wait_dma2 semaphore(%run_scoped3A : memref<!tpu.dma_semaphore, #tpu.memory_space<semaphore_mem>>) src(%arg13 : memref<4x4096xf32, #tpu.memory_space<vmem>>) dst(%dma_wait3A_21 : memref<4x4096xf32, #tpu.memory_space<hbm>>)
      tpu.yield
    }) : () -> ()
    return
  }
}

#map = affine_map<(d0, d1) -> (0, 0)>
#map1 = affine_map<(d0, d1) -> (0)>
module attributes {stable_mosaic.version = 14 : i64} {
  func.func @scatter(%arg0: i32, %arg1: i32, %arg2: memref<262144x128xf32, #tpu.memory_space<hbm>>, %arg3: memref<131072xi32, #tpu.memory_space<hbm>>, %arg4: memref<8192x128xf32, #tpu.memory_space<hbm>>, %arg5: memref<16384x128xf32, #tpu.memory_space<hbm>>, %arg6: memref<128xi32, #tpu.memory_space<vmem>>, %arg7: memref<2x128xi32, #tpu.memory_space<vmem>>, %arg8: memref<256x128xf32, #tpu.memory_space<vmem>>, %arg9: memref<8192x128xf32, #tpu.memory_space<vmem_shared>>) attributes {dimension_semantics = [#tpu.dimension_semantics<core_parallel>, #tpu.dimension_semantics<subcore_parallel>], iteration_bounds = array<i64: 2, 16>, scalar_prefetch = 0 : i64, scratch_operands = 4 : i64, tpu.core_type = #tpu.core_type<sc_vector_subcore>, window_params = [{transform_indices = #map}, {transform_indices = #map1}, {transform_indices = #map}, {transform_indices = #map}]} {
    %mul3A = arith.constant 2 : i32
    %mul3A_0 = arith.muli %arg1, %mul3A : i32
    %add3A = arith.addi %mul3A_0, %arg0 : i32
    %mul3A_1 = arith.constant 4096 : i32
    %mul3A_2 = arith.muli %add3A, %mul3A_1 : i32
    %iota3A = tpu.iota {dimensions = array<i32: 0>} : vector<16xi32>
    %and3A = arith.constant 7 : i32
    %and3A_3 = vector.broadcast %and3A : i32 to vector<16xi32>
    %and3A_4 = arith.andi %iota3A, %and3A_3 : vector<16xi32>
    %shift_right_logical3A = arith.constant 3 : i32
    %shift_right_logical3A_5 = vector.broadcast %shift_right_logical3A : i32 to vector<16xi32>
    %shift_right_logical3A_6 = arith.shrui %iota3A, %shift_right_logical3A_5 : vector<16xi32>
    %and3A_7 = arith.constant 1 : i32
    %and3A_8 = vector.broadcast %and3A_7 : i32 to vector<16xi32>
    %and3A_9 = arith.andi %shift_right_logical3A_6, %and3A_8 : vector<16xi32>
    %mul3A_10 = arith.constant 512 : i32
    %mul3A_11 = arith.muli %arg1, %mul3A_10 : i32
    %mul3A_12 = arith.constant 512 : i32
    %mul3A_13 = arith.muli %arg1, %mul3A_12 : i32
    "tpu.region"() ({
      %run_scoped3A = tpu.sem_alloc : memref<!tpu.dma_semaphore, #tpu.memory_space<semaphore_mem>>
      %dma_start3A = arith.constant 0 : i32
      %dma_start3A_27 = tpu.memref_slice %arg9[%mul3A_13, %dma_start3A] : memref<8192x128xf32, #tpu.memory_space<vmem_shared>> -> memref<512x128xf32, #tpu.memory_space<vmem_shared>>
      %dma_start3A_28 = arith.constant 0 : i32
      %dma_start3A_29 = tpu.memref_slice %arg4[%mul3A_11, %dma_start3A_28] : memref<8192x128xf32, #tpu.memory_space<hbm>> -> memref<512x128xf32, #tpu.memory_space<hbm>>
      tpu.enqueue_dma source(%dma_start3A_29 : memref<512x128xf32, #tpu.memory_space<hbm>>) target(%dma_start3A_27 : memref<512x128xf32, #tpu.memory_space<vmem_shared>>) target_semaphore(%run_scoped3A : memref<!tpu.dma_semaphore, #tpu.memory_space<semaphore_mem>>)
      %dma_wait3A = arith.constant 0 : i32
      %dma_wait3A_30 = tpu.memref_slice %arg9[%mul3A_13, %dma_wait3A] : memref<8192x128xf32, #tpu.memory_space<vmem_shared>> -> memref<512x128xf32, #tpu.memory_space<vmem_shared>>
      %dma_wait3A_31 = arith.constant 0 : i32
      %dma_wait3A_32 = tpu.memref_slice %arg4[%mul3A_11, %dma_wait3A_31] : memref<8192x128xf32, #tpu.memory_space<hbm>> -> memref<512x128xf32, #tpu.memory_space<hbm>>
      tpu.wait_dma2 semaphore(%run_scoped3A : memref<!tpu.dma_semaphore, #tpu.memory_space<semaphore_mem>>) src(%dma_wait3A_32 : memref<512x128xf32, #tpu.memory_space<hbm>>) dst(%dma_wait3A_30 : memref<512x128xf32, #tpu.memory_space<vmem_shared>>)
      tpu.yield
    }) : () -> ()
    %barrier3A = arith.constant 0 : index
    tpu.barrier barrier_id(%barrier3A)
    %scan3A = arith.constant 0 : i32
    %scan3A_14 = arith.constant 0 : i32
    %scan3A_15 = arith.constant 32 : i32
    %scan3A_16 = arith.addi %scan3A_14, %scan3A_15 : i32
    %scan3A_17 = arith.constant 1 : i32
    scf.for %scan3A_27 = %scan3A_14 to %scan3A_16 step %scan3A_17  : i32 {
      %mul3A_28 = arith.constant 128 : i32
      %mul3A_29 = arith.muli %scan3A_27, %mul3A_28 : i32
      %add3A_30 = arith.addi %mul3A_2, %mul3A_29 : i32
      "tpu.region"() ({
        %run_scoped3A_224 = tpu.sem_alloc : memref<!tpu.dma_semaphore, #tpu.memory_space<semaphore_mem>>
        %dma_start3A = tpu.memref_slice %arg3[%add3A_30] : memref<131072xi32, #tpu.memory_space<hbm>> -> memref<128xi32, #tpu.memory_space<hbm>>
        %dma_start3A_225 = tpu.memref_slice %arg3[%add3A_30] : memref<131072xi32, #tpu.memory_space<hbm>> -> memref<128xi32, #tpu.memory_space<hbm>>
        tpu.enqueue_dma source(%dma_start3A_225 : memref<128xi32, #tpu.memory_space<hbm>>) target(%arg6 : memref<128xi32, #tpu.memory_space<vmem>>) target_semaphore(%run_scoped3A_224 : memref<!tpu.dma_semaphore, #tpu.memory_space<semaphore_mem>>)
        %dma_wait3A = tpu.memref_slice %arg3[%add3A_30] : memref<131072xi32, #tpu.memory_space<hbm>> -> memref<128xi32, #tpu.memory_space<hbm>>
        %dma_wait3A_226 = tpu.memref_slice %arg3[%add3A_30] : memref<131072xi32, #tpu.memory_space<hbm>> -> memref<128xi32, #tpu.memory_space<hbm>>
        tpu.wait_dma2 semaphore(%run_scoped3A_224 : memref<!tpu.dma_semaphore, #tpu.memory_space<semaphore_mem>>) src(%dma_wait3A_226 : memref<128xi32, #tpu.memory_space<hbm>>) dst(%arg6 : memref<128xi32, #tpu.memory_space<vmem>>)
        tpu.yield
      }) : () -> ()
      %mul3A_31 = arith.constant 2 : i32
      %mul3A_32 = arith.muli %mul3A_31, %add3A_30 : i32
      "tpu.region"() ({
        %run_scoped3A_224 = tpu.sem_alloc : memref<!tpu.dma_semaphore, #tpu.memory_space<semaphore_mem>>
        %dma_start3A = arith.constant 0 : i32
        %dma_start3A_225 = tpu.memref_slice %arg2[%mul3A_32, %dma_start3A] : memref<262144x128xf32, #tpu.memory_space<hbm>> -> memref<256x128xf32, #tpu.memory_space<hbm>>
        %dma_start3A_226 = arith.constant 0 : i32
        %dma_start3A_227 = tpu.memref_slice %arg2[%mul3A_32, %dma_start3A_226] : memref<262144x128xf32, #tpu.memory_space<hbm>> -> memref<256x128xf32, #tpu.memory_space<hbm>>
        tpu.enqueue_dma source(%dma_start3A_227 : memref<256x128xf32, #tpu.memory_space<hbm>>) target(%arg8 : memref<256x128xf32, #tpu.memory_space<vmem>>) target_semaphore(%run_scoped3A_224 : memref<!tpu.dma_semaphore, #tpu.memory_space<semaphore_mem>>)
        %dma_wait3A = arith.constant 0 : i32
        %dma_wait3A_228 = tpu.memref_slice %arg2[%mul3A_32, %dma_wait3A] : memref<262144x128xf32, #tpu.memory_space<hbm>> -> memref<256x128xf32, #tpu.memory_space<hbm>>
        %dma_wait3A_229 = arith.constant 0 : i32
        %dma_wait3A_230 = tpu.memref_slice %arg2[%mul3A_32, %dma_wait3A_229] : memref<262144x128xf32, #tpu.memory_space<hbm>> -> memref<256x128xf32, #tpu.memory_space<hbm>>
        tpu.wait_dma2 semaphore(%run_scoped3A_224 : memref<!tpu.dma_semaphore, #tpu.memory_space<semaphore_mem>>) src(%dma_wait3A_230 : memref<256x128xf32, #tpu.memory_space<hbm>>) dst(%arg8 : memref<256x128xf32, #tpu.memory_space<vmem>>)
        tpu.yield
      }) : () -> ()
      %add3A_33 = arith.constant 0 : i32
      %add3A_34 = vector.broadcast %add3A_33 : i32 to vector<16xi32>
      %add3A_35 = arith.addi %add3A_34, %and3A_4 : vector<16xi32>
      %gather3A = tpu.vector_load_idx %arg6[%add3A_35] : memref<128xi32, #tpu.memory_space<vmem>>[vector<16xi32>], vector<16xi32>,
      %mul3A_36 = arith.constant 2 : i32
      %mul3A_37 = vector.broadcast %mul3A_36 : i32 to vector<16xi32>
      %mul3A_38 = arith.muli %mul3A_37, %gather3A : vector<16xi32>
      %add3A_39 = arith.addi %mul3A_38, %and3A_9 : vector<16xi32>
      %swap3A = arith.constant 0 : i32
      %swap3A_40 = arith.index_cast %swap3A : i32 to index
      %swap3A_41 = arith.constant 0 : index
      %swap3A_42 = tpu.vector_load %arg7[%swap3A_40, %swap3A_41] {strides = array<i32>} : memref<2x128xi32, #tpu.memory_space<vmem>>, vector<16xi32>,
      tpu.vector_store %arg7[%swap3A_40, %swap3A_41], %add3A_39 {strides = array<i32>} : memref<2x128xi32, #tpu.memory_space<vmem>>, vector<16xi32>,
      %add3A_43 = arith.constant 8 : i32
      %add3A_44 = vector.broadcast %add3A_43 : i32 to vector<16xi32>
      %add3A_45 = arith.addi %add3A_44, %and3A_4 : vector<16xi32>
      %gather3A_46 = tpu.vector_load_idx %arg6[%add3A_45] : memref<128xi32, #tpu.memory_space<vmem>>[vector<16xi32>], vector<16xi32>,
      %mul3A_47 = arith.constant 2 : i32
      %mul3A_48 = vector.broadcast %mul3A_47 : i32 to vector<16xi32>
      %mul3A_49 = arith.muli %mul3A_48, %gather3A_46 : vector<16xi32>
      %add3A_50 = arith.addi %mul3A_49, %and3A_9 : vector<16xi32>
      %swap3A_51 = arith.constant 0 : i32
      %swap3A_52 = arith.index_cast %swap3A_51 : i32 to index
      %swap3A_53 = arith.constant 16 : index
      %swap3A_54 = tpu.vector_load %arg7[%swap3A_52, %swap3A_53] {strides = array<i32>} : memref<2x128xi32, #tpu.memory_space<vmem>>, vector<16xi32>,
      tpu.vector_store %arg7[%swap3A_52, %swap3A_53], %add3A_50 {strides = array<i32>} : memref<2x128xi32, #tpu.memory_space<vmem>>, vector<16xi32>,
      %add3A_55 = arith.constant 16 : i32
      %add3A_56 = vector.broadcast %add3A_55 : i32 to vector<16xi32>
      %add3A_57 = arith.addi %add3A_56, %and3A_4 : vector<16xi32>
      %gather3A_58 = tpu.vector_load_idx %arg6[%add3A_57] : memref<128xi32, #tpu.memory_space<vmem>>[vector<16xi32>], vector<16xi32>,
      %mul3A_59 = arith.constant 2 : i32
      %mul3A_60 = vector.broadcast %mul3A_59 : i32 to vector<16xi32>
      %mul3A_61 = arith.muli %mul3A_60, %gather3A_58 : vector<16xi32>
      %add3A_62 = arith.addi %mul3A_61, %and3A_9 : vector<16xi32>
      %swap3A_63 = arith.constant 0 : i32
      %swap3A_64 = arith.index_cast %swap3A_63 : i32 to index
      %swap3A_65 = arith.constant 32 : index
      %swap3A_66 = tpu.vector_load %arg7[%swap3A_64, %swap3A_65] {strides = array<i32>} : memref<2x128xi32, #tpu.memory_space<vmem>>, vector<16xi32>,
      tpu.vector_store %arg7[%swap3A_64, %swap3A_65], %add3A_62 {strides = array<i32>} : memref<2x128xi32, #tpu.memory_space<vmem>>, vector<16xi32>,
      %add3A_67 = arith.constant 24 : i32
      %add3A_68 = vector.broadcast %add3A_67 : i32 to vector<16xi32>
      %add3A_69 = arith.addi %add3A_68, %and3A_4 : vector<16xi32>
      %gather3A_70 = tpu.vector_load_idx %arg6[%add3A_69] : memref<128xi32, #tpu.memory_space<vmem>>[vector<16xi32>], vector<16xi32>,
      %mul3A_71 = arith.constant 2 : i32
      %mul3A_72 = vector.broadcast %mul3A_71 : i32 to vector<16xi32>
      %mul3A_73 = arith.muli %mul3A_72, %gather3A_70 : vector<16xi32>
      %add3A_74 = arith.addi %mul3A_73, %and3A_9 : vector<16xi32>
      %swap3A_75 = arith.constant 0 : i32
      %swap3A_76 = arith.index_cast %swap3A_75 : i32 to index
      %swap3A_77 = arith.constant 48 : index
      %swap3A_78 = tpu.vector_load %arg7[%swap3A_76, %swap3A_77] {strides = array<i32>} : memref<2x128xi32, #tpu.memory_space<vmem>>, vector<16xi32>,
      tpu.vector_store %arg7[%swap3A_76, %swap3A_77], %add3A_74 {strides = array<i32>} : memref<2x128xi32, #tpu.memory_space<vmem>>, vector<16xi32>,
      %add3A_79 = arith.constant 32 : i32
      %add3A_80 = vector.broadcast %add3A_79 : i32 to vector<16xi32>
      %add3A_81 = arith.addi %add3A_80, %and3A_4 : vector<16xi32>
      %gather3A_82 = tpu.vector_load_idx %arg6[%add3A_81] : memref<128xi32, #tpu.memory_space<vmem>>[vector<16xi32>], vector<16xi32>,
      %mul3A_83 = arith.constant 2 : i32
      %mul3A_84 = vector.broadcast %mul3A_83 : i32 to vector<16xi32>
      %mul3A_85 = arith.muli %mul3A_84, %gather3A_82 : vector<16xi32>
      %add3A_86 = arith.addi %mul3A_85, %and3A_9 : vector<16xi32>
      %swap3A_87 = arith.constant 0 : i32
      %swap3A_88 = arith.index_cast %swap3A_87 : i32 to index
      %swap3A_89 = arith.constant 64 : index
      %swap3A_90 = tpu.vector_load %arg7[%swap3A_88, %swap3A_89] {strides = array<i32>} : memref<2x128xi32, #tpu.memory_space<vmem>>, vector<16xi32>,
      tpu.vector_store %arg7[%swap3A_88, %swap3A_89], %add3A_86 {strides = array<i32>} : memref<2x128xi32, #tpu.memory_space<vmem>>, vector<16xi32>,
      %add3A_91 = arith.constant 40 : i32
      %add3A_92 = vector.broadcast %add3A_91 : i32 to vector<16xi32>
      %add3A_93 = arith.addi %add3A_92, %and3A_4 : vector<16xi32>
      %gather3A_94 = tpu.vector_load_idx %arg6[%add3A_93] : memref<128xi32, #tpu.memory_space<vmem>>[vector<16xi32>], vector<16xi32>,
      %mul3A_95 = arith.constant 2 : i32
      %mul3A_96 = vector.broadcast %mul3A_95 : i32 to vector<16xi32>
      %mul3A_97 = arith.muli %mul3A_96, %gather3A_94 : vector<16xi32>
      %add3A_98 = arith.addi %mul3A_97, %and3A_9 : vector<16xi32>
      %swap3A_99 = arith.constant 0 : i32
      %swap3A_100 = arith.index_cast %swap3A_99 : i32 to index
      %swap3A_101 = arith.constant 80 : index
      %swap3A_102 = tpu.vector_load %arg7[%swap3A_100, %swap3A_101] {strides = array<i32>} : memref<2x128xi32, #tpu.memory_space<vmem>>, vector<16xi32>,
      tpu.vector_store %arg7[%swap3A_100, %swap3A_101], %add3A_98 {strides = array<i32>} : memref<2x128xi32, #tpu.memory_space<vmem>>, vector<16xi32>,
      %add3A_103 = arith.constant 48 : i32
      %add3A_104 = vector.broadcast %add3A_103 : i32 to vector<16xi32>
      %add3A_105 = arith.addi %add3A_104, %and3A_4 : vector<16xi32>
      %gather3A_106 = tpu.vector_load_idx %arg6[%add3A_105] : memref<128xi32, #tpu.memory_space<vmem>>[vector<16xi32>], vector<16xi32>,
      %mul3A_107 = arith.constant 2 : i32
      %mul3A_108 = vector.broadcast %mul3A_107 : i32 to vector<16xi32>
      %mul3A_109 = arith.muli %mul3A_108, %gather3A_106 : vector<16xi32>
      %add3A_110 = arith.addi %mul3A_109, %and3A_9 : vector<16xi32>
      %swap3A_111 = arith.constant 0 : i32
      %swap3A_112 = arith.index_cast %swap3A_111 : i32 to index
      %swap3A_113 = arith.constant 96 : index
      %swap3A_114 = tpu.vector_load %arg7[%swap3A_112, %swap3A_113] {strides = array<i32>} : memref<2x128xi32, #tpu.memory_space<vmem>>, vector<16xi32>,
      tpu.vector_store %arg7[%swap3A_112, %swap3A_113], %add3A_110 {strides = array<i32>} : memref<2x128xi32, #tpu.memory_space<vmem>>, vector<16xi32>,
      %add3A_115 = arith.constant 56 : i32
      %add3A_116 = vector.broadcast %add3A_115 : i32 to vector<16xi32>
      %add3A_117 = arith.addi %add3A_116, %and3A_4 : vector<16xi32>
      %gather3A_118 = tpu.vector_load_idx %arg6[%add3A_117] : memref<128xi32, #tpu.memory_space<vmem>>[vector<16xi32>], vector<16xi32>,
      %mul3A_119 = arith.constant 2 : i32
      %mul3A_120 = vector.broadcast %mul3A_119 : i32 to vector<16xi32>
      %mul3A_121 = arith.muli %mul3A_120, %gather3A_118 : vector<16xi32>
      %add3A_122 = arith.addi %mul3A_121, %and3A_9 : vector<16xi32>
      %swap3A_123 = arith.constant 0 : i32
      %swap3A_124 = arith.index_cast %swap3A_123 : i32 to index
      %swap3A_125 = arith.constant 112 : index
      %swap3A_126 = tpu.vector_load %arg7[%swap3A_124, %swap3A_125] {strides = array<i32>} : memref<2x128xi32, #tpu.memory_space<vmem>>, vector<16xi32>,
      tpu.vector_store %arg7[%swap3A_124, %swap3A_125], %add3A_122 {strides = array<i32>} : memref<2x128xi32, #tpu.memory_space<vmem>>, vector<16xi32>,
      %add3A_127 = arith.constant 64 : i32
      %add3A_128 = vector.broadcast %add3A_127 : i32 to vector<16xi32>
      %add3A_129 = arith.addi %add3A_128, %and3A_4 : vector<16xi32>
      %gather3A_130 = tpu.vector_load_idx %arg6[%add3A_129] : memref<128xi32, #tpu.memory_space<vmem>>[vector<16xi32>], vector<16xi32>,
      %mul3A_131 = arith.constant 2 : i32
      %mul3A_132 = vector.broadcast %mul3A_131 : i32 to vector<16xi32>
      %mul3A_133 = arith.muli %mul3A_132, %gather3A_130 : vector<16xi32>
      %add3A_134 = arith.addi %mul3A_133, %and3A_9 : vector<16xi32>
      %swap3A_135 = arith.constant 1 : i32
      %swap3A_136 = arith.index_cast %swap3A_135 : i32 to index
      %swap3A_137 = arith.constant 0 : index
      %swap3A_138 = tpu.vector_load %arg7[%swap3A_136, %swap3A_137] {strides = array<i32>} : memref<2x128xi32, #tpu.memory_space<vmem>>, vector<16xi32>,
      tpu.vector_store %arg7[%swap3A_136, %swap3A_137], %add3A_134 {strides = array<i32>} : memref<2x128xi32, #tpu.memory_space<vmem>>, vector<16xi32>,
      %add3A_139 = arith.constant 72 : i32
      %add3A_140 = vector.broadcast %add3A_139 : i32 to vector<16xi32>
      %add3A_141 = arith.addi %add3A_140, %and3A_4 : vector<16xi32>
      %gather3A_142 = tpu.vector_load_idx %arg6[%add3A_141] : memref<128xi32, #tpu.memory_space<vmem>>[vector<16xi32>], vector<16xi32>,
      %mul3A_143 = arith.constant 2 : i32
      %mul3A_144 = vector.broadcast %mul3A_143 : i32 to vector<16xi32>
      %mul3A_145 = arith.muli %mul3A_144, %gather3A_142 : vector<16xi32>
      %add3A_146 = arith.addi %mul3A_145, %and3A_9 : vector<16xi32>
      %swap3A_147 = arith.constant 1 : i32
      %swap3A_148 = arith.index_cast %swap3A_147 : i32 to index
      %swap3A_149 = arith.constant 16 : index
      %swap3A_150 = tpu.vector_load %arg7[%swap3A_148, %swap3A_149] {strides = array<i32>} : memref<2x128xi32, #tpu.memory_space<vmem>>, vector<16xi32>,
      tpu.vector_store %arg7[%swap3A_148, %swap3A_149], %add3A_146 {strides = array<i32>} : memref<2x128xi32, #tpu.memory_space<vmem>>, vector<16xi32>,
      %add3A_151 = arith.constant 80 : i32
      %add3A_152 = vector.broadcast %add3A_151 : i32 to vector<16xi32>
      %add3A_153 = arith.addi %add3A_152, %and3A_4 : vector<16xi32>
      %gather3A_154 = tpu.vector_load_idx %arg6[%add3A_153] : memref<128xi32, #tpu.memory_space<vmem>>[vector<16xi32>], vector<16xi32>,
      %mul3A_155 = arith.constant 2 : i32
      %mul3A_156 = vector.broadcast %mul3A_155 : i32 to vector<16xi32>
      %mul3A_157 = arith.muli %mul3A_156, %gather3A_154 : vector<16xi32>
      %add3A_158 = arith.addi %mul3A_157, %and3A_9 : vector<16xi32>
      %swap3A_159 = arith.constant 1 : i32
      %swap3A_160 = arith.index_cast %swap3A_159 : i32 to index
      %swap3A_161 = arith.constant 32 : index
      %swap3A_162 = tpu.vector_load %arg7[%swap3A_160, %swap3A_161] {strides = array<i32>} : memref<2x128xi32, #tpu.memory_space<vmem>>, vector<16xi32>,
      tpu.vector_store %arg7[%swap3A_160, %swap3A_161], %add3A_158 {strides = array<i32>} : memref<2x128xi32, #tpu.memory_space<vmem>>, vector<16xi32>,
      %add3A_163 = arith.constant 88 : i32
      %add3A_164 = vector.broadcast %add3A_163 : i32 to vector<16xi32>
      %add3A_165 = arith.addi %add3A_164, %and3A_4 : vector<16xi32>
      %gather3A_166 = tpu.vector_load_idx %arg6[%add3A_165] : memref<128xi32, #tpu.memory_space<vmem>>[vector<16xi32>], vector<16xi32>,
      %mul3A_167 = arith.constant 2 : i32
      %mul3A_168 = vector.broadcast %mul3A_167 : i32 to vector<16xi32>
      %mul3A_169 = arith.muli %mul3A_168, %gather3A_166 : vector<16xi32>
      %add3A_170 = arith.addi %mul3A_169, %and3A_9 : vector<16xi32>
      %swap3A_171 = arith.constant 1 : i32
      %swap3A_172 = arith.index_cast %swap3A_171 : i32 to index
      %swap3A_173 = arith.constant 48 : index
      %swap3A_174 = tpu.vector_load %arg7[%swap3A_172, %swap3A_173] {strides = array<i32>} : memref<2x128xi32, #tpu.memory_space<vmem>>, vector<16xi32>,
      tpu.vector_store %arg7[%swap3A_172, %swap3A_173], %add3A_170 {strides = array<i32>} : memref<2x128xi32, #tpu.memory_space<vmem>>, vector<16xi32>,
      %add3A_175 = arith.constant 96 : i32
      %add3A_176 = vector.broadcast %add3A_175 : i32 to vector<16xi32>
      %add3A_177 = arith.addi %add3A_176, %and3A_4 : vector<16xi32>
      %gather3A_178 = tpu.vector_load_idx %arg6[%add3A_177] : memref<128xi32, #tpu.memory_space<vmem>>[vector<16xi32>], vector<16xi32>,
      %mul3A_179 = arith.constant 2 : i32
      %mul3A_180 = vector.broadcast %mul3A_179 : i32 to vector<16xi32>
      %mul3A_181 = arith.muli %mul3A_180, %gather3A_178 : vector<16xi32>
      %add3A_182 = arith.addi %mul3A_181, %and3A_9 : vector<16xi32>
      %swap3A_183 = arith.constant 1 : i32
      %swap3A_184 = arith.index_cast %swap3A_183 : i32 to index
      %swap3A_185 = arith.constant 64 : index
      %swap3A_186 = tpu.vector_load %arg7[%swap3A_184, %swap3A_185] {strides = array<i32>} : memref<2x128xi32, #tpu.memory_space<vmem>>, vector<16xi32>,
      tpu.vector_store %arg7[%swap3A_184, %swap3A_185], %add3A_182 {strides = array<i32>} : memref<2x128xi32, #tpu.memory_space<vmem>>, vector<16xi32>,
      %add3A_187 = arith.constant 104 : i32
      %add3A_188 = vector.broadcast %add3A_187 : i32 to vector<16xi32>
      %add3A_189 = arith.addi %add3A_188, %and3A_4 : vector<16xi32>
      %gather3A_190 = tpu.vector_load_idx %arg6[%add3A_189] : memref<128xi32, #tpu.memory_space<vmem>>[vector<16xi32>], vector<16xi32>,
      %mul3A_191 = arith.constant 2 : i32
      %mul3A_192 = vector.broadcast %mul3A_191 : i32 to vector<16xi32>
      %mul3A_193 = arith.muli %mul3A_192, %gather3A_190 : vector<16xi32>
      %add3A_194 = arith.addi %mul3A_193, %and3A_9 : vector<16xi32>
      %swap3A_195 = arith.constant 1 : i32
      %swap3A_196 = arith.index_cast %swap3A_195 : i32 to index
      %swap3A_197 = arith.constant 80 : index
      %swap3A_198 = tpu.vector_load %arg7[%swap3A_196, %swap3A_197] {strides = array<i32>} : memref<2x128xi32, #tpu.memory_space<vmem>>, vector<16xi32>,
      tpu.vector_store %arg7[%swap3A_196, %swap3A_197], %add3A_194 {strides = array<i32>} : memref<2x128xi32, #tpu.memory_space<vmem>>, vector<16xi32>,
      %add3A_199 = arith.constant 112 : i32
      %add3A_200 = vector.broadcast %add3A_199 : i32 to vector<16xi32>
      %add3A_201 = arith.addi %add3A_200, %and3A_4 : vector<16xi32>
      %gather3A_202 = tpu.vector_load_idx %arg6[%add3A_201] : memref<128xi32, #tpu.memory_space<vmem>>[vector<16xi32>], vector<16xi32>,
      %mul3A_203 = arith.constant 2 : i32
      %mul3A_204 = vector.broadcast %mul3A_203 : i32 to vector<16xi32>
      %mul3A_205 = arith.muli %mul3A_204, %gather3A_202 : vector<16xi32>
      %add3A_206 = arith.addi %mul3A_205, %and3A_9 : vector<16xi32>
      %swap3A_207 = arith.constant 1 : i32
      %swap3A_208 = arith.index_cast %swap3A_207 : i32 to index
      %swap3A_209 = arith.constant 96 : index
      %swap3A_210 = tpu.vector_load %arg7[%swap3A_208, %swap3A_209] {strides = array<i32>} : memref<2x128xi32, #tpu.memory_space<vmem>>, vector<16xi32>,
      tpu.vector_store %arg7[%swap3A_208, %swap3A_209], %add3A_206 {strides = array<i32>} : memref<2x128xi32, #tpu.memory_space<vmem>>, vector<16xi32>,
      %add3A_211 = arith.constant 120 : i32
      %add3A_212 = vector.broadcast %add3A_211 : i32 to vector<16xi32>
      %add3A_213 = arith.addi %add3A_212, %and3A_4 : vector<16xi32>
      %gather3A_214 = tpu.vector_load_idx %arg6[%add3A_213] : memref<128xi32, #tpu.memory_space<vmem>>[vector<16xi32>], vector<16xi32>,
      %mul3A_215 = arith.constant 2 : i32
      %mul3A_216 = vector.broadcast %mul3A_215 : i32 to vector<16xi32>
      %mul3A_217 = arith.muli %mul3A_216, %gather3A_214 : vector<16xi32>
      %add3A_218 = arith.addi %mul3A_217, %and3A_9 : vector<16xi32>
      %swap3A_219 = arith.constant 1 : i32
      %swap3A_220 = arith.index_cast %swap3A_219 : i32 to index
      %swap3A_221 = arith.constant 112 : index
      %swap3A_222 = tpu.vector_load %arg7[%swap3A_220, %swap3A_221] {strides = array<i32>} : memref<2x128xi32, #tpu.memory_space<vmem>>, vector<16xi32>,
      tpu.vector_store %arg7[%swap3A_220, %swap3A_221], %add3A_218 {strides = array<i32>} : memref<2x128xi32, #tpu.memory_space<vmem>>, vector<16xi32>,
      %run_scoped3A = arith.constant 0 : i32
      "tpu.region"() ({
        %run_scoped3A_224 = tpu.sem_alloc : memref<!tpu.dma_semaphore, #tpu.memory_space<semaphore_mem>>
        %dma_start3A = arith.constant 0 : i32
        %dma_start3A_225 = arith.constant 0 : i32
        %dma_start3A_226 = tpu.memref_slice %arg8[%dma_start3A, %dma_start3A_225] : memref<256x128xf32, #tpu.memory_space<vmem>> -> memref<128x128xf32, #tpu.memory_space<vmem>>
        %dma_start3A_227 = arith.constant 0 : i32
        %dma_start3A_228 = tpu.memref_slice %arg7[%run_scoped3A, %dma_start3A_227] : memref<2x128xi32, #tpu.memory_space<vmem>> -> memref<1x128xi32, #tpu.memory_space<vmem>>
        %dma_start3A_229 = tpu.memref_squeeze %dma_start3A_228 : memref<1x128xi32, #tpu.memory_space<vmem>> -> memref<128xi32, #tpu.memory_space<vmem>>
        %dma_start3A_230 = arith.constant 0 : i32
        %dma_start3A_231 = arith.constant 0 : i32
        %dma_start3A_232 = tpu.memref_slice %arg9[%dma_start3A_230, %dma_start3A_231] : memref<8192x128xf32, #tpu.memory_space<vmem_shared>> -> memref<8192x128xf32, #tpu.memory_space<vmem_shared>>
        tpu.enqueue_indirect_dma source(%dma_start3A_226 : memref<128x128xf32, #tpu.memory_space<vmem>>) target(%dma_start3A_232 : memref<8192x128xf32, #tpu.memory_space<vmem_shared>>) offsets(%dma_start3A_229 : memref<128xi32, #tpu.memory_space<vmem>>) semaphore(%run_scoped3A_224 : memref<!tpu.dma_semaphore, #tpu.memory_space<semaphore_mem>>) {add = true}
        %dma_wait3A = arith.constant 0 : i32
        %dma_wait3A_233 = arith.constant 0 : i32
        %dma_wait3A_234 = tpu.memref_slice %arg8[%dma_wait3A, %dma_wait3A_233] : memref<256x128xf32, #tpu.memory_space<vmem>> -> memref<128x128xf32, #tpu.memory_space<vmem>>
        %dma_wait3A_235 = arith.constant 0 : i32
        %dma_wait3A_236 = tpu.memref_slice %arg7[%run_scoped3A, %dma_wait3A_235] : memref<2x128xi32, #tpu.memory_space<vmem>> -> memref<1x128xi32, #tpu.memory_space<vmem>>
        %dma_wait3A_237 = tpu.memref_squeeze %dma_wait3A_236 : memref<1x128xi32, #tpu.memory_space<vmem>> -> memref<128xi32, #tpu.memory_space<vmem>>
        %dma_wait3A_238 = arith.constant 0 : i32
        %dma_wait3A_239 = arith.constant 0 : i32
        %dma_wait3A_240 = tpu.memref_slice %arg9[%dma_wait3A_238, %dma_wait3A_239] : memref<8192x128xf32, #tpu.memory_space<vmem_shared>> -> memref<8192x128xf32, #tpu.memory_space<vmem_shared>>
        tpu.wait_indirect_dma semaphore(%run_scoped3A_224 : memref<!tpu.dma_semaphore, #tpu.memory_space<semaphore_mem>>) src(%dma_wait3A_234 : memref<128x128xf32, #tpu.memory_space<vmem>>) dst(%dma_wait3A_240 : memref<8192x128xf32, #tpu.memory_space<vmem_shared>>)
        tpu.yield
      }) : () -> ()
      %run_scoped3A_223 = arith.constant 1 : i32
      "tpu.region"() ({
        %run_scoped3A_224 = tpu.sem_alloc : memref<!tpu.dma_semaphore, #tpu.memory_space<semaphore_mem>>
        %dma_start3A = arith.constant 128 : i32
        %dma_start3A_225 = arith.constant 0 : i32
        %dma_start3A_226 = tpu.memref_slice %arg8[%dma_start3A, %dma_start3A_225] : memref<256x128xf32, #tpu.memory_space<vmem>> -> memref<128x128xf32, #tpu.memory_space<vmem>>
        %dma_start3A_227 = arith.constant 0 : i32
        %dma_start3A_228 = tpu.memref_slice %arg7[%run_scoped3A_223, %dma_start3A_227] : memref<2x128xi32, #tpu.memory_space<vmem>> -> memref<1x128xi32, #tpu.memory_space<vmem>>
        %dma_start3A_229 = tpu.memref_squeeze %dma_start3A_228 : memref<1x128xi32, #tpu.memory_space<vmem>> -> memref<128xi32, #tpu.memory_space<vmem>>
        %dma_start3A_230 = arith.constant 0 : i32
        %dma_start3A_231 = arith.constant 0 : i32
        %dma_start3A_232 = tpu.memref_slice %arg9[%dma_start3A_230, %dma_start3A_231] : memref<8192x128xf32, #tpu.memory_space<vmem_shared>> -> memref<8192x128xf32, #tpu.memory_space<vmem_shared>>
        tpu.enqueue_indirect_dma source(%dma_start3A_226 : memref<128x128xf32, #tpu.memory_space<vmem>>) target(%dma_start3A_232 : memref<8192x128xf32, #tpu.memory_space<vmem_shared>>) offsets(%dma_start3A_229 : memref<128xi32, #tpu.memory_space<vmem>>) semaphore(%run_scoped3A_224 : memref<!tpu.dma_semaphore, #tpu.memory_space<semaphore_mem>>) {add = true}
        %dma_wait3A = arith.constant 128 : i32
        %dma_wait3A_233 = arith.constant 0 : i32
        %dma_wait3A_234 = tpu.memref_slice %arg8[%dma_wait3A, %dma_wait3A_233] : memref<256x128xf32, #tpu.memory_space<vmem>> -> memref<128x128xf32, #tpu.memory_space<vmem>>
        %dma_wait3A_235 = arith.constant 0 : i32
        %dma_wait3A_236 = tpu.memref_slice %arg7[%run_scoped3A_223, %dma_wait3A_235] : memref<2x128xi32, #tpu.memory_space<vmem>> -> memref<1x128xi32, #tpu.memory_space<vmem>>
        %dma_wait3A_237 = tpu.memref_squeeze %dma_wait3A_236 : memref<1x128xi32, #tpu.memory_space<vmem>> -> memref<128xi32, #tpu.memory_space<vmem>>
        %dma_wait3A_238 = arith.constant 0 : i32
        %dma_wait3A_239 = arith.constant 0 : i32
        %dma_wait3A_240 = tpu.memref_slice %arg9[%dma_wait3A_238, %dma_wait3A_239] : memref<8192x128xf32, #tpu.memory_space<vmem_shared>> -> memref<8192x128xf32, #tpu.memory_space<vmem_shared>>
        tpu.wait_indirect_dma semaphore(%run_scoped3A_224 : memref<!tpu.dma_semaphore, #tpu.memory_space<semaphore_mem>>) src(%dma_wait3A_234 : memref<128x128xf32, #tpu.memory_space<vmem>>) dst(%dma_wait3A_240 : memref<8192x128xf32, #tpu.memory_space<vmem_shared>>)
        tpu.yield
      }) : () -> ()
    }
    %scan3A_18 = arith.constant 32 : i32
    %barrier3A_19 = arith.constant 0 : index
    tpu.barrier barrier_id(%barrier3A_19)
    %mul3A_20 = arith.constant 512 : i32
    %mul3A_21 = arith.muli %arg1, %mul3A_20 : i32
    %mul3A_22 = arith.constant 8192 : i32
    %mul3A_23 = arith.muli %arg0, %mul3A_22 : i32
    %mul3A_24 = arith.constant 512 : i32
    %mul3A_25 = arith.muli %arg1, %mul3A_24 : i32
    %add3A_26 = arith.addi %mul3A_23, %mul3A_25 : i32
    "tpu.region"() ({
      %run_scoped3A = tpu.sem_alloc : memref<!tpu.dma_semaphore, #tpu.memory_space<semaphore_mem>>
      %dma_start3A = arith.constant 0 : i32
      %dma_start3A_27 = tpu.memref_slice %arg5[%add3A_26, %dma_start3A] : memref<16384x128xf32, #tpu.memory_space<hbm>> -> memref<512x128xf32, #tpu.memory_space<hbm>>
      %dma_start3A_28 = arith.constant 0 : i32
      %dma_start3A_29 = tpu.memref_slice %arg9[%mul3A_21, %dma_start3A_28] : memref<8192x128xf32, #tpu.memory_space<vmem_shared>> -> memref<512x128xf32, #tpu.memory_space<vmem_shared>>
      tpu.enqueue_dma source(%dma_start3A_29 : memref<512x128xf32, #tpu.memory_space<vmem_shared>>) target(%dma_start3A_27 : memref<512x128xf32, #tpu.memory_space<hbm>>) target_semaphore(%run_scoped3A : memref<!tpu.dma_semaphore, #tpu.memory_space<semaphore_mem>>)
      %dma_wait3A = arith.constant 0 : i32
      %dma_wait3A_30 = tpu.memref_slice %arg5[%add3A_26, %dma_wait3A] : memref<16384x128xf32, #tpu.memory_space<hbm>> -> memref<512x128xf32, #tpu.memory_space<hbm>>
      %dma_wait3A_31 = arith.constant 0 : i32
      %dma_wait3A_32 = tpu.memref_slice %arg9[%mul3A_21, %dma_wait3A_31] : memref<8192x128xf32, #tpu.memory_space<vmem_shared>> -> memref<512x128xf32, #tpu.memory_space<vmem_shared>>
      tpu.wait_dma2 semaphore(%run_scoped3A : memref<!tpu.dma_semaphore, #tpu.memory_space<semaphore_mem>>) src(%dma_wait3A_32 : memref<512x128xf32, #tpu.memory_space<vmem_shared>>) dst(%dma_wait3A_30 : memref<512x128xf32, #tpu.memory_space<hbm>>)
      tpu.yield
    }) : () -> ()
    return
  }
}

#map = affine_map<(d0, d1) -> (0, 0)>
#map1 = affine_map<(d0, d1) -> (0)>
#map2 = affine_map<(d0, d1) -> (0, 0, 0)>
module attributes {stable_mosaic.version = 14 : i64} {
  func.func @gather(%arg0: i32, %arg1: i32, %arg2: memref<4096x256xf32, #tpu.memory_space<hbm>>, %arg3: memref<131072xi32, #tpu.memory_space<hbm>>, %arg4: memref<131072xi32, #tpu.memory_space<hbm>>, %arg5: memref<4194304x16xf32, #tpu.memory_space<hbm>>, %arg6: memref<131072x256xf32, #tpu.memory_space<hbm>>, %arg7: memref<32x4x4096xf32, #tpu.memory_space<hbm>>, %arg8: memref<128xi32, #tpu.memory_space<vmem>>, %arg9: memref<128xi32, #tpu.memory_space<vmem>>, %arg10: memref<4x128xi32, #tpu.memory_space<vmem>>, %arg11: memref<128x256xf32, #tpu.memory_space<vmem>>, %arg12: memref<4x128x16xf32, #tpu.memory_space<vmem>>, %arg13: memref<4x4096xf32, #tpu.memory_space<vmem>>, %arg14: memref<!tpu.dma_semaphore, #tpu.memory_space<semaphore_mem>>, %arg15: memref<!tpu.dma_semaphore, #tpu.memory_space<semaphore_mem>>) attributes {dimension_semantics = [#tpu.dimension_semantics<core_parallel>, #tpu.dimension_semantics<subcore_parallel>], iteration_bounds = array<i64: 2, 16>, scalar_prefetch = 0 : i64, scratch_operands = 8 : i64, tpu.core_type = #tpu.core_type<sc_vector_subcore>, window_params = [{transform_indices = #map}, {transform_indices = #map1}, {transform_indices = #map1}, {transform_indices = #map}, {transform_indices = #map}, {transform_indices = #map2}]} {
    %mul3A = arith.constant 2 : i32
    %mul3A_0 = arith.muli %arg1, %mul3A : i32
    %add3A = arith.addi %mul3A_0, %arg0 : i32
    %mul3A_1 = arith.constant 4096 : i32
    %mul3A_2 = arith.muli %add3A, %mul3A_1 : i32
    %iota3A = tpu.iota {dimensions = array<i32: 0>} : vector<16xi32>
    %scan3A = arith.constant 0 : i32
    %scan3A_3 = arith.constant 0 : i32
    %scan3A_4 = arith.constant 32 : i32
    %scan3A_5 = arith.addi %scan3A_3, %scan3A_4 : i32
    %scan3A_6 = arith.constant 1 : i32
    scf.for %scan3A_8 = %scan3A_3 to %scan3A_5 step %scan3A_6  : i32 {
      %mul3A_9 = arith.constant 128 : i32
      %mul3A_10 = arith.muli %scan3A_8, %mul3A_9 : i32
      %add3A_11 = arith.addi %mul3A_2, %mul3A_10 : i32
      "tpu.region"() ({
        %run_scoped3A = tpu.sem_alloc : memref<!tpu.dma_semaphore, #tpu.memory_space<semaphore_mem>>
        %dma_start3A_1049 = tpu.memref_slice %arg3[%add3A_11] : memref<131072xi32, #tpu.memory_space<hbm>> -> memref<128xi32, #tpu.memory_space<hbm>>
        %dma_start3A_1050 = tpu.memref_slice %arg3[%add3A_11] : memref<131072xi32, #tpu.memory_space<hbm>> -> memref<128xi32, #tpu.memory_space<hbm>>
        tpu.enqueue_dma source(%dma_start3A_1050 : memref<128xi32, #tpu.memory_space<hbm>>) target(%arg8 : memref<128xi32, #tpu.memory_space<vmem>>) target_semaphore(%run_scoped3A : memref<!tpu.dma_semaphore, #tpu.memory_space<semaphore_mem>>)
        %dma_wait3A_1051 = tpu.memref_slice %arg3[%add3A_11] : memref<131072xi32, #tpu.memory_space<hbm>> -> memref<128xi32, #tpu.memory_space<hbm>>
        %dma_wait3A_1052 = tpu.memref_slice %arg3[%add3A_11] : memref<131072xi32, #tpu.memory_space<hbm>> -> memref<128xi32, #tpu.memory_space<hbm>>
        tpu.wait_dma2 semaphore(%run_scoped3A : memref<!tpu.dma_semaphore, #tpu.memory_space<semaphore_mem>>) src(%dma_wait3A_1052 : memref<128xi32, #tpu.memory_space<hbm>>) dst(%arg8 : memref<128xi32, #tpu.memory_space<vmem>>)
        tpu.yield
      }) : () -> ()
      "tpu.region"() ({
        %run_scoped3A = tpu.sem_alloc : memref<!tpu.dma_semaphore, #tpu.memory_space<semaphore_mem>>
        %dma_start3A_1049 = tpu.memref_slice %arg4[%add3A_11] : memref<131072xi32, #tpu.memory_space<hbm>> -> memref<128xi32, #tpu.memory_space<hbm>>
        %dma_start3A_1050 = tpu.memref_slice %arg4[%add3A_11] : memref<131072xi32, #tpu.memory_space<hbm>> -> memref<128xi32, #tpu.memory_space<hbm>>
        tpu.enqueue_dma source(%dma_start3A_1050 : memref<128xi32, #tpu.memory_space<hbm>>) target(%arg9 : memref<128xi32, #tpu.memory_space<vmem>>) target_semaphore(%run_scoped3A : memref<!tpu.dma_semaphore, #tpu.memory_space<semaphore_mem>>)
        %dma_wait3A_1051 = tpu.memref_slice %arg4[%add3A_11] : memref<131072xi32, #tpu.memory_space<hbm>> -> memref<128xi32, #tpu.memory_space<hbm>>
        %dma_wait3A_1052 = tpu.memref_slice %arg4[%add3A_11] : memref<131072xi32, #tpu.memory_space<hbm>> -> memref<128xi32, #tpu.memory_space<hbm>>
        tpu.wait_dma2 semaphore(%run_scoped3A : memref<!tpu.dma_semaphore, #tpu.memory_space<semaphore_mem>>) src(%dma_wait3A_1052 : memref<128xi32, #tpu.memory_space<hbm>>) dst(%arg9 : memref<128xi32, #tpu.memory_space<vmem>>)
        tpu.yield
      }) : () -> ()
      %get3A = arith.constant 0 : index
      %get3A_12 = tpu.vector_load %arg8[%get3A] {strides = array<i32>} : memref<128xi32, #tpu.memory_space<vmem>>, vector<16xi32>,
      %get3A_13 = arith.constant 0 : index
      %get3A_14 = tpu.vector_load %arg9[%get3A_13] {strides = array<i32>} : memref<128xi32, #tpu.memory_space<vmem>>, vector<16xi32>,
      %shift_left3A = arith.constant 10 : i32
      %shift_left3A_15 = vector.broadcast %shift_left3A : i32 to vector<16xi32>
      %shift_left3A_16 = arith.shli %get3A_12, %shift_left3A_15 : vector<16xi32>
      %shift_right_arithmetic3A = arith.constant 7 : i32
      %shift_right_arithmetic3A_17 = vector.broadcast %shift_right_arithmetic3A : i32 to vector<16xi32>
      %shift_right_arithmetic3A_18 = arith.shrsi %get3A_14, %shift_right_arithmetic3A_17 : vector<16xi32>
      %shift_left3A_19 = arith.constant 5 : i32
      %shift_left3A_20 = vector.broadcast %shift_left3A_19 : i32 to vector<16xi32>
      %shift_left3A_21 = arith.shli %shift_right_arithmetic3A_18, %shift_left3A_20 : vector<16xi32>
      %add3A_22 = arith.addi %shift_left3A_16, %shift_left3A_21 : vector<16xi32>
      %shift_right_arithmetic3A_23 = arith.constant 4 : i32
      %shift_right_arithmetic3A_24 = vector.broadcast %shift_right_arithmetic3A_23 : i32 to vector<16xi32>
      %shift_right_arithmetic3A_25 = arith.shrsi %get3A_14, %shift_right_arithmetic3A_24 : vector<16xi32>
      %and3A = arith.constant 7 : i32
      %and3A_26 = vector.broadcast %and3A : i32 to vector<16xi32>
      %and3A_27 = arith.andi %shift_right_arithmetic3A_25, %and3A_26 : vector<16xi32>
      %add3A_28 = arith.addi %add3A_22, %and3A_27 : vector<16xi32>
      %add3A_29 = arith.constant 0 : i32
      %add3A_30 = vector.broadcast %add3A_29 : i32 to vector<16xi32>
      %add3A_31 = arith.addi %add3A_28, %add3A_30 : vector<16xi32>
      %swap3A = arith.constant 0 : i32
      %swap3A_32 = arith.index_cast %swap3A : i32 to index
      %swap3A_33 = arith.constant 0 : index
      %swap3A_34 = tpu.vector_load %arg10[%swap3A_32, %swap3A_33] {strides = array<i32>} : memref<4x128xi32, #tpu.memory_space<vmem>>, vector<16xi32>,
      tpu.vector_store %arg10[%swap3A_32, %swap3A_33], %add3A_31 {strides = array<i32>} : memref<4x128xi32, #tpu.memory_space<vmem>>, vector<16xi32>,
      %add3A_35 = arith.constant 8 : i32
      %add3A_36 = vector.broadcast %add3A_35 : i32 to vector<16xi32>
      %add3A_37 = arith.addi %add3A_28, %add3A_36 : vector<16xi32>
      %swap3A_38 = arith.constant 1 : i32
      %swap3A_39 = arith.index_cast %swap3A_38 : i32 to index
      %swap3A_40 = arith.constant 0 : index
      %swap3A_41 = tpu.vector_load %arg10[%swap3A_39, %swap3A_40] {strides = array<i32>} : memref<4x128xi32, #tpu.memory_space<vmem>>, vector<16xi32>,
      tpu.vector_store %arg10[%swap3A_39, %swap3A_40], %add3A_37 {strides = array<i32>} : memref<4x128xi32, #tpu.memory_space<vmem>>, vector<16xi32>,
      %add3A_42 = arith.constant 16 : i32
      %add3A_43 = vector.broadcast %add3A_42 : i32 to vector<16xi32>
      %add3A_44 = arith.addi %add3A_28, %add3A_43 : vector<16xi32>
      %swap3A_45 = arith.constant 2 : i32
      %swap3A_46 = arith.index_cast %swap3A_45 : i32 to index
      %swap3A_47 = arith.constant 0 : index
      %swap3A_48 = tpu.vector_load %arg10[%swap3A_46, %swap3A_47] {strides = array<i32>} : memref<4x128xi32, #tpu.memory_space<vmem>>, vector<16xi32>,
      tpu.vector_store %arg10[%swap3A_46, %swap3A_47], %add3A_44 {strides = array<i32>} : memref<4x128xi32, #tpu.memory_space<vmem>>, vector<16xi32>,
      %add3A_49 = arith.constant 24 : i32
      %add3A_50 = vector.broadcast %add3A_49 : i32 to vector<16xi32>
      %add3A_51 = arith.addi %add3A_28, %add3A_50 : vector<16xi32>
      %swap3A_52 = arith.constant 3 : i32
      %swap3A_53 = arith.index_cast %swap3A_52 : i32 to index
      %swap3A_54 = arith.constant 0 : index
      %swap3A_55 = tpu.vector_load %arg10[%swap3A_53, %swap3A_54] {strides = array<i32>} : memref<4x128xi32, #tpu.memory_space<vmem>>, vector<16xi32>,
      tpu.vector_store %arg10[%swap3A_53, %swap3A_54], %add3A_51 {strides = array<i32>} : memref<4x128xi32, #tpu.memory_space<vmem>>, vector<16xi32>,
      %get3A_56 = arith.constant 16 : index
      %get3A_57 = tpu.vector_load %arg8[%get3A_56] {strides = array<i32>} : memref<128xi32, #tpu.memory_space<vmem>>, vector<16xi32>,
      %get3A_58 = arith.constant 16 : index
      %get3A_59 = tpu.vector_load %arg9[%get3A_58] {strides = array<i32>} : memref<128xi32, #tpu.memory_space<vmem>>, vector<16xi32>,
      %shift_left3A_60 = arith.constant 10 : i32
      %shift_left3A_61 = vector.broadcast %shift_left3A_60 : i32 to vector<16xi32>
      %shift_left3A_62 = arith.shli %get3A_57, %shift_left3A_61 : vector<16xi32>
      %shift_right_arithmetic3A_63 = arith.constant 7 : i32
      %shift_right_arithmetic3A_64 = vector.broadcast %shift_right_arithmetic3A_63 : i32 to vector<16xi32>
      %shift_right_arithmetic3A_65 = arith.shrsi %get3A_59, %shift_right_arithmetic3A_64 : vector<16xi32>
      %shift_left3A_66 = arith.constant 5 : i32
      %shift_left3A_67 = vector.broadcast %shift_left3A_66 : i32 to vector<16xi32>
      %shift_left3A_68 = arith.shli %shift_right_arithmetic3A_65, %shift_left3A_67 : vector<16xi32>
      %add3A_69 = arith.addi %shift_left3A_62, %shift_left3A_68 : vector<16xi32>
      %shift_right_arithmetic3A_70 = arith.constant 4 : i32
      %shift_right_arithmetic3A_71 = vector.broadcast %shift_right_arithmetic3A_70 : i32 to vector<16xi32>
      %shift_right_arithmetic3A_72 = arith.shrsi %get3A_59, %shift_right_arithmetic3A_71 : vector<16xi32>
      %and3A_73 = arith.constant 7 : i32
      %and3A_74 = vector.broadcast %and3A_73 : i32 to vector<16xi32>
      %and3A_75 = arith.andi %shift_right_arithmetic3A_72, %and3A_74 : vector<16xi32>
      %add3A_76 = arith.addi %add3A_69, %and3A_75 : vector<16xi32>
      %add3A_77 = arith.constant 0 : i32
      %add3A_78 = vector.broadcast %add3A_77 : i32 to vector<16xi32>
      %add3A_79 = arith.addi %add3A_76, %add3A_78 : vector<16xi32>
      %swap3A_80 = arith.constant 0 : i32
      %swap3A_81 = arith.index_cast %swap3A_80 : i32 to index
      %swap3A_82 = arith.constant 16 : index
      %swap3A_83 = tpu.vector_load %arg10[%swap3A_81, %swap3A_82] {strides = array<i32>} : memref<4x128xi32, #tpu.memory_space<vmem>>, vector<16xi32>,
      tpu.vector_store %arg10[%swap3A_81, %swap3A_82], %add3A_79 {strides = array<i32>} : memref<4x128xi32, #tpu.memory_space<vmem>>, vector<16xi32>,
      %add3A_84 = arith.constant 8 : i32
      %add3A_85 = vector.broadcast %add3A_84 : i32 to vector<16xi32>
      %add3A_86 = arith.addi %add3A_76, %add3A_85 : vector<16xi32>
      %swap3A_87 = arith.constant 1 : i32
      %swap3A_88 = arith.index_cast %swap3A_87 : i32 to index
      %swap3A_89 = arith.constant 16 : index
      %swap3A_90 = tpu.vector_load %arg10[%swap3A_88, %swap3A_89] {strides = array<i32>} : memref<4x128xi32, #tpu.memory_space<vmem>>, vector<16xi32>,
      tpu.vector_store %arg10[%swap3A_88, %swap3A_89], %add3A_86 {strides = array<i32>} : memref<4x128xi32, #tpu.memory_space<vmem>>, vector<16xi32>,
      %add3A_91 = arith.constant 16 : i32
      %add3A_92 = vector.broadcast %add3A_91 : i32 to vector<16xi32>
      %add3A_93 = arith.addi %add3A_76, %add3A_92 : vector<16xi32>
      %swap3A_94 = arith.constant 2 : i32
      %swap3A_95 = arith.index_cast %swap3A_94 : i32 to index
      %swap3A_96 = arith.constant 16 : index
      %swap3A_97 = tpu.vector_load %arg10[%swap3A_95, %swap3A_96] {strides = array<i32>} : memref<4x128xi32, #tpu.memory_space<vmem>>, vector<16xi32>,
      tpu.vector_store %arg10[%swap3A_95, %swap3A_96], %add3A_93 {strides = array<i32>} : memref<4x128xi32, #tpu.memory_space<vmem>>, vector<16xi32>,
      %add3A_98 = arith.constant 24 : i32
      %add3A_99 = vector.broadcast %add3A_98 : i32 to vector<16xi32>
      %add3A_100 = arith.addi %add3A_76, %add3A_99 : vector<16xi32>
      %swap3A_101 = arith.constant 3 : i32
      %swap3A_102 = arith.index_cast %swap3A_101 : i32 to index
      %swap3A_103 = arith.constant 16 : index
      %swap3A_104 = tpu.vector_load %arg10[%swap3A_102, %swap3A_103] {strides = array<i32>} : memref<4x128xi32, #tpu.memory_space<vmem>>, vector<16xi32>,
      tpu.vector_store %arg10[%swap3A_102, %swap3A_103], %add3A_100 {strides = array<i32>} : memref<4x128xi32, #tpu.memory_space<vmem>>, vector<16xi32>,
      %get3A_105 = arith.constant 32 : index
      %get3A_106 = tpu.vector_load %arg8[%get3A_105] {strides = array<i32>} : memref<128xi32, #tpu.memory_space<vmem>>, vector<16xi32>,
      %get3A_107 = arith.constant 32 : index
      %get3A_108 = tpu.vector_load %arg9[%get3A_107] {strides = array<i32>} : memref<128xi32, #tpu.memory_space<vmem>>, vector<16xi32>,
      %shift_left3A_109 = arith.constant 10 : i32
      %shift_left3A_110 = vector.broadcast %shift_left3A_109 : i32 to vector<16xi32>
      %shift_left3A_111 = arith.shli %get3A_106, %shift_left3A_110 : vector<16xi32>
      %shift_right_arithmetic3A_112 = arith.constant 7 : i32
      %shift_right_arithmetic3A_113 = vector.broadcast %shift_right_arithmetic3A_112 : i32 to vector<16xi32>
      %shift_right_arithmetic3A_114 = arith.shrsi %get3A_108, %shift_right_arithmetic3A_113 : vector<16xi32>
      %shift_left3A_115 = arith.constant 5 : i32
      %shift_left3A_116 = vector.broadcast %shift_left3A_115 : i32 to vector<16xi32>
      %shift_left3A_117 = arith.shli %shift_right_arithmetic3A_114, %shift_left3A_116 : vector<16xi32>
      %add3A_118 = arith.addi %shift_left3A_111, %shift_left3A_117 : vector<16xi32>
      %shift_right_arithmetic3A_119 = arith.constant 4 : i32
      %shift_right_arithmetic3A_120 = vector.broadcast %shift_right_arithmetic3A_119 : i32 to vector<16xi32>
      %shift_right_arithmetic3A_121 = arith.shrsi %get3A_108, %shift_right_arithmetic3A_120 : vector<16xi32>
      %and3A_122 = arith.constant 7 : i32
      %and3A_123 = vector.broadcast %and3A_122 : i32 to vector<16xi32>
      %and3A_124 = arith.andi %shift_right_arithmetic3A_121, %and3A_123 : vector<16xi32>
      %add3A_125 = arith.addi %add3A_118, %and3A_124 : vector<16xi32>
      %add3A_126 = arith.constant 0 : i32
      %add3A_127 = vector.broadcast %add3A_126 : i32 to vector<16xi32>
      %add3A_128 = arith.addi %add3A_125, %add3A_127 : vector<16xi32>
      %swap3A_129 = arith.constant 0 : i32
      %swap3A_130 = arith.index_cast %swap3A_129 : i32 to index
      %swap3A_131 = arith.constant 32 : index
      %swap3A_132 = tpu.vector_load %arg10[%swap3A_130, %swap3A_131] {strides = array<i32>} : memref<4x128xi32, #tpu.memory_space<vmem>>, vector<16xi32>,
      tpu.vector_store %arg10[%swap3A_130, %swap3A_131], %add3A_128 {strides = array<i32>} : memref<4x128xi32, #tpu.memory_space<vmem>>, vector<16xi32>,
      %add3A_133 = arith.constant 8 : i32
      %add3A_134 = vector.broadcast %add3A_133 : i32 to vector<16xi32>
      %add3A_135 = arith.addi %add3A_125, %add3A_134 : vector<16xi32>
      %swap3A_136 = arith.constant 1 : i32
      %swap3A_137 = arith.index_cast %swap3A_136 : i32 to index
      %swap3A_138 = arith.constant 32 : index
      %swap3A_139 = tpu.vector_load %arg10[%swap3A_137, %swap3A_138] {strides = array<i32>} : memref<4x128xi32, #tpu.memory_space<vmem>>, vector<16xi32>,
      tpu.vector_store %arg10[%swap3A_137, %swap3A_138], %add3A_135 {strides = array<i32>} : memref<4x128xi32, #tpu.memory_space<vmem>>, vector<16xi32>,
      %add3A_140 = arith.constant 16 : i32
      %add3A_141 = vector.broadcast %add3A_140 : i32 to vector<16xi32>
      %add3A_142 = arith.addi %add3A_125, %add3A_141 : vector<16xi32>
      %swap3A_143 = arith.constant 2 : i32
      %swap3A_144 = arith.index_cast %swap3A_143 : i32 to index
      %swap3A_145 = arith.constant 32 : index
      %swap3A_146 = tpu.vector_load %arg10[%swap3A_144, %swap3A_145] {strides = array<i32>} : memref<4x128xi32, #tpu.memory_space<vmem>>, vector<16xi32>,
      tpu.vector_store %arg10[%swap3A_144, %swap3A_145], %add3A_142 {strides = array<i32>} : memref<4x128xi32, #tpu.memory_space<vmem>>, vector<16xi32>,
      %add3A_147 = arith.constant 24 : i32
      %add3A_148 = vector.broadcast %add3A_147 : i32 to vector<16xi32>
      %add3A_149 = arith.addi %add3A_125, %add3A_148 : vector<16xi32>
      %swap3A_150 = arith.constant 3 : i32
      %swap3A_151 = arith.index_cast %swap3A_150 : i32 to index
      %swap3A_152 = arith.constant 32 : index
      %swap3A_153 = tpu.vector_load %arg10[%swap3A_151, %swap3A_152] {strides = array<i32>} : memref<4x128xi32, #tpu.memory_space<vmem>>, vector<16xi32>,
      tpu.vector_store %arg10[%swap3A_151, %swap3A_152], %add3A_149 {strides = array<i32>} : memref<4x128xi32, #tpu.memory_space<vmem>>, vector<16xi32>,
      %get3A_154 = arith.constant 48 : index
      %get3A_155 = tpu.vector_load %arg8[%get3A_154] {strides = array<i32>} : memref<128xi32, #tpu.memory_space<vmem>>, vector<16xi32>,
      %get3A_156 = arith.constant 48 : index
      %get3A_157 = tpu.vector_load %arg9[%get3A_156] {strides = array<i32>} : memref<128xi32, #tpu.memory_space<vmem>>, vector<16xi32>,
      %shift_left3A_158 = arith.constant 10 : i32
      %shift_left3A_159 = vector.broadcast %shift_left3A_158 : i32 to vector<16xi32>
      %shift_left3A_160 = arith.shli %get3A_155, %shift_left3A_159 : vector<16xi32>
      %shift_right_arithmetic3A_161 = arith.constant 7 : i32
      %shift_right_arithmetic3A_162 = vector.broadcast %shift_right_arithmetic3A_161 : i32 to vector<16xi32>
      %shift_right_arithmetic3A_163 = arith.shrsi %get3A_157, %shift_right_arithmetic3A_162 : vector<16xi32>
      %shift_left3A_164 = arith.constant 5 : i32
      %shift_left3A_165 = vector.broadcast %shift_left3A_164 : i32 to vector<16xi32>
      %shift_left3A_166 = arith.shli %shift_right_arithmetic3A_163, %shift_left3A_165 : vector<16xi32>
      %add3A_167 = arith.addi %shift_left3A_160, %shift_left3A_166 : vector<16xi32>
      %shift_right_arithmetic3A_168 = arith.constant 4 : i32
      %shift_right_arithmetic3A_169 = vector.broadcast %shift_right_arithmetic3A_168 : i32 to vector<16xi32>
      %shift_right_arithmetic3A_170 = arith.shrsi %get3A_157, %shift_right_arithmetic3A_169 : vector<16xi32>
      %and3A_171 = arith.constant 7 : i32
      %and3A_172 = vector.broadcast %and3A_171 : i32 to vector<16xi32>
      %and3A_173 = arith.andi %shift_right_arithmetic3A_170, %and3A_172 : vector<16xi32>
      %add3A_174 = arith.addi %add3A_167, %and3A_173 : vector<16xi32>
      %add3A_175 = arith.constant 0 : i32
      %add3A_176 = vector.broadcast %add3A_175 : i32 to vector<16xi32>
      %add3A_177 = arith.addi %add3A_174, %add3A_176 : vector<16xi32>
      %swap3A_178 = arith.constant 0 : i32
      %swap3A_179 = arith.index_cast %swap3A_178 : i32 to index
      %swap3A_180 = arith.constant 48 : index
      %swap3A_181 = tpu.vector_load %arg10[%swap3A_179, %swap3A_180] {strides = array<i32>} : memref<4x128xi32, #tpu.memory_space<vmem>>, vector<16xi32>,
      tpu.vector_store %arg10[%swap3A_179, %swap3A_180], %add3A_177 {strides = array<i32>} : memref<4x128xi32, #tpu.memory_space<vmem>>, vector<16xi32>,
      %add3A_182 = arith.constant 8 : i32
      %add3A_183 = vector.broadcast %add3A_182 : i32 to vector<16xi32>
      %add3A_184 = arith.addi %add3A_174, %add3A_183 : vector<16xi32>
      %swap3A_185 = arith.constant 1 : i32
      %swap3A_186 = arith.index_cast %swap3A_185 : i32 to index
      %swap3A_187 = arith.constant 48 : index
      %swap3A_188 = tpu.vector_load %arg10[%swap3A_186, %swap3A_187] {strides = array<i32>} : memref<4x128xi32, #tpu.memory_space<vmem>>, vector<16xi32>,
      tpu.vector_store %arg10[%swap3A_186, %swap3A_187], %add3A_184 {strides = array<i32>} : memref<4x128xi32, #tpu.memory_space<vmem>>, vector<16xi32>,
      %add3A_189 = arith.constant 16 : i32
      %add3A_190 = vector.broadcast %add3A_189 : i32 to vector<16xi32>
      %add3A_191 = arith.addi %add3A_174, %add3A_190 : vector<16xi32>
      %swap3A_192 = arith.constant 2 : i32
      %swap3A_193 = arith.index_cast %swap3A_192 : i32 to index
      %swap3A_194 = arith.constant 48 : index
      %swap3A_195 = tpu.vector_load %arg10[%swap3A_193, %swap3A_194] {strides = array<i32>} : memref<4x128xi32, #tpu.memory_space<vmem>>, vector<16xi32>,
      tpu.vector_store %arg10[%swap3A_193, %swap3A_194], %add3A_191 {strides = array<i32>} : memref<4x128xi32, #tpu.memory_space<vmem>>, vector<16xi32>,
      %add3A_196 = arith.constant 24 : i32
      %add3A_197 = vector.broadcast %add3A_196 : i32 to vector<16xi32>
      %add3A_198 = arith.addi %add3A_174, %add3A_197 : vector<16xi32>
      %swap3A_199 = arith.constant 3 : i32
      %swap3A_200 = arith.index_cast %swap3A_199 : i32 to index
      %swap3A_201 = arith.constant 48 : index
      %swap3A_202 = tpu.vector_load %arg10[%swap3A_200, %swap3A_201] {strides = array<i32>} : memref<4x128xi32, #tpu.memory_space<vmem>>, vector<16xi32>,
      tpu.vector_store %arg10[%swap3A_200, %swap3A_201], %add3A_198 {strides = array<i32>} : memref<4x128xi32, #tpu.memory_space<vmem>>, vector<16xi32>,
      %get3A_203 = arith.constant 64 : index
      %get3A_204 = tpu.vector_load %arg8[%get3A_203] {strides = array<i32>} : memref<128xi32, #tpu.memory_space<vmem>>, vector<16xi32>,
      %get3A_205 = arith.constant 64 : index
      %get3A_206 = tpu.vector_load %arg9[%get3A_205] {strides = array<i32>} : memref<128xi32, #tpu.memory_space<vmem>>, vector<16xi32>,
      %shift_left3A_207 = arith.constant 10 : i32
      %shift_left3A_208 = vector.broadcast %shift_left3A_207 : i32 to vector<16xi32>
      %shift_left3A_209 = arith.shli %get3A_204, %shift_left3A_208 : vector<16xi32>
      %shift_right_arithmetic3A_210 = arith.constant 7 : i32
      %shift_right_arithmetic3A_211 = vector.broadcast %shift_right_arithmetic3A_210 : i32 to vector<16xi32>
      %shift_right_arithmetic3A_212 = arith.shrsi %get3A_206, %shift_right_arithmetic3A_211 : vector<16xi32>
      %shift_left3A_213 = arith.constant 5 : i32
      %shift_left3A_214 = vector.broadcast %shift_left3A_213 : i32 to vector<16xi32>
      %shift_left3A_215 = arith.shli %shift_right_arithmetic3A_212, %shift_left3A_214 : vector<16xi32>
      %add3A_216 = arith.addi %shift_left3A_209, %shift_left3A_215 : vector<16xi32>
      %shift_right_arithmetic3A_217 = arith.constant 4 : i32
      %shift_right_arithmetic3A_218 = vector.broadcast %shift_right_arithmetic3A_217 : i32 to vector<16xi32>
      %shift_right_arithmetic3A_219 = arith.shrsi %get3A_206, %shift_right_arithmetic3A_218 : vector<16xi32>
      %and3A_220 = arith.constant 7 : i32
      %and3A_221 = vector.broadcast %and3A_220 : i32 to vector<16xi32>
      %and3A_222 = arith.andi %shift_right_arithmetic3A_219, %and3A_221 : vector<16xi32>
      %add3A_223 = arith.addi %add3A_216, %and3A_222 : vector<16xi32>
      %add3A_224 = arith.constant 0 : i32
      %add3A_225 = vector.broadcast %add3A_224 : i32 to vector<16xi32>
      %add3A_226 = arith.addi %add3A_223, %add3A_225 : vector<16xi32>
      %swap3A_227 = arith.constant 0 : i32
      %swap3A_228 = arith.index_cast %swap3A_227 : i32 to index
      %swap3A_229 = arith.constant 64 : index
      %swap3A_230 = tpu.vector_load %arg10[%swap3A_228, %swap3A_229] {strides = array<i32>} : memref<4x128xi32, #tpu.memory_space<vmem>>, vector<16xi32>,
      tpu.vector_store %arg10[%swap3A_228, %swap3A_229], %add3A_226 {strides = array<i32>} : memref<4x128xi32, #tpu.memory_space<vmem>>, vector<16xi32>,
      %add3A_231 = arith.constant 8 : i32
      %add3A_232 = vector.broadcast %add3A_231 : i32 to vector<16xi32>
      %add3A_233 = arith.addi %add3A_223, %add3A_232 : vector<16xi32>
      %swap3A_234 = arith.constant 1 : i32
      %swap3A_235 = arith.index_cast %swap3A_234 : i32 to index
      %swap3A_236 = arith.constant 64 : index
      %swap3A_237 = tpu.vector_load %arg10[%swap3A_235, %swap3A_236] {strides = array<i32>} : memref<4x128xi32, #tpu.memory_space<vmem>>, vector<16xi32>,
      tpu.vector_store %arg10[%swap3A_235, %swap3A_236], %add3A_233 {strides = array<i32>} : memref<4x128xi32, #tpu.memory_space<vmem>>, vector<16xi32>,
      %add3A_238 = arith.constant 16 : i32
      %add3A_239 = vector.broadcast %add3A_238 : i32 to vector<16xi32>
      %add3A_240 = arith.addi %add3A_223, %add3A_239 : vector<16xi32>
      %swap3A_241 = arith.constant 2 : i32
      %swap3A_242 = arith.index_cast %swap3A_241 : i32 to index
      %swap3A_243 = arith.constant 64 : index
      %swap3A_244 = tpu.vector_load %arg10[%swap3A_242, %swap3A_243] {strides = array<i32>} : memref<4x128xi32, #tpu.memory_space<vmem>>, vector<16xi32>,
      tpu.vector_store %arg10[%swap3A_242, %swap3A_243], %add3A_240 {strides = array<i32>} : memref<4x128xi32, #tpu.memory_space<vmem>>, vector<16xi32>,
      %add3A_245 = arith.constant 24 : i32
      %add3A_246 = vector.broadcast %add3A_245 : i32 to vector<16xi32>
      %add3A_247 = arith.addi %add3A_223, %add3A_246 : vector<16xi32>
      %swap3A_248 = arith.constant 3 : i32
      %swap3A_249 = arith.index_cast %swap3A_248 : i32 to index
      %swap3A_250 = arith.constant 64 : index
      %swap3A_251 = tpu.vector_load %arg10[%swap3A_249, %swap3A_250] {strides = array<i32>} : memref<4x128xi32, #tpu.memory_space<vmem>>, vector<16xi32>,
      tpu.vector_store %arg10[%swap3A_249, %swap3A_250], %add3A_247 {strides = array<i32>} : memref<4x128xi32, #tpu.memory_space<vmem>>, vector<16xi32>,
      %get3A_252 = arith.constant 80 : index
      %get3A_253 = tpu.vector_load %arg8[%get3A_252] {strides = array<i32>} : memref<128xi32, #tpu.memory_space<vmem>>, vector<16xi32>,
      %get3A_254 = arith.constant 80 : index
      %get3A_255 = tpu.vector_load %arg9[%get3A_254] {strides = array<i32>} : memref<128xi32, #tpu.memory_space<vmem>>, vector<16xi32>,
      %shift_left3A_256 = arith.constant 10 : i32
      %shift_left3A_257 = vector.broadcast %shift_left3A_256 : i32 to vector<16xi32>
      %shift_left3A_258 = arith.shli %get3A_253, %shift_left3A_257 : vector<16xi32>
      %shift_right_arithmetic3A_259 = arith.constant 7 : i32
      %shift_right_arithmetic3A_260 = vector.broadcast %shift_right_arithmetic3A_259 : i32 to vector<16xi32>
      %shift_right_arithmetic3A_261 = arith.shrsi %get3A_255, %shift_right_arithmetic3A_260 : vector<16xi32>
      %shift_left3A_262 = arith.constant 5 : i32
      %shift_left3A_263 = vector.broadcast %shift_left3A_262 : i32 to vector<16xi32>
      %shift_left3A_264 = arith.shli %shift_right_arithmetic3A_261, %shift_left3A_263 : vector<16xi32>
      %add3A_265 = arith.addi %shift_left3A_258, %shift_left3A_264 : vector<16xi32>
      %shift_right_arithmetic3A_266 = arith.constant 4 : i32
      %shift_right_arithmetic3A_267 = vector.broadcast %shift_right_arithmetic3A_266 : i32 to vector<16xi32>
      %shift_right_arithmetic3A_268 = arith.shrsi %get3A_255, %shift_right_arithmetic3A_267 : vector<16xi32>
      %and3A_269 = arith.constant 7 : i32
      %and3A_270 = vector.broadcast %and3A_269 : i32 to vector<16xi32>
      %and3A_271 = arith.andi %shift_right_arithmetic3A_268, %and3A_270 : vector<16xi32>
      %add3A_272 = arith.addi %add3A_265, %and3A_271 : vector<16xi32>
      %add3A_273 = arith.constant 0 : i32
      %add3A_274 = vector.broadcast %add3A_273 : i32 to vector<16xi32>
      %add3A_275 = arith.addi %add3A_272, %add3A_274 : vector<16xi32>
      %swap3A_276 = arith.constant 0 : i32
      %swap3A_277 = arith.index_cast %swap3A_276 : i32 to index
      %swap3A_278 = arith.constant 80 : index
      %swap3A_279 = tpu.vector_load %arg10[%swap3A_277, %swap3A_278] {strides = array<i32>} : memref<4x128xi32, #tpu.memory_space<vmem>>, vector<16xi32>,
      tpu.vector_store %arg10[%swap3A_277, %swap3A_278], %add3A_275 {strides = array<i32>} : memref<4x128xi32, #tpu.memory_space<vmem>>, vector<16xi32>,
      %add3A_280 = arith.constant 8 : i32
      %add3A_281 = vector.broadcast %add3A_280 : i32 to vector<16xi32>
      %add3A_282 = arith.addi %add3A_272, %add3A_281 : vector<16xi32>
      %swap3A_283 = arith.constant 1 : i32
      %swap3A_284 = arith.index_cast %swap3A_283 : i32 to index
      %swap3A_285 = arith.constant 80 : index
      %swap3A_286 = tpu.vector_load %arg10[%swap3A_284, %swap3A_285] {strides = array<i32>} : memref<4x128xi32, #tpu.memory_space<vmem>>, vector<16xi32>,
      tpu.vector_store %arg10[%swap3A_284, %swap3A_285], %add3A_282 {strides = array<i32>} : memref<4x128xi32, #tpu.memory_space<vmem>>, vector<16xi32>,
      %add3A_287 = arith.constant 16 : i32
      %add3A_288 = vector.broadcast %add3A_287 : i32 to vector<16xi32>
      %add3A_289 = arith.addi %add3A_272, %add3A_288 : vector<16xi32>
      %swap3A_290 = arith.constant 2 : i32
      %swap3A_291 = arith.index_cast %swap3A_290 : i32 to index
      %swap3A_292 = arith.constant 80 : index
      %swap3A_293 = tpu.vector_load %arg10[%swap3A_291, %swap3A_292] {strides = array<i32>} : memref<4x128xi32, #tpu.memory_space<vmem>>, vector<16xi32>,
      tpu.vector_store %arg10[%swap3A_291, %swap3A_292], %add3A_289 {strides = array<i32>} : memref<4x128xi32, #tpu.memory_space<vmem>>, vector<16xi32>,
      %add3A_294 = arith.constant 24 : i32
      %add3A_295 = vector.broadcast %add3A_294 : i32 to vector<16xi32>
      %add3A_296 = arith.addi %add3A_272, %add3A_295 : vector<16xi32>
      %swap3A_297 = arith.constant 3 : i32
      %swap3A_298 = arith.index_cast %swap3A_297 : i32 to index
      %swap3A_299 = arith.constant 80 : index
      %swap3A_300 = tpu.vector_load %arg10[%swap3A_298, %swap3A_299] {strides = array<i32>} : memref<4x128xi32, #tpu.memory_space<vmem>>, vector<16xi32>,
      tpu.vector_store %arg10[%swap3A_298, %swap3A_299], %add3A_296 {strides = array<i32>} : memref<4x128xi32, #tpu.memory_space<vmem>>, vector<16xi32>,
      %get3A_301 = arith.constant 96 : index
      %get3A_302 = tpu.vector_load %arg8[%get3A_301] {strides = array<i32>} : memref<128xi32, #tpu.memory_space<vmem>>, vector<16xi32>,
      %get3A_303 = arith.constant 96 : index
      %get3A_304 = tpu.vector_load %arg9[%get3A_303] {strides = array<i32>} : memref<128xi32, #tpu.memory_space<vmem>>, vector<16xi32>,
      %shift_left3A_305 = arith.constant 10 : i32
      %shift_left3A_306 = vector.broadcast %shift_left3A_305 : i32 to vector<16xi32>
      %shift_left3A_307 = arith.shli %get3A_302, %shift_left3A_306 : vector<16xi32>
      %shift_right_arithmetic3A_308 = arith.constant 7 : i32
      %shift_right_arithmetic3A_309 = vector.broadcast %shift_right_arithmetic3A_308 : i32 to vector<16xi32>
      %shift_right_arithmetic3A_310 = arith.shrsi %get3A_304, %shift_right_arithmetic3A_309 : vector<16xi32>
      %shift_left3A_311 = arith.constant 5 : i32
      %shift_left3A_312 = vector.broadcast %shift_left3A_311 : i32 to vector<16xi32>
      %shift_left3A_313 = arith.shli %shift_right_arithmetic3A_310, %shift_left3A_312 : vector<16xi32>
      %add3A_314 = arith.addi %shift_left3A_307, %shift_left3A_313 : vector<16xi32>
      %shift_right_arithmetic3A_315 = arith.constant 4 : i32
      %shift_right_arithmetic3A_316 = vector.broadcast %shift_right_arithmetic3A_315 : i32 to vector<16xi32>
      %shift_right_arithmetic3A_317 = arith.shrsi %get3A_304, %shift_right_arithmetic3A_316 : vector<16xi32>
      %and3A_318 = arith.constant 7 : i32
      %and3A_319 = vector.broadcast %and3A_318 : i32 to vector<16xi32>
      %and3A_320 = arith.andi %shift_right_arithmetic3A_317, %and3A_319 : vector<16xi32>
      %add3A_321 = arith.addi %add3A_314, %and3A_320 : vector<16xi32>
      %add3A_322 = arith.constant 0 : i32
      %add3A_323 = vector.broadcast %add3A_322 : i32 to vector<16xi32>
      %add3A_324 = arith.addi %add3A_321, %add3A_323 : vector<16xi32>
      %swap3A_325 = arith.constant 0 : i32
      %swap3A_326 = arith.index_cast %swap3A_325 : i32 to index
      %swap3A_327 = arith.constant 96 : index
      %swap3A_328 = tpu.vector_load %arg10[%swap3A_326, %swap3A_327] {strides = array<i32>} : memref<4x128xi32, #tpu.memory_space<vmem>>, vector<16xi32>,
      tpu.vector_store %arg10[%swap3A_326, %swap3A_327], %add3A_324 {strides = array<i32>} : memref<4x128xi32, #tpu.memory_space<vmem>>, vector<16xi32>,
      %add3A_329 = arith.constant 8 : i32
      %add3A_330 = vector.broadcast %add3A_329 : i32 to vector<16xi32>
      %add3A_331 = arith.addi %add3A_321, %add3A_330 : vector<16xi32>
      %swap3A_332 = arith.constant 1 : i32
      %swap3A_333 = arith.index_cast %swap3A_332 : i32 to index
      %swap3A_334 = arith.constant 96 : index
      %swap3A_335 = tpu.vector_load %arg10[%swap3A_333, %swap3A_334] {strides = array<i32>} : memref<4x128xi32, #tpu.memory_space<vmem>>, vector<16xi32>,
      tpu.vector_store %arg10[%swap3A_333, %swap3A_334], %add3A_331 {strides = array<i32>} : memref<4x128xi32, #tpu.memory_space<vmem>>, vector<16xi32>,
      %add3A_336 = arith.constant 16 : i32
      %add3A_337 = vector.broadcast %add3A_336 : i32 to vector<16xi32>
      %add3A_338 = arith.addi %add3A_321, %add3A_337 : vector<16xi32>
      %swap3A_339 = arith.constant 2 : i32
      %swap3A_340 = arith.index_cast %swap3A_339 : i32 to index
      %swap3A_341 = arith.constant 96 : index
      %swap3A_342 = tpu.vector_load %arg10[%swap3A_340, %swap3A_341] {strides = array<i32>} : memref<4x128xi32, #tpu.memory_space<vmem>>, vector<16xi32>,
      tpu.vector_store %arg10[%swap3A_340, %swap3A_341], %add3A_338 {strides = array<i32>} : memref<4x128xi32, #tpu.memory_space<vmem>>, vector<16xi32>,
      %add3A_343 = arith.constant 24 : i32
      %add3A_344 = vector.broadcast %add3A_343 : i32 to vector<16xi32>
      %add3A_345 = arith.addi %add3A_321, %add3A_344 : vector<16xi32>
      %swap3A_346 = arith.constant 3 : i32
      %swap3A_347 = arith.index_cast %swap3A_346 : i32 to index
      %swap3A_348 = arith.constant 96 : index
      %swap3A_349 = tpu.vector_load %arg10[%swap3A_347, %swap3A_348] {strides = array<i32>} : memref<4x128xi32, #tpu.memory_space<vmem>>, vector<16xi32>,
      tpu.vector_store %arg10[%swap3A_347, %swap3A_348], %add3A_345 {strides = array<i32>} : memref<4x128xi32, #tpu.memory_space<vmem>>, vector<16xi32>,
      %get3A_350 = arith.constant 112 : index
      %get3A_351 = tpu.vector_load %arg8[%get3A_350] {strides = array<i32>} : memref<128xi32, #tpu.memory_space<vmem>>, vector<16xi32>,
      %get3A_352 = arith.constant 112 : index
      %get3A_353 = tpu.vector_load %arg9[%get3A_352] {strides = array<i32>} : memref<128xi32, #tpu.memory_space<vmem>>, vector<16xi32>,
      %shift_left3A_354 = arith.constant 10 : i32
      %shift_left3A_355 = vector.broadcast %shift_left3A_354 : i32 to vector<16xi32>
      %shift_left3A_356 = arith.shli %get3A_351, %shift_left3A_355 : vector<16xi32>
      %shift_right_arithmetic3A_357 = arith.constant 7 : i32
      %shift_right_arithmetic3A_358 = vector.broadcast %shift_right_arithmetic3A_357 : i32 to vector<16xi32>
      %shift_right_arithmetic3A_359 = arith.shrsi %get3A_353, %shift_right_arithmetic3A_358 : vector<16xi32>
      %shift_left3A_360 = arith.constant 5 : i32
      %shift_left3A_361 = vector.broadcast %shift_left3A_360 : i32 to vector<16xi32>
      %shift_left3A_362 = arith.shli %shift_right_arithmetic3A_359, %shift_left3A_361 : vector<16xi32>
      %add3A_363 = arith.addi %shift_left3A_356, %shift_left3A_362 : vector<16xi32>
      %shift_right_arithmetic3A_364 = arith.constant 4 : i32
      %shift_right_arithmetic3A_365 = vector.broadcast %shift_right_arithmetic3A_364 : i32 to vector<16xi32>
      %shift_right_arithmetic3A_366 = arith.shrsi %get3A_353, %shift_right_arithmetic3A_365 : vector<16xi32>
      %and3A_367 = arith.constant 7 : i32
      %and3A_368 = vector.broadcast %and3A_367 : i32 to vector<16xi32>
      %and3A_369 = arith.andi %shift_right_arithmetic3A_366, %and3A_368 : vector<16xi32>
      %add3A_370 = arith.addi %add3A_363, %and3A_369 : vector<16xi32>
      %add3A_371 = arith.constant 0 : i32
      %add3A_372 = vector.broadcast %add3A_371 : i32 to vector<16xi32>
      %add3A_373 = arith.addi %add3A_370, %add3A_372 : vector<16xi32>
      %swap3A_374 = arith.constant 0 : i32
      %swap3A_375 = arith.index_cast %swap3A_374 : i32 to index
      %swap3A_376 = arith.constant 112 : index
      %swap3A_377 = tpu.vector_load %arg10[%swap3A_375, %swap3A_376] {strides = array<i32>} : memref<4x128xi32, #tpu.memory_space<vmem>>, vector<16xi32>,
      tpu.vector_store %arg10[%swap3A_375, %swap3A_376], %add3A_373 {strides = array<i32>} : memref<4x128xi32, #tpu.memory_space<vmem>>, vector<16xi32>,
      %add3A_378 = arith.constant 8 : i32
      %add3A_379 = vector.broadcast %add3A_378 : i32 to vector<16xi32>
      %add3A_380 = arith.addi %add3A_370, %add3A_379 : vector<16xi32>
      %swap3A_381 = arith.constant 1 : i32
      %swap3A_382 = arith.index_cast %swap3A_381 : i32 to index
      %swap3A_383 = arith.constant 112 : index
      %swap3A_384 = tpu.vector_load %arg10[%swap3A_382, %swap3A_383] {strides = array<i32>} : memref<4x128xi32, #tpu.memory_space<vmem>>, vector<16xi32>,
      tpu.vector_store %arg10[%swap3A_382, %swap3A_383], %add3A_380 {strides = array<i32>} : memref<4x128xi32, #tpu.memory_space<vmem>>, vector<16xi32>,
      %add3A_385 = arith.constant 16 : i32
      %add3A_386 = vector.broadcast %add3A_385 : i32 to vector<16xi32>
      %add3A_387 = arith.addi %add3A_370, %add3A_386 : vector<16xi32>
      %swap3A_388 = arith.constant 2 : i32
      %swap3A_389 = arith.index_cast %swap3A_388 : i32 to index
      %swap3A_390 = arith.constant 112 : index
      %swap3A_391 = tpu.vector_load %arg10[%swap3A_389, %swap3A_390] {strides = array<i32>} : memref<4x128xi32, #tpu.memory_space<vmem>>, vector<16xi32>,
      tpu.vector_store %arg10[%swap3A_389, %swap3A_390], %add3A_387 {strides = array<i32>} : memref<4x128xi32, #tpu.memory_space<vmem>>, vector<16xi32>,
      %add3A_392 = arith.constant 24 : i32
      %add3A_393 = vector.broadcast %add3A_392 : i32 to vector<16xi32>
      %add3A_394 = arith.addi %add3A_370, %add3A_393 : vector<16xi32>
      %swap3A_395 = arith.constant 3 : i32
      %swap3A_396 = arith.index_cast %swap3A_395 : i32 to index
      %swap3A_397 = arith.constant 112 : index
      %swap3A_398 = tpu.vector_load %arg10[%swap3A_396, %swap3A_397] {strides = array<i32>} : memref<4x128xi32, #tpu.memory_space<vmem>>, vector<16xi32>,
      tpu.vector_store %arg10[%swap3A_396, %swap3A_397], %add3A_394 {strides = array<i32>} : memref<4x128xi32, #tpu.memory_space<vmem>>, vector<16xi32>,
      %dma_start3A = arith.constant 0 : i32
      %dma_start3A_399 = arith.constant 0 : i32
      %dma_start3A_400 = tpu.memref_slice %arg2[%dma_start3A, %dma_start3A_399] : memref<4096x256xf32, #tpu.memory_space<hbm>> -> memref<4096x256xf32, #tpu.memory_space<hbm>>
      tpu.enqueue_indirect_dma source(%dma_start3A_400 : memref<4096x256xf32, #tpu.memory_space<hbm>>) target(%arg11 : memref<128x256xf32, #tpu.memory_space<vmem>>) offsets(%arg8 : memref<128xi32, #tpu.memory_space<vmem>>) semaphore(%arg14 : memref<!tpu.dma_semaphore, #tpu.memory_space<semaphore_mem>>)
      %dma_start3A_401 = arith.constant 0 : i32
      %dma_start3A_402 = arith.constant 0 : i32
      %dma_start3A_403 = arith.constant 0 : i32
      %dma_start3A_404 = arith.constant 0 : i32
      %dma_start3A_405 = tpu.memref_slice %arg12[%dma_start3A_402, %dma_start3A_403, %dma_start3A_404] : memref<4x128x16xf32, #tpu.memory_space<vmem>> -> memref<1x128x16xf32, #tpu.memory_space<vmem>>
      %dma_start3A_406 = tpu.memref_squeeze %dma_start3A_405 : memref<1x128x16xf32, #tpu.memory_space<vmem>> -> memref<128x16xf32, #tpu.memory_space<vmem>>
      %dma_start3A_407 = arith.constant 0 : i32
      %dma_start3A_408 = tpu.memref_slice %arg10[%dma_start3A_401, %dma_start3A_407] : memref<4x128xi32, #tpu.memory_space<vmem>> -> memref<1x128xi32, #tpu.memory_space<vmem>>
      %dma_start3A_409 = tpu.memref_squeeze %dma_start3A_408 : memref<1x128xi32, #tpu.memory_space<vmem>> -> memref<128xi32, #tpu.memory_space<vmem>>
      %dma_start3A_410 = arith.constant 0 : i32
      %dma_start3A_411 = arith.constant 0 : i32
      %dma_start3A_412 = tpu.memref_slice %arg5[%dma_start3A_410, %dma_start3A_411] : memref<4194304x16xf32, #tpu.memory_space<hbm>> -> memref<4194304x16xf32, #tpu.memory_space<hbm>>
      tpu.enqueue_indirect_dma source(%dma_start3A_412 : memref<4194304x16xf32, #tpu.memory_space<hbm>>) target(%dma_start3A_406 : memref<128x16xf32, #tpu.memory_space<vmem>>) offsets(%dma_start3A_409 : memref<128xi32, #tpu.memory_space<vmem>>) semaphore(%arg15 : memref<!tpu.dma_semaphore, #tpu.memory_space<semaphore_mem>>)
      %dma_start3A_413 = arith.constant 1 : i32
      %dma_start3A_414 = arith.constant 1 : i32
      %dma_start3A_415 = arith.constant 0 : i32
      %dma_start3A_416 = arith.constant 0 : i32
      %dma_start3A_417 = tpu.memref_slice %arg12[%dma_start3A_414, %dma_start3A_415, %dma_start3A_416] : memref<4x128x16xf32, #tpu.memory_space<vmem>> -> memref<1x128x16xf32, #tpu.memory_space<vmem>>
      %dma_start3A_418 = tpu.memref_squeeze %dma_start3A_417 : memref<1x128x16xf32, #tpu.memory_space<vmem>> -> memref<128x16xf32, #tpu.memory_space<vmem>>
      %dma_start3A_419 = arith.constant 0 : i32
      %dma_start3A_420 = tpu.memref_slice %arg10[%dma_start3A_413, %dma_start3A_419] : memref<4x128xi32, #tpu.memory_space<vmem>> -> memref<1x128xi32, #tpu.memory_space<vmem>>
      %dma_start3A_421 = tpu.memref_squeeze %dma_start3A_420 : memref<1x128xi32, #tpu.memory_space<vmem>> -> memref<128xi32, #tpu.memory_space<vmem>>
      %dma_start3A_422 = arith.constant 0 : i32
      %dma_start3A_423 = arith.constant 0 : i32
      %dma_start3A_424 = tpu.memref_slice %arg5[%dma_start3A_422, %dma_start3A_423] : memref<4194304x16xf32, #tpu.memory_space<hbm>> -> memref<4194304x16xf32, #tpu.memory_space<hbm>>
      tpu.enqueue_indirect_dma source(%dma_start3A_424 : memref<4194304x16xf32, #tpu.memory_space<hbm>>) target(%dma_start3A_418 : memref<128x16xf32, #tpu.memory_space<vmem>>) offsets(%dma_start3A_421 : memref<128xi32, #tpu.memory_space<vmem>>) semaphore(%arg15 : memref<!tpu.dma_semaphore, #tpu.memory_space<semaphore_mem>>)
      %dma_start3A_425 = arith.constant 2 : i32
      %dma_start3A_426 = arith.constant 2 : i32
      %dma_start3A_427 = arith.constant 0 : i32
      %dma_start3A_428 = arith.constant 0 : i32
      %dma_start3A_429 = tpu.memref_slice %arg12[%dma_start3A_426, %dma_start3A_427, %dma_start3A_428] : memref<4x128x16xf32, #tpu.memory_space<vmem>> -> memref<1x128x16xf32, #tpu.memory_space<vmem>>
      %dma_start3A_430 = tpu.memref_squeeze %dma_start3A_429 : memref<1x128x16xf32, #tpu.memory_space<vmem>> -> memref<128x16xf32, #tpu.memory_space<vmem>>
      %dma_start3A_431 = arith.constant 0 : i32
      %dma_start3A_432 = tpu.memref_slice %arg10[%dma_start3A_425, %dma_start3A_431] : memref<4x128xi32, #tpu.memory_space<vmem>> -> memref<1x128xi32, #tpu.memory_space<vmem>>
      %dma_start3A_433 = tpu.memref_squeeze %dma_start3A_432 : memref<1x128xi32, #tpu.memory_space<vmem>> -> memref<128xi32, #tpu.memory_space<vmem>>
      %dma_start3A_434 = arith.constant 0 : i32
      %dma_start3A_435 = arith.constant 0 : i32
      %dma_start3A_436 = tpu.memref_slice %arg5[%dma_start3A_434, %dma_start3A_435] : memref<4194304x16xf32, #tpu.memory_space<hbm>> -> memref<4194304x16xf32, #tpu.memory_space<hbm>>
      tpu.enqueue_indirect_dma source(%dma_start3A_436 : memref<4194304x16xf32, #tpu.memory_space<hbm>>) target(%dma_start3A_430 : memref<128x16xf32, #tpu.memory_space<vmem>>) offsets(%dma_start3A_433 : memref<128xi32, #tpu.memory_space<vmem>>) semaphore(%arg15 : memref<!tpu.dma_semaphore, #tpu.memory_space<semaphore_mem>>)
      %dma_start3A_437 = arith.constant 3 : i32
      %dma_start3A_438 = arith.constant 3 : i32
      %dma_start3A_439 = arith.constant 0 : i32
      %dma_start3A_440 = arith.constant 0 : i32
      %dma_start3A_441 = tpu.memref_slice %arg12[%dma_start3A_438, %dma_start3A_439, %dma_start3A_440] : memref<4x128x16xf32, #tpu.memory_space<vmem>> -> memref<1x128x16xf32, #tpu.memory_space<vmem>>
      %dma_start3A_442 = tpu.memref_squeeze %dma_start3A_441 : memref<1x128x16xf32, #tpu.memory_space<vmem>> -> memref<128x16xf32, #tpu.memory_space<vmem>>
      %dma_start3A_443 = arith.constant 0 : i32
      %dma_start3A_444 = tpu.memref_slice %arg10[%dma_start3A_437, %dma_start3A_443] : memref<4x128xi32, #tpu.memory_space<vmem>> -> memref<1x128xi32, #tpu.memory_space<vmem>>
      %dma_start3A_445 = tpu.memref_squeeze %dma_start3A_444 : memref<1x128xi32, #tpu.memory_space<vmem>> -> memref<128xi32, #tpu.memory_space<vmem>>
      %dma_start3A_446 = arith.constant 0 : i32
      %dma_start3A_447 = arith.constant 0 : i32
      %dma_start3A_448 = tpu.memref_slice %arg5[%dma_start3A_446, %dma_start3A_447] : memref<4194304x16xf32, #tpu.memory_space<hbm>> -> memref<4194304x16xf32, #tpu.memory_space<hbm>>
      tpu.enqueue_indirect_dma source(%dma_start3A_448 : memref<4194304x16xf32, #tpu.memory_space<hbm>>) target(%dma_start3A_442 : memref<128x16xf32, #tpu.memory_space<vmem>>) offsets(%dma_start3A_445 : memref<128xi32, #tpu.memory_space<vmem>>) semaphore(%arg15 : memref<!tpu.dma_semaphore, #tpu.memory_space<semaphore_mem>>)
      %dma_wait3A = arith.constant 0 : i32
      %dma_wait3A_449 = arith.constant 0 : i32
      %dma_wait3A_450 = tpu.memref_slice %arg2[%dma_wait3A, %dma_wait3A_449] : memref<4096x256xf32, #tpu.memory_space<hbm>> -> memref<4096x256xf32, #tpu.memory_space<hbm>>
      tpu.wait_indirect_dma semaphore(%arg14 : memref<!tpu.dma_semaphore, #tpu.memory_space<semaphore_mem>>) src(%dma_wait3A_450 : memref<4096x256xf32, #tpu.memory_space<hbm>>) dst(%arg11 : memref<128x256xf32, #tpu.memory_space<vmem>>)
      %dma_wait3A_451 = arith.constant 0 : i32
      %dma_wait3A_452 = arith.constant 0 : i32
      %dma_wait3A_453 = arith.constant 0 : i32
      %dma_wait3A_454 = arith.constant 0 : i32
      %dma_wait3A_455 = tpu.memref_slice %arg12[%dma_wait3A_452, %dma_wait3A_453, %dma_wait3A_454] : memref<4x128x16xf32, #tpu.memory_space<vmem>> -> memref<1x128x16xf32, #tpu.memory_space<vmem>>
      %dma_wait3A_456 = tpu.memref_squeeze %dma_wait3A_455 : memref<1x128x16xf32, #tpu.memory_space<vmem>> -> memref<128x16xf32, #tpu.memory_space<vmem>>
      %dma_wait3A_457 = arith.constant 0 : i32
      %dma_wait3A_458 = tpu.memref_slice %arg10[%dma_wait3A_451, %dma_wait3A_457] : memref<4x128xi32, #tpu.memory_space<vmem>> -> memref<1x128xi32, #tpu.memory_space<vmem>>
      %dma_wait3A_459 = tpu.memref_squeeze %dma_wait3A_458 : memref<1x128xi32, #tpu.memory_space<vmem>> -> memref<128xi32, #tpu.memory_space<vmem>>
      %dma_wait3A_460 = arith.constant 0 : i32
      %dma_wait3A_461 = arith.constant 0 : i32
      %dma_wait3A_462 = tpu.memref_slice %arg5[%dma_wait3A_460, %dma_wait3A_461] : memref<4194304x16xf32, #tpu.memory_space<hbm>> -> memref<4194304x16xf32, #tpu.memory_space<hbm>>
      tpu.wait_indirect_dma semaphore(%arg15 : memref<!tpu.dma_semaphore, #tpu.memory_space<semaphore_mem>>) src(%dma_wait3A_462 : memref<4194304x16xf32, #tpu.memory_space<hbm>>) dst(%dma_wait3A_456 : memref<128x16xf32, #tpu.memory_space<vmem>>)
      %dma_wait3A_463 = arith.constant 1 : i32
      %dma_wait3A_464 = arith.constant 1 : i32
      %dma_wait3A_465 = arith.constant 0 : i32
      %dma_wait3A_466 = arith.constant 0 : i32
      %dma_wait3A_467 = tpu.memref_slice %arg12[%dma_wait3A_464, %dma_wait3A_465, %dma_wait3A_466] : memref<4x128x16xf32, #tpu.memory_space<vmem>> -> memref<1x128x16xf32, #tpu.memory_space<vmem>>
      %dma_wait3A_468 = tpu.memref_squeeze %dma_wait3A_467 : memref<1x128x16xf32, #tpu.memory_space<vmem>> -> memref<128x16xf32, #tpu.memory_space<vmem>>
      %dma_wait3A_469 = arith.constant 0 : i32
      %dma_wait3A_470 = tpu.memref_slice %arg10[%dma_wait3A_463, %dma_wait3A_469] : memref<4x128xi32, #tpu.memory_space<vmem>> -> memref<1x128xi32, #tpu.memory_space<vmem>>
      %dma_wait3A_471 = tpu.memref_squeeze %dma_wait3A_470 : memref<1x128xi32, #tpu.memory_space<vmem>> -> memref<128xi32, #tpu.memory_space<vmem>>
      %dma_wait3A_472 = arith.constant 0 : i32
      %dma_wait3A_473 = arith.constant 0 : i32
      %dma_wait3A_474 = tpu.memref_slice %arg5[%dma_wait3A_472, %dma_wait3A_473] : memref<4194304x16xf32, #tpu.memory_space<hbm>> -> memref<4194304x16xf32, #tpu.memory_space<hbm>>
      tpu.wait_indirect_dma semaphore(%arg15 : memref<!tpu.dma_semaphore, #tpu.memory_space<semaphore_mem>>) src(%dma_wait3A_474 : memref<4194304x16xf32, #tpu.memory_space<hbm>>) dst(%dma_wait3A_468 : memref<128x16xf32, #tpu.memory_space<vmem>>)
      %dma_wait3A_475 = arith.constant 2 : i32
      %dma_wait3A_476 = arith.constant 2 : i32
      %dma_wait3A_477 = arith.constant 0 : i32
      %dma_wait3A_478 = arith.constant 0 : i32
      %dma_wait3A_479 = tpu.memref_slice %arg12[%dma_wait3A_476, %dma_wait3A_477, %dma_wait3A_478] : memref<4x128x16xf32, #tpu.memory_space<vmem>> -> memref<1x128x16xf32, #tpu.memory_space<vmem>>
      %dma_wait3A_480 = tpu.memref_squeeze %dma_wait3A_479 : memref<1x128x16xf32, #tpu.memory_space<vmem>> -> memref<128x16xf32, #tpu.memory_space<vmem>>
      %dma_wait3A_481 = arith.constant 0 : i32
      %dma_wait3A_482 = tpu.memref_slice %arg10[%dma_wait3A_475, %dma_wait3A_481] : memref<4x128xi32, #tpu.memory_space<vmem>> -> memref<1x128xi32, #tpu.memory_space<vmem>>
      %dma_wait3A_483 = tpu.memref_squeeze %dma_wait3A_482 : memref<1x128xi32, #tpu.memory_space<vmem>> -> memref<128xi32, #tpu.memory_space<vmem>>
      %dma_wait3A_484 = arith.constant 0 : i32
      %dma_wait3A_485 = arith.constant 0 : i32
      %dma_wait3A_486 = tpu.memref_slice %arg5[%dma_wait3A_484, %dma_wait3A_485] : memref<4194304x16xf32, #tpu.memory_space<hbm>> -> memref<4194304x16xf32, #tpu.memory_space<hbm>>
      tpu.wait_indirect_dma semaphore(%arg15 : memref<!tpu.dma_semaphore, #tpu.memory_space<semaphore_mem>>) src(%dma_wait3A_486 : memref<4194304x16xf32, #tpu.memory_space<hbm>>) dst(%dma_wait3A_480 : memref<128x16xf32, #tpu.memory_space<vmem>>)
      %dma_wait3A_487 = arith.constant 3 : i32
      %dma_wait3A_488 = arith.constant 3 : i32
      %dma_wait3A_489 = arith.constant 0 : i32
      %dma_wait3A_490 = arith.constant 0 : i32
      %dma_wait3A_491 = tpu.memref_slice %arg12[%dma_wait3A_488, %dma_wait3A_489, %dma_wait3A_490] : memref<4x128x16xf32, #tpu.memory_space<vmem>> -> memref<1x128x16xf32, #tpu.memory_space<vmem>>
      %dma_wait3A_492 = tpu.memref_squeeze %dma_wait3A_491 : memref<1x128x16xf32, #tpu.memory_space<vmem>> -> memref<128x16xf32, #tpu.memory_space<vmem>>
      %dma_wait3A_493 = arith.constant 0 : i32
      %dma_wait3A_494 = tpu.memref_slice %arg10[%dma_wait3A_487, %dma_wait3A_493] : memref<4x128xi32, #tpu.memory_space<vmem>> -> memref<1x128xi32, #tpu.memory_space<vmem>>
      %dma_wait3A_495 = tpu.memref_squeeze %dma_wait3A_494 : memref<1x128xi32, #tpu.memory_space<vmem>> -> memref<128xi32, #tpu.memory_space<vmem>>
      %dma_wait3A_496 = arith.constant 0 : i32
      %dma_wait3A_497 = arith.constant 0 : i32
      %dma_wait3A_498 = tpu.memref_slice %arg5[%dma_wait3A_496, %dma_wait3A_497] : memref<4194304x16xf32, #tpu.memory_space<hbm>> -> memref<4194304x16xf32, #tpu.memory_space<hbm>>
      tpu.wait_indirect_dma semaphore(%arg15 : memref<!tpu.dma_semaphore, #tpu.memory_space<semaphore_mem>>) src(%dma_wait3A_498 : memref<4194304x16xf32, #tpu.memory_space<hbm>>) dst(%dma_wait3A_492 : memref<128x16xf32, #tpu.memory_space<vmem>>)
      %broadcast_in_dim3A = arith.constant 0 : i32
      %broadcast_in_dim3A_499 = vector.broadcast %broadcast_in_dim3A : i32 to vector<16xi32>
      %add3A_500 = arith.constant 0 : i32
      %add3A_501 = vector.broadcast %add3A_500 : i32 to vector<16xi32>
      %add3A_502 = arith.addi %iota3A, %add3A_501 : vector<16xi32>
      %get3A_503 = arith.constant 0 : index
      %get3A_504 = tpu.vector_load %arg9[%get3A_503] {strides = array<i32>} : memref<128xi32, #tpu.memory_space<vmem>>, vector<16xi32>,
      %and3A_505 = arith.constant 15 : i32
      %and3A_506 = vector.broadcast %and3A_505 : i32 to vector<16xi32>
      %and3A_507 = arith.andi %get3A_504, %and3A_506 : vector<16xi32>
      %gather3A = tpu.vector_load_idx %arg12[%broadcast_in_dim3A_499, %add3A_502, %and3A_507] : memref<4x128x16xf32, #tpu.memory_space<vmem>>[vector<16xi32>, vector<16xi32>, vector<16xi32>], vector<16xf32>,
      %mul3A_508 = arith.constant 128 : i32
      %mul3A_509 = arith.muli %scan3A_8, %mul3A_508 : i32
      %add3A_510 = arith.constant 0 : i32
      %add3A_511 = arith.addi %mul3A_509, %add3A_510 : i32
      %swap3A_512 = arith.constant 0 : i32
      %swap3A_513 = arith.index_cast %swap3A_512 : i32 to index
      %swap3A_514 = arith.index_cast %add3A_511 : i32 to index
      %swap3A_515 = tpu.vector_load %arg13[%swap3A_513, %swap3A_514] {strides = array<i32>} : memref<4x4096xf32, #tpu.memory_space<vmem>>, vector<16xf32>,
      tpu.vector_store %arg13[%swap3A_513, %swap3A_514], %gather3A {strides = array<i32>} : memref<4x4096xf32, #tpu.memory_space<vmem>>, vector<16xf32>,
      %add3A_516 = arith.constant 16 : i32
      %add3A_517 = vector.broadcast %add3A_516 : i32 to vector<16xi32>
      %add3A_518 = arith.addi %iota3A, %add3A_517 : vector<16xi32>
      %get3A_519 = arith.constant 16 : index
      %get3A_520 = tpu.vector_load %arg9[%get3A_519] {strides = array<i32>} : memref<128xi32, #tpu.memory_space<vmem>>, vector<16xi32>,
      %and3A_521 = arith.constant 15 : i32
      %and3A_522 = vector.broadcast %and3A_521 : i32 to vector<16xi32>
      %and3A_523 = arith.andi %get3A_520, %and3A_522 : vector<16xi32>
      %gather3A_524 = tpu.vector_load_idx %arg12[%broadcast_in_dim3A_499, %add3A_518, %and3A_523] : memref<4x128x16xf32, #tpu.memory_space<vmem>>[vector<16xi32>, vector<16xi32>, vector<16xi32>], vector<16xf32>,
      %mul3A_525 = arith.constant 128 : i32
      %mul3A_526 = arith.muli %scan3A_8, %mul3A_525 : i32
      %add3A_527 = arith.constant 16 : i32
      %add3A_528 = arith.addi %mul3A_526, %add3A_527 : i32
      %swap3A_529 = arith.constant 0 : i32
      %swap3A_530 = arith.index_cast %swap3A_529 : i32 to index
      %swap3A_531 = arith.index_cast %add3A_528 : i32 to index
      %swap3A_532 = tpu.vector_load %arg13[%swap3A_530, %swap3A_531] {strides = array<i32>} : memref<4x4096xf32, #tpu.memory_space<vmem>>, vector<16xf32>,
      tpu.vector_store %arg13[%swap3A_530, %swap3A_531], %gather3A_524 {strides = array<i32>} : memref<4x4096xf32, #tpu.memory_space<vmem>>, vector<16xf32>,
      %add3A_533 = arith.constant 32 : i32
      %add3A_534 = vector.broadcast %add3A_533 : i32 to vector<16xi32>
      %add3A_535 = arith.addi %iota3A, %add3A_534 : vector<16xi32>
      %get3A_536 = arith.constant 32 : index
      %get3A_537 = tpu.vector_load %arg9[%get3A_536] {strides = array<i32>} : memref<128xi32, #tpu.memory_space<vmem>>, vector<16xi32>,
      %and3A_538 = arith.constant 15 : i32
      %and3A_539 = vector.broadcast %and3A_538 : i32 to vector<16xi32>
      %and3A_540 = arith.andi %get3A_537, %and3A_539 : vector<16xi32>
      %gather3A_541 = tpu.vector_load_idx %arg12[%broadcast_in_dim3A_499, %add3A_535, %and3A_540] : memref<4x128x16xf32, #tpu.memory_space<vmem>>[vector<16xi32>, vector<16xi32>, vector<16xi32>], vector<16xf32>,
      %mul3A_542 = arith.constant 128 : i32
      %mul3A_543 = arith.muli %scan3A_8, %mul3A_542 : i32
      %add3A_544 = arith.constant 32 : i32
      %add3A_545 = arith.addi %mul3A_543, %add3A_544 : i32
      %swap3A_546 = arith.constant 0 : i32
      %swap3A_547 = arith.index_cast %swap3A_546 : i32 to index
      %swap3A_548 = arith.index_cast %add3A_545 : i32 to index
      %swap3A_549 = tpu.vector_load %arg13[%swap3A_547, %swap3A_548] {strides = array<i32>} : memref<4x4096xf32, #tpu.memory_space<vmem>>, vector<16xf32>,
      tpu.vector_store %arg13[%swap3A_547, %swap3A_548], %gather3A_541 {strides = array<i32>} : memref<4x4096xf32, #tpu.memory_space<vmem>>, vector<16xf32>,
      %add3A_550 = arith.constant 48 : i32
      %add3A_551 = vector.broadcast %add3A_550 : i32 to vector<16xi32>
      %add3A_552 = arith.addi %iota3A, %add3A_551 : vector<16xi32>
      %get3A_553 = arith.constant 48 : index
      %get3A_554 = tpu.vector_load %arg9[%get3A_553] {strides = array<i32>} : memref<128xi32, #tpu.memory_space<vmem>>, vector<16xi32>,
      %and3A_555 = arith.constant 15 : i32
      %and3A_556 = vector.broadcast %and3A_555 : i32 to vector<16xi32>
      %and3A_557 = arith.andi %get3A_554, %and3A_556 : vector<16xi32>
      %gather3A_558 = tpu.vector_load_idx %arg12[%broadcast_in_dim3A_499, %add3A_552, %and3A_557] : memref<4x128x16xf32, #tpu.memory_space<vmem>>[vector<16xi32>, vector<16xi32>, vector<16xi32>], vector<16xf32>,
      %mul3A_559 = arith.constant 128 : i32
      %mul3A_560 = arith.muli %scan3A_8, %mul3A_559 : i32
      %add3A_561 = arith.constant 48 : i32
      %add3A_562 = arith.addi %mul3A_560, %add3A_561 : i32
      %swap3A_563 = arith.constant 0 : i32
      %swap3A_564 = arith.index_cast %swap3A_563 : i32 to index
      %swap3A_565 = arith.index_cast %add3A_562 : i32 to index
      %swap3A_566 = tpu.vector_load %arg13[%swap3A_564, %swap3A_565] {strides = array<i32>} : memref<4x4096xf32, #tpu.memory_space<vmem>>, vector<16xf32>,
      tpu.vector_store %arg13[%swap3A_564, %swap3A_565], %gather3A_558 {strides = array<i32>} : memref<4x4096xf32, #tpu.memory_space<vmem>>, vector<16xf32>,
      %add3A_567 = arith.constant 64 : i32
      %add3A_568 = vector.broadcast %add3A_567 : i32 to vector<16xi32>
      %add3A_569 = arith.addi %iota3A, %add3A_568 : vector<16xi32>
      %get3A_570 = arith.constant 64 : index
      %get3A_571 = tpu.vector_load %arg9[%get3A_570] {strides = array<i32>} : memref<128xi32, #tpu.memory_space<vmem>>, vector<16xi32>,
      %and3A_572 = arith.constant 15 : i32
      %and3A_573 = vector.broadcast %and3A_572 : i32 to vector<16xi32>
      %and3A_574 = arith.andi %get3A_571, %and3A_573 : vector<16xi32>
      %gather3A_575 = tpu.vector_load_idx %arg12[%broadcast_in_dim3A_499, %add3A_569, %and3A_574] : memref<4x128x16xf32, #tpu.memory_space<vmem>>[vector<16xi32>, vector<16xi32>, vector<16xi32>], vector<16xf32>,
      %mul3A_576 = arith.constant 128 : i32
      %mul3A_577 = arith.muli %scan3A_8, %mul3A_576 : i32
      %add3A_578 = arith.constant 64 : i32
      %add3A_579 = arith.addi %mul3A_577, %add3A_578 : i32
      %swap3A_580 = arith.constant 0 : i32
      %swap3A_581 = arith.index_cast %swap3A_580 : i32 to index
      %swap3A_582 = arith.index_cast %add3A_579 : i32 to index
      %swap3A_583 = tpu.vector_load %arg13[%swap3A_581, %swap3A_582] {strides = array<i32>} : memref<4x4096xf32, #tpu.memory_space<vmem>>, vector<16xf32>,
      tpu.vector_store %arg13[%swap3A_581, %swap3A_582], %gather3A_575 {strides = array<i32>} : memref<4x4096xf32, #tpu.memory_space<vmem>>, vector<16xf32>,
      %add3A_584 = arith.constant 80 : i32
      %add3A_585 = vector.broadcast %add3A_584 : i32 to vector<16xi32>
      %add3A_586 = arith.addi %iota3A, %add3A_585 : vector<16xi32>
      %get3A_587 = arith.constant 80 : index
      %get3A_588 = tpu.vector_load %arg9[%get3A_587] {strides = array<i32>} : memref<128xi32, #tpu.memory_space<vmem>>, vector<16xi32>,
      %and3A_589 = arith.constant 15 : i32
      %and3A_590 = vector.broadcast %and3A_589 : i32 to vector<16xi32>
      %and3A_591 = arith.andi %get3A_588, %and3A_590 : vector<16xi32>
      %gather3A_592 = tpu.vector_load_idx %arg12[%broadcast_in_dim3A_499, %add3A_586, %and3A_591] : memref<4x128x16xf32, #tpu.memory_space<vmem>>[vector<16xi32>, vector<16xi32>, vector<16xi32>], vector<16xf32>,
      %mul3A_593 = arith.constant 128 : i32
      %mul3A_594 = arith.muli %scan3A_8, %mul3A_593 : i32
      %add3A_595 = arith.constant 80 : i32
      %add3A_596 = arith.addi %mul3A_594, %add3A_595 : i32
      %swap3A_597 = arith.constant 0 : i32
      %swap3A_598 = arith.index_cast %swap3A_597 : i32 to index
      %swap3A_599 = arith.index_cast %add3A_596 : i32 to index
      %swap3A_600 = tpu.vector_load %arg13[%swap3A_598, %swap3A_599] {strides = array<i32>} : memref<4x4096xf32, #tpu.memory_space<vmem>>, vector<16xf32>,
      tpu.vector_store %arg13[%swap3A_598, %swap3A_599], %gather3A_592 {strides = array<i32>} : memref<4x4096xf32, #tpu.memory_space<vmem>>, vector<16xf32>,
      %add3A_601 = arith.constant 96 : i32
      %add3A_602 = vector.broadcast %add3A_601 : i32 to vector<16xi32>
      %add3A_603 = arith.addi %iota3A, %add3A_602 : vector<16xi32>
      %get3A_604 = arith.constant 96 : index
      %get3A_605 = tpu.vector_load %arg9[%get3A_604] {strides = array<i32>} : memref<128xi32, #tpu.memory_space<vmem>>, vector<16xi32>,
      %and3A_606 = arith.constant 15 : i32
      %and3A_607 = vector.broadcast %and3A_606 : i32 to vector<16xi32>
      %and3A_608 = arith.andi %get3A_605, %and3A_607 : vector<16xi32>
      %gather3A_609 = tpu.vector_load_idx %arg12[%broadcast_in_dim3A_499, %add3A_603, %and3A_608] : memref<4x128x16xf32, #tpu.memory_space<vmem>>[vector<16xi32>, vector<16xi32>, vector<16xi32>], vector<16xf32>,
      %mul3A_610 = arith.constant 128 : i32
      %mul3A_611 = arith.muli %scan3A_8, %mul3A_610 : i32
      %add3A_612 = arith.constant 96 : i32
      %add3A_613 = arith.addi %mul3A_611, %add3A_612 : i32
      %swap3A_614 = arith.constant 0 : i32
      %swap3A_615 = arith.index_cast %swap3A_614 : i32 to index
      %swap3A_616 = arith.index_cast %add3A_613 : i32 to index
      %swap3A_617 = tpu.vector_load %arg13[%swap3A_615, %swap3A_616] {strides = array<i32>} : memref<4x4096xf32, #tpu.memory_space<vmem>>, vector<16xf32>,
      tpu.vector_store %arg13[%swap3A_615, %swap3A_616], %gather3A_609 {strides = array<i32>} : memref<4x4096xf32, #tpu.memory_space<vmem>>, vector<16xf32>,
      %add3A_618 = arith.constant 112 : i32
      %add3A_619 = vector.broadcast %add3A_618 : i32 to vector<16xi32>
      %add3A_620 = arith.addi %iota3A, %add3A_619 : vector<16xi32>
      %get3A_621 = arith.constant 112 : index
      %get3A_622 = tpu.vector_load %arg9[%get3A_621] {strides = array<i32>} : memref<128xi32, #tpu.memory_space<vmem>>, vector<16xi32>,
      %and3A_623 = arith.constant 15 : i32
      %and3A_624 = vector.broadcast %and3A_623 : i32 to vector<16xi32>
      %and3A_625 = arith.andi %get3A_622, %and3A_624 : vector<16xi32>
      %gather3A_626 = tpu.vector_load_idx %arg12[%broadcast_in_dim3A_499, %add3A_620, %and3A_625] : memref<4x128x16xf32, #tpu.memory_space<vmem>>[vector<16xi32>, vector<16xi32>, vector<16xi32>], vector<16xf32>,
      %mul3A_627 = arith.constant 128 : i32
      %mul3A_628 = arith.muli %scan3A_8, %mul3A_627 : i32
      %add3A_629 = arith.constant 112 : i32
      %add3A_630 = arith.addi %mul3A_628, %add3A_629 : i32
      %swap3A_631 = arith.constant 0 : i32
      %swap3A_632 = arith.index_cast %swap3A_631 : i32 to index
      %swap3A_633 = arith.index_cast %add3A_630 : i32 to index
      %swap3A_634 = tpu.vector_load %arg13[%swap3A_632, %swap3A_633] {strides = array<i32>} : memref<4x4096xf32, #tpu.memory_space<vmem>>, vector<16xf32>,
      tpu.vector_store %arg13[%swap3A_632, %swap3A_633], %gather3A_626 {strides = array<i32>} : memref<4x4096xf32, #tpu.memory_space<vmem>>, vector<16xf32>,
      %broadcast_in_dim3A_635 = arith.constant 1 : i32
      %broadcast_in_dim3A_636 = vector.broadcast %broadcast_in_dim3A_635 : i32 to vector<16xi32>
      %add3A_637 = arith.constant 0 : i32
      %add3A_638 = vector.broadcast %add3A_637 : i32 to vector<16xi32>
      %add3A_639 = arith.addi %iota3A, %add3A_638 : vector<16xi32>
      %get3A_640 = arith.constant 0 : index
      %get3A_641 = tpu.vector_load %arg9[%get3A_640] {strides = array<i32>} : memref<128xi32, #tpu.memory_space<vmem>>, vector<16xi32>,
      %and3A_642 = arith.constant 15 : i32
      %and3A_643 = vector.broadcast %and3A_642 : i32 to vector<16xi32>
      %and3A_644 = arith.andi %get3A_641, %and3A_643 : vector<16xi32>
      %gather3A_645 = tpu.vector_load_idx %arg12[%broadcast_in_dim3A_636, %add3A_639, %and3A_644] : memref<4x128x16xf32, #tpu.memory_space<vmem>>[vector<16xi32>, vector<16xi32>, vector<16xi32>], vector<16xf32>,
      %mul3A_646 = arith.constant 128 : i32
      %mul3A_647 = arith.muli %scan3A_8, %mul3A_646 : i32
      %add3A_648 = arith.constant 0 : i32
      %add3A_649 = arith.addi %mul3A_647, %add3A_648 : i32
      %swap3A_650 = arith.constant 1 : i32
      %swap3A_651 = arith.index_cast %swap3A_650 : i32 to index
      %swap3A_652 = arith.index_cast %add3A_649 : i32 to index
      %swap3A_653 = tpu.vector_load %arg13[%swap3A_651, %swap3A_652] {strides = array<i32>} : memref<4x4096xf32, #tpu.memory_space<vmem>>, vector<16xf32>,
      tpu.vector_store %arg13[%swap3A_651, %swap3A_652], %gather3A_645 {strides = array<i32>} : memref<4x4096xf32, #tpu.memory_space<vmem>>, vector<16xf32>,
      %add3A_654 = arith.constant 16 : i32
      %add3A_655 = vector.broadcast %add3A_654 : i32 to vector<16xi32>
      %add3A_656 = arith.addi %iota3A, %add3A_655 : vector<16xi32>
      %get3A_657 = arith.constant 16 : index
      %get3A_658 = tpu.vector_load %arg9[%get3A_657] {strides = array<i32>} : memref<128xi32, #tpu.memory_space<vmem>>, vector<16xi32>,
      %and3A_659 = arith.constant 15 : i32
      %and3A_660 = vector.broadcast %and3A_659 : i32 to vector<16xi32>
      %and3A_661 = arith.andi %get3A_658, %and3A_660 : vector<16xi32>
      %gather3A_662 = tpu.vector_load_idx %arg12[%broadcast_in_dim3A_636, %add3A_656, %and3A_661] : memref<4x128x16xf32, #tpu.memory_space<vmem>>[vector<16xi32>, vector<16xi32>, vector<16xi32>], vector<16xf32>,
      %mul3A_663 = arith.constant 128 : i32
      %mul3A_664 = arith.muli %scan3A_8, %mul3A_663 : i32
      %add3A_665 = arith.constant 16 : i32
      %add3A_666 = arith.addi %mul3A_664, %add3A_665 : i32
      %swap3A_667 = arith.constant 1 : i32
      %swap3A_668 = arith.index_cast %swap3A_667 : i32 to index
      %swap3A_669 = arith.index_cast %add3A_666 : i32 to index
      %swap3A_670 = tpu.vector_load %arg13[%swap3A_668, %swap3A_669] {strides = array<i32>} : memref<4x4096xf32, #tpu.memory_space<vmem>>, vector<16xf32>,
      tpu.vector_store %arg13[%swap3A_668, %swap3A_669], %gather3A_662 {strides = array<i32>} : memref<4x4096xf32, #tpu.memory_space<vmem>>, vector<16xf32>,
      %add3A_671 = arith.constant 32 : i32
      %add3A_672 = vector.broadcast %add3A_671 : i32 to vector<16xi32>
      %add3A_673 = arith.addi %iota3A, %add3A_672 : vector<16xi32>
      %get3A_674 = arith.constant 32 : index
      %get3A_675 = tpu.vector_load %arg9[%get3A_674] {strides = array<i32>} : memref<128xi32, #tpu.memory_space<vmem>>, vector<16xi32>,
      %and3A_676 = arith.constant 15 : i32
      %and3A_677 = vector.broadcast %and3A_676 : i32 to vector<16xi32>
      %and3A_678 = arith.andi %get3A_675, %and3A_677 : vector<16xi32>
      %gather3A_679 = tpu.vector_load_idx %arg12[%broadcast_in_dim3A_636, %add3A_673, %and3A_678] : memref<4x128x16xf32, #tpu.memory_space<vmem>>[vector<16xi32>, vector<16xi32>, vector<16xi32>], vector<16xf32>,
      %mul3A_680 = arith.constant 128 : i32
      %mul3A_681 = arith.muli %scan3A_8, %mul3A_680 : i32
      %add3A_682 = arith.constant 32 : i32
      %add3A_683 = arith.addi %mul3A_681, %add3A_682 : i32
      %swap3A_684 = arith.constant 1 : i32
      %swap3A_685 = arith.index_cast %swap3A_684 : i32 to index
      %swap3A_686 = arith.index_cast %add3A_683 : i32 to index
      %swap3A_687 = tpu.vector_load %arg13[%swap3A_685, %swap3A_686] {strides = array<i32>} : memref<4x4096xf32, #tpu.memory_space<vmem>>, vector<16xf32>,
      tpu.vector_store %arg13[%swap3A_685, %swap3A_686], %gather3A_679 {strides = array<i32>} : memref<4x4096xf32, #tpu.memory_space<vmem>>, vector<16xf32>,
      %add3A_688 = arith.constant 48 : i32
      %add3A_689 = vector.broadcast %add3A_688 : i32 to vector<16xi32>
      %add3A_690 = arith.addi %iota3A, %add3A_689 : vector<16xi32>
      %get3A_691 = arith.constant 48 : index
      %get3A_692 = tpu.vector_load %arg9[%get3A_691] {strides = array<i32>} : memref<128xi32, #tpu.memory_space<vmem>>, vector<16xi32>,
      %and3A_693 = arith.constant 15 : i32
      %and3A_694 = vector.broadcast %and3A_693 : i32 to vector<16xi32>
      %and3A_695 = arith.andi %get3A_692, %and3A_694 : vector<16xi32>
      %gather3A_696 = tpu.vector_load_idx %arg12[%broadcast_in_dim3A_636, %add3A_690, %and3A_695] : memref<4x128x16xf32, #tpu.memory_space<vmem>>[vector<16xi32>, vector<16xi32>, vector<16xi32>], vector<16xf32>,
      %mul3A_697 = arith.constant 128 : i32
      %mul3A_698 = arith.muli %scan3A_8, %mul3A_697 : i32
      %add3A_699 = arith.constant 48 : i32
      %add3A_700 = arith.addi %mul3A_698, %add3A_699 : i32
      %swap3A_701 = arith.constant 1 : i32
      %swap3A_702 = arith.index_cast %swap3A_701 : i32 to index
      %swap3A_703 = arith.index_cast %add3A_700 : i32 to index
      %swap3A_704 = tpu.vector_load %arg13[%swap3A_702, %swap3A_703] {strides = array<i32>} : memref<4x4096xf32, #tpu.memory_space<vmem>>, vector<16xf32>,
      tpu.vector_store %arg13[%swap3A_702, %swap3A_703], %gather3A_696 {strides = array<i32>} : memref<4x4096xf32, #tpu.memory_space<vmem>>, vector<16xf32>,
      %add3A_705 = arith.constant 64 : i32
      %add3A_706 = vector.broadcast %add3A_705 : i32 to vector<16xi32>
      %add3A_707 = arith.addi %iota3A, %add3A_706 : vector<16xi32>
      %get3A_708 = arith.constant 64 : index
      %get3A_709 = tpu.vector_load %arg9[%get3A_708] {strides = array<i32>} : memref<128xi32, #tpu.memory_space<vmem>>, vector<16xi32>,
      %and3A_710 = arith.constant 15 : i32
      %and3A_711 = vector.broadcast %and3A_710 : i32 to vector<16xi32>
      %and3A_712 = arith.andi %get3A_709, %and3A_711 : vector<16xi32>
      %gather3A_713 = tpu.vector_load_idx %arg12[%broadcast_in_dim3A_636, %add3A_707, %and3A_712] : memref<4x128x16xf32, #tpu.memory_space<vmem>>[vector<16xi32>, vector<16xi32>, vector<16xi32>], vector<16xf32>,
      %mul3A_714 = arith.constant 128 : i32
      %mul3A_715 = arith.muli %scan3A_8, %mul3A_714 : i32
      %add3A_716 = arith.constant 64 : i32
      %add3A_717 = arith.addi %mul3A_715, %add3A_716 : i32
      %swap3A_718 = arith.constant 1 : i32
      %swap3A_719 = arith.index_cast %swap3A_718 : i32 to index
      %swap3A_720 = arith.index_cast %add3A_717 : i32 to index
      %swap3A_721 = tpu.vector_load %arg13[%swap3A_719, %swap3A_720] {strides = array<i32>} : memref<4x4096xf32, #tpu.memory_space<vmem>>, vector<16xf32>,
      tpu.vector_store %arg13[%swap3A_719, %swap3A_720], %gather3A_713 {strides = array<i32>} : memref<4x4096xf32, #tpu.memory_space<vmem>>, vector<16xf32>,
      %add3A_722 = arith.constant 80 : i32
      %add3A_723 = vector.broadcast %add3A_722 : i32 to vector<16xi32>
      %add3A_724 = arith.addi %iota3A, %add3A_723 : vector<16xi32>
      %get3A_725 = arith.constant 80 : index
      %get3A_726 = tpu.vector_load %arg9[%get3A_725] {strides = array<i32>} : memref<128xi32, #tpu.memory_space<vmem>>, vector<16xi32>,
      %and3A_727 = arith.constant 15 : i32
      %and3A_728 = vector.broadcast %and3A_727 : i32 to vector<16xi32>
      %and3A_729 = arith.andi %get3A_726, %and3A_728 : vector<16xi32>
      %gather3A_730 = tpu.vector_load_idx %arg12[%broadcast_in_dim3A_636, %add3A_724, %and3A_729] : memref<4x128x16xf32, #tpu.memory_space<vmem>>[vector<16xi32>, vector<16xi32>, vector<16xi32>], vector<16xf32>,
      %mul3A_731 = arith.constant 128 : i32
      %mul3A_732 = arith.muli %scan3A_8, %mul3A_731 : i32
      %add3A_733 = arith.constant 80 : i32
      %add3A_734 = arith.addi %mul3A_732, %add3A_733 : i32
      %swap3A_735 = arith.constant 1 : i32
      %swap3A_736 = arith.index_cast %swap3A_735 : i32 to index
      %swap3A_737 = arith.index_cast %add3A_734 : i32 to index
      %swap3A_738 = tpu.vector_load %arg13[%swap3A_736, %swap3A_737] {strides = array<i32>} : memref<4x4096xf32, #tpu.memory_space<vmem>>, vector<16xf32>,
      tpu.vector_store %arg13[%swap3A_736, %swap3A_737], %gather3A_730 {strides = array<i32>} : memref<4x4096xf32, #tpu.memory_space<vmem>>, vector<16xf32>,
      %add3A_739 = arith.constant 96 : i32
      %add3A_740 = vector.broadcast %add3A_739 : i32 to vector<16xi32>
      %add3A_741 = arith.addi %iota3A, %add3A_740 : vector<16xi32>
      %get3A_742 = arith.constant 96 : index
      %get3A_743 = tpu.vector_load %arg9[%get3A_742] {strides = array<i32>} : memref<128xi32, #tpu.memory_space<vmem>>, vector<16xi32>,
      %and3A_744 = arith.constant 15 : i32
      %and3A_745 = vector.broadcast %and3A_744 : i32 to vector<16xi32>
      %and3A_746 = arith.andi %get3A_743, %and3A_745 : vector<16xi32>
      %gather3A_747 = tpu.vector_load_idx %arg12[%broadcast_in_dim3A_636, %add3A_741, %and3A_746] : memref<4x128x16xf32, #tpu.memory_space<vmem>>[vector<16xi32>, vector<16xi32>, vector<16xi32>], vector<16xf32>,
      %mul3A_748 = arith.constant 128 : i32
      %mul3A_749 = arith.muli %scan3A_8, %mul3A_748 : i32
      %add3A_750 = arith.constant 96 : i32
      %add3A_751 = arith.addi %mul3A_749, %add3A_750 : i32
      %swap3A_752 = arith.constant 1 : i32
      %swap3A_753 = arith.index_cast %swap3A_752 : i32 to index
      %swap3A_754 = arith.index_cast %add3A_751 : i32 to index
      %swap3A_755 = tpu.vector_load %arg13[%swap3A_753, %swap3A_754] {strides = array<i32>} : memref<4x4096xf32, #tpu.memory_space<vmem>>, vector<16xf32>,
      tpu.vector_store %arg13[%swap3A_753, %swap3A_754], %gather3A_747 {strides = array<i32>} : memref<4x4096xf32, #tpu.memory_space<vmem>>, vector<16xf32>,
      %add3A_756 = arith.constant 112 : i32
      %add3A_757 = vector.broadcast %add3A_756 : i32 to vector<16xi32>
      %add3A_758 = arith.addi %iota3A, %add3A_757 : vector<16xi32>
      %get3A_759 = arith.constant 112 : index
      %get3A_760 = tpu.vector_load %arg9[%get3A_759] {strides = array<i32>} : memref<128xi32, #tpu.memory_space<vmem>>, vector<16xi32>,
      %and3A_761 = arith.constant 15 : i32
      %and3A_762 = vector.broadcast %and3A_761 : i32 to vector<16xi32>
      %and3A_763 = arith.andi %get3A_760, %and3A_762 : vector<16xi32>
      %gather3A_764 = tpu.vector_load_idx %arg12[%broadcast_in_dim3A_636, %add3A_758, %and3A_763] : memref<4x128x16xf32, #tpu.memory_space<vmem>>[vector<16xi32>, vector<16xi32>, vector<16xi32>], vector<16xf32>,
      %mul3A_765 = arith.constant 128 : i32
      %mul3A_766 = arith.muli %scan3A_8, %mul3A_765 : i32
      %add3A_767 = arith.constant 112 : i32
      %add3A_768 = arith.addi %mul3A_766, %add3A_767 : i32
      %swap3A_769 = arith.constant 1 : i32
      %swap3A_770 = arith.index_cast %swap3A_769 : i32 to index
      %swap3A_771 = arith.index_cast %add3A_768 : i32 to index
      %swap3A_772 = tpu.vector_load %arg13[%swap3A_770, %swap3A_771] {strides = array<i32>} : memref<4x4096xf32, #tpu.memory_space<vmem>>, vector<16xf32>,
      tpu.vector_store %arg13[%swap3A_770, %swap3A_771], %gather3A_764 {strides = array<i32>} : memref<4x4096xf32, #tpu.memory_space<vmem>>, vector<16xf32>,
      %broadcast_in_dim3A_773 = arith.constant 2 : i32
      %broadcast_in_dim3A_774 = vector.broadcast %broadcast_in_dim3A_773 : i32 to vector<16xi32>
      %add3A_775 = arith.constant 0 : i32
      %add3A_776 = vector.broadcast %add3A_775 : i32 to vector<16xi32>
      %add3A_777 = arith.addi %iota3A, %add3A_776 : vector<16xi32>
      %get3A_778 = arith.constant 0 : index
      %get3A_779 = tpu.vector_load %arg9[%get3A_778] {strides = array<i32>} : memref<128xi32, #tpu.memory_space<vmem>>, vector<16xi32>,
      %and3A_780 = arith.constant 15 : i32
      %and3A_781 = vector.broadcast %and3A_780 : i32 to vector<16xi32>
      %and3A_782 = arith.andi %get3A_779, %and3A_781 : vector<16xi32>
      %gather3A_783 = tpu.vector_load_idx %arg12[%broadcast_in_dim3A_774, %add3A_777, %and3A_782] : memref<4x128x16xf32, #tpu.memory_space<vmem>>[vector<16xi32>, vector<16xi32>, vector<16xi32>], vector<16xf32>,
      %mul3A_784 = arith.constant 128 : i32
      %mul3A_785 = arith.muli %scan3A_8, %mul3A_784 : i32
      %add3A_786 = arith.constant 0 : i32
      %add3A_787 = arith.addi %mul3A_785, %add3A_786 : i32
      %swap3A_788 = arith.constant 2 : i32
      %swap3A_789 = arith.index_cast %swap3A_788 : i32 to index
      %swap3A_790 = arith.index_cast %add3A_787 : i32 to index
      %swap3A_791 = tpu.vector_load %arg13[%swap3A_789, %swap3A_790] {strides = array<i32>} : memref<4x4096xf32, #tpu.memory_space<vmem>>, vector<16xf32>,
      tpu.vector_store %arg13[%swap3A_789, %swap3A_790], %gather3A_783 {strides = array<i32>} : memref<4x4096xf32, #tpu.memory_space<vmem>>, vector<16xf32>,
      %add3A_792 = arith.constant 16 : i32
      %add3A_793 = vector.broadcast %add3A_792 : i32 to vector<16xi32>
      %add3A_794 = arith.addi %iota3A, %add3A_793 : vector<16xi32>
      %get3A_795 = arith.constant 16 : index
      %get3A_796 = tpu.vector_load %arg9[%get3A_795] {strides = array<i32>} : memref<128xi32, #tpu.memory_space<vmem>>, vector<16xi32>,
      %and3A_797 = arith.constant 15 : i32
      %and3A_798 = vector.broadcast %and3A_797 : i32 to vector<16xi32>
      %and3A_799 = arith.andi %get3A_796, %and3A_798 : vector<16xi32>
      %gather3A_800 = tpu.vector_load_idx %arg12[%broadcast_in_dim3A_774, %add3A_794, %and3A_799] : memref<4x128x16xf32, #tpu.memory_space<vmem>>[vector<16xi32>, vector<16xi32>, vector<16xi32>], vector<16xf32>,
      %mul3A_801 = arith.constant 128 : i32
      %mul3A_802 = arith.muli %scan3A_8, %mul3A_801 : i32
      %add3A_803 = arith.constant 16 : i32
      %add3A_804 = arith.addi %mul3A_802, %add3A_803 : i32
      %swap3A_805 = arith.constant 2 : i32
      %swap3A_806 = arith.index_cast %swap3A_805 : i32 to index
      %swap3A_807 = arith.index_cast %add3A_804 : i32 to index
      %swap3A_808 = tpu.vector_load %arg13[%swap3A_806, %swap3A_807] {strides = array<i32>} : memref<4x4096xf32, #tpu.memory_space<vmem>>, vector<16xf32>,
      tpu.vector_store %arg13[%swap3A_806, %swap3A_807], %gather3A_800 {strides = array<i32>} : memref<4x4096xf32, #tpu.memory_space<vmem>>, vector<16xf32>,
      %add3A_809 = arith.constant 32 : i32
      %add3A_810 = vector.broadcast %add3A_809 : i32 to vector<16xi32>
      %add3A_811 = arith.addi %iota3A, %add3A_810 : vector<16xi32>
      %get3A_812 = arith.constant 32 : index
      %get3A_813 = tpu.vector_load %arg9[%get3A_812] {strides = array<i32>} : memref<128xi32, #tpu.memory_space<vmem>>, vector<16xi32>,
      %and3A_814 = arith.constant 15 : i32
      %and3A_815 = vector.broadcast %and3A_814 : i32 to vector<16xi32>
      %and3A_816 = arith.andi %get3A_813, %and3A_815 : vector<16xi32>
      %gather3A_817 = tpu.vector_load_idx %arg12[%broadcast_in_dim3A_774, %add3A_811, %and3A_816] : memref<4x128x16xf32, #tpu.memory_space<vmem>>[vector<16xi32>, vector<16xi32>, vector<16xi32>], vector<16xf32>,
      %mul3A_818 = arith.constant 128 : i32
      %mul3A_819 = arith.muli %scan3A_8, %mul3A_818 : i32
      %add3A_820 = arith.constant 32 : i32
      %add3A_821 = arith.addi %mul3A_819, %add3A_820 : i32
      %swap3A_822 = arith.constant 2 : i32
      %swap3A_823 = arith.index_cast %swap3A_822 : i32 to index
      %swap3A_824 = arith.index_cast %add3A_821 : i32 to index
      %swap3A_825 = tpu.vector_load %arg13[%swap3A_823, %swap3A_824] {strides = array<i32>} : memref<4x4096xf32, #tpu.memory_space<vmem>>, vector<16xf32>,
      tpu.vector_store %arg13[%swap3A_823, %swap3A_824], %gather3A_817 {strides = array<i32>} : memref<4x4096xf32, #tpu.memory_space<vmem>>, vector<16xf32>,
      %add3A_826 = arith.constant 48 : i32
      %add3A_827 = vector.broadcast %add3A_826 : i32 to vector<16xi32>
      %add3A_828 = arith.addi %iota3A, %add3A_827 : vector<16xi32>
      %get3A_829 = arith.constant 48 : index
      %get3A_830 = tpu.vector_load %arg9[%get3A_829] {strides = array<i32>} : memref<128xi32, #tpu.memory_space<vmem>>, vector<16xi32>,
      %and3A_831 = arith.constant 15 : i32
      %and3A_832 = vector.broadcast %and3A_831 : i32 to vector<16xi32>
      %and3A_833 = arith.andi %get3A_830, %and3A_832 : vector<16xi32>
      %gather3A_834 = tpu.vector_load_idx %arg12[%broadcast_in_dim3A_774, %add3A_828, %and3A_833] : memref<4x128x16xf32, #tpu.memory_space<vmem>>[vector<16xi32>, vector<16xi32>, vector<16xi32>], vector<16xf32>,
      %mul3A_835 = arith.constant 128 : i32
      %mul3A_836 = arith.muli %scan3A_8, %mul3A_835 : i32
      %add3A_837 = arith.constant 48 : i32
      %add3A_838 = arith.addi %mul3A_836, %add3A_837 : i32
      %swap3A_839 = arith.constant 2 : i32
      %swap3A_840 = arith.index_cast %swap3A_839 : i32 to index
      %swap3A_841 = arith.index_cast %add3A_838 : i32 to index
      %swap3A_842 = tpu.vector_load %arg13[%swap3A_840, %swap3A_841] {strides = array<i32>} : memref<4x4096xf32, #tpu.memory_space<vmem>>, vector<16xf32>,
      tpu.vector_store %arg13[%swap3A_840, %swap3A_841], %gather3A_834 {strides = array<i32>} : memref<4x4096xf32, #tpu.memory_space<vmem>>, vector<16xf32>,
      %add3A_843 = arith.constant 64 : i32
      %add3A_844 = vector.broadcast %add3A_843 : i32 to vector<16xi32>
      %add3A_845 = arith.addi %iota3A, %add3A_844 : vector<16xi32>
      %get3A_846 = arith.constant 64 : index
      %get3A_847 = tpu.vector_load %arg9[%get3A_846] {strides = array<i32>} : memref<128xi32, #tpu.memory_space<vmem>>, vector<16xi32>,
      %and3A_848 = arith.constant 15 : i32
      %and3A_849 = vector.broadcast %and3A_848 : i32 to vector<16xi32>
      %and3A_850 = arith.andi %get3A_847, %and3A_849 : vector<16xi32>
      %gather3A_851 = tpu.vector_load_idx %arg12[%broadcast_in_dim3A_774, %add3A_845, %and3A_850] : memref<4x128x16xf32, #tpu.memory_space<vmem>>[vector<16xi32>, vector<16xi32>, vector<16xi32>], vector<16xf32>,
      %mul3A_852 = arith.constant 128 : i32
      %mul3A_853 = arith.muli %scan3A_8, %mul3A_852 : i32
      %add3A_854 = arith.constant 64 : i32
      %add3A_855 = arith.addi %mul3A_853, %add3A_854 : i32
      %swap3A_856 = arith.constant 2 : i32
      %swap3A_857 = arith.index_cast %swap3A_856 : i32 to index
      %swap3A_858 = arith.index_cast %add3A_855 : i32 to index
      %swap3A_859 = tpu.vector_load %arg13[%swap3A_857, %swap3A_858] {strides = array<i32>} : memref<4x4096xf32, #tpu.memory_space<vmem>>, vector<16xf32>,
      tpu.vector_store %arg13[%swap3A_857, %swap3A_858], %gather3A_851 {strides = array<i32>} : memref<4x4096xf32, #tpu.memory_space<vmem>>, vector<16xf32>,
      %add3A_860 = arith.constant 80 : i32
      %add3A_861 = vector.broadcast %add3A_860 : i32 to vector<16xi32>
      %add3A_862 = arith.addi %iota3A, %add3A_861 : vector<16xi32>
      %get3A_863 = arith.constant 80 : index
      %get3A_864 = tpu.vector_load %arg9[%get3A_863] {strides = array<i32>} : memref<128xi32, #tpu.memory_space<vmem>>, vector<16xi32>,
      %and3A_865 = arith.constant 15 : i32
      %and3A_866 = vector.broadcast %and3A_865 : i32 to vector<16xi32>
      %and3A_867 = arith.andi %get3A_864, %and3A_866 : vector<16xi32>
      %gather3A_868 = tpu.vector_load_idx %arg12[%broadcast_in_dim3A_774, %add3A_862, %and3A_867] : memref<4x128x16xf32, #tpu.memory_space<vmem>>[vector<16xi32>, vector<16xi32>, vector<16xi32>], vector<16xf32>,
      %mul3A_869 = arith.constant 128 : i32
      %mul3A_870 = arith.muli %scan3A_8, %mul3A_869 : i32
      %add3A_871 = arith.constant 80 : i32
      %add3A_872 = arith.addi %mul3A_870, %add3A_871 : i32
      %swap3A_873 = arith.constant 2 : i32
      %swap3A_874 = arith.index_cast %swap3A_873 : i32 to index
      %swap3A_875 = arith.index_cast %add3A_872 : i32 to index
      %swap3A_876 = tpu.vector_load %arg13[%swap3A_874, %swap3A_875] {strides = array<i32>} : memref<4x4096xf32, #tpu.memory_space<vmem>>, vector<16xf32>,
      tpu.vector_store %arg13[%swap3A_874, %swap3A_875], %gather3A_868 {strides = array<i32>} : memref<4x4096xf32, #tpu.memory_space<vmem>>, vector<16xf32>,
      %add3A_877 = arith.constant 96 : i32
      %add3A_878 = vector.broadcast %add3A_877 : i32 to vector<16xi32>
      %add3A_879 = arith.addi %iota3A, %add3A_878 : vector<16xi32>
      %get3A_880 = arith.constant 96 : index
      %get3A_881 = tpu.vector_load %arg9[%get3A_880] {strides = array<i32>} : memref<128xi32, #tpu.memory_space<vmem>>, vector<16xi32>,
      %and3A_882 = arith.constant 15 : i32
      %and3A_883 = vector.broadcast %and3A_882 : i32 to vector<16xi32>
      %and3A_884 = arith.andi %get3A_881, %and3A_883 : vector<16xi32>
      %gather3A_885 = tpu.vector_load_idx %arg12[%broadcast_in_dim3A_774, %add3A_879, %and3A_884] : memref<4x128x16xf32, #tpu.memory_space<vmem>>[vector<16xi32>, vector<16xi32>, vector<16xi32>], vector<16xf32>,
      %mul3A_886 = arith.constant 128 : i32
      %mul3A_887 = arith.muli %scan3A_8, %mul3A_886 : i32
      %add3A_888 = arith.constant 96 : i32
      %add3A_889 = arith.addi %mul3A_887, %add3A_888 : i32
      %swap3A_890 = arith.constant 2 : i32
      %swap3A_891 = arith.index_cast %swap3A_890 : i32 to index
      %swap3A_892 = arith.index_cast %add3A_889 : i32 to index
      %swap3A_893 = tpu.vector_load %arg13[%swap3A_891, %swap3A_892] {strides = array<i32>} : memref<4x4096xf32, #tpu.memory_space<vmem>>, vector<16xf32>,
      tpu.vector_store %arg13[%swap3A_891, %swap3A_892], %gather3A_885 {strides = array<i32>} : memref<4x4096xf32, #tpu.memory_space<vmem>>, vector<16xf32>,
      %add3A_894 = arith.constant 112 : i32
      %add3A_895 = vector.broadcast %add3A_894 : i32 to vector<16xi32>
      %add3A_896 = arith.addi %iota3A, %add3A_895 : vector<16xi32>
      %get3A_897 = arith.constant 112 : index
      %get3A_898 = tpu.vector_load %arg9[%get3A_897] {strides = array<i32>} : memref<128xi32, #tpu.memory_space<vmem>>, vector<16xi32>,
      %and3A_899 = arith.constant 15 : i32
      %and3A_900 = vector.broadcast %and3A_899 : i32 to vector<16xi32>
      %and3A_901 = arith.andi %get3A_898, %and3A_900 : vector<16xi32>
      %gather3A_902 = tpu.vector_load_idx %arg12[%broadcast_in_dim3A_774, %add3A_896, %and3A_901] : memref<4x128x16xf32, #tpu.memory_space<vmem>>[vector<16xi32>, vector<16xi32>, vector<16xi32>], vector<16xf32>,
      %mul3A_903 = arith.constant 128 : i32
      %mul3A_904 = arith.muli %scan3A_8, %mul3A_903 : i32
      %add3A_905 = arith.constant 112 : i32
      %add3A_906 = arith.addi %mul3A_904, %add3A_905 : i32
      %swap3A_907 = arith.constant 2 : i32
      %swap3A_908 = arith.index_cast %swap3A_907 : i32 to index
      %swap3A_909 = arith.index_cast %add3A_906 : i32 to index
      %swap3A_910 = tpu.vector_load %arg13[%swap3A_908, %swap3A_909] {strides = array<i32>} : memref<4x4096xf32, #tpu.memory_space<vmem>>, vector<16xf32>,
      tpu.vector_store %arg13[%swap3A_908, %swap3A_909], %gather3A_902 {strides = array<i32>} : memref<4x4096xf32, #tpu.memory_space<vmem>>, vector<16xf32>,
      %broadcast_in_dim3A_911 = arith.constant 3 : i32
      %broadcast_in_dim3A_912 = vector.broadcast %broadcast_in_dim3A_911 : i32 to vector<16xi32>
      %add3A_913 = arith.constant 0 : i32
      %add3A_914 = vector.broadcast %add3A_913 : i32 to vector<16xi32>
      %add3A_915 = arith.addi %iota3A, %add3A_914 : vector<16xi32>
      %get3A_916 = arith.constant 0 : index
      %get3A_917 = tpu.vector_load %arg9[%get3A_916] {strides = array<i32>} : memref<128xi32, #tpu.memory_space<vmem>>, vector<16xi32>,
      %and3A_918 = arith.constant 15 : i32
      %and3A_919 = vector.broadcast %and3A_918 : i32 to vector<16xi32>
      %and3A_920 = arith.andi %get3A_917, %and3A_919 : vector<16xi32>
      %gather3A_921 = tpu.vector_load_idx %arg12[%broadcast_in_dim3A_912, %add3A_915, %and3A_920] : memref<4x128x16xf32, #tpu.memory_space<vmem>>[vector<16xi32>, vector<16xi32>, vector<16xi32>], vector<16xf32>,
      %mul3A_922 = arith.constant 128 : i32
      %mul3A_923 = arith.muli %scan3A_8, %mul3A_922 : i32
      %add3A_924 = arith.constant 0 : i32
      %add3A_925 = arith.addi %mul3A_923, %add3A_924 : i32
      %swap3A_926 = arith.constant 3 : i32
      %swap3A_927 = arith.index_cast %swap3A_926 : i32 to index
      %swap3A_928 = arith.index_cast %add3A_925 : i32 to index
      %swap3A_929 = tpu.vector_load %arg13[%swap3A_927, %swap3A_928] {strides = array<i32>} : memref<4x4096xf32, #tpu.memory_space<vmem>>, vector<16xf32>,
      tpu.vector_store %arg13[%swap3A_927, %swap3A_928], %gather3A_921 {strides = array<i32>} : memref<4x4096xf32, #tpu.memory_space<vmem>>, vector<16xf32>,
      %add3A_930 = arith.constant 16 : i32
      %add3A_931 = vector.broadcast %add3A_930 : i32 to vector<16xi32>
      %add3A_932 = arith.addi %iota3A, %add3A_931 : vector<16xi32>
      %get3A_933 = arith.constant 16 : index
      %get3A_934 = tpu.vector_load %arg9[%get3A_933] {strides = array<i32>} : memref<128xi32, #tpu.memory_space<vmem>>, vector<16xi32>,
      %and3A_935 = arith.constant 15 : i32
      %and3A_936 = vector.broadcast %and3A_935 : i32 to vector<16xi32>
      %and3A_937 = arith.andi %get3A_934, %and3A_936 : vector<16xi32>
      %gather3A_938 = tpu.vector_load_idx %arg12[%broadcast_in_dim3A_912, %add3A_932, %and3A_937] : memref<4x128x16xf32, #tpu.memory_space<vmem>>[vector<16xi32>, vector<16xi32>, vector<16xi32>], vector<16xf32>,
      %mul3A_939 = arith.constant 128 : i32
      %mul3A_940 = arith.muli %scan3A_8, %mul3A_939 : i32
      %add3A_941 = arith.constant 16 : i32
      %add3A_942 = arith.addi %mul3A_940, %add3A_941 : i32
      %swap3A_943 = arith.constant 3 : i32
      %swap3A_944 = arith.index_cast %swap3A_943 : i32 to index
      %swap3A_945 = arith.index_cast %add3A_942 : i32 to index
      %swap3A_946 = tpu.vector_load %arg13[%swap3A_944, %swap3A_945] {strides = array<i32>} : memref<4x4096xf32, #tpu.memory_space<vmem>>, vector<16xf32>,
      tpu.vector_store %arg13[%swap3A_944, %swap3A_945], %gather3A_938 {strides = array<i32>} : memref<4x4096xf32, #tpu.memory_space<vmem>>, vector<16xf32>,
      %add3A_947 = arith.constant 32 : i32
      %add3A_948 = vector.broadcast %add3A_947 : i32 to vector<16xi32>
      %add3A_949 = arith.addi %iota3A, %add3A_948 : vector<16xi32>
      %get3A_950 = arith.constant 32 : index
      %get3A_951 = tpu.vector_load %arg9[%get3A_950] {strides = array<i32>} : memref<128xi32, #tpu.memory_space<vmem>>, vector<16xi32>,
      %and3A_952 = arith.constant 15 : i32
      %and3A_953 = vector.broadcast %and3A_952 : i32 to vector<16xi32>
      %and3A_954 = arith.andi %get3A_951, %and3A_953 : vector<16xi32>
      %gather3A_955 = tpu.vector_load_idx %arg12[%broadcast_in_dim3A_912, %add3A_949, %and3A_954] : memref<4x128x16xf32, #tpu.memory_space<vmem>>[vector<16xi32>, vector<16xi32>, vector<16xi32>], vector<16xf32>,
      %mul3A_956 = arith.constant 128 : i32
      %mul3A_957 = arith.muli %scan3A_8, %mul3A_956 : i32
      %add3A_958 = arith.constant 32 : i32
      %add3A_959 = arith.addi %mul3A_957, %add3A_958 : i32
      %swap3A_960 = arith.constant 3 : i32
      %swap3A_961 = arith.index_cast %swap3A_960 : i32 to index
      %swap3A_962 = arith.index_cast %add3A_959 : i32 to index
      %swap3A_963 = tpu.vector_load %arg13[%swap3A_961, %swap3A_962] {strides = array<i32>} : memref<4x4096xf32, #tpu.memory_space<vmem>>, vector<16xf32>,
      tpu.vector_store %arg13[%swap3A_961, %swap3A_962], %gather3A_955 {strides = array<i32>} : memref<4x4096xf32, #tpu.memory_space<vmem>>, vector<16xf32>,
      %add3A_964 = arith.constant 48 : i32
      %add3A_965 = vector.broadcast %add3A_964 : i32 to vector<16xi32>
      %add3A_966 = arith.addi %iota3A, %add3A_965 : vector<16xi32>
      %get3A_967 = arith.constant 48 : index
      %get3A_968 = tpu.vector_load %arg9[%get3A_967] {strides = array<i32>} : memref<128xi32, #tpu.memory_space<vmem>>, vector<16xi32>,
      %and3A_969 = arith.constant 15 : i32
      %and3A_970 = vector.broadcast %and3A_969 : i32 to vector<16xi32>
      %and3A_971 = arith.andi %get3A_968, %and3A_970 : vector<16xi32>
      %gather3A_972 = tpu.vector_load_idx %arg12[%broadcast_in_dim3A_912, %add3A_966, %and3A_971] : memref<4x128x16xf32, #tpu.memory_space<vmem>>[vector<16xi32>, vector<16xi32>, vector<16xi32>], vector<16xf32>,
      %mul3A_973 = arith.constant 128 : i32
      %mul3A_974 = arith.muli %scan3A_8, %mul3A_973 : i32
      %add3A_975 = arith.constant 48 : i32
      %add3A_976 = arith.addi %mul3A_974, %add3A_975 : i32
      %swap3A_977 = arith.constant 3 : i32
      %swap3A_978 = arith.index_cast %swap3A_977 : i32 to index
      %swap3A_979 = arith.index_cast %add3A_976 : i32 to index
      %swap3A_980 = tpu.vector_load %arg13[%swap3A_978, %swap3A_979] {strides = array<i32>} : memref<4x4096xf32, #tpu.memory_space<vmem>>, vector<16xf32>,
      tpu.vector_store %arg13[%swap3A_978, %swap3A_979], %gather3A_972 {strides = array<i32>} : memref<4x4096xf32, #tpu.memory_space<vmem>>, vector<16xf32>,
      %add3A_981 = arith.constant 64 : i32
      %add3A_982 = vector.broadcast %add3A_981 : i32 to vector<16xi32>
      %add3A_983 = arith.addi %iota3A, %add3A_982 : vector<16xi32>
      %get3A_984 = arith.constant 64 : index
      %get3A_985 = tpu.vector_load %arg9[%get3A_984] {strides = array<i32>} : memref<128xi32, #tpu.memory_space<vmem>>, vector<16xi32>,
      %and3A_986 = arith.constant 15 : i32
      %and3A_987 = vector.broadcast %and3A_986 : i32 to vector<16xi32>
      %and3A_988 = arith.andi %get3A_985, %and3A_987 : vector<16xi32>
      %gather3A_989 = tpu.vector_load_idx %arg12[%broadcast_in_dim3A_912, %add3A_983, %and3A_988] : memref<4x128x16xf32, #tpu.memory_space<vmem>>[vector<16xi32>, vector<16xi32>, vector<16xi32>], vector<16xf32>,
      %mul3A_990 = arith.constant 128 : i32
      %mul3A_991 = arith.muli %scan3A_8, %mul3A_990 : i32
      %add3A_992 = arith.constant 64 : i32
      %add3A_993 = arith.addi %mul3A_991, %add3A_992 : i32
      %swap3A_994 = arith.constant 3 : i32
      %swap3A_995 = arith.index_cast %swap3A_994 : i32 to index
      %swap3A_996 = arith.index_cast %add3A_993 : i32 to index
      %swap3A_997 = tpu.vector_load %arg13[%swap3A_995, %swap3A_996] {strides = array<i32>} : memref<4x4096xf32, #tpu.memory_space<vmem>>, vector<16xf32>,
      tpu.vector_store %arg13[%swap3A_995, %swap3A_996], %gather3A_989 {strides = array<i32>} : memref<4x4096xf32, #tpu.memory_space<vmem>>, vector<16xf32>,
      %add3A_998 = arith.constant 80 : i32
      %add3A_999 = vector.broadcast %add3A_998 : i32 to vector<16xi32>
      %add3A_1000 = arith.addi %iota3A, %add3A_999 : vector<16xi32>
      %get3A_1001 = arith.constant 80 : index
      %get3A_1002 = tpu.vector_load %arg9[%get3A_1001] {strides = array<i32>} : memref<128xi32, #tpu.memory_space<vmem>>, vector<16xi32>,
      %and3A_1003 = arith.constant 15 : i32
      %and3A_1004 = vector.broadcast %and3A_1003 : i32 to vector<16xi32>
      %and3A_1005 = arith.andi %get3A_1002, %and3A_1004 : vector<16xi32>
      %gather3A_1006 = tpu.vector_load_idx %arg12[%broadcast_in_dim3A_912, %add3A_1000, %and3A_1005] : memref<4x128x16xf32, #tpu.memory_space<vmem>>[vector<16xi32>, vector<16xi32>, vector<16xi32>], vector<16xf32>,
      %mul3A_1007 = arith.constant 128 : i32
      %mul3A_1008 = arith.muli %scan3A_8, %mul3A_1007 : i32
      %add3A_1009 = arith.constant 80 : i32
      %add3A_1010 = arith.addi %mul3A_1008, %add3A_1009 : i32
      %swap3A_1011 = arith.constant 3 : i32
      %swap3A_1012 = arith.index_cast %swap3A_1011 : i32 to index
      %swap3A_1013 = arith.index_cast %add3A_1010 : i32 to index
      %swap3A_1014 = tpu.vector_load %arg13[%swap3A_1012, %swap3A_1013] {strides = array<i32>} : memref<4x4096xf32, #tpu.memory_space<vmem>>, vector<16xf32>,
      tpu.vector_store %arg13[%swap3A_1012, %swap3A_1013], %gather3A_1006 {strides = array<i32>} : memref<4x4096xf32, #tpu.memory_space<vmem>>, vector<16xf32>,
      %add3A_1015 = arith.constant 96 : i32
      %add3A_1016 = vector.broadcast %add3A_1015 : i32 to vector<16xi32>
      %add3A_1017 = arith.addi %iota3A, %add3A_1016 : vector<16xi32>
      %get3A_1018 = arith.constant 96 : index
      %get3A_1019 = tpu.vector_load %arg9[%get3A_1018] {strides = array<i32>} : memref<128xi32, #tpu.memory_space<vmem>>, vector<16xi32>,
      %and3A_1020 = arith.constant 15 : i32
      %and3A_1021 = vector.broadcast %and3A_1020 : i32 to vector<16xi32>
      %and3A_1022 = arith.andi %get3A_1019, %and3A_1021 : vector<16xi32>
      %gather3A_1023 = tpu.vector_load_idx %arg12[%broadcast_in_dim3A_912, %add3A_1017, %and3A_1022] : memref<4x128x16xf32, #tpu.memory_space<vmem>>[vector<16xi32>, vector<16xi32>, vector<16xi32>], vector<16xf32>,
      %mul3A_1024 = arith.constant 128 : i32
      %mul3A_1025 = arith.muli %scan3A_8, %mul3A_1024 : i32
      %add3A_1026 = arith.constant 96 : i32
      %add3A_1027 = arith.addi %mul3A_1025, %add3A_1026 : i32
      %swap3A_1028 = arith.constant 3 : i32
      %swap3A_1029 = arith.index_cast %swap3A_1028 : i32 to index
      %swap3A_1030 = arith.index_cast %add3A_1027 : i32 to index
      %swap3A_1031 = tpu.vector_load %arg13[%swap3A_1029, %swap3A_1030] {strides = array<i32>} : memref<4x4096xf32, #tpu.memory_space<vmem>>, vector<16xf32>,
      tpu.vector_store %arg13[%swap3A_1029, %swap3A_1030], %gather3A_1023 {strides = array<i32>} : memref<4x4096xf32, #tpu.memory_space<vmem>>, vector<16xf32>,
      %add3A_1032 = arith.constant 112 : i32
      %add3A_1033 = vector.broadcast %add3A_1032 : i32 to vector<16xi32>
      %add3A_1034 = arith.addi %iota3A, %add3A_1033 : vector<16xi32>
      %get3A_1035 = arith.constant 112 : index
      %get3A_1036 = tpu.vector_load %arg9[%get3A_1035] {strides = array<i32>} : memref<128xi32, #tpu.memory_space<vmem>>, vector<16xi32>,
      %and3A_1037 = arith.constant 15 : i32
      %and3A_1038 = vector.broadcast %and3A_1037 : i32 to vector<16xi32>
      %and3A_1039 = arith.andi %get3A_1036, %and3A_1038 : vector<16xi32>
      %gather3A_1040 = tpu.vector_load_idx %arg12[%broadcast_in_dim3A_912, %add3A_1034, %and3A_1039] : memref<4x128x16xf32, #tpu.memory_space<vmem>>[vector<16xi32>, vector<16xi32>, vector<16xi32>], vector<16xf32>,
      %mul3A_1041 = arith.constant 128 : i32
      %mul3A_1042 = arith.muli %scan3A_8, %mul3A_1041 : i32
      %add3A_1043 = arith.constant 112 : i32
      %add3A_1044 = arith.addi %mul3A_1042, %add3A_1043 : i32
      %swap3A_1045 = arith.constant 3 : i32
      %swap3A_1046 = arith.index_cast %swap3A_1045 : i32 to index
      %swap3A_1047 = arith.index_cast %add3A_1044 : i32 to index
      %swap3A_1048 = tpu.vector_load %arg13[%swap3A_1046, %swap3A_1047] {strides = array<i32>} : memref<4x4096xf32, #tpu.memory_space<vmem>>, vector<16xf32>,
      tpu.vector_store %arg13[%swap3A_1046, %swap3A_1047], %gather3A_1040 {strides = array<i32>} : memref<4x4096xf32, #tpu.memory_space<vmem>>, vector<16xf32>,
      "tpu.region"() ({
        %run_scoped3A = tpu.sem_alloc : memref<!tpu.dma_semaphore, #tpu.memory_space<semaphore_mem>>
        %dma_start3A_1049 = arith.constant 0 : i32
        %dma_start3A_1050 = tpu.memref_slice %arg6[%add3A_11, %dma_start3A_1049] : memref<131072x256xf32, #tpu.memory_space<hbm>> -> memref<128x256xf32, #tpu.memory_space<hbm>>
        %dma_start3A_1051 = arith.constant 0 : i32
        %dma_start3A_1052 = tpu.memref_slice %arg6[%add3A_11, %dma_start3A_1051] : memref<131072x256xf32, #tpu.memory_space<hbm>> -> memref<128x256xf32, #tpu.memory_space<hbm>>
        tpu.enqueue_dma source(%arg11 : memref<128x256xf32, #tpu.memory_space<vmem>>) target(%dma_start3A_1052 : memref<128x256xf32, #tpu.memory_space<hbm>>) target_semaphore(%run_scoped3A : memref<!tpu.dma_semaphore, #tpu.memory_space<semaphore_mem>>)
        %dma_wait3A_1053 = arith.constant 0 : i32
        %dma_wait3A_1054 = tpu.memref_slice %arg6[%add3A_11, %dma_wait3A_1053] : memref<131072x256xf32, #tpu.memory_space<hbm>> -> memref<128x256xf32, #tpu.memory_space<hbm>>
        %dma_wait3A_1055 = arith.constant 0 : i32
        %dma_wait3A_1056 = tpu.memref_slice %arg6[%add3A_11, %dma_wait3A_1055] : memref<131072x256xf32, #tpu.memory_space<hbm>> -> memref<128x256xf32, #tpu.memory_space<hbm>>
        tpu.wait_dma2 semaphore(%run_scoped3A : memref<!tpu.dma_semaphore, #tpu.memory_space<semaphore_mem>>) src(%arg11 : memref<128x256xf32, #tpu.memory_space<vmem>>) dst(%dma_wait3A_1056 : memref<128x256xf32, #tpu.memory_space<hbm>>)
        tpu.yield
      }) : () -> ()
    }
    %scan3A_7 = arith.constant 32 : i32
    "tpu.region"() ({
      %run_scoped3A = tpu.sem_alloc : memref<!tpu.dma_semaphore, #tpu.memory_space<semaphore_mem>>
      %dma_start3A = arith.constant 0 : i32
      %dma_start3A_8 = arith.constant 0 : i32
      %dma_start3A_9 = tpu.memref_slice %arg7[%add3A, %dma_start3A, %dma_start3A_8] : memref<32x4x4096xf32, #tpu.memory_space<hbm>> -> memref<1x4x4096xf32, #tpu.memory_space<hbm>>
      %dma_start3A_10 = tpu.memref_squeeze %dma_start3A_9 : memref<1x4x4096xf32, #tpu.memory_space<hbm>> -> memref<4x4096xf32, #tpu.memory_space<hbm>>
      %dma_start3A_11 = arith.constant 0 : i32
      %dma_start3A_12 = arith.constant 0 : i32
      %dma_start3A_13 = tpu.memref_slice %arg7[%add3A, %dma_start3A_11, %dma_start3A_12] : memref<32x4x4096xf32, #tpu.memory_space<hbm>> -> memref<1x4x4096xf32, #tpu.memory_space<hbm>>
      %dma_start3A_14 = tpu.memref_squeeze %dma_start3A_13 : memref<1x4x4096xf32, #tpu.memory_space<hbm>> -> memref<4x4096xf32, #tpu.memory_space<hbm>>
      tpu.enqueue_dma source(%arg13 : memref<4x4096xf32, #tpu.memory_space<vmem>>) target(%dma_start3A_14 : memref<4x4096xf32, #tpu.memory_space<hbm>>) target_semaphore(%run_scoped3A : memref<!tpu.dma_semaphore, #tpu.memory_space<semaphore_mem>>)
      %dma_wait3A = arith.constant 0 : i32
      %dma_wait3A_15 = arith.constant 0 : i32
      %dma_wait3A_16 = tpu.memref_slice %arg7[%add3A, %dma_wait3A, %dma_wait3A_15] : memref<32x4x4096xf32, #tpu.memory_space<hbm>> -> memref<1x4x4096xf32, #tpu.memory_space<hbm>>
      %dma_wait3A_17 = tpu.memref_squeeze %dma_wait3A_16 : memref<1x4x4096xf32, #tpu.memory_space<hbm>> -> memref<4x4096xf32, #tpu.memory_space<hbm>>
      %dma_wait3A_18 = arith.constant 0 : i32
      %dma_wait3A_19 = arith.constant 0 : i32
      %dma_wait3A_20 = tpu.memref_slice %arg7[%add3A, %dma_wait3A_18, %dma_wait3A_19] : memref<32x4x4096xf32, #tpu.memory_space<hbm>> -> memref<1x4x4096xf32, #tpu.memory_space<hbm>>
      %dma_wait3A_21 = tpu.memref_squeeze %dma_wait3A_20 : memref<1x4x4096xf32, #tpu.memory_space<hbm>> -> memref<4x4096xf32, #tpu.memory_space<hbm>>
      tpu.wait_dma2 semaphore(%run_scoped3A : memref<!tpu.dma_semaphore, #tpu.memory_space<semaphore_mem>>) src(%arg13 : memref<4x4096xf32, #tpu.memory_space<vmem>>) dst(%dma_wait3A_21 : memref<4x4096xf32, #tpu.memory_space<hbm>>)
      tpu.yield
    }) : () -> ()
    return
  }
}

module attributes {stable_mosaic.version = 14 : i64} {
  func.func @_h_body(%arg0: memref<4096x256xf32, #tpu.memory_space<vmem>>, %arg1: memref<256x256xf32, #tpu.memory_space<vmem>>, %arg2: memref<1x256xf32, #tpu.memory_space<vmem>>, %arg3: memref<4096x256xf32, #tpu.memory_space<vmem>>) attributes {dimension_semantics = [], scalar_prefetch = 0 : i64, scratch_operands = 0 : i64, tpu.core_type = #tpu.core_type<tc>} {
    %get3A = arith.constant 0 : index
    %get3A_0 = arith.constant 0 : index
    %get3A_1 = vector.load %arg0[%get3A, %get3A_0] : memref<4096x256xf32, #tpu.memory_space<vmem>>, vector<4096x256xf32>
    %get3A_2 = arith.constant 0 : index
    %get3A_3 = arith.constant 0 : index
    %get3A_4 = vector.load %arg1[%get3A_2, %get3A_3] : memref<256x256xf32, #tpu.memory_space<vmem>>, vector<256x256xf32>
    %dot_general3A = arith.constant dense<0.000000e+00> : vector<4096x256xf32>
    %dot_general3A_5 = tpu.matmul %get3A_1, %get3A_4, %dot_general3A {dimension_numbers = #tpu.dot_dimension_numbers<[1], [0], [0], [1], [0, 0, 1, 1], [], []>, transpose_lhs_hint = false} : vector<4096x256xf32>, vector<256x256xf32>, vector<4096x256xf32> -> vector<4096x256xf32>
    %get3A_6 = arith.constant 0 : index
    %get3A_7 = arith.constant 0 : index
    %get3A_8 = vector.load %arg2[%get3A_6, %get3A_7] : memref<1x256xf32, #tpu.memory_space<vmem>>, vector<1x256xf32>
    %add3A = vector.broadcast %get3A_8 : vector<1x256xf32> to vector<4096x256xf32>
    %add3A_9 = arith.addf %dot_general3A_5, %add3A : vector<4096x256xf32>
    %swap3A = arith.constant 0 : index
    %swap3A_10 = arith.constant 0 : index
    %swap3A_11 = vector.load %arg3[%swap3A, %swap3A_10] : memref<4096x256xf32, #tpu.memory_space<vmem>>, vector<4096x256xf32>
    tpu.vector_store %arg3[%swap3A, %swap3A_10], %add3A_9 {strides = array<i32>} : memref<4096x256xf32, #tpu.memory_space<vmem>>, vector<4096x256xf32>,
    return
  }
}

module attributes {stable_mosaic.version = 14 : i64} {
  func.func @_mlp_body(%arg0: i32, %arg1: memref<2048x256xf32, #tpu.memory_space<vmem>>, %arg2: memref<1x4x2048xf32, #tpu.memory_space<vmem>>, %arg3: memref<4x256xf32, #tpu.memory_space<vmem>>, %arg4: memref<256x256xbf16, #tpu.memory_space<vmem>>, %arg5: memref<1x256xf32, #tpu.memory_space<vmem>>, %arg6: memref<2048x256xf32, #tpu.memory_space<vmem>>) attributes {dimension_semantics = [#tpu.dimension_semantics<arbitrary>], iteration_bounds = array<i64: 64>, scalar_prefetch = 0 : i64, scratch_operands = 0 : i64, tpu.core_type = #tpu.core_type<tc>, window_params = [{transform_indices = @transform_0, window_bounds = array<i64: 2048, 256>}, {transform_indices = @transform_1, window_bounds = array<i64: 1, 4, 2048>}, {pipeline_mode = #tpu.pipeline_mode<synchronous>, transform_indices = @transform_2, window_bounds = array<i64: 4, 256>}, {pipeline_mode = #tpu.pipeline_mode<synchronous>, transform_indices = @transform_3, window_bounds = array<i64: 256, 256>}, {pipeline_mode = #tpu.pipeline_mode<synchronous>, transform_indices = @transform_4, window_bounds = array<i64: 1, 256>}, {transform_indices = @transform_5, window_bounds = array<i64: 2048, 256>}]} {
    %get3A = arith.constant 0 : index
    %get3A_0 = arith.constant 0 : index
    %get3A_1 = arith.constant 0 : index
    %get3A_2 = vector.load %arg2[%get3A, %get3A_0, %get3A_1] : memref<1x4x2048xf32, #tpu.memory_space<vmem>>, vector<1x4x2048xf32>
    %get3A_3 = vector.shape_cast %get3A_2 : vector<1x4x2048xf32> to vector<4x2048xf32>
    %get3A_4 = arith.constant 0 : index
    %get3A_5 = arith.constant 0 : index
    %get3A_6 = vector.load %arg3[%get3A_4, %get3A_5] : memref<4x256xf32, #tpu.memory_space<vmem>>, vector<4x256xf32>
    %dot_general3A = arith.constant dense<0.000000e+00> : vector<2048x256xf32>
    %dot_general3A_7 = tpu.matmul %get3A_3, %get3A_6, %dot_general3A {dimension_numbers = #tpu.dot_dimension_numbers<[0], [0], [1], [1], [0, 1, 1, 1], [], []>, transpose_lhs_hint = false} : vector<4x2048xf32>, vector<4x256xf32>, vector<2048x256xf32> -> vector<2048x256xf32>
    %get3A_8 = arith.constant 0 : index
    %get3A_9 = arith.constant 0 : index
    %get3A_10 = vector.load %arg1[%get3A_8, %get3A_9] : memref<2048x256xf32, #tpu.memory_space<vmem>>, vector<2048x256xf32>
    %add3A = arith.addf %get3A_10, %dot_general3A_7 : vector<2048x256xf32>
    %max3A = arith.constant 0.000000e+00 : f32
    %max3A_11 = vector.broadcast %max3A : f32 to vector<2048x256xf32>
    %max3A_12 = arith.maximumf %add3A, %max3A_11 : vector<2048x256xf32>
    %convert_element_type3A = arith.truncf %max3A_12 : vector<2048x256xf32> to vector<2048x256xbf16>
    %get3A_13 = arith.constant 0 : index
    %get3A_14 = arith.constant 0 : index
    %get3A_15 = vector.load %arg4[%get3A_13, %get3A_14] : memref<256x256xbf16, #tpu.memory_space<vmem>>, vector<256x256xbf16>
    %dot_general3A_16 = arith.constant dense<0.000000e+00> : vector<2048x256xf32>
    %dot_general3A_17 = tpu.matmul %convert_element_type3A, %get3A_15, %dot_general3A_16 {dimension_numbers = #tpu.dot_dimension_numbers<[1], [0], [0], [1], [0, 0, 1, 1], [], []>, transpose_lhs_hint = false} : vector<2048x256xbf16>, vector<256x256xbf16>, vector<2048x256xf32> -> vector<2048x256xf32>
    %get3A_18 = arith.constant 0 : index
    %get3A_19 = arith.constant 0 : index
    %get3A_20 = vector.load %arg5[%get3A_18, %get3A_19] : memref<1x256xf32, #tpu.memory_space<vmem>>, vector<1x256xf32>
    %add3A_21 = vector.broadcast %get3A_20 : vector<1x256xf32> to vector<2048x256xf32>
    %add3A_22 = arith.addf %dot_general3A_17, %add3A_21 : vector<2048x256xf32>
    %max3A_23 = arith.constant 0.000000e+00 : f32
    %max3A_24 = vector.broadcast %max3A_23 : f32 to vector<2048x256xf32>
    %max3A_25 = arith.maximumf %add3A_22, %max3A_24 : vector<2048x256xf32>
    %swap3A = arith.constant 0 : index
    %swap3A_26 = arith.constant 0 : index
    %swap3A_27 = vector.load %arg6[%swap3A, %swap3A_26] : memref<2048x256xf32, #tpu.memory_space<vmem>>, vector<2048x256xf32>
    tpu.vector_store %arg6[%swap3A, %swap3A_26], %max3A_25 {strides = array<i32>} : memref<2048x256xf32, #tpu.memory_space<vmem>>, vector<2048x256xf32>,
    return
  }
  func.func @transform_0(%arg0: i32) -> (i32, i32) {
    %c0_i32 = arith.constant 0 : i32
    %c0_i32_0 = arith.constant 0 : i32
    return %arg0, %c0_i32 : i32, i32
  }
  func.func @transform_1(%arg0: i32) -> (i32, i32, i32) {
    %jit3A = arith.constant 2 : i32
    %div3A = arith.divsi %arg0, %jit3A : i32
    %sign3A = arith.constant 0 : i32
    %sign3A_0 = arith.cmpi sgt, %arg0, %sign3A : i32
    %sign3A_1 = arith.extui %sign3A_0 : i1 to i32
    %sign3A_2 = arith.constant 0 : i32
    %sign3A_3 = arith.cmpi slt, %arg0, %sign3A_2 : i32
    %sign3A_4 = arith.extui %sign3A_3 : i1 to i32
    %sign3A_5 = arith.subi %sign3A_1, %sign3A_4 : i32
    %sign3A_6 = arith.constant 0 : i32
    %sign3A_7 = arith.cmpi sgt, %jit3A, %sign3A_6 : i32
    %sign3A_8 = arith.extui %sign3A_7 : i1 to i32
    %sign3A_9 = arith.constant 0 : i32
    %sign3A_10 = arith.cmpi slt, %jit3A, %sign3A_9 : i32
    %sign3A_11 = arith.extui %sign3A_10 : i1 to i32
    %sign3A_12 = arith.subi %sign3A_8, %sign3A_11 : i32
    %ne3A = arith.cmpi ne, %sign3A_5, %sign3A_12 : i32
    %rem3A = arith.remsi %arg0, %jit3A : i32
    %ne3A_13 = arith.constant 0 : i32
    %ne3A_14 = arith.cmpi ne, %rem3A, %ne3A_13 : i32
    %and3A = arith.andi %ne3A, %ne3A_14 : i1
    %sub3A = arith.constant 1 : i32
    %sub3A_15 = arith.subi %div3A, %sub3A : i32
    %select_n3A = arith.select %and3A, %sub3A_15, %div3A : i32
    %jit3A_16 = arith.constant 2 : i32
    %eq3A = arith.constant 0 : i32
    %eq3A_17 = arith.cmpi eq, %jit3A_16, %eq3A : i32
    %jit3A_18 = arith.constant 1 : i32
    %select_n3A_19 = arith.select %eq3A_17, %jit3A_18, %jit3A_16 : i32
    %rem3A_20 = arith.remsi %arg0, %select_n3A_19 : i32
    %ne3A_21 = arith.constant 0 : i32
    %ne3A_22 = arith.cmpi ne, %rem3A_20, %ne3A_21 : i32
    %lt3A = arith.constant 0 : i32
    %lt3A_23 = arith.cmpi slt, %rem3A_20, %lt3A : i32
    %lt3A_24 = arith.constant 0 : i32
    %lt3A_25 = arith.cmpi slt, %select_n3A_19, %lt3A_24 : i32
    %ne3A_26 = arith.xori %lt3A_23, %lt3A_25 : i1
    %and3A_27 = arith.andi %ne3A_26, %ne3A_22 : i1
    %add3A = arith.addi %rem3A_20, %select_n3A_19 : i32
    %select_n3A_28 = arith.select %and3A_27, %add3A, %rem3A_20 : i32
    %c0_i32 = arith.constant 0 : i32
    %c0_i32_29 = arith.constant 0 : i32
    return %select_n3A, %c0_i32, %select_n3A_28 : i32, i32, i32
  }
  func.func @transform_2(%arg0: i32) -> (i32, i32) {
    %c0_i32 = arith.constant 0 : i32
    %c0_i32_0 = arith.constant 0 : i32
    %c0_i32_1 = arith.constant 0 : i32
    return %c0_i32, %c0_i32_0 : i32, i32
  }
  func.func @transform_3(%arg0: i32) -> (i32, i32) {
    %c0_i32 = arith.constant 0 : i32
    %c0_i32_0 = arith.constant 0 : i32
    %c0_i32_1 = arith.constant 0 : i32
    return %c0_i32, %c0_i32_0 : i32, i32
  }
  func.func @transform_4(%arg0: i32) -> (i32, i32) {
    %c0_i32 = arith.constant 0 : i32
    %c0_i32_0 = arith.constant 0 : i32
    %c0_i32_1 = arith.constant 0 : i32
    return %c0_i32, %c0_i32_0 : i32, i32
  }
  func.func @transform_5(%arg0: i32) -> (i32, i32) {
    %c0_i32 = arith.constant 0 : i32
    %c0_i32_0 = arith.constant 0 : i32
    return %arg0, %c0_i32 : i32, i32
  }
}

module attributes {stable_mosaic.version = 14 : i64} {
  func.func @_combine_body(%arg0: i32, %arg1: memref<2x512x256xf32, #tpu.memory_space<vmem>>, %arg2: memref<2x512x256xf32, #tpu.memory_space<vmem>>, %arg3: memref<512x256xf32, #tpu.memory_space<vmem>>) attributes {dimension_semantics = [#tpu.dimension_semantics<arbitrary>], iteration_bounds = array<i64: 8>, scalar_prefetch = 0 : i64, scratch_operands = 0 : i64, tpu.core_type = #tpu.core_type<tc>, window_params = [{transform_indices = @transform_0, window_bounds = array<i64: 2, 512, 256>}, {transform_indices = @transform_1, window_bounds = array<i64: 2, 512, 256>}, {transform_indices = @transform_2, window_bounds = array<i64: 512, 256>}]} {
    %get3A = arith.constant 0 : index
    %get3A_0 = arith.constant 0 : index
    %get3A_1 = arith.constant 0 : index
    %get3A_2 = vector.load %arg1[%get3A, %get3A_0, %get3A_1] : memref<2x512x256xf32, #tpu.memory_space<vmem>>, vector<1x512x256xf32>
    %get3A_3 = vector.shape_cast %get3A_2 : vector<1x512x256xf32> to vector<512x256xf32>
    %get3A_4 = arith.constant 1 : index
    %get3A_5 = arith.constant 0 : index
    %get3A_6 = arith.constant 0 : index
    %get3A_7 = vector.load %arg1[%get3A_4, %get3A_5, %get3A_6] : memref<2x512x256xf32, #tpu.memory_space<vmem>>, vector<1x512x256xf32>
    %get3A_8 = vector.shape_cast %get3A_7 : vector<1x512x256xf32> to vector<512x256xf32>
    %add3A = arith.addf %get3A_3, %get3A_8 : vector<512x256xf32>
    %get3A_9 = arith.constant 0 : index
    %get3A_10 = arith.constant 0 : index
    %get3A_11 = arith.constant 0 : index
    %get3A_12 = vector.load %arg2[%get3A_9, %get3A_10, %get3A_11] : memref<2x512x256xf32, #tpu.memory_space<vmem>>, vector<1x512x256xf32>
    %get3A_13 = vector.shape_cast %get3A_12 : vector<1x512x256xf32> to vector<512x256xf32>
    %get3A_14 = arith.constant 1 : index
    %get3A_15 = arith.constant 0 : index
    %get3A_16 = arith.constant 0 : index
    %get3A_17 = vector.load %arg2[%get3A_14, %get3A_15, %get3A_16] : memref<2x512x256xf32, #tpu.memory_space<vmem>>, vector<1x512x256xf32>
    %get3A_18 = vector.shape_cast %get3A_17 : vector<1x512x256xf32> to vector<512x256xf32>
    %add3A_19 = arith.addf %get3A_13, %get3A_18 : vector<512x256xf32>
    %add3A_20 = arith.addf %add3A, %add3A_19 : vector<512x256xf32>
    %swap3A = arith.constant 0 : index
    %swap3A_21 = arith.constant 0 : index
    %swap3A_22 = vector.load %arg3[%swap3A, %swap3A_21] : memref<512x256xf32, #tpu.memory_space<vmem>>, vector<512x256xf32>
    tpu.vector_store %arg3[%swap3A, %swap3A_21], %add3A_20 {strides = array<i32>} : memref<512x256xf32, #tpu.memory_space<vmem>>, vector<512x256xf32>,
    return
  }
  func.func @transform_0(%arg0: i32) -> (i32, i32, i32) {
    %c0_i32 = arith.constant 0 : i32
    %c0_i32_0 = arith.constant 0 : i32
    %c0_i32_1 = arith.constant 0 : i32
    return %c0_i32, %arg0, %c0_i32_0 : i32, i32, i32
  }
  func.func @transform_1(%arg0: i32) -> (i32, i32, i32) {
    %c0_i32 = arith.constant 0 : i32
    %c0_i32_0 = arith.constant 0 : i32
    %c0_i32_1 = arith.constant 0 : i32
    return %c0_i32, %arg0, %c0_i32_0 : i32, i32, i32
  }
  func.func @transform_2(%arg0: i32) -> (i32, i32) {
    %c0_i32 = arith.constant 0 : i32
    %c0_i32_0 = arith.constant 0 : i32
    return %arg0, %c0_i32 : i32, i32
  }
}

</mosaic_0001>

<sc_bundles>
// kernel: kernel.10.cloned.1.call-start
scs
__scs_entry_jumppad:
0x0: {  	(pc) =	sbr.rel $0x88, $3  }
0x1: {  	(tag) =	ssettag $0x0;
	lr =	simm.s32 $0x1  }
0x2: {  	[smem:$0x3F9A] =	sst lr;
	_ =	strace $0xD0000000  }
0x3: {  	_ = 	snop  }
0x4: {  	_ = 	snop  }
0x5: {  	_ = 	snop  }
0x6: {  	_ = 	snop  }
0x7: {  	_ = 	snop  }
__scs_overlays_trampoline_lowered:
0x8: {  	[smem:$0x3FA9] =	sst s0  }
0x9: {  	[smem:$0x3FAA] =	sst s1  }
0xa: {  	[smem:$0x3FAB] =	sst s2  }
0xb: {  	[smem:$0x3FAC] =	sst s3  }
0xc: {  	[smem:$0x3FAD] =	sst s4  }
0xd: {  	[smem:$0x3FAE] =	sst s5  }
0xe: {  	[smem:$0x3FAF] =	sst s6  }
0xf: {  	[smem:$0x3FB0] =	sst s7  }
0x10: {  	[smem:$0x3FB1] =	sst s8  }
0x11: {  	[smem:$0x3FB2] =	sst s9;
	s0 =	simm.s32 @!p0 $0x0  }
0x12: {  	s1 =	sld [smem:$0x3F98];
	s0 =	simm.s32 @p0 $0x1  }
0x13: {  	[smem:$0x3FB3] =	sst s0;
	s0 =	simm.s32 @!p1 $0x0  }
0x14: {  	s2 =	sld [smem:$0x3F97];
	s0 =	simm.s32 @p1 $0x1  }
0x15: {  	[smem:$0x3FB4] =	sst s0;
	s0 =	simm.s32 @!p2 $0x0  }
0x16: {  	s3 =	sld [smem:$0x3FDB];
	s0 =	simm.s32 @p2 $0x1  }
0x17: {  	s4 =	simm.s32 $0x1BF5;
	[smem:$0x3FB6] =	sst s0  }
0x18: {  	s0 =	sld [smem:$0x3F99];
	_ =	swait.ge [sflag:s4], $0x0  }
0x19: {  	s7 =	sld [smem:$0x3F9A]  }
0x1a: {  	s8 =	sadd.s32 $0xFFFFE003, lr  }
0x1b: {  	s9 =	sadd.s32 $0xFFFFFEF7, lr;
	s5 =	simm.s32 $0xFFFFFFFF;
	p2 =	slt.u32 s8, $0xFFFFF086  }
0x1c: {  	p1 =	slt.u32 s9, $0xF7A;
	s5 =	simm.s32 @!p2 $0x0  }
0x1d: {  	s5 =	simm.s32 @p1 $0x1;
	p0 =	seq.s32 s7, s2  }
0x1e: {  	s7 =	smul.u32 @!p0 $0xF7A, s2;
	p2 =	seq.s32 @!p0 s5, $0x0  }
0x1f: {  	s9 =	smul.u32 $0xF7A, s1;
	s8 =	simm.s32 @!p0 $0x1BF5;
	p2 =	por !p2, p0  }
0x20: {  	[sflag:s8] =	ssyncset.s32 @!p0 $0xFFFFF086;
	s6 =	sadd.s32 @!p0 s3, s7;
	s7 =	simm.s32 @!p0 $0x108  }
0x21: {  	s3 =	sadd.s32 s3, s9;
	s6 =	sadd.s32 @!p0 $0x88, s6;
	s7 =	simm.s32 @p2 $0x1082  }
0x22: {  	[simem:s7], [sflag:s8] =	dma.local @!p0 [hbm:s6], $0xF7A  }
0x23: {  	s9 =	sor.u32 $0xD0000000, s2;
	s6 =	simm.s32 $0x108;
	_ =	swait.ge @!p0 [sflag:s8], $0x0  }
0x24: {  	s3 =	sadd.s32 $0x88, s3;
	s6 =	simm.s32 @!p1 $0x1082;
	[sflag:s4] =	ssyncset.s32 $0xFFFFF086  }
0x25: {  	[simem:s6], [sflag:s4] =	dma.local [hbm:s3], $0xF7A  }
0x26: {  	[smem:$0x3F9A] =	sst s1;
	(tag) =	ssettag s2;
	_ =	strace s9  }
0x27: {  	s1 =	sld [smem:$0x3FAA]  }
0x28: {  	s2 =	sld [smem:$0x3FAB]  }
0x29: {  	s4 =	sld [smem:$0x3FAD]  }
0x2a: {  	p0 =	seq.s32 s5, $0x0;
	s5 =	sld [smem:$0x3FAE]  }
0x2b: {  	s6 =	sld [smem:$0x3FAF]  }
0x2c: {  	s7 =	sld [smem:$0x3FB0]  }
0x2d: {  	s3 =	simm.s32 $0x108;
	s8 =	sld [smem:$0x3FB1]  }
0x2e: {  	s3 =	simm.s32 @!p0 $0x1082;
	s9 =	sld [smem:$0x3FB2]  }
0x2f: {  	lr =	sadd.s32 s0, s3;
	s0 =	sld [smem:$0x3FA9]  }
0x30: {  	s3 =	sld [smem:$0x3FAC]  }
0x31: {  	[smem:$0x3FB5] =	sst s10  }
0x32: {  	s10 =	sld [smem:$0x3FB3];
	_ =	sdelay $0x3  }
0x33: {  	p0 =	seq.s32 s10, $0x1;
	s10 =	sld [smem:$0x3FB5];
	_ =	sdelay $0x3  }
0x34: {  	[smem:$0x3FB5] =	sst s10  }
0x35: {  	s10 =	sld [smem:$0x3FB4];
	_ =	sdelay $0x3  }
0x36: {  	p1 =	seq.s32 s10, $0x1;
	s10 =	sld [smem:$0x3FB5];
	_ =	sdelay $0x3  }
0x37: {  	[smem:$0x3FB5] =	sst s10  }
0x38: {  	s10 =	sld [smem:$0x3FB6]  }
0x39: {  	_ = 	snop;
	(pc) =	sbr.ind lr, $3  }
0x3a: {  	_ = 	snop  }
0x3b: {  	_ = 	snop  }
0x3c: {  	p2 =	seq.s32 s10, $0x1;
	s10 =	sld [smem:$0x3FB5]  }
0x3d: {  	_ =	shalt  }
0x3e: {  	_ =	shalt  }
0x3f: {  	_ =	shalt  }
0x40: {  	_ =	shalt  }
0x41: {  	_ =	shalt  }
0x42: {  	_ =	shalt  }
0x43: {  	_ =	shalt  }
0x44: {  	_ =	shalt  }
0x45: {  	_ =	shalt  }
0x46: {  	_ =	shalt  }
0x47: {  	_ =	shalt  }
0x48: {  	_ =	shalt  }
0x49: {  	_ =	shalt  }
0x4a: {  	_ =	shalt  }
0x4b: {  	_ =	shalt  }
0x4c: {  	_ =	shalt  }
0x4d: {  	_ =	shalt  }
0x4e: {  	_ =	shalt  }
0x4f: {  	_ =	shalt  }
0x50: {  	_ =	shalt  }
0x51: {  	_ =	shalt  }
0x52: {  	_ =	shalt  }
0x53: {  	_ =	shalt  }
0x54: {  	_ =	shalt  }
0x55: {  	_ =	shalt  }
0x56: {  	_ =	shalt  }
0x57: {  	_ =	shalt  }
0x58: {  	_ =	shalt  }
0x59: {  	_ =	shalt  }
0x5a: {  	_ =	shalt  }
0x5b: {  	_ =	shalt  }
0x5c: {  	_ =	shalt  }
0x5d: {  	_ =	shalt  }
0x5e: {  	_ =	shalt  }
0x5f: {  	_ =	shalt  }
0x60: {  	_ =	shalt  }
0x61: {  	_ =	shalt  }
0x62: {  	_ =	shalt  }
0x63: {  	_ =	shalt  }
0x64: {  	_ =	shalt  }
0x65: {  	_ =	shalt  }
0x66: {  	_ =	shalt  }
0x67: {  	_ =	shalt  }
0x68: {  	_ =	shalt  }
0x69: {  	_ =	shalt  }
0x6a: {  	_ =	shalt  }
0x6b: {  	_ =	shalt  }
0x6c: {  	_ =	shalt  }
0x6d: {  	_ =	shalt  }
0x6e: {  	_ =	shalt  }
0x6f: {  	_ =	shalt  }
0x70: {  	_ =	shalt  }
0x71: {  	_ =	shalt  }
0x72: {  	_ =	shalt  }
0x73: {  	_ =	shalt  }
0x74: {  	_ =	shalt  }
0x75: {  	_ =	shalt  }
0x76: {  	_ =	shalt  }
0x77: {  	_ =	shalt  }
0x78: {  	_ =	shalt  }
0x79: {  	_ =	shalt  }
0x7a: {  	_ =	shalt  }
0x7b: {  	_ =	shalt  }
0x7c: {  	_ =	shalt  }
0x7d: {  	_ =	shalt  }
0x7e: {  	_ =	shalt  }
0x7f: {  	_ =	shalt  }
0x80: {  	_ =	shalt  }
0x81: {  	_ =	shalt  }
0x82: {  	_ =	shalt  }
0x83: {  	_ =	shalt  }
0x84: {  	_ =	shalt  }
0x85: {  	_ =	shalt  }
0x86: {  	_ =	shalt  }
0x87: {  	_ =	shalt  }
.Lfunc_end0:
.L_simem_size_0:
called_computation_lowered:
.L_overlay_start_0:
0x88: {  	s2 =	sld [smem:$0x3FD9]  }
0x89: {  	s3 =	sld [smem:$0x3FFE];
	_ =	sdelay $0x1  }
0x8a: {  	s1 =	srdreg.scid  }
0x8b: {  	s0 =	sand.u32 $0x1, s1  }
0x8c: {  	s17 =	sshll.u32 s0, $0xA;
	s2 =	sadd.s32 s3, s2  }
0x8d: {  	s2 =	sadd.s32 s2, s17  }
0x8e: {  	[smem:$0x3FC1] =	sst s2  }
0x8f: {  	_ = 	snop  }
0x90: {  	s18 =	sld [smem:$0x3FC7]  }
0x91: {  	s4 =	sld [smem:$0x3FD0];
	(tm) =	ssettm $0x1  }
0x92: {  	s19 =	sld [smem:$0x3FFB];
	_ =	sdelay $0x3  }
0x93: {  	_ =	strace s19  }
0x94: {  	s2 =	sld [smem:$0x3FFC];
	_ =	sdelay $0x3  }
0x95: {  	_ =	strace s2  }
0x96: {  	s2 =	sld [smem:$0x3FFD];
	_ =	sdelay $0x3  }
0x97: {  	_ =	strace s2  }
0x98: {  	_ =	strace $0x8FFFFFFF  }
0x99: {  	s20 =	sld [smem:$0x3FDB];
	_ =	sdelay $0x1  }
0x9a: {  	s5 =	simm.s32 $_scs_section_size  }
0x9b: {  	s6 =	simm.s32 $_size__tile_overlayer_lowered;
	s7 =	simm.s32 $_tile_overlayer_lowered  }
0x9c: {  	s8 =	simm.s32 $0x1BFF;
	s21 =	sshll.u32 s7, $0x1;
	s5 =	sadd.s32 s5, s20  }
0x9d: {  	s22 =	simm.s32 $0x0;
	s6 =	sshll.u32 s6, $0x1;
	s7 =	sadd.s32 s21, s5  }
0x9e: {  	[timem:s22], [sflag:s8] =	dma.local [hbm:s7], s6  }
0x9f: {  	_ =	swait.ge [sflag:s8], s6  }
0xa0: {  	s6 =	ssub.s32 $0x0, s6;
	[sflag:s8] =	ssyncset.done $0x0  }
0xa1: {  	[sflag:s8] =	ssyncadd.s32 s6;
	_ =	sdelay $0x1  }
0xa2: {  	s23 =	simm.s32 $0x1B8B  }
0xa3: {  	_ =	swait.ge [sflag:s23], $0x1  }
0xa4: {  	[sflag:s23] =	ssyncset.done $0x0  }
0xa5: {  	[sflag:s23] =	ssyncadd.s32 $0xFFFFFFFF  }
0xa6: {  	s6 =	sld [smem:$0x0]  }
0xa7: {  	s7 =	sand.u32 $0xFFFFFFFE, s1  }
0xa8: {  	p0 =	sne.s32 s1, s7  }
0xa9: {  	s7 =	sshll.u32 @p0 s7, $0xE  }
0xaa: {  	s7 =	sadd.s32 @p0 $0x11B8D, s7;
	s8 =	sshll.u32 @p0 s6, $0x11  }
0xab: {  	s7 =	sor.u32 @p0 s8, s7  }
0xac: {  	[sflag:s7] =	ssyncadd.remote.s32 @p0 $0x1;
	_ =	sdelay $0x1  }
0xad: {  	s7 =	simm.s32 @p0 $0x1B8D  }
0xae: {  	_ =	swait.eq @p0 [sflag:s7], $0x1  }
0xaf: {  	[sflag:s7] =	ssyncadd.s32 @p0 $0xFFFFFFFF  }
0xb0: {  	s8 =	sshll.u32 @!p0 s1, $0xE  }
0xb1: {  	s8 =	sor.u32 @!p0 $0x4000, s8;
	s7 =	simm.s32 @!p0 $0x1B8D  }
0xb2: {  	s6 =	sshll.u32 @!p0 s6, $0x11;
	s8 =	sadd.s32 @!p0 $0x11B8D, s8;
	_ =	swait.eq @!p0 [sflag:s7], $0x1  }
0xb3: {  	s6 =	sor.u32 @!p0 s6, s8;
	[sflag:s7] =	ssyncadd.s32 @!p0 $0xFFFFFFFF  }
0xb4: {  	s25 =	simm.s32 $0x1B8E;
	s24 =	sld [smem:$0x3FFE];
	[sflag:s6] =	ssyncadd.remote.s32 @!p0 $0x1  }
0xb5: {  	s26 =	simm.s32 $execute0_lowered;
	[smem:$0x3FD2] =	sst s25  }
0xb6: {  	s7 =	sshll.u32 s26, $0x1;
	_ =	strace $0x80000049;
	[dreg:$0x1] =	wrdreg $0xFFFFFFFF  }
0xb7: {  	s28 =	simm.s32 $_size_execute0_lowered;
	s5 =	sadd.s32 s5, s7;
	[dreg:$0x0] =	wrdreg $0x0  }
0xb8: {  	s7 =	sshll.u32 s28, $0x1;
	[dreg:$0x2] =	wrdreg s5  }
0xb9: {  	[dreg:$0x3] =	wrdreg s7  }
0xba: {  	[dreg:$0x4] =	wrdreg $0xC0  }
0xbb: {  	_ =	task [dreg:s22], $0x5FFFF  }
0xbc: {  	[dreg:$0x1] =	wrdreg $0xFFFFFFFF  }
0xbd: {  	[dreg:$0x0] =	wrdreg $0x60  }
0xbe: {  	[dreg:$0x2] =	wrdreg s4  }
0xbf: {  	[dreg:$0x3] =	wrdreg s24  }
0xc0: {  	[dreg:$0x4] =	wrdreg s18  }
0xc1: {  	[dreg:$0x5] =	wrdreg $0x9  }
0xc2: {  	_ =	task.clear_ibuf [dreg:s22], $0x6FFFF;
	_ =	strace $0x90000049  }
0xc3: {  	s29 =	simm.s32 $0x9;
	_ =	strace $0x8000004B  }
0xc4: {  	_ =	swait.ge [sflag:s29], $0x1  }
0xc5: {  	[sflag:s29] =	ssyncadd.s32 $0xFFFFFFFF  }
0xc6: {  	_ =	strace $0x9000004B  }
0xc7: {  	_ =	sfence  }
0xc8: {  	s30 =	sld [smem:$0x0];
	_ =	sdelay $0x2  }
0xc9: {  	s31 =	sshll.u32 s1, $0xD;
	s1 =	sshrl.u32 s1, $0x2  }
0xca: {  	s4 =	sand.u32 $0x4000, s31;
	s1 =	sadd.s32 s1, s30  }
0xcb: {  	s0 =	sor.u32 s4, s0;
	s1 =	sshll.u32 s1, $0x11  }
0xcc: {  	s0 =	sor.u32 s1, s0  }
0xcd: {  	s0 =	sadd.s32 $0x8F2B, s0  }
0xce: {  	[sflag:s0] =	ssyncadd.remote.s32 $0x1  }
0xcf: {  	_ =	sfence.sel $0xFFFF  }
0xd0: {  	[dreg:$0x0] =	wrdreg $0xFFFFFFFF;
	(pc) =	sbr.abs _section_cstart, $3  }
0xd1: {  	[dreg:$0x1] =	wrdreg $0xFFFFFFFF  }
0xd2: {  	_ =	task.clear_ibuf [dreg:s22], $0x2FFFF;
	_ =	strace $0x9FFFFFFF  }
0xd3: {  	(tm) =	ssettm $0x7FFFFFFF  }
tec
execute0_lowered:
.L_overlay_start_1:
0x0: {  	(tag) =	ssettag $0x1  }
0x1: {  	s1 =	rddreg [dreg:$0x0]  }
0x2: {  	s6 =	rddreg [dreg:$0x1]  }
0x3: {  	s2 =	rddreg [dreg:$0x2]  }
0x4: {  	s0 =	rddreg [dreg:$0x3]  }
0x5: {  	s4 =	simm.s32 $0x0;
	s5 =	srdreg.scid;
	s3 =	stileid.u32;
	v0 =	vlaneseq.u32  }
0x6: {  	s12 =	simm.s32 $0x300;
	s13 =	simm.s32 $0x100;
	s14 =	simm.s32 $0x8300;
	v0 =	vmul.u32 $0x10, v0  }
0x7: {  	s15 =	simm.s32 $0x180;
	s16 =	simm.s32 $0x8B00;
	s17 =	simm.s32 $0x200  }
0x8: {  	s18 =	simm.s32 $0x9300;
	s19 =	simm.s32 $0x280;
	s20 =	simm.s32 $0x9B00;
	v1 =	vor.u32 $0x100, v0;
	v2 =	vor.u32 $0x200, v0;
	v3 =	vor.u32 $0x300, v0  }
0x9: {  	s21 =	simm.s32 $0x1;
	s22 =	simm.s32 $0x2;
	s23 =	simm.s32 $0xA300;
	v4 =	vor.u32 $0x400, v0;
	v5 =	vor.u32 $0x500, v0;
	v6 =	vor.u32 $0x600, v0  }
0xa: {  	[smem:$0x7FF] =	sst s4;
	s7 =	sshll.u32 s3, $0xD;
	s24 =	sshll.u32 s3, $0xC;
	v7 =	vor.u32 $0x700, v0;
	v8 =	vor.u32 $0x800, v0;
	v9 =	vor.u32 $0x900, v0  }
0xb: {  	s5 =	sand.u32 $0x1, s5;
	s10 =	sshll.u32 s3, $0x12;
	_ =	strace $0x8000004A;
	v10 =	vor.u32 $0xA00, v0;
	v11 =	vor.u32 $0xB00, v0;
	v12 =	vor.u32 $0xC00, v0  }
0xc: {  	s8 =	sshll.u32 s5, $0xC;
	s9 =	sshll.u32 s5, $0xB;
	s25 =	sadd.s32 s10, s6;
	v13 =	vor.u32 $0xD00, v0;
	v14 =	vor.u32 $0xE00, v0;
	v15 =	vor.u32 $0xF00, v0  }
0xd: {  	s26 =	sshll.u32 s5, $0x11;
	s11 =	ssub.s32 $0x2, s5;
	s10 =	simm.s32 $0x3;
	v16 =	vor.u32 $0x1000, v0;
	v17 =	vor.u32 $0x1100, v0;
	v18 =	vor.u32 $0x1200, v0  }
0xe: {  	s7 =	sor.u32 s8, s7;
	s8 =	sor.u32 s9, s24;
	s28 =	sadd.s32 s26, s25;
	v19 =	vor.u32 $0x1300, v0;
	v20 =	vor.u32 $0x1400, v0;
	v21 =	vor.u32 $0x1500, v0  }
0xf: {  	s30 =	sshrl.u32 s11, $0x1;
	v22 =	vor.u32 $0x1600, v0;
	v23 =	vor.u32 $0x1700, v0;
	v24 =	vor.u32 $0x1800, v0;
	s24 =	simm.s32 $0x0;
	s7 =	sshrl.u32 s7, $0x3  }
0x10: {  	v25 =	vor.u32 $0x1900, v0;
	v26 =	vor.u32 $0x1A00, v0;
	v27 =	vor.u32 $0x1B00, v0;
	s8 =	sadd.s32 s8, s6;
	s31 =	ssub.s32 s11, s30;
	s11 =	simm.s32 $0x80  }
0x11: {  	v28 =	vor.u32 $0x1C00, v0;
	v29 =	vor.u32 $0x1D00, v0;
	s5 =	sadd.s32 $0x823400, s8;
	s29 =	sadd.s32 s7, s6;
	s6 =	sadd.s32 $0x423400, s28  }
0x12: {  	v30 =	vor.u32 $0x1E00, v0;
	v31 =	vor.u32 $0x1F00, v0;
	s8 =	smax.u32 s31, $0x1;
	s7 =	sadd.s32 $0x41F400, s29;
	s9 =	sadd.s32 $0x41B400, s29  }
.LBB2_1:
0x13: {  	s25 =	simm.s32 $0xC300;
	s26 =	smov.u32 s6;
	s28 =	simm.s32 $0x0  }
.LBB2_2:
0x14: {  	s29 =	sadd.s32 s28, s9  }
0x15: {  	[tilespmem:s4], [sflag:$0x3] =	stream.linear.gather [hbm4b:s29+s4], $0x80, $0x38;
	[tilespmem:$0xE300] =	vst v63  }
0x16: {  	_ =	swait.ge [sflag:s10], $0x80  }
0x17: {  	[sflag:s10] =	ssyncset.done $0x0  }
0x18: {  	s31 =	sadd.s32 s28, s7;
	[sflag:s10] =	ssyncadd.s32 $0xFFFFFF80  }
0x19: {  	[tilespmem:s11], [sflag:$0x3] =	stream.linear.gather [hbm4b:s31+s4], $0x80, $0x38;
	[tilespmem:$0xE300] =	vst v63  }
0x1a: {  	_ =	swait.ge [sflag:s10], $0x80  }
0x1b: {  	[sflag:s10] =	ssyncset.done $0x0  }
0x1c: {  	[sflag:s10] =	ssyncadd.s32 $0xFFFFFF80  }
0x1d: {  	v32 =	vld [tilespmem:$0x80]  }
0x1e: {  	v33 =	vld [tilespmem:$0x0]  }
0x1f: {  	v34 =	vld [tilespmem:$0x90]  }
0x20: {  	v36 =	vld [tilespmem:$0x10];
	_ =	sdelay $0x2  }
0x21: {  	v35 =	vshra.s32 v32, $0x2  }
0x22: {  	v33 =	vshll.u32 v33, $0xA;
	v32 =	vshrl.u32 v32, $0x4;
	v37 =	vshra.s32 v34, $0x2  }
0x23: {  	v36 =	vshll.u32 v36, $0xA;
	v34 =	vshrl.u32 v34, $0x4;
	v35 =	vand.u32 $0xFFFFFFE0, v35  }
0x24: {  	v44 =	vld [tilespmem:$0xA0];
	v32 =	vand.u32 $0x7, v32;
	v37 =	vand.u32 $0xFFFFFFE0, v37;
	v33 =	vadd.s32 v33, v35  }
0x25: {  	v38 =	vld [tilespmem:$0x20];
	v34 =	vand.u32 $0x7, v34;
	v36 =	vadd.s32 v36, v37;
	v32 =	vor.u32 v32, v33  }
0x26: {  	v34 =	vor.u32 v34, v36;
	[tilespmem:$0x100] =	vst v32  }
0x27: {  	v45 =	vor.u32 $0x8, v32;
	[tilespmem:$0x110] =	vst v34  }
0x28: {  	v47 =	vld [tilespmem:$0xB0];
	v46 =	vor.u32 $0x10, v32;
	[tilespmem:$0x180] =	vst v45  }
0x29: {  	v50 =	vld [tilespmem:$0x30];
	v32 =	vor.u32 $0x18, v32;
	[tilespmem:$0x200] =	vst v46  }
0x2a: {  	v49 =	vshra.s32 v44, $0x2;
	v38 =	vshll.u32 v38, $0xA;
	v48 =	vor.u32 $0x8, v34;
	[tilespmem:$0x280] =	vst v32  }
0x2b: {  	v36 =	vand.u32 $0xFFFFFFE0, v49;
	v33 =	vshrl.u32 v44, $0x4;
	v51 =	vor.u32 $0x10, v34;
	[tilespmem:$0x190] =	vst v48  }
0x2c: {  	v53 =	vld [tilespmem:$0xC0];
	v36 =	vadd.s32 v38, v36;
	v33 =	vand.u32 $0x7, v33;
	v52 =	vor.u32 $0x18, v34;
	[tilespmem:$0x210] =	vst v51  }
0x2d: {  	v56 =	vld [tilespmem:$0x40];
	v33 =	vor.u32 v33, v36;
	[tilespmem:$0x290] =	vst v52  }
0x2e: {  	v55 =	vshra.s32 v47, $0x2;
	v37 =	vshll.u32 v50, $0xA;
	v54 =	vor.u32 $0x8, v33;
	[tilespmem:$0x120] =	vst v33  }
0x2f: {  	v35 =	vshrl.u32 v47, $0x4;
	v36 =	vand.u32 $0xFFFFFFE0, v55;
	v57 =	vor.u32 $0x10, v33;
	[tilespmem:$0x1A0] =	vst v54  }
0x30: {  	v60 =	vld [tilespmem:$0xD0];
	v35 =	vand.u32 $0x7, v35;
	v36 =	vadd.s32 v37, v36;
	v58 =	vor.u32 $0x18, v33;
	[tilespmem:$0x220] =	vst v57  }
0x31: {  	v63 =	vld [tilespmem:$0x50];
	v59 =	vor.u32 v35, v36;
	[tilespmem:$0x2A0] =	vst v58  }
0x32: {  	v62 =	vshra.s32 v53, $0x2;
	v38 =	vshll.u32 v56, $0xA;
	v61 =	vor.u32 $0x8, v59;
	[tilespmem:$0x130] =	vst v59  }
0x33: {  	v34 =	vshrl.u32 v53, $0x4;
	v36 =	vand.u32 $0xFFFFFFE0, v62;
	v40 =	vor.u32 $0x10, v59;
	[tilespmem:$0x1B0] =	vst v61  }
0x34: {  	v34 =	vand.u32 $0x7, v34;
	v36 =	vadd.s32 v38, v36;
	v41 =	vor.u32 $0x18, v59;
	[tilespmem:$0x230] =	vst v40  }
0x35: {  	v43 =	vld [tilespmem:$0xE0];
	v42 =	vor.u32 v34, v36;
	[tilespmem:$0x2B0] =	vst v41  }
0x36: {  	v45 =	vshra.s32 v60, $0x2;
	v46 =	vld [tilespmem:$0x60];
	v37 =	vshll.u32 v63, $0xA;
	v44 =	vor.u32 $0x8, v42;
	[tilespmem:$0x140] =	vst v42  }
0x37: {  	v35 =	vshrl.u32 v60, $0x4;
	v36 =	vand.u32 $0xFFFFFFE0, v45;
	v47 =	vor.u32 $0x10, v42;
	[tilespmem:$0x1C0] =	vst v44  }
0x38: {  	v35 =	vand.u32 $0x7, v35;
	v36 =	vadd.s32 v37, v36;
	v48 =	vor.u32 $0x18, v42;
	[tilespmem:$0x240] =	vst v47  }
0x39: {  	v52 =	vld [tilespmem:$0xF0];
	v49 =	vor.u32 v35, v36;
	[tilespmem:$0x2C0] =	vst v48  }
0x3a: {  	v51 =	vshra.s32 v43, $0x2;
	v54 =	vld [tilespmem:$0x70];
	v34 =	vshrl.u32 v43, $0x4;
	v50 =	vor.u32 $0x8, v49;
	[tilespmem:$0x150] =	vst v49  }
0x3b: {  	v53 =	vshll.u32 v46, $0xA;
	v36 =	vand.u32 $0xFFFFFFE0, v51;
	v35 =	vor.u32 $0x10, v49;
	[tilespmem:$0x1D0] =	vst v50  }
0x3c: {  	v34 =	vand.u32 $0x7, v34;
	v32 =	vadd.s32 v53, v36;
	v33 =	vor.u32 $0x18, v49;
	[tilespmem:$0x250] =	vst v35  }
0x3d: {  	v32 =	vor.u32 v34, v32;
	[tilespmem:$0x2D0] =	vst v33  }
0x3e: {  	v57 =	vshra.s32 v52, $0x2;
	v59 =	vshrl.u32 v52, $0x4;
	v55 =	vor.u32 $0x8, v32;
	[tilespmem:$0x160] =	vst v32  }
0x3f: {  	v58 =	vshll.u32 v54, $0xA;
	v34 =	vand.u32 $0xFFFFFFE0, v57;
	v56 =	vor.u32 $0x10, v32;
	[tilespmem:$0x1E0] =	vst v55  }
0x40: {  	v60 =	vand.u32 $0x7, v59;
	v33 =	vadd.s32 v58, v34;
	v32 =	vor.u32 $0x18, v32;
	[tilespmem:$0x260] =	vst v56  }
0x41: {  	[tilespmem:$0x2E0] =	vst v32;
	v61 =	vor.u32 v60, v33  }
0x42: {  	[tilespmem:$0x170] =	vst v61;
	v33 =	vor.u32 $0x8, v61  }
0x43: {  	v62 =	vor.u32 $0x10, v61;
	[tilespmem:$0x1F0] =	vst v33  }
0x44: {  	v32 =	vor.u32 $0x18, v61;
	[tilespmem:$0x270] =	vst v62  }
0x45: {  	[tilespmem:$0x2F0] =	vst v32  }
0x46: {  	[tilespmem:s12], [sflag:$0x1] =	stream.indirect.gather [hbm4b:s1+s11], $0x100, s4, s11, $0xb8;
	[tilespmem:$0xE300] =	vst v63  }
0x47: {  	_ = 	snop  }
0x48: {  	[tilespmem:s14], [sflag:$0x2] =	stream.indirect.gather [hbm4b:s2+s11], $0x10, s13, s11, $0xb8;
	[tilespmem:$0xE300] =	vst v63  }
0x49: {  	_ = 	snop  }
0x4a: {  	[tilespmem:s16], [sflag:$0x2] =	stream.indirect.gather [hbm4b:s2+s11], $0x10, s15, s11, $0xb8;
	[tilespmem:$0xE300] =	vst v63  }
0x4b: {  	_ = 	snop  }
0x4c: {  	[tilespmem:s18], [sflag:$0x2] =	stream.indirect.gather [hbm4b:s2+s11], $0x10, s17, s11, $0xb8;
	[tilespmem:$0xE300] =	vst v63  }
0x4d: {  	_ = 	snop  }
0x4e: {  	[tilespmem:s20], [sflag:$0x2] =	stream.indirect.gather [hbm4b:s2+s11], $0x10, s19, s11, $0xb8;
	[tilespmem:$0xE300] =	vst v63  }
0x4f: {  	_ =	swait.ge [sflag:s21], $0x8000  }
0x50: {  	[sflag:s21] =	ssyncset.done $0x0  }
0x51: {  	[sflag:s21] =	ssyncadd.s32 $0xFFFF8000  }
0x52: {  	_ =	swait.ge [sflag:s22], $0x800  }
0x53: {  	[sflag:s22] =	ssyncset.done $0x0  }
0x54: {  	[sflag:s22] =	ssyncadd.s32 $0xFFFFF800  }
0x55: {  	_ =	swait.ge [sflag:s22], $0x800  }
0x56: {  	[sflag:s22] =	ssyncset.done $0x0  }
0x57: {  	[sflag:s22] =	ssyncadd.s32 $0xFFFFF800  }
0x58: {  	_ =	swait.ge [sflag:s22], $0x800  }
0x59: {  	[sflag:s22] =	ssyncset.done $0x0  }
0x5a: {  	[sflag:s22] =	ssyncadd.s32 $0xFFFFF800  }
0x5b: {  	_ =	swait.ge [sflag:s22], $0x800  }
0x5c: {  	[sflag:s22] =	ssyncset.done $0x0  }
0x5d: {  	[sflag:s22] =	ssyncadd.s32 $0xFFFFF800  }
0x5e: {  	v63 =	vld [tilespmem:$0x80];
	_ =	sdelay $0x4  }
0x5f: {  	v32 =	vand.u32 $0xF, v63  }
0x60: {  	v32 =	vor.u32 v0, v32;
	_ =	sdelay $0x4  }
0x61: {  	v32 =	vld.idx.msk [tilespmem:v32+s14+$0x0], $0xffff;
	_ =	sdelay $0x4  }
0x62: {  	[tilespmem:s25+$0xFFFFE000] =	vst v32  }
0x63: {  	v32 =	vld [tilespmem:$0x90];
	_ =	sdelay $0x4  }
0x64: {  	v32 =	vand.u32 $0xF, v32  }
0x65: {  	v32 =	vor.u32 v1, v32;
	_ =	sdelay $0x4  }
0x66: {  	v32 =	vld.idx.msk [tilespmem:v32+s14+$0x0], $0xffff;
	_ =	sdelay $0x4  }
0x67: {  	[tilespmem:s25+$0xFFFFE010] =	vst v32  }
0x68: {  	v32 =	vld [tilespmem:$0xA0];
	_ =	sdelay $0x4  }
0x69: {  	v32 =	vand.u32 $0xF, v32  }
0x6a: {  	v32 =	vor.u32 v2, v32;
	_ =	sdelay $0x4  }
0x6b: {  	v32 =	vld.idx.msk [tilespmem:v32+s14+$0x0], $0xffff;
	_ =	sdelay $0x4  }
0x6c: {  	[tilespmem:s25+$0xFFFFE020] =	vst v32  }
0x6d: {  	v32 =	vld [tilespmem:$0xB0];
	_ =	sdelay $0x4  }
0x6e: {  	v32 =	vand.u32 $0xF, v32  }
0x6f: {  	v32 =	vor.u32 v3, v32;
	_ =	sdelay $0x4  }
0x70: {  	v32 =	vld.idx.msk [tilespmem:v32+s14+$0x0], $0xffff;
	_ =	sdelay $0x4  }
0x71: {  	[tilespmem:s25+$0xFFFFE030] =	vst v32  }
0x72: {  	v32 =	vld [tilespmem:$0xC0];
	_ =	sdelay $0x4  }
0x73: {  	v32 =	vand.u32 $0xF, v32  }
0x74: {  	v32 =	vor.u32 v4, v32;
	_ =	sdelay $0x4  }
0x75: {  	v32 =	vld.idx.msk [tilespmem:v32+s14+$0x0], $0xffff;
	_ =	sdelay $0x4  }
0x76: {  	[tilespmem:s25+$0xFFFFE040] =	vst v32  }
0x77: {  	v32 =	vld [tilespmem:$0xD0];
	_ =	sdelay $0x4  }
0x78: {  	v32 =	vand.u32 $0xF, v32  }
0x79: {  	v32 =	vor.u32 v5, v32;
	_ =	sdelay $0x4  }
0x7a: {  	v32 =	vld.idx.msk [tilespmem:v32+s14+$0x0], $0xffff;
	_ =	sdelay $0x4  }
0x7b: {  	[tilespmem:s25+$0xFFFFE050] =	vst v32  }
0x7c: {  	v32 =	vld [tilespmem:$0xE0];
	_ =	sdelay $0x4  }
0x7d: {  	v32 =	vand.u32 $0xF, v32  }
0x7e: {  	v32 =	vor.u32 v6, v32;
	_ =	sdelay $0x4  }
0x7f: {  	v32 =	vld.idx.msk [tilespmem:v32+s14+$0x0], $0xffff;
	_ =	sdelay $0x4  }
0x80: {  	[tilespmem:s25+$0xFFFFE060] =	vst v32  }
0x81: {  	v32 =	vld [tilespmem:$0xF0];
	_ =	sdelay $0x4  }
0x82: {  	v32 =	vand.u32 $0xF, v32  }
0x83: {  	v32 =	vor.u32 v7, v32;
	_ =	sdelay $0x4  }
0x84: {  	v32 =	vld.idx.msk [tilespmem:v32+s14+$0x0], $0xffff;
	_ =	sdelay $0x4  }
0x85: {  	[tilespmem:s25+$0xFFFFE070] =	vst v32  }
0x86: {  	v32 =	vld [tilespmem:$0x80];
	_ =	sdelay $0x4  }
0x87: {  	v32 =	vand.u32 $0xF, v32  }
0x88: {  	v32 =	vor.u32 v8, v32;
	_ =	sdelay $0x4  }
0x89: {  	v32 =	vld.idx.msk [tilespmem:v32+s14+$0x0], $0xffff;
	_ =	sdelay $0x4  }
0x8a: {  	[tilespmem:s25+$0xFFFFF000] =	vst v32  }
0x8b: {  	v32 =	vld [tilespmem:$0x90];
	_ =	sdelay $0x4  }
0x8c: {  	v32 =	vand.u32 $0xF, v32  }
0x8d: {  	v32 =	vor.u32 v9, v32;
	_ =	sdelay $0x4  }
0x8e: {  	v32 =	vld.idx.msk [tilespmem:v32+s14+$0x0], $0xffff;
	_ =	sdelay $0x4  }
0x8f: {  	[tilespmem:s25+$0xFFFFF010] =	vst v32  }
0x90: {  	v32 =	vld [tilespmem:$0xA0];
	_ =	sdelay $0x4  }
0x91: {  	v32 =	vand.u32 $0xF, v32  }
0x92: {  	v32 =	vor.u32 v10, v32;
	_ =	sdelay $0x4  }
0x93: {  	v32 =	vld.idx.msk [tilespmem:v32+s14+$0x0], $0xffff;
	_ =	sdelay $0x4  }
0x94: {  	[tilespmem:s25+$0xFFFFF020] =	vst v32  }
0x95: {  	v32 =	vld [tilespmem:$0xB0];
	_ =	sdelay $0x4  }
0x96: {  	v32 =	vand.u32 $0xF, v32  }
0x97: {  	v32 =	vor.u32 v11, v32;
	_ =	sdelay $0x4  }
0x98: {  	v32 =	vld.idx.msk [tilespmem:v32+s14+$0x0], $0xffff;
	_ =	sdelay $0x4  }
0x99: {  	[tilespmem:s25+$0xFFFFF030] =	vst v32  }
0x9a: {  	v32 =	vld [tilespmem:$0xC0];
	_ =	sdelay $0x4  }
0x9b: {  	v32 =	vand.u32 $0xF, v32  }
0x9c: {  	v32 =	vor.u32 v12, v32;
	_ =	sdelay $0x4  }
0x9d: {  	v32 =	vld.idx.msk [tilespmem:v32+s14+$0x0], $0xffff;
	_ =	sdelay $0x4  }
0x9e: {  	[tilespmem:s25+$0xFFFFF040] =	vst v32  }
0x9f: {  	v32 =	vld [tilespmem:$0xD0];
	_ =	sdelay $0x4  }
0xa0: {  	v32 =	vand.u32 $0xF, v32  }
0xa1: {  	v32 =	vor.u32 v13, v32;
	_ =	sdelay $0x4  }
0xa2: {  	v32 =	vld.idx.msk [tilespmem:v32+s14+$0x0], $0xffff;
	_ =	sdelay $0x4  }
0xa3: {  	[tilespmem:s25+$0xFFFFF050] =	vst v32  }
0xa4: {  	v32 =	vld [tilespmem:$0xE0];
	_ =	sdelay $0x4  }
0xa5: {  	v32 =	vand.u32 $0xF, v32  }
0xa6: {  	v32 =	vor.u32 v14, v32;
	_ =	sdelay $0x4  }
0xa7: {  	v32 =	vld.idx.msk [tilespmem:v32+s14+$0x0], $0xffff;
	_ =	sdelay $0x4  }
0xa8: {  	[tilespmem:s25+$0xFFFFF060] =	vst v32  }
0xa9: {  	v32 =	vld [tilespmem:$0xF0];
	_ =	sdelay $0x4  }
0xaa: {  	v32 =	vand.u32 $0xF, v32  }
0xab: {  	v32 =	vor.u32 v15, v32;
	_ =	sdelay $0x4  }
0xac: {  	v32 =	vld.idx.msk [tilespmem:v32+s14+$0x0], $0xffff;
	_ =	sdelay $0x4  }
0xad: {  	[tilespmem:s25+$0xFFFFF070] =	vst v32  }
0xae: {  	v32 =	vld [tilespmem:$0x80];
	_ =	sdelay $0x4  }
0xaf: {  	v32 =	vand.u32 $0xF, v32  }
0xb0: {  	v32 =	vor.u32 v16, v32;
	_ =	sdelay $0x4  }
0xb1: {  	v32 =	vld.idx.msk [tilespmem:v32+s14+$0x0], $0xffff;
	_ =	sdelay $0x4  }
0xb2: {  	[tilespmem:s25+$0x0] =	vst v32  }
0xb3: {  	v32 =	vld [tilespmem:$0x90];
	_ =	sdelay $0x4  }
0xb4: {  	v32 =	vand.u32 $0xF, v32  }
0xb5: {  	v32 =	vor.u32 v17, v32;
	_ =	sdelay $0x4  }
0xb6: {  	v32 =	vld.idx.msk [tilespmem:v32+s14+$0x0], $0xffff;
	_ =	sdelay $0x4  }
0xb7: {  	[tilespmem:s25+$0x10] =	vst v32  }
0xb8: {  	v32 =	vld [tilespmem:$0xA0];
	_ =	sdelay $0x4  }
0xb9: {  	v32 =	vand.u32 $0xF, v32  }
0xba: {  	v32 =	vor.u32 v18, v32;
	_ =	sdelay $0x4  }
0xbb: {  	v32 =	vld.idx.msk [tilespmem:v32+s14+$0x0], $0xffff;
	_ =	sdelay $0x4  }
0xbc: {  	[tilespmem:s25+$0x20] =	vst v32  }
0xbd: {  	v32 =	vld [tilespmem:$0xB0];
	_ =	sdelay $0x4  }
0xbe: {  	v32 =	vand.u32 $0xF, v32  }
0xbf: {  	v32 =	vor.u32 v19, v32;
	_ =	sdelay $0x4  }
0xc0: {  	v32 =	vld.idx.msk [tilespmem:v32+s14+$0x0], $0xffff;
	_ =	sdelay $0x4  }
0xc1: {  	[tilespmem:s25+$0x30] =	vst v32  }
0xc2: {  	v32 =	vld [tilespmem:$0xC0];
	_ =	sdelay $0x4  }
0xc3: {  	v32 =	vand.u32 $0xF, v32  }
0xc4: {  	v32 =	vor.u32 v20, v32;
	_ =	sdelay $0x4  }
0xc5: {  	v32 =	vld.idx.msk [tilespmem:v32+s14+$0x0], $0xffff;
	_ =	sdelay $0x4  }
0xc6: {  	[tilespmem:s25+$0x40] =	vst v32  }
0xc7: {  	v32 =	vld [tilespmem:$0xD0];
	_ =	sdelay $0x4  }
0xc8: {  	v32 =	vand.u32 $0xF, v32  }
0xc9: {  	v32 =	vor.u32 v21, v32;
	_ =	sdelay $0x4  }
0xca: {  	v32 =	vld.idx.msk [tilespmem:v32+s14+$0x0], $0xffff;
	_ =	sdelay $0x4  }
0xcb: {  	[tilespmem:s25+$0x50] =	vst v32  }
0xcc: {  	v32 =	vld [tilespmem:$0xE0];
	_ =	sdelay $0x4  }
0xcd: {  	v32 =	vand.u32 $0xF, v32  }
0xce: {  	v32 =	vor.u32 v22, v32;
	_ =	sdelay $0x4  }
0xcf: {  	v32 =	vld.idx.msk [tilespmem:v32+s14+$0x0], $0xffff;
	_ =	sdelay $0x4  }
0xd0: {  	[tilespmem:s25+$0x60] =	vst v32  }
0xd1: {  	v32 =	vld [tilespmem:$0xF0];
	_ =	sdelay $0x4  }
0xd2: {  	v32 =	vand.u32 $0xF, v32  }
0xd3: {  	v32 =	vor.u32 v23, v32;
	_ =	sdelay $0x4  }
0xd4: {  	v32 =	vld.idx.msk [tilespmem:v32+s14+$0x0], $0xffff;
	_ =	sdelay $0x4  }
0xd5: {  	[tilespmem:s25+$0x70] =	vst v32  }
0xd6: {  	v32 =	vld [tilespmem:$0x80];
	_ =	sdelay $0x4  }
0xd7: {  	v32 =	vand.u32 $0xF, v32  }
0xd8: {  	v32 =	vor.u32 v24, v32;
	_ =	sdelay $0x4  }
0xd9: {  	v32 =	vld.idx.msk [tilespmem:v32+s14+$0x0], $0xffff;
	_ =	sdelay $0x4  }
0xda: {  	[tilespmem:s25+$0x1000] =	vst v32  }
0xdb: {  	v32 =	vld [tilespmem:$0x90];
	_ =	sdelay $0x4  }
0xdc: {  	v32 =	vand.u32 $0xF, v32  }
0xdd: {  	v32 =	vor.u32 v25, v32;
	_ =	sdelay $0x4  }
0xde: {  	v32 =	vld.idx.msk [tilespmem:v32+s14+$0x0], $0xffff;
	_ =	sdelay $0x4  }
0xdf: {  	[tilespmem:s25+$0x1010] =	vst v32  }
0xe0: {  	v32 =	vld [tilespmem:$0xA0];
	_ =	sdelay $0x4  }
0xe1: {  	v32 =	vand.u32 $0xF, v32  }
0xe2: {  	v32 =	vor.u32 v26, v32;
	_ =	sdelay $0x4  }
0xe3: {  	v32 =	vld.idx.msk [tilespmem:v32+s14+$0x0], $0xffff;
	_ =	sdelay $0x4  }
0xe4: {  	[tilespmem:s25+$0x1020] =	vst v32  }
0xe5: {  	v32 =	vld [tilespmem:$0xB0];
	_ =	sdelay $0x4  }
0xe6: {  	v32 =	vand.u32 $0xF, v32  }
0xe7: {  	v32 =	vor.u32 v27, v32;
	_ =	sdelay $0x4  }
0xe8: {  	v32 =	vld.idx.msk [tilespmem:v32+s14+$0x0], $0xffff;
	_ =	sdelay $0x4  }
0xe9: {  	[tilespmem:s25+$0x1030] =	vst v32  }
0xea: {  	v32 =	vld [tilespmem:$0xC0];
	_ =	sdelay $0x4  }
0xeb: {  	v32 =	vand.u32 $0xF, v32  }
0xec: {  	v32 =	vor.u32 v28, v32;
	_ =	sdelay $0x4  }
0xed: {  	v32 =	vld.idx.msk [tilespmem:v32+s14+$0x0], $0xffff;
	_ =	sdelay $0x4  }
0xee: {  	[tilespmem:s25+$0x1040] =	vst v32  }
0xef: {  	v32 =	vld [tilespmem:$0xD0];
	_ =	sdelay $0x4  }
0xf0: {  	v32 =	vand.u32 $0xF, v32  }
0xf1: {  	v32 =	vor.u32 v29, v32;
	_ =	sdelay $0x4  }
0xf2: {  	v32 =	vld.idx.msk [tilespmem:v32+s14+$0x0], $0xffff;
	_ =	sdelay $0x4  }
0xf3: {  	[tilespmem:s25+$0x1050] =	vst v32  }
0xf4: {  	v32 =	vld [tilespmem:$0xE0];
	_ =	sdelay $0x4  }
0xf5: {  	v32 =	vand.u32 $0xF, v32  }
0xf6: {  	v32 =	vor.u32 v30, v32;
	_ =	sdelay $0x4  }
0xf7: {  	v32 =	vld.idx.msk [tilespmem:v32+s14+$0x0], $0xffff;
	_ =	sdelay $0x4  }
0xf8: {  	[tilespmem:s25+$0x1060] =	vst v32  }
0xf9: {  	v32 =	vld [tilespmem:$0xF0];
	_ =	sdelay $0x4  }
0xfa: {  	v32 =	vand.u32 $0xF, v32  }
0xfb: {  	v32 =	vor.u32 v31, v32;
	_ =	sdelay $0x4  }
0xfc: {  	v32 =	vld.idx.msk [tilespmem:v32+s14+$0x0], $0xffff;
	_ =	sdelay $0x3  }
0xfd: {  	p0 =	sne.s32 s28, $0x1F0  }
.Ltmp0:
0xfe: {  	[tilespmem:s25+$0x1070] =	vst v32;
	(pc) =	sbr.rel @p0 .LBB2_2-.Ltmp0, $4  }
0xff: {  	[hbm4b:s26+s4] =	stream.linear.scatter [tilespmem:s12], [sflag:$0x3], $0x8000, $0x38;
	[tilespmem:$0xE300] =	vst v63  }
0x100: {  	_ =	swait.ge [sflag:s10], $0x8000  }
0x101: {  	s28 =	sadd.s32 $0x10, s28;
	[sflag:s10] =	ssyncset.done $0x0  }
0x102: {  	s25 =	sadd.s32 $0x80, s25;
	s26 =	sadd.s32 $0x1000, s26;
	[sflag:s10] =	ssyncadd.s32 $0xFFFF8000  }
0x103: {  	s24 =	sadd.s32 $0x1, s24  }
0x104: {  	p0 =	sne.s32 s24, s8  }
.Ltmp1:
0x105: {  	_ = 	snop;
	(pc) =	sbr.rel @p0 .LBB2_1-.Ltmp1, $4  }
0x106: {  	[hbm4b:s5+s4] =	stream.linear.scatter [tilespmem:s23], [sflag:$0x3], $0x4000, $0x38;
	[tilespmem:$0xE300] =	vst v63  }
0x107: {  	_ =	swait.ge [sflag:s10], $0x4000  }
0x108: {  	[sflag:s10] =	ssyncset.done $0x0  }
0x109: {  	[sflag:s10] =	ssyncadd.s32 $0xFFFFC000  }
0x10a: {  	_ =	sfence.sel $0x180000  }
0x10b: {  	[bflag:$0x0] =	sbarrier.arrive $0xFFFF  }
0x10c: {  	p0 =	sne.s32 s3, $0x0;
	_ =	strace $0x9000004A  }
0x10d: {  	s0 =	sadd.s32 @!p0 $0x100000, s0;
	[bflag:$0x2] =	sbarrier.arrive $0xFFFF  }
0x10e: {  	[sflag:s0] =	ssyncadd.tile.s32 @!p0 $0x1;
	_ =	shalt  }
.Lfunc_end2:
_tile_overlayer_lowered:
.L_overlay_start_2:
0x10f: {  	(tag) =	ssettag $0x2  }
0x110: {  	s0 =	rddreg [dreg:$0x0];
	s2 =	stileid.u32  }
0x111: {  	s1 =	rddreg [dreg:$0x1];
	p0 =	sne.s32 s2, $0x0  }
0x112: {  	s3 =	rddreg [dreg:$0x2];
	[bflag:$0x3] =	sbarrier.arrive $0xFFFF;
	s2 =	simm.s32 @!p0 $0x1C03  }
0x113: {  	[timem:s3], [sflag:s2] =	dma.local @!p0 [hbm:s0], s1  }
0x114: {  	s0 =	simm.s32 @!p0 $0x3  }
0x115: {  	_ =	swait.ge @!p0 [sflag:s0], s1  }
0x116: {  	s1 =	ssub.s32 @!p0 $0x0, s1;
	[sflag:s0] =	ssyncset.done @!p0 $0x0  }
0x117: {  	[sflag:s0] =	ssyncadd.s32 @!p0 s1  }
0x118: {  	[bflag:$0x3] =	sbarrier.arrive $0xFFFF  }
0x119: {  	_ =	shalt  }

// kernel: kernel.13.cloned.1.call-start
scs
__scs_entry_jumppad:
0x0: {  	(pc) =	sbr.rel $0x88, $3  }
0x1: {  	(tag) =	ssettag $0x0;
	lr =	simm.s32 $0x1  }
0x2: {  	[smem:$0x3F9A] =	sst lr;
	_ =	strace $0xD0000000  }
0x3: {  	_ = 	snop  }
0x4: {  	_ = 	snop  }
0x5: {  	_ = 	snop  }
0x6: {  	_ = 	snop  }
0x7: {  	_ = 	snop  }
__scs_overlays_trampoline_lowered:
0x8: {  	[smem:$0x3FA9] =	sst s0  }
0x9: {  	[smem:$0x3FAA] =	sst s1  }
0xa: {  	[smem:$0x3FAB] =	sst s2  }
0xb: {  	[smem:$0x3FAC] =	sst s3  }
0xc: {  	[smem:$0x3FAD] =	sst s4  }
0xd: {  	[smem:$0x3FAE] =	sst s5  }
0xe: {  	[smem:$0x3FAF] =	sst s6  }
0xf: {  	[smem:$0x3FB0] =	sst s7  }
0x10: {  	[smem:$0x3FB1] =	sst s8  }
0x11: {  	[smem:$0x3FB2] =	sst s9;
	s0 =	simm.s32 @!p0 $0x0  }
0x12: {  	s1 =	sld [smem:$0x3F98];
	s0 =	simm.s32 @p0 $0x1  }
0x13: {  	[smem:$0x3FB3] =	sst s0;
	s0 =	simm.s32 @!p1 $0x0  }
0x14: {  	s2 =	sld [smem:$0x3F97];
	s0 =	simm.s32 @p1 $0x1  }
0x15: {  	[smem:$0x3FB4] =	sst s0;
	s0 =	simm.s32 @!p2 $0x0  }
0x16: {  	s3 =	sld [smem:$0x3FDB];
	s0 =	simm.s32 @p2 $0x1  }
0x17: {  	s4 =	simm.s32 $0x1BF5;
	[smem:$0x3FB6] =	sst s0  }
0x18: {  	s0 =	sld [smem:$0x3F99];
	_ =	swait.ge [sflag:s4], $0x0  }
0x19: {  	s7 =	sld [smem:$0x3F9A]  }
0x1a: {  	s8 =	sadd.s32 $0xFFFFE003, lr  }
0x1b: {  	s9 =	sadd.s32 $0xFFFFFEF7, lr;
	s5 =	simm.s32 $0xFFFFFFFF;
	p2 =	slt.u32 s8, $0xFFFFF086  }
0x1c: {  	p1 =	slt.u32 s9, $0xF7A;
	s5 =	simm.s32 @!p2 $0x0  }
0x1d: {  	s5 =	simm.s32 @p1 $0x1;
	p0 =	seq.s32 s7, s2  }
0x1e: {  	s7 =	smul.u32 @!p0 $0xF7A, s2;
	p2 =	seq.s32 @!p0 s5, $0x0  }
0x1f: {  	s9 =	smul.u32 $0xF7A, s1;
	s8 =	simm.s32 @!p0 $0x1BF5;
	p2 =	por !p2, p0  }
0x20: {  	[sflag:s8] =	ssyncset.s32 @!p0 $0xFFFFF086;
	s6 =	sadd.s32 @!p0 s3, s7;
	s7 =	simm.s32 @!p0 $0x108  }
0x21: {  	s3 =	sadd.s32 s3, s9;
	s6 =	sadd.s32 @!p0 $0x88, s6;
	s7 =	simm.s32 @p2 $0x1082  }
0x22: {  	[simem:s7], [sflag:s8] =	dma.local @!p0 [hbm:s6], $0xF7A  }
0x23: {  	s9 =	sor.u32 $0xD0000000, s2;
	s6 =	simm.s32 $0x108;
	_ =	swait.ge @!p0 [sflag:s8], $0x0  }
0x24: {  	s3 =	sadd.s32 $0x88, s3;
	s6 =	simm.s32 @!p1 $0x1082;
	[sflag:s4] =	ssyncset.s32 $0xFFFFF086  }
0x25: {  	[simem:s6], [sflag:s4] =	dma.local [hbm:s3], $0xF7A  }
0x26: {  	[smem:$0x3F9A] =	sst s1;
	(tag) =	ssettag s2;
	_ =	strace s9  }
0x27: {  	s1 =	sld [smem:$0x3FAA]  }
0x28: {  	s2 =	sld [smem:$0x3FAB]  }
0x29: {  	s4 =	sld [smem:$0x3FAD]  }
0x2a: {  	p0 =	seq.s32 s5, $0x0;
	s5 =	sld [smem:$0x3FAE]  }
0x2b: {  	s6 =	sld [smem:$0x3FAF]  }
0x2c: {  	s7 =	sld [smem:$0x3FB0]  }
0x2d: {  	s3 =	simm.s32 $0x108;
	s8 =	sld [smem:$0x3FB1]  }
0x2e: {  	s3 =	simm.s32 @!p0 $0x1082;
	s9 =	sld [smem:$0x3FB2]  }
0x2f: {  	lr =	sadd.s32 s0, s3;
	s0 =	sld [smem:$0x3FA9]  }
0x30: {  	s3 =	sld [smem:$0x3FAC]  }
0x31: {  	[smem:$0x3FB5] =	sst s10  }
0x32: {  	s10 =	sld [smem:$0x3FB3];
	_ =	sdelay $0x3  }
0x33: {  	p0 =	seq.s32 s10, $0x1;
	s10 =	sld [smem:$0x3FB5];
	_ =	sdelay $0x3  }
0x34: {  	[smem:$0x3FB5] =	sst s10  }
0x35: {  	s10 =	sld [smem:$0x3FB4];
	_ =	sdelay $0x3  }
0x36: {  	p1 =	seq.s32 s10, $0x1;
	s10 =	sld [smem:$0x3FB5];
	_ =	sdelay $0x3  }
0x37: {  	[smem:$0x3FB5] =	sst s10  }
0x38: {  	s10 =	sld [smem:$0x3FB6]  }
0x39: {  	_ = 	snop;
	(pc) =	sbr.ind lr, $3  }
0x3a: {  	_ = 	snop  }
0x3b: {  	_ = 	snop  }
0x3c: {  	p2 =	seq.s32 s10, $0x1;
	s10 =	sld [smem:$0x3FB5]  }
0x3d: {  	_ =	shalt  }
0x3e: {  	_ =	shalt  }
0x3f: {  	_ =	shalt  }
0x40: {  	_ =	shalt  }
0x41: {  	_ =	shalt  }
0x42: {  	_ =	shalt  }
0x43: {  	_ =	shalt  }
0x44: {  	_ =	shalt  }
0x45: {  	_ =	shalt  }
0x46: {  	_ =	shalt  }
0x47: {  	_ =	shalt  }
0x48: {  	_ =	shalt  }
0x49: {  	_ =	shalt  }
0x4a: {  	_ =	shalt  }
0x4b: {  	_ =	shalt  }
0x4c: {  	_ =	shalt  }
0x4d: {  	_ =	shalt  }
0x4e: {  	_ =	shalt  }
0x4f: {  	_ =	shalt  }
0x50: {  	_ =	shalt  }
0x51: {  	_ =	shalt  }
0x52: {  	_ =	shalt  }
0x53: {  	_ =	shalt  }
0x54: {  	_ =	shalt  }
0x55: {  	_ =	shalt  }
0x56: {  	_ =	shalt  }
0x57: {  	_ =	shalt  }
0x58: {  	_ =	shalt  }
0x59: {  	_ =	shalt  }
0x5a: {  	_ =	shalt  }
0x5b: {  	_ =	shalt  }
0x5c: {  	_ =	shalt  }
0x5d: {  	_ =	shalt  }
0x5e: {  	_ =	shalt  }
0x5f: {  	_ =	shalt  }
0x60: {  	_ =	shalt  }
0x61: {  	_ =	shalt  }
0x62: {  	_ =	shalt  }
0x63: {  	_ =	shalt  }
0x64: {  	_ =	shalt  }
0x65: {  	_ =	shalt  }
0x66: {  	_ =	shalt  }
0x67: {  	_ =	shalt  }
0x68: {  	_ =	shalt  }
0x69: {  	_ =	shalt  }
0x6a: {  	_ =	shalt  }
0x6b: {  	_ =	shalt  }
0x6c: {  	_ =	shalt  }
0x6d: {  	_ =	shalt  }
0x6e: {  	_ =	shalt  }
0x6f: {  	_ =	shalt  }
0x70: {  	_ =	shalt  }
0x71: {  	_ =	shalt  }
0x72: {  	_ =	shalt  }
0x73: {  	_ =	shalt  }
0x74: {  	_ =	shalt  }
0x75: {  	_ =	shalt  }
0x76: {  	_ =	shalt  }
0x77: {  	_ =	shalt  }
0x78: {  	_ =	shalt  }
0x79: {  	_ =	shalt  }
0x7a: {  	_ =	shalt  }
0x7b: {  	_ =	shalt  }
0x7c: {  	_ =	shalt  }
0x7d: {  	_ =	shalt  }
0x7e: {  	_ =	shalt  }
0x7f: {  	_ =	shalt  }
0x80: {  	_ =	shalt  }
0x81: {  	_ =	shalt  }
0x82: {  	_ =	shalt  }
0x83: {  	_ =	shalt  }
0x84: {  	_ =	shalt  }
0x85: {  	_ =	shalt  }
0x86: {  	_ =	shalt  }
0x87: {  	_ =	shalt  }
.Lfunc_end0:
.L_simem_size_0:
called_computation.1_lowered:
.L_overlay_start_0:
0x88: {  	s2 =	sld [smem:$0x3FD9]  }
0x89: {  	s3 =	sld [smem:$0x3FFE];
	_ =	sdelay $0x1  }
0x8a: {  	s1 =	srdreg.scid  }
0x8b: {  	s0 =	sand.u32 $0x1, s1  }
0x8c: {  	s17 =	sshll.u32 s0, $0xA;
	s2 =	sadd.s32 s3, s2  }
0x8d: {  	s2 =	sadd.s32 s2, s17  }
0x8e: {  	[smem:$0x3FC1] =	sst s2  }
0x8f: {  	_ = 	snop  }
0x90: {  	(tm) =	ssettm $0x1  }
0x91: {  	s18 =	sld [smem:$0x3FFB];
	_ =	sdelay $0x3  }
0x92: {  	_ =	strace s18  }
0x93: {  	s2 =	sld [smem:$0x3FFC];
	_ =	sdelay $0x3  }
0x94: {  	_ =	strace s2  }
0x95: {  	s2 =	sld [smem:$0x3FFD];
	_ =	sdelay $0x3  }
0x96: {  	_ =	strace s2  }
0x97: {  	_ =	strace $0x8FFFFFFF  }
0x98: {  	s19 =	sld [smem:$0x3FDB];
	_ =	sdelay $0x1  }
0x99: {  	s20 =	simm.s32 $_scs_section_size  }
0x9a: {  	s4 =	simm.s32 $_size__tile_overlayer_lowered;
	s5 =	simm.s32 $_tile_overlayer_lowered  }
0x9b: {  	s6 =	simm.s32 $0x1BFF;
	s21 =	sshll.u32 s5, $0x1;
	s3 =	sadd.s32 s20, s19  }
0x9c: {  	s22 =	simm.s32 $0x0;
	s4 =	sshll.u32 s4, $0x1;
	s5 =	sadd.s32 s21, s3  }
0x9d: {  	[timem:s22], [sflag:s6] =	dma.local [hbm:s5], s4  }
0x9e: {  	_ =	swait.ge [sflag:s6], s4  }
0x9f: {  	s4 =	ssub.s32 $0x0, s4;
	[sflag:s6] =	ssyncset.done $0x0  }
0xa0: {  	[sflag:s6] =	ssyncadd.s32 s4;
	_ =	sdelay $0x1  }
0xa1: {  	s23 =	simm.s32 $0x1B8B  }
0xa2: {  	_ =	swait.ge [sflag:s23], $0x1  }
0xa3: {  	[sflag:s23] =	ssyncset.done $0x0  }
0xa4: {  	[sflag:s23] =	ssyncadd.s32 $0xFFFFFFFF  }
0xa5: {  	s4 =	sld [smem:$0x0]  }
0xa6: {  	s5 =	sand.u32 $0xFFFFFFFE, s1  }
0xa7: {  	p0 =	sne.s32 s1, s5  }
0xa8: {  	s5 =	sshll.u32 @p0 s5, $0xE  }
0xa9: {  	s5 =	sadd.s32 @p0 $0x11B8D, s5;
	s6 =	sshll.u32 @p0 s4, $0x11  }
0xaa: {  	s5 =	sor.u32 @p0 s6, s5  }
0xab: {  	[sflag:s5] =	ssyncadd.remote.s32 @p0 $0x1;
	_ =	sdelay $0x1  }
0xac: {  	s5 =	simm.s32 @p0 $0x1B8D  }
0xad: {  	_ =	swait.eq @p0 [sflag:s5], $0x1  }
0xae: {  	[sflag:s5] =	ssyncadd.s32 @p0 $0xFFFFFFFF  }
0xaf: {  	s6 =	sshll.u32 @!p0 s1, $0xE  }
0xb0: {  	s6 =	sor.u32 @!p0 $0x4000, s6;
	s5 =	simm.s32 @!p0 $0x1B8D  }
0xb1: {  	s4 =	sshll.u32 @!p0 s4, $0x11;
	s6 =	sadd.s32 @!p0 $0x11B8D, s6;
	_ =	swait.eq @!p0 [sflag:s5], $0x1  }
0xb2: {  	s4 =	sor.u32 @!p0 s4, s6;
	[sflag:s5] =	ssyncadd.s32 @!p0 $0xFFFFFFFF  }
0xb3: {  	s25 =	simm.s32 $0x1B8E;
	s24 =	sld [smem:$0x3FFE];
	[sflag:s4] =	ssyncadd.remote.s32 @!p0 $0x1  }
0xb4: {  	s26 =	simm.s32 $execute0_lowered;
	[smem:$0x3FD2] =	sst s25  }
0xb5: {  	s5 =	sshll.u32 s26, $0x1;
	_ =	strace $0x8000004F;
	[dreg:$0x1] =	wrdreg $0xFFFFFFFF  }
0xb6: {  	s28 =	simm.s32 $_size_execute0_lowered;
	s3 =	sadd.s32 s3, s5;
	[dreg:$0x0] =	wrdreg $0x0  }
0xb7: {  	s5 =	sshll.u32 s28, $0x1;
	[dreg:$0x2] =	wrdreg s3  }
0xb8: {  	[dreg:$0x3] =	wrdreg s5  }
0xb9: {  	[dreg:$0x4] =	wrdreg $0xC0  }
0xba: {  	_ =	task [dreg:s22], $0x5FFFF  }
0xbb: {  	[dreg:$0x1] =	wrdreg $0xFFFFFFFF  }
0xbc: {  	[dreg:$0x0] =	wrdreg $0x60  }
0xbd: {  	[dreg:$0x2] =	wrdreg s24  }
0xbe: {  	[dreg:$0x3] =	wrdreg $0x81800  }
0xbf: {  	[dreg:$0x4] =	wrdreg $0x9  }
0xc0: {  	_ =	task.clear_ibuf [dreg:s22], $0x5FFFF;
	_ =	strace $0x9000004F  }
0xc1: {  	s29 =	simm.s32 $0x9;
	_ =	strace $0x80000051  }
0xc2: {  	_ =	swait.ge [sflag:s29], $0x1  }
0xc3: {  	[sflag:s29] =	ssyncadd.s32 $0xFFFFFFFF  }
0xc4: {  	_ =	strace $0x90000051  }
0xc5: {  	_ =	sfence  }
0xc6: {  	s30 =	sld [smem:$0x0];
	_ =	sdelay $0x2  }
0xc7: {  	s31 =	sshll.u32 s1, $0xD;
	s1 =	sshrl.u32 s1, $0x2  }
0xc8: {  	s4 =	sand.u32 $0x4000, s31;
	s1 =	sadd.s32 s1, s30  }
0xc9: {  	s0 =	sor.u32 s4, s0;
	s1 =	sshll.u32 s1, $0x11  }
0xca: {  	s0 =	sor.u32 s1, s0  }
0xcb: {  	s0 =	sadd.s32 $0x8F2B, s0  }
0xcc: {  	[sflag:s0] =	ssyncadd.remote.s32 $0x1  }
0xcd: {  	_ =	sfence.sel $0xFFFF  }
0xce: {  	[dreg:$0x0] =	wrdreg $0xFFFFFFFF;
	(pc) =	sbr.abs _section_cstart, $3  }
0xcf: {  	[dreg:$0x1] =	wrdreg $0xFFFFFFFF  }
0xd0: {  	_ =	task.clear_ibuf [dreg:s22], $0x2FFFF;
	_ =	strace $0x9FFFFFFF  }
0xd1: {  	(tm) =	ssettm $0x7FFFFFFF  }
tec
execute0_lowered:
.L_overlay_start_1:
0x0: {  	(tag) =	ssettag $0x1  }
0x1: {  	s4 =	rddreg [dreg:$0x0]  }
0x2: {  	s2 =	rddreg [dreg:$0x1]  }
0x3: {  	s0 =	rddreg [dreg:$0x2]  }
0x4: {  	s5 =	srdreg.scid;
	s3 =	simm.s32 $0x0;
	s1 =	stileid.u32  }
0x5: {  	s12 =	simm.s32 $0x180;
	s13 =	simm.s32 $0x80;
	s14 =	simm.s32 $0x100  }
0x6: {  	s15 =	simm.s32 $0x4180;
	s16 =	simm.s32 $0x0;
	s5 =	sand.u32 $0x1, s5  }
0x7: {  	[smem:$0x7FF] =	sst s3;
	s6 =	sshll.u32 s1, $0xD;
	s8 =	sshll.u32 s1, $0x12  }
0x8: {  	s30 =	sshll.u32 s1, $0x6;
	s7 =	sshll.u32 s5, $0xC;
	_ =	strace $0x80000050  }
0x9: {  	v16 =	vlaneseq.u32;
	s9 =	ssub.s32 $0x2, s5;
	s10 =	sadd.s32 s8, s4;
	s29 =	sshll.u32 s5, $0x11  }
0xa: {  	v0 =	vand.u32 $0x7, v16;
	v1 =	vshrl.u32 v16, $0x3;
	v16 =	vor.u32 $0x78, v16;
	s8 =	sshrl.u32 s8, $0x2;
	s7 =	sor.u32 s7, s6;
	s28 =	sshrl.u32 s9, $0x1  }
0xb: {  	v3 =	vor.u32 $0x10, v0;
	v4 =	vor.u32 $0x18, v0;
	v5 =	vor.u32 $0x20, v0;
	s6 =	sadd.s32 s6, s4;
	s31 =	sadd.s32 s8, s2;
	s7 =	sshrl.u32 s7, $0x3  }
0xc: {  	v6 =	vor.u32 $0x28, v0;
	v7 =	vor.u32 $0x30, v0;
	v8 =	vor.u32 $0x38, v0;
	s9 =	ssub.s32 s9, s28;
	s5 =	sadd.s32 s29, s6;
	s11 =	sadd.s32 s7, s4  }
0xd: {  	v9 =	vor.u32 $0x40, v0;
	v10 =	vor.u32 $0x48, v0;
	s4 =	sadd.s32 $0x834600, s6;
	s5 =	sadd.s32 $0x894600, s5;
	s7 =	sadd.s32 s29, s10  }
0xe: {  	v11 =	vor.u32 $0x50, v0;
	v12 =	vor.u32 $0x58, v0;
	v13 =	vor.u32 $0x60, v0;
	s6 =	sor.u32 $0x1C01, s30;
	s8 =	smax.u32 s9, $0x1;
	s10 =	sshrl.u32 s31, $0x3  }
0xf: {  	v2 =	vor.u32 $0x8, v0;
	v14 =	vor.u32 $0x68, v0;
	v15 =	vor.u32 $0x70, v0;
	s7 =	sadd.s32 $0x423400, s7;
	s9 =	sadd.s32 $0x41F400, s11;
	s11 =	simm.s32 $0x1  }
.LBB2_1:
0x10: {  	[spmem:s10], [sflag:s6] =	dma.local [hbm:s4], $0x2000  }
0x11: {  	_ =	swait.ge [sflag:s11], $0x2000  }
0x12: {  	[sflag:s11] =	ssyncset.done $0x0  }
0x13: {  	[sflag:s11] =	ssyncadd.s32 $0xFFFFE000  }
0x14: {  	s17 =	sadd.s32 $0x0, s9;
	[bflag:$0x0] =	sbarrier.arrive $0xFFFF  }
0x15: {  	[tilespmem:s3], [sflag:$0x1] =	stream.linear.gather [hbm4b:s17+s3], $0x80, $0x38;
	[tilespmem:$0x18180] =	vst v63  }
0x16: {  	_ =	swait.ge [sflag:s11], $0x80  }
0x17: {  	[sflag:s11] =	ssyncset.done $0x0  }
0x18: {  	[sflag:s11] =	ssyncadd.s32 $0xFFFFFF80  }
0x19: {  	[tilespmem:s12], [sflag:$0x1] =	stream.linear.gather [hbm4b:s7+s3], $0x8000, $0x38;
	[tilespmem:$0x18180] =	vst v63  }
0x1a: {  	_ =	swait.ge [sflag:s11], $0x8000  }
0x1b: {  	[sflag:s11] =	ssyncset.done $0x0  }
0x1c: {  	[sflag:s11] =	ssyncadd.s32 $0xFFFF8000  }
0x1d: {  	v17 =	vld.idx.msk [tilespmem:v0+s3+$0x0], $0xffff;
	_ =	sdelay $0x4  }
0x1e: {  	v17 =	vshll.u32 v17, $0x1  }
0x1f: {  	v17 =	vor.u32 v1, v17  }
0x20: {  	[tilespmem:$0x80] =	vst v17  }
0x21: {  	v17 =	vld.idx.msk [tilespmem:v2+s3+$0x0], $0xffff;
	_ =	sdelay $0x4  }
0x22: {  	v17 =	vshll.u32 v17, $0x1  }
0x23: {  	v17 =	vor.u32 v1, v17  }
0x24: {  	[tilespmem:$0x90] =	vst v17  }
0x25: {  	v17 =	vld.idx.msk [tilespmem:v3+s3+$0x0], $0xffff;
	_ =	sdelay $0x4  }
0x26: {  	v17 =	vshll.u32 v17, $0x1  }
0x27: {  	v17 =	vor.u32 v1, v17  }
0x28: {  	[tilespmem:$0xA0] =	vst v17  }
0x29: {  	v17 =	vld.idx.msk [tilespmem:v4+s3+$0x0], $0xffff;
	_ =	sdelay $0x4  }
0x2a: {  	v17 =	vshll.u32 v17, $0x1  }
0x2b: {  	v17 =	vor.u32 v1, v17  }
0x2c: {  	[tilespmem:$0xB0] =	vst v17  }
0x2d: {  	v17 =	vld.idx.msk [tilespmem:v5+s3+$0x0], $0xffff;
	_ =	sdelay $0x4  }
0x2e: {  	v17 =	vshll.u32 v17, $0x1  }
0x2f: {  	v17 =	vor.u32 v1, v17  }
0x30: {  	[tilespmem:$0xC0] =	vst v17  }
0x31: {  	v17 =	vld.idx.msk [tilespmem:v6+s3+$0x0], $0xffff;
	_ =	sdelay $0x4  }
0x32: {  	v17 =	vshll.u32 v17, $0x1  }
0x33: {  	v17 =	vor.u32 v1, v17  }
0x34: {  	[tilespmem:$0xD0] =	vst v17  }
0x35: {  	v17 =	vld.idx.msk [tilespmem:v7+s3+$0x0], $0xffff;
	_ =	sdelay $0x4  }
0x36: {  	v17 =	vshll.u32 v17, $0x1  }
0x37: {  	v17 =	vor.u32 v1, v17  }
0x38: {  	[tilespmem:$0xE0] =	vst v17  }
0x39: {  	v17 =	vld.idx.msk [tilespmem:v8+s3+$0x0], $0xffff;
	_ =	sdelay $0x4  }
0x3a: {  	v17 =	vshll.u32 v17, $0x1  }
0x3b: {  	v17 =	vor.u32 v1, v17  }
0x3c: {  	[tilespmem:$0xF0] =	vst v17  }
0x3d: {  	v17 =	vld.idx.msk [tilespmem:v9+s3+$0x0], $0xffff;
	_ =	sdelay $0x4  }
0x3e: {  	v17 =	vshll.u32 v17, $0x1  }
0x3f: {  	v17 =	vor.u32 v1, v17  }
0x40: {  	[tilespmem:$0x100] =	vst v17  }
0x41: {  	v17 =	vld.idx.msk [tilespmem:v10+s3+$0x0], $0xffff;
	_ =	sdelay $0x4  }
0x42: {  	v17 =	vshll.u32 v17, $0x1  }
0x43: {  	v17 =	vor.u32 v1, v17  }
0x44: {  	[tilespmem:$0x110] =	vst v17  }
0x45: {  	v17 =	vld.idx.msk [tilespmem:v11+s3+$0x0], $0xffff;
	_ =	sdelay $0x4  }
0x46: {  	v17 =	vshll.u32 v17, $0x1  }
0x47: {  	v17 =	vor.u32 v1, v17  }
0x48: {  	[tilespmem:$0x120] =	vst v17  }
0x49: {  	v17 =	vld.idx.msk [tilespmem:v12+s3+$0x0], $0xffff;
	_ =	sdelay $0x4  }
0x4a: {  	v17 =	vshll.u32 v17, $0x1  }
0x4b: {  	v17 =	vor.u32 v1, v17  }
0x4c: {  	[tilespmem:$0x130] =	vst v17  }
0x4d: {  	v17 =	vld.idx.msk [tilespmem:v13+s3+$0x0], $0xffff;
	_ =	sdelay $0x4  }
0x4e: {  	v17 =	vshll.u32 v17, $0x1  }
0x4f: {  	v17 =	vor.u32 v1, v17  }
0x50: {  	[tilespmem:$0x140] =	vst v17  }
0x51: {  	v17 =	vld.idx.msk [tilespmem:v14+s3+$0x0], $0xffff;
	_ =	sdelay $0x4  }
0x52: {  	v17 =	vshll.u32 v17, $0x1  }
0x53: {  	v17 =	vor.u32 v1, v17  }
0x54: {  	[tilespmem:$0x150] =	vst v17  }
0x55: {  	v17 =	vld.idx.msk [tilespmem:v15+s3+$0x0], $0xffff;
	_ =	sdelay $0x4  }
0x56: {  	v17 =	vshll.u32 v17, $0x1  }
0x57: {  	v17 =	vor.u32 v1, v17  }
0x58: {  	[tilespmem:$0x160] =	vst v17  }
0x59: {  	v17 =	vld.idx.msk [tilespmem:v16+s3+$0x0], $0xffff;
	_ =	sdelay $0x4  }
0x5a: {  	v17 =	vshll.u32 v17, $0x1  }
0x5b: {  	v17 =	vor.u32 v1, v17  }
0x5c: {  	[tilespmem:$0x170] =	vst v17  }
0x5d: {  	[spmem:s2] =	stream.indirect.scatter.add.f32 [tilespmem:s12], [sflag:$0x1], $0x80, s13, s13, $0xb8;
	[tilespmem:$0x18180] =	vst v63  }
0x5e: {  	_ =	swait.ge [sflag:s11], $0x4000  }
0x5f: {  	[sflag:s11] =	ssyncset.done $0x0  }
0x60: {  	[sflag:s11] =	ssyncadd.s32 $0xFFFFC000  }
0x61: {  	[spmem:s2] =	stream.indirect.scatter.add.f32 [tilespmem:s15], [sflag:$0x1], $0x80, s14, s13, $0xb8;
	[tilespmem:$0x18180] =	vst v63  }
0x62: {  	s18 =	simm.s32 $0x10;
	_ =	swait.ge [sflag:s11], $0x4000  }
0x63: {  	s20 =	simm.s32 $0x20;
	s17 =	sadd.s32 $0x1000, s7;
	[sflag:s11] =	ssyncset.done $0x0  }
.LBB2_2:
0x64: {  	s21 =	sadd.s32 s18, s9  }
0x65: {  	[sflag:s11] =	ssyncadd.s32 $0xFFFFC000;
	s18 =	smov.u32 s20;
	s19 =	sadd.s32 $0x10, s20  }
0x66: {  	[tilespmem:s3], [sflag:$0x1] =	stream.linear.gather [hbm4b:s21+s3], $0x80, $0x38;
	[tilespmem:$0x18180] =	vst v63  }
0x67: {  	p0 =	sne.s32 s20, $0x1F0;
	_ =	swait.ge [sflag:s11], $0x80  }
0x68: {  	[sflag:s11] =	ssyncset.done $0x0  }
0x69: {  	[sflag:s11] =	ssyncadd.s32 $0xFFFFFF80  }
0x6a: {  	[tilespmem:s12], [sflag:$0x1] =	stream.linear.gather [hbm4b:s17+s3], $0x8000, $0x38;
	[tilespmem:$0x18180] =	vst v63  }
0x6b: {  	_ =	swait.ge [sflag:s11], $0x8000  }
0x6c: {  	[sflag:s11] =	ssyncset.done $0x0  }
0x6d: {  	[sflag:s11] =	ssyncadd.s32 $0xFFFF8000  }
0x6e: {  	v17 =	vld.idx.msk [tilespmem:v0+s3+$0x0], $0xffff;
	_ =	sdelay $0x5  }
0x6f: {  	v17 =	vshll.u32 v17, $0x1  }
0x70: {  	v17 =	vor.u32 v1, v17  }
0x71: {  	[tilespmem:$0x80] =	vst v17  }
0x72: {  	v17 =	vld.idx.msk [tilespmem:v2+s3+$0x0], $0xffff;
	_ =	sdelay $0x5  }
0x73: {  	v17 =	vshll.u32 v17, $0x1  }
0x74: {  	v17 =	vor.u32 v1, v17  }
0x75: {  	[tilespmem:$0x90] =	vst v17  }
0x76: {  	v17 =	vld.idx.msk [tilespmem:v3+s3+$0x0], $0xffff;
	_ =	sdelay $0x5  }
0x77: {  	v17 =	vshll.u32 v17, $0x1  }
0x78: {  	v17 =	vor.u32 v1, v17  }
0x79: {  	[tilespmem:$0xA0] =	vst v17  }
0x7a: {  	v17 =	vld.idx.msk [tilespmem:v4+s3+$0x0], $0xffff;
	_ =	sdelay $0x5  }
0x7b: {  	v17 =	vshll.u32 v17, $0x1  }
0x7c: {  	v17 =	vor.u32 v1, v17  }
0x7d: {  	[tilespmem:$0xB0] =	vst v17  }
0x7e: {  	v17 =	vld.idx.msk [tilespmem:v5+s3+$0x0], $0xffff;
	_ =	sdelay $0x5  }
0x7f: {  	v17 =	vshll.u32 v17, $0x1  }
0x80: {  	v17 =	vor.u32 v1, v17  }
0x81: {  	[tilespmem:$0xC0] =	vst v17  }
0x82: {  	v17 =	vld.idx.msk [tilespmem:v6+s3+$0x0], $0xffff;
	_ =	sdelay $0x5  }
0x83: {  	v17 =	vshll.u32 v17, $0x1  }
0x84: {  	v17 =	vor.u32 v1, v17  }
0x85: {  	[tilespmem:$0xD0] =	vst v17  }
0x86: {  	v17 =	vld.idx.msk [tilespmem:v7+s3+$0x0], $0xffff;
	_ =	sdelay $0x5  }
0x87: {  	v17 =	vshll.u32 v17, $0x1  }
0x88: {  	v17 =	vor.u32 v1, v17  }
0x89: {  	[tilespmem:$0xE0] =	vst v17  }
0x8a: {  	v17 =	vld.idx.msk [tilespmem:v8+s3+$0x0], $0xffff;
	_ =	sdelay $0x5  }
0x8b: {  	v17 =	vshll.u32 v17, $0x1  }
0x8c: {  	v17 =	vor.u32 v1, v17  }
0x8d: {  	[tilespmem:$0xF0] =	vst v17  }
0x8e: {  	v17 =	vld.idx.msk [tilespmem:v9+s3+$0x0], $0xffff;
	_ =	sdelay $0x5  }
0x8f: {  	v17 =	vshll.u32 v17, $0x1  }
0x90: {  	v17 =	vor.u32 v1, v17  }
0x91: {  	[tilespmem:$0x100] =	vst v17  }
0x92: {  	v17 =	vld.idx.msk [tilespmem:v10+s3+$0x0], $0xffff;
	_ =	sdelay $0x5  }
0x93: {  	v17 =	vshll.u32 v17, $0x1  }
0x94: {  	v17 =	vor.u32 v1, v17  }
0x95: {  	[tilespmem:$0x110] =	vst v17  }
0x96: {  	v17 =	vld.idx.msk [tilespmem:v11+s3+$0x0], $0xffff;
	_ =	sdelay $0x5  }
0x97: {  	v17 =	vshll.u32 v17, $0x1  }
0x98: {  	v17 =	vor.u32 v1, v17  }
0x99: {  	[tilespmem:$0x120] =	vst v17  }
0x9a: {  	v17 =	vld.idx.msk [tilespmem:v12+s3+$0x0], $0xffff;
	_ =	sdelay $0x5  }
0x9b: {  	v17 =	vshll.u32 v17, $0x1  }
0x9c: {  	v17 =	vor.u32 v1, v17  }
0x9d: {  	[tilespmem:$0x130] =	vst v17  }
0x9e: {  	v17 =	vld.idx.msk [tilespmem:v13+s3+$0x0], $0xffff;
	_ =	sdelay $0x5  }
0x9f: {  	v17 =	vshll.u32 v17, $0x1  }
0xa0: {  	v17 =	vor.u32 v1, v17  }
0xa1: {  	[tilespmem:$0x140] =	vst v17  }
0xa2: {  	v17 =	vld.idx.msk [tilespmem:v14+s3+$0x0], $0xffff;
	_ =	sdelay $0x5  }
0xa3: {  	v17 =	vshll.u32 v17, $0x1  }
0xa4: {  	v17 =	vor.u32 v1, v17  }
0xa5: {  	[tilespmem:$0x150] =	vst v17  }
0xa6: {  	v17 =	vld.idx.msk [tilespmem:v15+s3+$0x0], $0xffff;
	_ =	sdelay $0x5  }
0xa7: {  	v17 =	vshll.u32 v17, $0x1  }
0xa8: {  	v17 =	vor.u32 v1, v17  }
0xa9: {  	[tilespmem:$0x160] =	vst v17  }
0xaa: {  	v17 =	vld.idx.msk [tilespmem:v16+s3+$0x0], $0xffff;
	_ =	sdelay $0x5  }
0xab: {  	v17 =	vshll.u32 v17, $0x1  }
0xac: {  	v17 =	vor.u32 v1, v17  }
0xad: {  	[tilespmem:$0x170] =	vst v17  }
0xae: {  	[spmem:s2] =	stream.indirect.scatter.add.f32 [tilespmem:s12], [sflag:$0x1], $0x80, s13, s13, $0xb8;
	[tilespmem:$0x18180] =	vst v63  }
0xaf: {  	_ =	swait.ge [sflag:s11], $0x4000  }
.Ltmp0:
0xb0: {  	[sflag:s11] =	ssyncset.done $0x0;
	(pc) =	sbr.rel @p0 .LBB2_2-.Ltmp0, $4  }
0xb1: {  	[sflag:s11] =	ssyncadd.s32 $0xFFFFC000  }
0xb2: {  	[spmem:s2] =	stream.indirect.scatter.add.f32 [tilespmem:s15], [sflag:$0x1], $0x80, s14, s13, $0xb8;
	[tilespmem:$0x18180] =	vst v63  }
0xb3: {  	_ =	swait.ge [sflag:s11], $0x4000  }
0xb4: {  	s20 =	smov.u32 s19;
	s17 =	sadd.s32 $0x1000, s17;
	[sflag:s11] =	ssyncset.done $0x0  }
0xb5: {  	s18 =	sadd.s32 s18, s9;
	[sflag:s11] =	ssyncadd.s32 $0xFFFFC000  }
0xb6: {  	[tilespmem:s3], [sflag:$0x1] =	stream.linear.gather [hbm4b:s18+s3], $0x80, $0x38;
	[tilespmem:$0x18180] =	vst v63  }
0xb7: {  	_ =	swait.ge [sflag:s11], $0x80  }
0xb8: {  	[sflag:s11] =	ssyncset.done $0x0  }
0xb9: {  	[sflag:s11] =	ssyncadd.s32 $0xFFFFFF80  }
0xba: {  	[tilespmem:s12], [sflag:$0x1] =	stream.linear.gather [hbm4b:s17+s3], $0x8000, $0x38;
	[tilespmem:$0x18180] =	vst v63  }
0xbb: {  	_ =	swait.ge [sflag:s11], $0x8000  }
0xbc: {  	[sflag:s11] =	ssyncset.done $0x0  }
0xbd: {  	[sflag:s11] =	ssyncadd.s32 $0xFFFF8000  }
0xbe: {  	v17 =	vld.idx.msk [tilespmem:v0+s3+$0x0], $0xffff;
	_ =	sdelay $0x4  }
0xbf: {  	v17 =	vshll.u32 v17, $0x1  }
0xc0: {  	v17 =	vor.u32 v1, v17  }
0xc1: {  	[tilespmem:$0x80] =	vst v17  }
0xc2: {  	v17 =	vld.idx.msk [tilespmem:v2+s3+$0x0], $0xffff;
	_ =	sdelay $0x4  }
0xc3: {  	v17 =	vshll.u32 v17, $0x1  }
0xc4: {  	v17 =	vor.u32 v1, v17  }
0xc5: {  	[tilespmem:$0x90] =	vst v17  }
0xc6: {  	v17 =	vld.idx.msk [tilespmem:v3+s3+$0x0], $0xffff;
	_ =	sdelay $0x4  }
0xc7: {  	v17 =	vshll.u32 v17, $0x1  }
0xc8: {  	v17 =	vor.u32 v1, v17  }
0xc9: {  	[tilespmem:$0xA0] =	vst v17  }
0xca: {  	v17 =	vld.idx.msk [tilespmem:v4+s3+$0x0], $0xffff;
	_ =	sdelay $0x4  }
0xcb: {  	v17 =	vshll.u32 v17, $0x1  }
0xcc: {  	v17 =	vor.u32 v1, v17  }
0xcd: {  	[tilespmem:$0xB0] =	vst v17  }
0xce: {  	v17 =	vld.idx.msk [tilespmem:v5+s3+$0x0], $0xffff;
	_ =	sdelay $0x4  }
0xcf: {  	v17 =	vshll.u32 v17, $0x1  }
0xd0: {  	v17 =	vor.u32 v1, v17  }
0xd1: {  	[tilespmem:$0xC0] =	vst v17  }
0xd2: {  	v17 =	vld.idx.msk [tilespmem:v6+s3+$0x0], $0xffff;
	_ =	sdelay $0x4  }
0xd3: {  	v17 =	vshll.u32 v17, $0x1  }
0xd4: {  	v17 =	vor.u32 v1, v17  }
0xd5: {  	[tilespmem:$0xD0] =	vst v17  }
0xd6: {  	v17 =	vld.idx.msk [tilespmem:v7+s3+$0x0], $0xffff;
	_ =	sdelay $0x4  }
0xd7: {  	v17 =	vshll.u32 v17, $0x1  }
0xd8: {  	v17 =	vor.u32 v1, v17  }
0xd9: {  	[tilespmem:$0xE0] =	vst v17  }
0xda: {  	v17 =	vld.idx.msk [tilespmem:v8+s3+$0x0], $0xffff;
	_ =	sdelay $0x4  }
0xdb: {  	v17 =	vshll.u32 v17, $0x1  }
0xdc: {  	v17 =	vor.u32 v1, v17  }
0xdd: {  	[tilespmem:$0xF0] =	vst v17  }
0xde: {  	v17 =	vld.idx.msk [tilespmem:v9+s3+$0x0], $0xffff;
	_ =	sdelay $0x4  }
0xdf: {  	v17 =	vshll.u32 v17, $0x1  }
0xe0: {  	v17 =	vor.u32 v1, v17  }
0xe1: {  	[tilespmem:$0x100] =	vst v17  }
0xe2: {  	v17 =	vld.idx.msk [tilespmem:v10+s3+$0x0], $0xffff;
	_ =	sdelay $0x4  }
0xe3: {  	v17 =	vshll.u32 v17, $0x1  }
0xe4: {  	v17 =	vor.u32 v1, v17  }
0xe5: {  	[tilespmem:$0x110] =	vst v17  }
0xe6: {  	v17 =	vld.idx.msk [tilespmem:v11+s3+$0x0], $0xffff;
	_ =	sdelay $0x4  }
0xe7: {  	v17 =	vshll.u32 v17, $0x1  }
0xe8: {  	v17 =	vor.u32 v1, v17  }
0xe9: {  	[tilespmem:$0x120] =	vst v17  }
0xea: {  	v17 =	vld.idx.msk [tilespmem:v12+s3+$0x0], $0xffff;
	_ =	sdelay $0x4  }
0xeb: {  	v17 =	vshll.u32 v17, $0x1  }
0xec: {  	v17 =	vor.u32 v1, v17  }
0xed: {  	[tilespmem:$0x130] =	vst v17  }
0xee: {  	v17 =	vld.idx.msk [tilespmem:v13+s3+$0x0], $0xffff;
	_ =	sdelay $0x4  }
0xef: {  	v17 =	vshll.u32 v17, $0x1  }
0xf0: {  	v17 =	vor.u32 v1, v17  }
0xf1: {  	[tilespmem:$0x140] =	vst v17  }
0xf2: {  	v17 =	vld.idx.msk [tilespmem:v14+s3+$0x0], $0xffff;
	_ =	sdelay $0x4  }
0xf3: {  	v17 =	vshll.u32 v17, $0x1  }
0xf4: {  	v17 =	vor.u32 v1, v17  }
0xf5: {  	[tilespmem:$0x150] =	vst v17  }
0xf6: {  	v17 =	vld.idx.msk [tilespmem:v15+s3+$0x0], $0xffff;
	_ =	sdelay $0x4  }
0xf7: {  	v17 =	vshll.u32 v17, $0x1  }
0xf8: {  	v17 =	vor.u32 v1, v17  }
0xf9: {  	[tilespmem:$0x160] =	vst v17  }
0xfa: {  	v17 =	vld.idx.msk [tilespmem:v16+s3+$0x0], $0xffff;
	_ =	sdelay $0x4  }
0xfb: {  	v17 =	vshll.u32 v17, $0x1  }
0xfc: {  	v17 =	vor.u32 v1, v17  }
0xfd: {  	[tilespmem:$0x170] =	vst v17  }
0xfe: {  	[spmem:s2] =	stream.indirect.scatter.add.f32 [tilespmem:s12], [sflag:$0x1], $0x80, s13, s13, $0xb8;
	[tilespmem:$0x18180] =	vst v63  }
0xff: {  	_ =	swait.ge [sflag:s11], $0x4000  }
0x100: {  	[sflag:s11] =	ssyncset.done $0x0  }
0x101: {  	[sflag:s11] =	ssyncadd.s32 $0xFFFFC000  }
0x102: {  	[spmem:s2] =	stream.indirect.scatter.add.f32 [tilespmem:s15], [sflag:$0x1], $0x80, s14, s13, $0xb8;
	[tilespmem:$0x18180] =	vst v63  }
0x103: {  	_ =	swait.ge [sflag:s11], $0x4000  }
0x104: {  	s16 =	sadd.s32 $0x1, s16;
	[sflag:s11] =	ssyncset.done $0x0  }
0x105: {  	p0 =	sne.s32 s16, s8;
	[sflag:s11] =	ssyncadd.s32 $0xFFFFC000  }
.Ltmp1:
0x106: {  	[bflag:$0x0] =	sbarrier.arrive $0xFFFF;
	(pc) =	sbr.rel @p0 .LBB2_1-.Ltmp1, $4  }
0x107: {  	[hbm:s5], [sflag:s6] =	dma.local [spmem:s10], $0x2000  }
0x108: {  	_ =	swait.ge [sflag:s11], $0x2000  }
0x109: {  	[sflag:s11] =	ssyncset.done $0x0  }
0x10a: {  	[sflag:s11] =	ssyncadd.s32 $0xFFFFE000  }
0x10b: {  	_ =	sfence.sel $0x180000  }
0x10c: {  	[bflag:$0x0] =	sbarrier.arrive $0xFFFF  }
0x10d: {  	p0 =	sne.s32 s1, $0x0;
	_ =	strace $0x90000050  }
0x10e: {  	s0 =	sadd.s32 @!p0 $0x100000, s0;
	[bflag:$0x2] =	sbarrier.arrive $0xFFFF  }
0x10f: {  	[sflag:s0] =	ssyncadd.tile.s32 @!p0 $0x1;
	_ =	shalt  }
.Lfunc_end2:
_tile_overlayer_lowered:
.L_overlay_start_2:
0x110: {  	(tag) =	ssettag $0x2  }
0x111: {  	s0 =	rddreg [dreg:$0x0];
	s2 =	stileid.u32  }
0x112: {  	s1 =	rddreg [dreg:$0x1];
	p0 =	sne.s32 s2, $0x0  }
0x113: {  	s3 =	rddreg [dreg:$0x2];
	[bflag:$0x3] =	sbarrier.arrive $0xFFFF;
	s2 =	simm.s32 @!p0 $0x1C01  }
0x114: {  	[timem:s3], [sflag:s2] =	dma.local @!p0 [hbm:s0], s1  }
0x115: {  	s0 =	simm.s32 @!p0 $0x1  }
0x116: {  	_ =	swait.ge @!p0 [sflag:s0], s1  }
0x117: {  	s1 =	ssub.s32 @!p0 $0x0, s1;
	[sflag:s0] =	ssyncset.done @!p0 $0x0  }
0x118: {  	[sflag:s0] =	ssyncadd.s32 @!p0 s1  }
0x119: {  	[bflag:$0x3] =	sbarrier.arrive $0xFFFF  }
0x11a: {  	_ =	shalt  }

// kernel: kernel.16.cloned.1.call-start
scs
__scs_entry_jumppad:
0x0: {  	(pc) =	sbr.rel $0x88, $3  }
0x1: {  	(tag) =	ssettag $0x0;
	lr =	simm.s32 $0x1  }
0x2: {  	[smem:$0x3F9A] =	sst lr;
	_ =	strace $0xD0000000  }
0x3: {  	_ = 	snop  }
0x4: {  	_ = 	snop  }
0x5: {  	_ = 	snop  }
0x6: {  	_ = 	snop  }
0x7: {  	_ = 	snop  }
__scs_overlays_trampoline_lowered:
0x8: {  	[smem:$0x3FA9] =	sst s0  }
0x9: {  	[smem:$0x3FAA] =	sst s1  }
0xa: {  	[smem:$0x3FAB] =	sst s2  }
0xb: {  	[smem:$0x3FAC] =	sst s3  }
0xc: {  	[smem:$0x3FAD] =	sst s4  }
0xd: {  	[smem:$0x3FAE] =	sst s5  }
0xe: {  	[smem:$0x3FAF] =	sst s6  }
0xf: {  	[smem:$0x3FB0] =	sst s7  }
0x10: {  	[smem:$0x3FB1] =	sst s8  }
0x11: {  	[smem:$0x3FB2] =	sst s9;
	s0 =	simm.s32 @!p0 $0x0  }
0x12: {  	s1 =	sld [smem:$0x3F98];
	s0 =	simm.s32 @p0 $0x1  }
0x13: {  	[smem:$0x3FB3] =	sst s0;
	s0 =	simm.s32 @!p1 $0x0  }
0x14: {  	s2 =	sld [smem:$0x3F97];
	s0 =	simm.s32 @p1 $0x1  }
0x15: {  	[smem:$0x3FB4] =	sst s0;
	s0 =	simm.s32 @!p2 $0x0  }
0x16: {  	s3 =	sld [smem:$0x3FDB];
	s0 =	simm.s32 @p2 $0x1  }
0x17: {  	s4 =	simm.s32 $0x1BF5;
	[smem:$0x3FB6] =	sst s0  }
0x18: {  	s0 =	sld [smem:$0x3F99];
	_ =	swait.ge [sflag:s4], $0x0  }
0x19: {  	s7 =	sld [smem:$0x3F9A]  }
0x1a: {  	s8 =	sadd.s32 $0xFFFFE003, lr  }
0x1b: {  	s9 =	sadd.s32 $0xFFFFFEF7, lr;
	s5 =	simm.s32 $0xFFFFFFFF;
	p2 =	slt.u32 s8, $0xFFFFF086  }
0x1c: {  	p1 =	slt.u32 s9, $0xF7A;
	s5 =	simm.s32 @!p2 $0x0  }
0x1d: {  	s5 =	simm.s32 @p1 $0x1;
	p0 =	seq.s32 s7, s2  }
0x1e: {  	s7 =	smul.u32 @!p0 $0xF7A, s2;
	p2 =	seq.s32 @!p0 s5, $0x0  }
0x1f: {  	s9 =	smul.u32 $0xF7A, s1;
	s8 =	simm.s32 @!p0 $0x1BF5;
	p2 =	por !p2, p0  }
0x20: {  	[sflag:s8] =	ssyncset.s32 @!p0 $0xFFFFF086;
	s6 =	sadd.s32 @!p0 s3, s7;
	s7 =	simm.s32 @!p0 $0x108  }
0x21: {  	s3 =	sadd.s32 s3, s9;
	s6 =	sadd.s32 @!p0 $0x88, s6;
	s7 =	simm.s32 @p2 $0x1082  }
0x22: {  	[simem:s7], [sflag:s8] =	dma.local @!p0 [hbm:s6], $0xF7A  }
0x23: {  	s9 =	sor.u32 $0xD0000000, s2;
	s6 =	simm.s32 $0x108;
	_ =	swait.ge @!p0 [sflag:s8], $0x0  }
0x24: {  	s3 =	sadd.s32 $0x88, s3;
	s6 =	simm.s32 @!p1 $0x1082;
	[sflag:s4] =	ssyncset.s32 $0xFFFFF086  }
0x25: {  	[simem:s6], [sflag:s4] =	dma.local [hbm:s3], $0xF7A  }
0x26: {  	[smem:$0x3F9A] =	sst s1;
	(tag) =	ssettag s2;
	_ =	strace s9  }
0x27: {  	s1 =	sld [smem:$0x3FAA]  }
0x28: {  	s2 =	sld [smem:$0x3FAB]  }
0x29: {  	s4 =	sld [smem:$0x3FAD]  }
0x2a: {  	p0 =	seq.s32 s5, $0x0;
	s5 =	sld [smem:$0x3FAE]  }
0x2b: {  	s6 =	sld [smem:$0x3FAF]  }
0x2c: {  	s7 =	sld [smem:$0x3FB0]  }
0x2d: {  	s3 =	simm.s32 $0x108;
	s8 =	sld [smem:$0x3FB1]  }
0x2e: {  	s3 =	simm.s32 @!p0 $0x1082;
	s9 =	sld [smem:$0x3FB2]  }
0x2f: {  	lr =	sadd.s32 s0, s3;
	s0 =	sld [smem:$0x3FA9]  }
0x30: {  	s3 =	sld [smem:$0x3FAC]  }
0x31: {  	[smem:$0x3FB5] =	sst s10  }
0x32: {  	s10 =	sld [smem:$0x3FB3];
	_ =	sdelay $0x3  }
0x33: {  	p0 =	seq.s32 s10, $0x1;
	s10 =	sld [smem:$0x3FB5];
	_ =	sdelay $0x3  }
0x34: {  	[smem:$0x3FB5] =	sst s10  }
0x35: {  	s10 =	sld [smem:$0x3FB4];
	_ =	sdelay $0x3  }
0x36: {  	p1 =	seq.s32 s10, $0x1;
	s10 =	sld [smem:$0x3FB5];
	_ =	sdelay $0x3  }
0x37: {  	[smem:$0x3FB5] =	sst s10  }
0x38: {  	s10 =	sld [smem:$0x3FB6]  }
0x39: {  	_ = 	snop;
	(pc) =	sbr.ind lr, $3  }
0x3a: {  	_ = 	snop  }
0x3b: {  	_ = 	snop  }
0x3c: {  	p2 =	seq.s32 s10, $0x1;
	s10 =	sld [smem:$0x3FB5]  }
0x3d: {  	_ =	shalt  }
0x3e: {  	_ =	shalt  }
0x3f: {  	_ =	shalt  }
0x40: {  	_ =	shalt  }
0x41: {  	_ =	shalt  }
0x42: {  	_ =	shalt  }
0x43: {  	_ =	shalt  }
0x44: {  	_ =	shalt  }
0x45: {  	_ =	shalt  }
0x46: {  	_ =	shalt  }
0x47: {  	_ =	shalt  }
0x48: {  	_ =	shalt  }
0x49: {  	_ =	shalt  }
0x4a: {  	_ =	shalt  }
0x4b: {  	_ =	shalt  }
0x4c: {  	_ =	shalt  }
0x4d: {  	_ =	shalt  }
0x4e: {  	_ =	shalt  }
0x4f: {  	_ =	shalt  }
0x50: {  	_ =	shalt  }
0x51: {  	_ =	shalt  }
0x52: {  	_ =	shalt  }
0x53: {  	_ =	shalt  }
0x54: {  	_ =	shalt  }
0x55: {  	_ =	shalt  }
0x56: {  	_ =	shalt  }
0x57: {  	_ =	shalt  }
0x58: {  	_ =	shalt  }
0x59: {  	_ =	shalt  }
0x5a: {  	_ =	shalt  }
0x5b: {  	_ =	shalt  }
0x5c: {  	_ =	shalt  }
0x5d: {  	_ =	shalt  }
0x5e: {  	_ =	shalt  }
0x5f: {  	_ =	shalt  }
0x60: {  	_ =	shalt  }
0x61: {  	_ =	shalt  }
0x62: {  	_ =	shalt  }
0x63: {  	_ =	shalt  }
0x64: {  	_ =	shalt  }
0x65: {  	_ =	shalt  }
0x66: {  	_ =	shalt  }
0x67: {  	_ =	shalt  }
0x68: {  	_ =	shalt  }
0x69: {  	_ =	shalt  }
0x6a: {  	_ =	shalt  }
0x6b: {  	_ =	shalt  }
0x6c: {  	_ =	shalt  }
0x6d: {  	_ =	shalt  }
0x6e: {  	_ =	shalt  }
0x6f: {  	_ =	shalt  }
0x70: {  	_ =	shalt  }
0x71: {  	_ =	shalt  }
0x72: {  	_ =	shalt  }
0x73: {  	_ =	shalt  }
0x74: {  	_ =	shalt  }
0x75: {  	_ =	shalt  }
0x76: {  	_ =	shalt  }
0x77: {  	_ =	shalt  }
0x78: {  	_ =	shalt  }
0x79: {  	_ =	shalt  }
0x7a: {  	_ =	shalt  }
0x7b: {  	_ =	shalt  }
0x7c: {  	_ =	shalt  }
0x7d: {  	_ =	shalt  }
0x7e: {  	_ =	shalt  }
0x7f: {  	_ =	shalt  }
0x80: {  	_ =	shalt  }
0x81: {  	_ =	shalt  }
0x82: {  	_ =	shalt  }
0x83: {  	_ =	shalt  }
0x84: {  	_ =	shalt  }
0x85: {  	_ =	shalt  }
0x86: {  	_ =	shalt  }
0x87: {  	_ =	shalt  }
.Lfunc_end0:
.L_simem_size_0:
called_computation.2_lowered:
.L_overlay_start_0:
0x88: {  	s2 =	sld [smem:$0x3FD9]  }
0x89: {  	s3 =	sld [smem:$0x3FFE];
	_ =	sdelay $0x1  }
0x8a: {  	s1 =	srdreg.scid  }
0x8b: {  	s0 =	sand.u32 $0x1, s1  }
0x8c: {  	s17 =	sshll.u32 s0, $0xA;
	s2 =	sadd.s32 s3, s2  }
0x8d: {  	s2 =	sadd.s32 s2, s17  }
0x8e: {  	[smem:$0x3FC1] =	sst s2  }
0x8f: {  	_ = 	snop  }
0x90: {  	s2 =	sld [smem:$0x3FC7]  }
0x91: {  	s18 =	sld [smem:$0x3FD0];
	(tm) =	ssettm $0x1  }
0x92: {  	s4 =	sld [smem:$0x3FFB];
	_ =	sdelay $0x3  }
0x93: {  	_ =	strace s4  }
0x94: {  	s4 =	sld [smem:$0x3FFC];
	_ =	sdelay $0x3  }
0x95: {  	_ =	strace s4  }
0x96: {  	s4 =	sld [smem:$0x3FFD];
	_ =	sdelay $0x3  }
0x97: {  	_ =	strace s4  }
0x98: {  	_ =	strace $0x8FFFFFFF  }
0x99: {  	s19 =	sld [smem:$0x3FDB];
	_ =	sdelay $0x1  }
0x9a: {  	s5 =	simm.s32 $_scs_section_size  }
0x9b: {  	s6 =	simm.s32 $_size__tile_overlayer_lowered;
	s7 =	simm.s32 $_tile_overlayer_lowered  }
0x9c: {  	s22 =	simm.s32 $0x1BFF;
	s21 =	sshll.u32 s7, $0x1;
	s4 =	sadd.s32 s5, s19  }
0x9d: {  	s8 =	simm.s32 $0x0;
	s20 =	sshll.u32 s6, $0x1;
	s6 =	sadd.s32 s21, s4  }
0x9e: {  	[timem:s8], [sflag:s22] =	dma.local [hbm:s6], s20  }
0x9f: {  	_ =	swait.ge [sflag:s22], s20  }
0xa0: {  	s5 =	ssub.s32 $0x0, s20;
	[sflag:s22] =	ssyncset.done $0x0  }
0xa1: {  	[sflag:s22] =	ssyncadd.s32 s5;
	_ =	sdelay $0x1  }
0xa2: {  	s23 =	simm.s32 $0x1B8B  }
0xa3: {  	_ =	swait.ge [sflag:s23], $0x1  }
0xa4: {  	[sflag:s23] =	ssyncset.done $0x0  }
0xa5: {  	s25 =	simm.s32 $0x1B8E;
	s24 =	sld [smem:$0x3FFE];
	[sflag:s23] =	ssyncadd.s32 $0xFFFFFFFF  }
0xa6: {  	s26 =	simm.s32 $execute0_lowered;
	[smem:$0x3FD2] =	sst s25  }
0xa7: {  	s6 =	sshll.u32 s26, $0x1;
	_ =	strace $0x80000046;
	[dreg:$0x1] =	wrdreg $0xFFFFFFFF  }
0xa8: {  	s28 =	simm.s32 $_size_execute0_lowered;
	s4 =	sadd.s32 s4, s6;
	[dreg:$0x0] =	wrdreg $0x0  }
0xa9: {  	s6 =	sshll.u32 s28, $0x1;
	[dreg:$0x2] =	wrdreg s4  }
0xaa: {  	[dreg:$0x3] =	wrdreg s6  }
0xab: {  	[dreg:$0x4] =	wrdreg $0xC0  }
0xac: {  	_ =	task [dreg:s8], $0x5FFFF  }
0xad: {  	[dreg:$0x1] =	wrdreg $0xFFFFFFFF  }
0xae: {  	[dreg:$0x0] =	wrdreg $0x60  }
0xaf: {  	[dreg:$0x2] =	wrdreg s18  }
0xb0: {  	[dreg:$0x3] =	wrdreg s24  }
0xb1: {  	[dreg:$0x4] =	wrdreg s2  }
0xb2: {  	[dreg:$0x5] =	wrdreg $0xA  }
0xb3: {  	_ =	task.clear_ibuf [dreg:s8], $0x6FFFF;
	_ =	strace $0x90000046  }
0xb4: {  	s29 =	simm.s32 $0xA;
	_ =	strace $0x80000048  }
0xb5: {  	_ =	swait.ge [sflag:s29], $0x1  }
0xb6: {  	[sflag:s29] =	ssyncadd.s32 $0xFFFFFFFF  }
0xb7: {  	_ =	strace $0x90000048  }
0xb8: {  	_ =	sfence  }
0xb9: {  	s30 =	sld [smem:$0x0];
	_ =	sdelay $0x2  }
0xba: {  	s31 =	sshll.u32 s1, $0xD;
	s1 =	sshrl.u32 s1, $0x2  }
0xbb: {  	s3 =	sand.u32 $0x4000, s31;
	s1 =	sadd.s32 s1, s30  }
0xbc: {  	s0 =	sor.u32 s3, s0;
	s1 =	sshll.u32 s1, $0x11  }
0xbd: {  	s0 =	sor.u32 s1, s0  }
0xbe: {  	s0 =	sadd.s32 $0x8F2B, s0  }
0xbf: {  	[sflag:s0] =	ssyncadd.remote.s32 $0x1  }
0xc0: {  	_ =	sfence.sel $0xFFFF  }
0xc1: {  	[dreg:$0x0] =	wrdreg $0xFFFFFFFF;
	(pc) =	sbr.abs _section_cstart, $3  }
0xc2: {  	[dreg:$0x1] =	wrdreg $0xFFFFFFFF  }
0xc3: {  	_ =	task.clear_ibuf [dreg:s8], $0x2FFFF;
	_ =	strace $0x9FFFFFFF  }
0xc4: {  	(tm) =	ssettm $0x7FFFFFFF  }
0xc5: {  	_ =	shalt  }
tec
execute0_lowered:
.L_overlay_start_1:
0x0: {  	(tag) =	ssettag $0x1  }
0x1: {  	s1 =	rddreg [dreg:$0x0];
	s2 =	srdreg.scid  }
0x2: {  	s5 =	rddreg [dreg:$0x1];
	s0 =	stileid.u32  }
0x3: {  	s3 =	rddreg [dreg:$0x2];
	v0 =	vlaneseq.u32;
	s4 =	simm.s32 $0x0;
	s12 =	simm.s32 $0x300  }
0x4: {  	s13 =	simm.s32 $0x100;
	s14 =	simm.s32 $0x8300;
	s15 =	simm.s32 $0x180;
	v0 =	vmul.u32 $0x10, v0  }
0x5: {  	s16 =	simm.s32 $0x8B00;
	s17 =	simm.s32 $0x200;
	s18 =	simm.s32 $0x9300  }
0x6: {  	s19 =	simm.s32 $0x280;
	s20 =	simm.s32 $0x9B00;
	s21 =	simm.s32 $0x1;
	v1 =	vor.u32 $0x100, v0  }
0x7: {  	s22 =	simm.s32 $0x2;
	s23 =	simm.s32 $0xA300;
	s24 =	simm.s32 $0x0;
	v2 =	vor.u32 $0x200, v0;
	v3 =	vor.u32 $0x300, v0;
	v4 =	vor.u32 $0x400, v0  }
0x8: {  	s6 =	sand.u32 $0x1, s2;
	s7 =	sshll.u32 s0, $0xD;
	[smem:$0x7FF] =	sst s4;
	v5 =	vor.u32 $0x500, v0;
	v6 =	vor.u32 $0x600, v0;
	v7 =	vor.u32 $0x700, v0  }
0x9: {  	s26 =	sshll.u32 s0, $0x12;
	s28 =	sshll.u32 s0, $0xC;
	s8 =	sshll.u32 s6, $0xC;
	v8 =	vor.u32 $0x800, v0;
	v9 =	vor.u32 $0x900, v0;
	v10 =	vor.u32 $0xA00, v0  }
0xa: {  	s2 =	rddreg [dreg:$0x3];
	_ =	strace $0x80000047;
	s10 =	sshll.u32 s6, $0xB;
	v11 =	vor.u32 $0xB00, v0;
	v12 =	vor.u32 $0xC00, v0;
	v13 =	vor.u32 $0xD00, v0  }
0xb: {  	s11 =	ssub.s32 $0x2, s6;
	s31 =	sshll.u32 s6, $0x11;
	s7 =	sor.u32 s8, s7;
	v14 =	vor.u32 $0xE00, v0;
	v15 =	vor.u32 $0xF00, v0;
	v16 =	vor.u32 $0x1000, v0  }
0xc: {  	s8 =	sor.u32 s10, s28;
	s29 =	sshrl.u32 s11, $0x1;
	s10 =	simm.s32 $0x3;
	v17 =	vor.u32 $0x1100, v0;
	v18 =	vor.u32 $0x1200, v0;
	v19 =	vor.u32 $0x1300, v0  }
0xd: {  	v20 =	vor.u32 $0x1400, v0;
	v21 =	vor.u32 $0x1500, v0;
	v22 =	vor.u32 $0x1600, v0;
	s7 =	sshrl.u32 s7, $0x3;
	s30 =	ssub.s32 s11, s29;
	s11 =	simm.s32 $0x80  }
0xe: {  	v23 =	vor.u32 $0x1700, v0;
	v24 =	vor.u32 $0x1800, v0;
	v25 =	vor.u32 $0x1900, v0;
	s9 =	sadd.s32 s7, s5;
	s7 =	sadd.s32 s26, s5;
	s5 =	sadd.s32 s8, s5  }
0xf: {  	v26 =	vor.u32 $0x1A00, v0;
	v27 =	vor.u32 $0x1B00, v0;
	v28 =	vor.u32 $0x1C00, v0;
	s6 =	smax.u32 s30, $0x1;
	s5 =	sadd.s32 $0x40B400, s5;
	s7 =	sadd.s32 s31, s7  }
0x10: {  	v29 =	vor.u32 $0x1D00, v0;
	v30 =	vor.u32 $0x1E00, v0;
	v31 =	vor.u32 $0x1F00, v0;
	s8 =	sadd.s32 $0x3400, s9;
	s9 =	sadd.s32 $0x7400, s9;
	s7 =	sadd.s32 $0xB400, s7  }
.LBB2_1:
0x11: {  	s25 =	simm.s32 $0xC300;
	s26 =	smov.u32 s7;
	s28 =	simm.s32 $0x0  }
.LBB2_2:
0x12: {  	s29 =	sadd.s32 s28, s9  }
0x13: {  	[tilespmem:s4], [sflag:$0x3] =	stream.linear.gather [hbm4b:s29+s4], $0x80, $0x38;
	[tilespmem:$0xE300] =	vst v63  }
0x14: {  	_ =	swait.ge [sflag:s10], $0x80  }
0x15: {  	[sflag:s10] =	ssyncset.done $0x0  }
0x16: {  	s31 =	sadd.s32 s28, s8;
	[sflag:s10] =	ssyncadd.s32 $0xFFFFFF80  }
0x17: {  	[tilespmem:s11], [sflag:$0x3] =	stream.linear.gather [hbm4b:s31+s4], $0x80, $0x38;
	[tilespmem:$0xE300] =	vst v63  }
0x18: {  	_ =	swait.ge [sflag:s10], $0x80  }
0x19: {  	[sflag:s10] =	ssyncset.done $0x0  }
0x1a: {  	[sflag:s10] =	ssyncadd.s32 $0xFFFFFF80  }
0x1b: {  	v32 =	vld [tilespmem:$0x80]  }
0x1c: {  	v33 =	vld [tilespmem:$0x0]  }
0x1d: {  	v34 =	vld [tilespmem:$0x90]  }
0x1e: {  	v36 =	vld [tilespmem:$0x10];
	_ =	sdelay $0x2  }
0x1f: {  	v35 =	vshra.s32 v32, $0x2  }
0x20: {  	v33 =	vshll.u32 v33, $0xA;
	v32 =	vshrl.u32 v32, $0x4;
	v37 =	vshra.s32 v34, $0x2  }
0x21: {  	v36 =	vshll.u32 v36, $0xA;
	v34 =	vshrl.u32 v34, $0x4;
	v35 =	vand.u32 $0xFFFFFFE0, v35  }
0x22: {  	v44 =	vld [tilespmem:$0xA0];
	v32 =	vand.u32 $0x7, v32;
	v37 =	vand.u32 $0xFFFFFFE0, v37;
	v33 =	vadd.s32 v33, v35  }
0x23: {  	v38 =	vld [tilespmem:$0x20];
	v34 =	vand.u32 $0x7, v34;
	v36 =	vadd.s32 v36, v37;
	v32 =	vor.u32 v32, v33  }
0x24: {  	v34 =	vor.u32 v34, v36;
	[tilespmem:$0x100] =	vst v32  }
0x25: {  	v45 =	vor.u32 $0x8, v32;
	[tilespmem:$0x110] =	vst v34  }
0x26: {  	v47 =	vld [tilespmem:$0xB0];
	v46 =	vor.u32 $0x10, v32;
	[tilespmem:$0x180] =	vst v45  }
0x27: {  	v50 =	vld [tilespmem:$0x30];
	v32 =	vor.u32 $0x18, v32;
	[tilespmem:$0x200] =	vst v46  }
0x28: {  	v49 =	vshra.s32 v44, $0x2;
	v38 =	vshll.u32 v38, $0xA;
	v48 =	vor.u32 $0x8, v34;
	[tilespmem:$0x280] =	vst v32  }
0x29: {  	v36 =	vand.u32 $0xFFFFFFE0, v49;
	v33 =	vshrl.u32 v44, $0x4;
	v51 =	vor.u32 $0x10, v34;
	[tilespmem:$0x190] =	vst v48  }
0x2a: {  	v53 =	vld [tilespmem:$0xC0];
	v36 =	vadd.s32 v38, v36;
	v33 =	vand.u32 $0x7, v33;
	v52 =	vor.u32 $0x18, v34;
	[tilespmem:$0x210] =	vst v51  }
0x2b: {  	v56 =	vld [tilespmem:$0x40];
	v33 =	vor.u32 v33, v36;
	[tilespmem:$0x290] =	vst v52  }
0x2c: {  	v55 =	vshra.s32 v47, $0x2;
	v37 =	vshll.u32 v50, $0xA;
	v54 =	vor.u32 $0x8, v33;
	[tilespmem:$0x120] =	vst v33  }
0x2d: {  	v35 =	vshrl.u32 v47, $0x4;
	v36 =	vand.u32 $0xFFFFFFE0, v55;
	v57 =	vor.u32 $0x10, v33;
	[tilespmem:$0x1A0] =	vst v54  }
0x2e: {  	v60 =	vld [tilespmem:$0xD0];
	v35 =	vand.u32 $0x7, v35;
	v36 =	vadd.s32 v37, v36;
	v58 =	vor.u32 $0x18, v33;
	[tilespmem:$0x220] =	vst v57  }
0x2f: {  	v63 =	vld [tilespmem:$0x50];
	v59 =	vor.u32 v35, v36;
	[tilespmem:$0x2A0] =	vst v58  }
0x30: {  	v62 =	vshra.s32 v53, $0x2;
	v38 =	vshll.u32 v56, $0xA;
	v61 =	vor.u32 $0x8, v59;
	[tilespmem:$0x130] =	vst v59  }
0x31: {  	v34 =	vshrl.u32 v53, $0x4;
	v36 =	vand.u32 $0xFFFFFFE0, v62;
	v40 =	vor.u32 $0x10, v59;
	[tilespmem:$0x1B0] =	vst v61  }
0x32: {  	v34 =	vand.u32 $0x7, v34;
	v36 =	vadd.s32 v38, v36;
	v41 =	vor.u32 $0x18, v59;
	[tilespmem:$0x230] =	vst v40  }
0x33: {  	v43 =	vld [tilespmem:$0xE0];
	v42 =	vor.u32 v34, v36;
	[tilespmem:$0x2B0] =	vst v41  }
0x34: {  	v45 =	vshra.s32 v60, $0x2;
	v46 =	vld [tilespmem:$0x60];
	v37 =	vshll.u32 v63, $0xA;
	v44 =	vor.u32 $0x8, v42;
	[tilespmem:$0x140] =	vst v42  }
0x35: {  	v35 =	vshrl.u32 v60, $0x4;
	v36 =	vand.u32 $0xFFFFFFE0, v45;
	v47 =	vor.u32 $0x10, v42;
	[tilespmem:$0x1C0] =	vst v44  }
0x36: {  	v35 =	vand.u32 $0x7, v35;
	v36 =	vadd.s32 v37, v36;
	v48 =	vor.u32 $0x18, v42;
	[tilespmem:$0x240] =	vst v47  }
0x37: {  	v52 =	vld [tilespmem:$0xF0];
	v49 =	vor.u32 v35, v36;
	[tilespmem:$0x2C0] =	vst v48  }
0x38: {  	v51 =	vshra.s32 v43, $0x2;
	v54 =	vld [tilespmem:$0x70];
	v34 =	vshrl.u32 v43, $0x4;
	v50 =	vor.u32 $0x8, v49;
	[tilespmem:$0x150] =	vst v49  }
0x39: {  	v53 =	vshll.u32 v46, $0xA;
	v36 =	vand.u32 $0xFFFFFFE0, v51;
	v35 =	vor.u32 $0x10, v49;
	[tilespmem:$0x1D0] =	vst v50  }
0x3a: {  	v34 =	vand.u32 $0x7, v34;
	v32 =	vadd.s32 v53, v36;
	v33 =	vor.u32 $0x18, v49;
	[tilespmem:$0x250] =	vst v35  }
0x3b: {  	v32 =	vor.u32 v34, v32;
	[tilespmem:$0x2D0] =	vst v33  }
0x3c: {  	v57 =	vshra.s32 v52, $0x2;
	v59 =	vshrl.u32 v52, $0x4;
	v55 =	vor.u32 $0x8, v32;
	[tilespmem:$0x160] =	vst v32  }
0x3d: {  	v58 =	vshll.u32 v54, $0xA;
	v34 =	vand.u32 $0xFFFFFFE0, v57;
	v56 =	vor.u32 $0x10, v32;
	[tilespmem:$0x1E0] =	vst v55  }
0x3e: {  	v60 =	vand.u32 $0x7, v59;
	v33 =	vadd.s32 v58, v34;
	v32 =	vor.u32 $0x18, v32;
	[tilespmem:$0x260] =	vst v56  }
0x3f: {  	[tilespmem:$0x2E0] =	vst v32;
	v61 =	vor.u32 v60, v33  }
0x40: {  	[tilespmem:$0x170] =	vst v61;
	v33 =	vor.u32 $0x8, v61  }
0x41: {  	v62 =	vor.u32 $0x10, v61;
	[tilespmem:$0x1F0] =	vst v33  }
0x42: {  	v32 =	vor.u32 $0x18, v61;
	[tilespmem:$0x270] =	vst v62  }
0x43: {  	[tilespmem:$0x2F0] =	vst v32  }
0x44: {  	[tilespmem:s12], [sflag:$0x1] =	stream.indirect.gather [hbm4b:s1+s11], $0x100, s4, s11, $0xb8;
	[tilespmem:$0xE300] =	vst v63  }
0x45: {  	_ = 	snop  }
0x46: {  	[tilespmem:s14], [sflag:$0x2] =	stream.indirect.gather [hbm4b:s3+s11], $0x10, s13, s11, $0xb8;
	[tilespmem:$0xE300] =	vst v63  }
0x47: {  	_ = 	snop  }
0x48: {  	[tilespmem:s16], [sflag:$0x2] =	stream.indirect.gather [hbm4b:s3+s11], $0x10, s15, s11, $0xb8;
	[tilespmem:$0xE300] =	vst v63  }
0x49: {  	_ = 	snop  }
0x4a: {  	[tilespmem:s18], [sflag:$0x2] =	stream.indirect.gather [hbm4b:s3+s11], $0x10, s17, s11, $0xb8;
	[tilespmem:$0xE300] =	vst v63  }
0x4b: {  	_ = 	snop  }
0x4c: {  	[tilespmem:s20], [sflag:$0x2] =	stream.indirect.gather [hbm4b:s3+s11], $0x10, s19, s11, $0xb8;
	[tilespmem:$0xE300] =	vst v63  }
0x4d: {  	_ =	swait.ge [sflag:s21], $0x8000  }
0x4e: {  	[sflag:s21] =	ssyncset.done $0x0  }
0x4f: {  	[sflag:s21] =	ssyncadd.s32 $0xFFFF8000  }
0x50: {  	_ =	swait.ge [sflag:s22], $0x800  }
0x51: {  	[sflag:s22] =	ssyncset.done $0x0  }
0x52: {  	[sflag:s22] =	ssyncadd.s32 $0xFFFFF800  }
0x53: {  	_ =	swait.ge [sflag:s22], $0x800  }
0x54: {  	[sflag:s22] =	ssyncset.done $0x0  }
0x55: {  	[sflag:s22] =	ssyncadd.s32 $0xFFFFF800  }
0x56: {  	_ =	swait.ge [sflag:s22], $0x800  }
0x57: {  	[sflag:s22] =	ssyncset.done $0x0  }
0x58: {  	[sflag:s22] =	ssyncadd.s32 $0xFFFFF800  }
0x59: {  	_ =	swait.ge [sflag:s22], $0x800  }
0x5a: {  	[sflag:s22] =	ssyncset.done $0x0  }
0x5b: {  	[sflag:s22] =	ssyncadd.s32 $0xFFFFF800  }
0x5c: {  	v63 =	vld [tilespmem:$0x80];
	_ =	sdelay $0x4  }
0x5d: {  	v32 =	vand.u32 $0xF, v63  }
0x5e: {  	v32 =	vor.u32 v0, v32;
	_ =	sdelay $0x4  }
0x5f: {  	v32 =	vld.idx.msk [tilespmem:v32+s14+$0x0], $0xffff;
	_ =	sdelay $0x4  }
0x60: {  	[tilespmem:s25+$0xFFFFE000] =	vst v32  }
0x61: {  	v32 =	vld [tilespmem:$0x90];
	_ =	sdelay $0x4  }
0x62: {  	v32 =	vand.u32 $0xF, v32  }
0x63: {  	v32 =	vor.u32 v1, v32;
	_ =	sdelay $0x4  }
0x64: {  	v32 =	vld.idx.msk [tilespmem:v32+s14+$0x0], $0xffff;
	_ =	sdelay $0x4  }
0x65: {  	[tilespmem:s25+$0xFFFFE010] =	vst v32  }
0x66: {  	v32 =	vld [tilespmem:$0xA0];
	_ =	sdelay $0x4  }
0x67: {  	v32 =	vand.u32 $0xF, v32  }
0x68: {  	v32 =	vor.u32 v2, v32;
	_ =	sdelay $0x4  }
0x69: {  	v32 =	vld.idx.msk [tilespmem:v32+s14+$0x0], $0xffff;
	_ =	sdelay $0x4  }
0x6a: {  	[tilespmem:s25+$0xFFFFE020] =	vst v32  }
0x6b: {  	v32 =	vld [tilespmem:$0xB0];
	_ =	sdelay $0x4  }
0x6c: {  	v32 =	vand.u32 $0xF, v32  }
0x6d: {  	v32 =	vor.u32 v3, v32;
	_ =	sdelay $0x4  }
0x6e: {  	v32 =	vld.idx.msk [tilespmem:v32+s14+$0x0], $0xffff;
	_ =	sdelay $0x4  }
0x6f: {  	[tilespmem:s25+$0xFFFFE030] =	vst v32  }
0x70: {  	v32 =	vld [tilespmem:$0xC0];
	_ =	sdelay $0x4  }
0x71: {  	v32 =	vand.u32 $0xF, v32  }
0x72: {  	v32 =	vor.u32 v4, v32;
	_ =	sdelay $0x4  }
0x73: {  	v32 =	vld.idx.msk [tilespmem:v32+s14+$0x0], $0xffff;
	_ =	sdelay $0x4  }
0x74: {  	[tilespmem:s25+$0xFFFFE040] =	vst v32  }
0x75: {  	v32 =	vld [tilespmem:$0xD0];
	_ =	sdelay $0x4  }
0x76: {  	v32 =	vand.u32 $0xF, v32  }
0x77: {  	v32 =	vor.u32 v5, v32;
	_ =	sdelay $0x4  }
0x78: {  	v32 =	vld.idx.msk [tilespmem:v32+s14+$0x0], $0xffff;
	_ =	sdelay $0x4  }
0x79: {  	[tilespmem:s25+$0xFFFFE050] =	vst v32  }
0x7a: {  	v32 =	vld [tilespmem:$0xE0];
	_ =	sdelay $0x4  }
0x7b: {  	v32 =	vand.u32 $0xF, v32  }
0x7c: {  	v32 =	vor.u32 v6, v32;
	_ =	sdelay $0x4  }
0x7d: {  	v32 =	vld.idx.msk [tilespmem:v32+s14+$0x0], $0xffff;
	_ =	sdelay $0x4  }
0x7e: {  	[tilespmem:s25+$0xFFFFE060] =	vst v32  }
0x7f: {  	v32 =	vld [tilespmem:$0xF0];
	_ =	sdelay $0x4  }
0x80: {  	v32 =	vand.u32 $0xF, v32  }
0x81: {  	v32 =	vor.u32 v7, v32;
	_ =	sdelay $0x4  }
0x82: {  	v32 =	vld.idx.msk [tilespmem:v32+s14+$0x0], $0xffff;
	_ =	sdelay $0x4  }
0x83: {  	[tilespmem:s25+$0xFFFFE070] =	vst v32  }
0x84: {  	v32 =	vld [tilespmem:$0x80];
	_ =	sdelay $0x4  }
0x85: {  	v32 =	vand.u32 $0xF, v32  }
0x86: {  	v32 =	vor.u32 v8, v32;
	_ =	sdelay $0x4  }
0x87: {  	v32 =	vld.idx.msk [tilespmem:v32+s14+$0x0], $0xffff;
	_ =	sdelay $0x4  }
0x88: {  	[tilespmem:s25+$0xFFFFF000] =	vst v32  }
0x89: {  	v32 =	vld [tilespmem:$0x90];
	_ =	sdelay $0x4  }
0x8a: {  	v32 =	vand.u32 $0xF, v32  }
0x8b: {  	v32 =	vor.u32 v9, v32;
	_ =	sdelay $0x4  }
0x8c: {  	v32 =	vld.idx.msk [tilespmem:v32+s14+$0x0], $0xffff;
	_ =	sdelay $0x4  }
0x8d: {  	[tilespmem:s25+$0xFFFFF010] =	vst v32  }
0x8e: {  	v32 =	vld [tilespmem:$0xA0];
	_ =	sdelay $0x4  }
0x8f: {  	v32 =	vand.u32 $0xF, v32  }
0x90: {  	v32 =	vor.u32 v10, v32;
	_ =	sdelay $0x4  }
0x91: {  	v32 =	vld.idx.msk [tilespmem:v32+s14+$0x0], $0xffff;
	_ =	sdelay $0x4  }
0x92: {  	[tilespmem:s25+$0xFFFFF020] =	vst v32  }
0x93: {  	v32 =	vld [tilespmem:$0xB0];
	_ =	sdelay $0x4  }
0x94: {  	v32 =	vand.u32 $0xF, v32  }
0x95: {  	v32 =	vor.u32 v11, v32;
	_ =	sdelay $0x4  }
0x96: {  	v32 =	vld.idx.msk [tilespmem:v32+s14+$0x0], $0xffff;
	_ =	sdelay $0x4  }
0x97: {  	[tilespmem:s25+$0xFFFFF030] =	vst v32  }
0x98: {  	v32 =	vld [tilespmem:$0xC0];
	_ =	sdelay $0x4  }
0x99: {  	v32 =	vand.u32 $0xF, v32  }
0x9a: {  	v32 =	vor.u32 v12, v32;
	_ =	sdelay $0x4  }
0x9b: {  	v32 =	vld.idx.msk [tilespmem:v32+s14+$0x0], $0xffff;
	_ =	sdelay $0x4  }
0x9c: {  	[tilespmem:s25+$0xFFFFF040] =	vst v32  }
0x9d: {  	v32 =	vld [tilespmem:$0xD0];
	_ =	sdelay $0x4  }
0x9e: {  	v32 =	vand.u32 $0xF, v32  }
0x9f: {  	v32 =	vor.u32 v13, v32;
	_ =	sdelay $0x4  }
0xa0: {  	v32 =	vld.idx.msk [tilespmem:v32+s14+$0x0], $0xffff;
	_ =	sdelay $0x4  }
0xa1: {  	[tilespmem:s25+$0xFFFFF050] =	vst v32  }
0xa2: {  	v32 =	vld [tilespmem:$0xE0];
	_ =	sdelay $0x4  }
0xa3: {  	v32 =	vand.u32 $0xF, v32  }
0xa4: {  	v32 =	vor.u32 v14, v32;
	_ =	sdelay $0x4  }
0xa5: {  	v32 =	vld.idx.msk [tilespmem:v32+s14+$0x0], $0xffff;
	_ =	sdelay $0x4  }
0xa6: {  	[tilespmem:s25+$0xFFFFF060] =	vst v32  }
0xa7: {  	v32 =	vld [tilespmem:$0xF0];
	_ =	sdelay $0x4  }
0xa8: {  	v32 =	vand.u32 $0xF, v32  }
0xa9: {  	v32 =	vor.u32 v15, v32;
	_ =	sdelay $0x4  }
0xaa: {  	v32 =	vld.idx.msk [tilespmem:v32+s14+$0x0], $0xffff;
	_ =	sdelay $0x4  }
0xab: {  	[tilespmem:s25+$0xFFFFF070] =	vst v32  }
0xac: {  	v32 =	vld [tilespmem:$0x80];
	_ =	sdelay $0x4  }
0xad: {  	v32 =	vand.u32 $0xF, v32  }
0xae: {  	v32 =	vor.u32 v16, v32;
	_ =	sdelay $0x4  }
0xaf: {  	v32 =	vld.idx.msk [tilespmem:v32+s14+$0x0], $0xffff;
	_ =	sdelay $0x4  }
0xb0: {  	[tilespmem:s25+$0x0] =	vst v32  }
0xb1: {  	v32 =	vld [tilespmem:$0x90];
	_ =	sdelay $0x4  }
0xb2: {  	v32 =	vand.u32 $0xF, v32  }
0xb3: {  	v32 =	vor.u32 v17, v32;
	_ =	sdelay $0x4  }
0xb4: {  	v32 =	vld.idx.msk [tilespmem:v32+s14+$0x0], $0xffff;
	_ =	sdelay $0x4  }
0xb5: {  	[tilespmem:s25+$0x10] =	vst v32  }
0xb6: {  	v32 =	vld [tilespmem:$0xA0];
	_ =	sdelay $0x4  }
0xb7: {  	v32 =	vand.u32 $0xF, v32  }
0xb8: {  	v32 =	vor.u32 v18, v32;
	_ =	sdelay $0x4  }
0xb9: {  	v32 =	vld.idx.msk [tilespmem:v32+s14+$0x0], $0xffff;
	_ =	sdelay $0x4  }
0xba: {  	[tilespmem:s25+$0x20] =	vst v32  }
0xbb: {  	v32 =	vld [tilespmem:$0xB0];
	_ =	sdelay $0x4  }
0xbc: {  	v32 =	vand.u32 $0xF, v32  }
0xbd: {  	v32 =	vor.u32 v19, v32;
	_ =	sdelay $0x4  }
0xbe: {  	v32 =	vld.idx.msk [tilespmem:v32+s14+$0x0], $0xffff;
	_ =	sdelay $0x4  }
0xbf: {  	[tilespmem:s25+$0x30] =	vst v32  }
0xc0: {  	v32 =	vld [tilespmem:$0xC0];
	_ =	sdelay $0x4  }
0xc1: {  	v32 =	vand.u32 $0xF, v32  }
0xc2: {  	v32 =	vor.u32 v20, v32;
	_ =	sdelay $0x4  }
0xc3: {  	v32 =	vld.idx.msk [tilespmem:v32+s14+$0x0], $0xffff;
	_ =	sdelay $0x4  }
0xc4: {  	[tilespmem:s25+$0x40] =	vst v32  }
0xc5: {  	v32 =	vld [tilespmem:$0xD0];
	_ =	sdelay $0x4  }
0xc6: {  	v32 =	vand.u32 $0xF, v32  }
0xc7: {  	v32 =	vor.u32 v21, v32;
	_ =	sdelay $0x4  }
0xc8: {  	v32 =	vld.idx.msk [tilespmem:v32+s14+$0x0], $0xffff;
	_ =	sdelay $0x4  }
0xc9: {  	[tilespmem:s25+$0x50] =	vst v32  }
0xca: {  	v32 =	vld [tilespmem:$0xE0];
	_ =	sdelay $0x4  }
0xcb: {  	v32 =	vand.u32 $0xF, v32  }
0xcc: {  	v32 =	vor.u32 v22, v32;
	_ =	sdelay $0x4  }
0xcd: {  	v32 =	vld.idx.msk [tilespmem:v32+s14+$0x0], $0xffff;
	_ =	sdelay $0x4  }
0xce: {  	[tilespmem:s25+$0x60] =	vst v32  }
0xcf: {  	v32 =	vld [tilespmem:$0xF0];
	_ =	sdelay $0x4  }
0xd0: {  	v32 =	vand.u32 $0xF, v32  }
0xd1: {  	v32 =	vor.u32 v23, v32;
	_ =	sdelay $0x4  }
0xd2: {  	v32 =	vld.idx.msk [tilespmem:v32+s14+$0x0], $0xffff;
	_ =	sdelay $0x4  }
0xd3: {  	[tilespmem:s25+$0x70] =	vst v32  }
0xd4: {  	v32 =	vld [tilespmem:$0x80];
	_ =	sdelay $0x4  }
0xd5: {  	v32 =	vand.u32 $0xF, v32  }
0xd6: {  	v32 =	vor.u32 v24, v32;
	_ =	sdelay $0x4  }
0xd7: {  	v32 =	vld.idx.msk [tilespmem:v32+s14+$0x0], $0xffff;
	_ =	sdelay $0x4  }
0xd8: {  	[tilespmem:s25+$0x1000] =	vst v32  }
0xd9: {  	v32 =	vld [tilespmem:$0x90];
	_ =	sdelay $0x4  }
0xda: {  	v32 =	vand.u32 $0xF, v32  }
0xdb: {  	v32 =	vor.u32 v25, v32;
	_ =	sdelay $0x4  }
0xdc: {  	v32 =	vld.idx.msk [tilespmem:v32+s14+$0x0], $0xffff;
	_ =	sdelay $0x4  }
0xdd: {  	[tilespmem:s25+$0x1010] =	vst v32  }
0xde: {  	v32 =	vld [tilespmem:$0xA0];
	_ =	sdelay $0x4  }
0xdf: {  	v32 =	vand.u32 $0xF, v32  }
0xe0: {  	v32 =	vor.u32 v26, v32;
	_ =	sdelay $0x4  }
0xe1: {  	v32 =	vld.idx.msk [tilespmem:v32+s14+$0x0], $0xffff;
	_ =	sdelay $0x4  }
0xe2: {  	[tilespmem:s25+$0x1020] =	vst v32  }
0xe3: {  	v32 =	vld [tilespmem:$0xB0];
	_ =	sdelay $0x4  }
0xe4: {  	v32 =	vand.u32 $0xF, v32  }
0xe5: {  	v32 =	vor.u32 v27, v32;
	_ =	sdelay $0x4  }
0xe6: {  	v32 =	vld.idx.msk [tilespmem:v32+s14+$0x0], $0xffff;
	_ =	sdelay $0x4  }
0xe7: {  	[tilespmem:s25+$0x1030] =	vst v32  }
0xe8: {  	v32 =	vld [tilespmem:$0xC0];
	_ =	sdelay $0x4  }
0xe9: {  	v32 =	vand.u32 $0xF, v32  }
0xea: {  	v32 =	vor.u32 v28, v32;
	_ =	sdelay $0x4  }
0xeb: {  	v32 =	vld.idx.msk [tilespmem:v32+s14+$0x0], $0xffff;
	_ =	sdelay $0x4  }
0xec: {  	[tilespmem:s25+$0x1040] =	vst v32  }
0xed: {  	v32 =	vld [tilespmem:$0xD0];
	_ =	sdelay $0x4  }
0xee: {  	v32 =	vand.u32 $0xF, v32  }
0xef: {  	v32 =	vor.u32 v29, v32;
	_ =	sdelay $0x4  }
0xf0: {  	v32 =	vld.idx.msk [tilespmem:v32+s14+$0x0], $0xffff;
	_ =	sdelay $0x4  }
0xf1: {  	[tilespmem:s25+$0x1050] =	vst v32  }
0xf2: {  	v32 =	vld [tilespmem:$0xE0];
	_ =	sdelay $0x4  }
0xf3: {  	v32 =	vand.u32 $0xF, v32  }
0xf4: {  	v32 =	vor.u32 v30, v32;
	_ =	sdelay $0x4  }
0xf5: {  	v32 =	vld.idx.msk [tilespmem:v32+s14+$0x0], $0xffff;
	_ =	sdelay $0x4  }
0xf6: {  	[tilespmem:s25+$0x1060] =	vst v32  }
0xf7: {  	v32 =	vld [tilespmem:$0xF0];
	_ =	sdelay $0x4  }
0xf8: {  	v32 =	vand.u32 $0xF, v32  }
0xf9: {  	v32 =	vor.u32 v31, v32;
	_ =	sdelay $0x4  }
0xfa: {  	v32 =	vld.idx.msk [tilespmem:v32+s14+$0x0], $0xffff;
	_ =	sdelay $0x3  }
0xfb: {  	p0 =	sne.s32 s28, $0x1F0  }
.Ltmp0:
0xfc: {  	[tilespmem:s25+$0x1070] =	vst v32;
	(pc) =	sbr.rel @p0 .LBB2_2-.Ltmp0, $4  }
0xfd: {  	[hbm4b:s26+s4] =	stream.linear.scatter [tilespmem:s12], [sflag:$0x3], $0x8000, $0x38;
	[tilespmem:$0xE300] =	vst v63  }
0xfe: {  	_ =	swait.ge [sflag:s10], $0x8000  }
0xff: {  	s28 =	sadd.s32 $0x10, s28;
	[sflag:s10] =	ssyncset.done $0x0  }
0x100: {  	s25 =	sadd.s32 $0x80, s25;
	s26 =	sadd.s32 $0x1000, s26;
	[sflag:s10] =	ssyncadd.s32 $0xFFFF8000  }
0x101: {  	s24 =	sadd.s32 $0x1, s24  }
0x102: {  	p0 =	sne.s32 s24, s6  }
.Ltmp1:
0x103: {  	_ = 	snop;
	(pc) =	sbr.rel @p0 .LBB2_1-.Ltmp1, $4  }
0x104: {  	[hbm4b:s5+s4] =	stream.linear.scatter [tilespmem:s23], [sflag:$0x3], $0x4000, $0x38;
	[tilespmem:$0xE300] =	vst v63  }
0x105: {  	_ =	swait.ge [sflag:s10], $0x4000  }
0x106: {  	[sflag:s10] =	ssyncset.done $0x0  }
0x107: {  	[sflag:s10] =	ssyncadd.s32 $0xFFFFC000  }
0x108: {  	_ =	sfence.sel $0x180000  }
0x109: {  	[bflag:$0x0] =	sbarrier.arrive $0xFFFF  }
0x10a: {  	p0 =	sne.s32 s0, $0x0;
	_ =	strace $0x90000047  }
0x10b: {  	s0 =	sadd.s32 @!p0 $0x100000, s2;
	[bflag:$0x2] =	sbarrier.arrive $0xFFFF  }
0x10c: {  	[sflag:s0] =	ssyncadd.tile.s32 @!p0 $0x1;
	_ =	shalt  }
.Lfunc_end2:
_tile_overlayer_lowered:
.L_overlay_start_2:
0x10d: {  	(tag) =	ssettag $0x2  }
0x10e: {  	s0 =	rddreg [dreg:$0x0];
	s2 =	stileid.u32  }
0x10f: {  	s1 =	rddreg [dreg:$0x1];
	p0 =	sne.s32 s2, $0x0  }
0x110: {  	s3 =	rddreg [dreg:$0x2];
	[bflag:$0x3] =	sbarrier.arrive $0xFFFF;
	s2 =	simm.s32 @!p0 $0x1C03  }
0x111: {  	[timem:s3], [sflag:s2] =	dma.local @!p0 [hbm:s0], s1  }
0x112: {  	s0 =	simm.s32 @!p0 $0x3  }
0x113: {  	_ =	swait.ge @!p0 [sflag:s0], s1  }
0x114: {  	s1 =	ssub.s32 @!p0 $0x0, s1;
	[sflag:s0] =	ssyncset.done @!p0 $0x0  }
0x115: {  	[sflag:s0] =	ssyncadd.s32 @!p0 s1  }
0x116: {  	[bflag:$0x3] =	sbarrier.arrive $0xFFFF  }
0x117: {  	_ =	shalt  }

// kernel: kernel.19.cloned.1.call-start
scs
__scs_entry_jumppad:
0x0: {  	(pc) =	sbr.rel $0x88, $3  }
0x1: {  	(tag) =	ssettag $0x0;
	lr =	simm.s32 $0x1  }
0x2: {  	[smem:$0x3F9A] =	sst lr;
	_ =	strace $0xD0000000  }
0x3: {  	_ = 	snop  }
0x4: {  	_ = 	snop  }
0x5: {  	_ = 	snop  }
0x6: {  	_ = 	snop  }
0x7: {  	_ = 	snop  }
__scs_overlays_trampoline_lowered:
0x8: {  	[smem:$0x3FA9] =	sst s0  }
0x9: {  	[smem:$0x3FAA] =	sst s1  }
0xa: {  	[smem:$0x3FAB] =	sst s2  }
0xb: {  	[smem:$0x3FAC] =	sst s3  }
0xc: {  	[smem:$0x3FAD] =	sst s4  }
0xd: {  	[smem:$0x3FAE] =	sst s5  }
0xe: {  	[smem:$0x3FAF] =	sst s6  }
0xf: {  	[smem:$0x3FB0] =	sst s7  }
0x10: {  	[smem:$0x3FB1] =	sst s8  }
0x11: {  	[smem:$0x3FB2] =	sst s9;
	s0 =	simm.s32 @!p0 $0x0  }
0x12: {  	s1 =	sld [smem:$0x3F98];
	s0 =	simm.s32 @p0 $0x1  }
0x13: {  	[smem:$0x3FB3] =	sst s0;
	s0 =	simm.s32 @!p1 $0x0  }
0x14: {  	s2 =	sld [smem:$0x3F97];
	s0 =	simm.s32 @p1 $0x1  }
0x15: {  	[smem:$0x3FB4] =	sst s0;
	s0 =	simm.s32 @!p2 $0x0  }
0x16: {  	s3 =	sld [smem:$0x3FDB];
	s0 =	simm.s32 @p2 $0x1  }
0x17: {  	s4 =	simm.s32 $0x1BF5;
	[smem:$0x3FB6] =	sst s0  }
0x18: {  	s0 =	sld [smem:$0x3F99];
	_ =	swait.ge [sflag:s4], $0x0  }
0x19: {  	s7 =	sld [smem:$0x3F9A]  }
0x1a: {  	s8 =	sadd.s32 $0xFFFFE003, lr  }
0x1b: {  	s9 =	sadd.s32 $0xFFFFFEF7, lr;
	s5 =	simm.s32 $0xFFFFFFFF;
	p2 =	slt.u32 s8, $0xFFFFF086  }
0x1c: {  	p1 =	slt.u32 s9, $0xF7A;
	s5 =	simm.s32 @!p2 $0x0  }
0x1d: {  	s5 =	simm.s32 @p1 $0x1;
	p0 =	seq.s32 s7, s2  }
0x1e: {  	s7 =	smul.u32 @!p0 $0xF7A, s2;
	p2 =	seq.s32 @!p0 s5, $0x0  }
0x1f: {  	s9 =	smul.u32 $0xF7A, s1;
	s8 =	simm.s32 @!p0 $0x1BF5;
	p2 =	por !p2, p0  }
0x20: {  	[sflag:s8] =	ssyncset.s32 @!p0 $0xFFFFF086;
	s6 =	sadd.s32 @!p0 s3, s7;
	s7 =	simm.s32 @!p0 $0x108  }
0x21: {  	s3 =	sadd.s32 s3, s9;
	s6 =	sadd.s32 @!p0 $0x88, s6;
	s7 =	simm.s32 @p2 $0x1082  }
0x22: {  	[simem:s7], [sflag:s8] =	dma.local @!p0 [hbm:s6], $0xF7A  }
0x23: {  	s9 =	sor.u32 $0xD0000000, s2;
	s6 =	simm.s32 $0x108;
	_ =	swait.ge @!p0 [sflag:s8], $0x0  }
0x24: {  	s3 =	sadd.s32 $0x88, s3;
	s6 =	simm.s32 @!p1 $0x1082;
	[sflag:s4] =	ssyncset.s32 $0xFFFFF086  }
0x25: {  	[simem:s6], [sflag:s4] =	dma.local [hbm:s3], $0xF7A  }
0x26: {  	[smem:$0x3F9A] =	sst s1;
	(tag) =	ssettag s2;
	_ =	strace s9  }
0x27: {  	s1 =	sld [smem:$0x3FAA]  }
0x28: {  	s2 =	sld [smem:$0x3FAB]  }
0x29: {  	s4 =	sld [smem:$0x3FAD]  }
0x2a: {  	p0 =	seq.s32 s5, $0x0;
	s5 =	sld [smem:$0x3FAE]  }
0x2b: {  	s6 =	sld [smem:$0x3FAF]  }
0x2c: {  	s7 =	sld [smem:$0x3FB0]  }
0x2d: {  	s3 =	simm.s32 $0x108;
	s8 =	sld [smem:$0x3FB1]  }
0x2e: {  	s3 =	simm.s32 @!p0 $0x1082;
	s9 =	sld [smem:$0x3FB2]  }
0x2f: {  	lr =	sadd.s32 s0, s3;
	s0 =	sld [smem:$0x3FA9]  }
0x30: {  	s3 =	sld [smem:$0x3FAC]  }
0x31: {  	[smem:$0x3FB5] =	sst s10  }
0x32: {  	s10 =	sld [smem:$0x3FB3];
	_ =	sdelay $0x3  }
0x33: {  	p0 =	seq.s32 s10, $0x1;
	s10 =	sld [smem:$0x3FB5];
	_ =	sdelay $0x3  }
0x34: {  	[smem:$0x3FB5] =	sst s10  }
0x35: {  	s10 =	sld [smem:$0x3FB4];
	_ =	sdelay $0x3  }
0x36: {  	p1 =	seq.s32 s10, $0x1;
	s10 =	sld [smem:$0x3FB5];
	_ =	sdelay $0x3  }
0x37: {  	[smem:$0x3FB5] =	sst s10  }
0x38: {  	s10 =	sld [smem:$0x3FB6]  }
0x39: {  	_ = 	snop;
	(pc) =	sbr.ind lr, $3  }
0x3a: {  	_ = 	snop  }
0x3b: {  	_ = 	snop  }
0x3c: {  	p2 =	seq.s32 s10, $0x1;
	s10 =	sld [smem:$0x3FB5]  }
0x3d: {  	_ =	shalt  }
0x3e: {  	_ =	shalt  }
0x3f: {  	_ =	shalt  }
0x40: {  	_ =	shalt  }
0x41: {  	_ =	shalt  }
0x42: {  	_ =	shalt  }
0x43: {  	_ =	shalt  }
0x44: {  	_ =	shalt  }
0x45: {  	_ =	shalt  }
0x46: {  	_ =	shalt  }
0x47: {  	_ =	shalt  }
0x48: {  	_ =	shalt  }
0x49: {  	_ =	shalt  }
0x4a: {  	_ =	shalt  }
0x4b: {  	_ =	shalt  }
0x4c: {  	_ =	shalt  }
0x4d: {  	_ =	shalt  }
0x4e: {  	_ =	shalt  }
0x4f: {  	_ =	shalt  }
0x50: {  	_ =	shalt  }
0x51: {  	_ =	shalt  }
0x52: {  	_ =	shalt  }
0x53: {  	_ =	shalt  }
0x54: {  	_ =	shalt  }
0x55: {  	_ =	shalt  }
0x56: {  	_ =	shalt  }
0x57: {  	_ =	shalt  }
0x58: {  	_ =	shalt  }
0x59: {  	_ =	shalt  }
0x5a: {  	_ =	shalt  }
0x5b: {  	_ =	shalt  }
0x5c: {  	_ =	shalt  }
0x5d: {  	_ =	shalt  }
0x5e: {  	_ =	shalt  }
0x5f: {  	_ =	shalt  }
0x60: {  	_ =	shalt  }
0x61: {  	_ =	shalt  }
0x62: {  	_ =	shalt  }
0x63: {  	_ =	shalt  }
0x64: {  	_ =	shalt  }
0x65: {  	_ =	shalt  }
0x66: {  	_ =	shalt  }
0x67: {  	_ =	shalt  }
0x68: {  	_ =	shalt  }
0x69: {  	_ =	shalt  }
0x6a: {  	_ =	shalt  }
0x6b: {  	_ =	shalt  }
0x6c: {  	_ =	shalt  }
0x6d: {  	_ =	shalt  }
0x6e: {  	_ =	shalt  }
0x6f: {  	_ =	shalt  }
0x70: {  	_ =	shalt  }
0x71: {  	_ =	shalt  }
0x72: {  	_ =	shalt  }
0x73: {  	_ =	shalt  }
0x74: {  	_ =	shalt  }
0x75: {  	_ =	shalt  }
0x76: {  	_ =	shalt  }
0x77: {  	_ =	shalt  }
0x78: {  	_ =	shalt  }
0x79: {  	_ =	shalt  }
0x7a: {  	_ =	shalt  }
0x7b: {  	_ =	shalt  }
0x7c: {  	_ =	shalt  }
0x7d: {  	_ =	shalt  }
0x7e: {  	_ =	shalt  }
0x7f: {  	_ =	shalt  }
0x80: {  	_ =	shalt  }
0x81: {  	_ =	shalt  }
0x82: {  	_ =	shalt  }
0x83: {  	_ =	shalt  }
0x84: {  	_ =	shalt  }
0x85: {  	_ =	shalt  }
0x86: {  	_ =	shalt  }
0x87: {  	_ =	shalt  }
.Lfunc_end0:
.L_simem_size_0:
called_computation.3_lowered:
.L_overlay_start_0:
0x88: {  	s2 =	sld [smem:$0x3FD9]  }
0x89: {  	s3 =	sld [smem:$0x3FFE];
	_ =	sdelay $0x1  }
0x8a: {  	s1 =	srdreg.scid  }
0x8b: {  	s0 =	sand.u32 $0x1, s1  }
0x8c: {  	s17 =	sshll.u32 s0, $0xA;
	s2 =	sadd.s32 s3, s2  }
0x8d: {  	s2 =	sadd.s32 s2, s17  }
0x8e: {  	[smem:$0x3FC1] =	sst s2  }
0x8f: {  	_ = 	snop  }
0x90: {  	(tm) =	ssettm $0x1  }
0x91: {  	s18 =	sld [smem:$0x3FFB];
	_ =	sdelay $0x3  }
0x92: {  	_ =	strace s18  }
0x93: {  	s2 =	sld [smem:$0x3FFC];
	_ =	sdelay $0x3  }
0x94: {  	_ =	strace s2  }
0x95: {  	s2 =	sld [smem:$0x3FFD];
	_ =	sdelay $0x3  }
0x96: {  	_ =	strace s2  }
0x97: {  	_ =	strace $0x8FFFFFFF  }
0x98: {  	s19 =	sld [smem:$0x3FDB];
	_ =	sdelay $0x1  }
0x99: {  	s20 =	simm.s32 $_scs_section_size  }
0x9a: {  	s4 =	simm.s32 $_size__tile_overlayer_lowered;
	s5 =	simm.s32 $_tile_overlayer_lowered  }
0x9b: {  	s6 =	simm.s32 $0x1BFF;
	s21 =	sshll.u32 s5, $0x1;
	s3 =	sadd.s32 s20, s19  }
0x9c: {  	s22 =	simm.s32 $0x0;
	s4 =	sshll.u32 s4, $0x1;
	s5 =	sadd.s32 s21, s3  }
0x9d: {  	[timem:s22], [sflag:s6] =	dma.local [hbm:s5], s4  }
0x9e: {  	_ =	swait.ge [sflag:s6], s4  }
0x9f: {  	s4 =	ssub.s32 $0x0, s4;
	[sflag:s6] =	ssyncset.done $0x0  }
0xa0: {  	[sflag:s6] =	ssyncadd.s32 s4;
	_ =	sdelay $0x1  }
0xa1: {  	s23 =	simm.s32 $0x1B8B  }
0xa2: {  	_ =	swait.ge [sflag:s23], $0x1  }
0xa3: {  	[sflag:s23] =	ssyncset.done $0x0  }
0xa4: {  	[sflag:s23] =	ssyncadd.s32 $0xFFFFFFFF  }
0xa5: {  	s4 =	sld [smem:$0x0]  }
0xa6: {  	s5 =	sand.u32 $0xFFFFFFFE, s1  }
0xa7: {  	p0 =	sne.s32 s1, s5  }
0xa8: {  	s5 =	sshll.u32 @p0 s5, $0xE  }
0xa9: {  	s5 =	sadd.s32 @p0 $0x11B8D, s5;
	s6 =	sshll.u32 @p0 s4, $0x11  }
0xaa: {  	s5 =	sor.u32 @p0 s6, s5  }
0xab: {  	[sflag:s5] =	ssyncadd.remote.s32 @p0 $0x1;
	_ =	sdelay $0x1  }
0xac: {  	s5 =	simm.s32 @p0 $0x1B8D  }
0xad: {  	_ =	swait.eq @p0 [sflag:s5], $0x1  }
0xae: {  	[sflag:s5] =	ssyncadd.s32 @p0 $0xFFFFFFFF  }
0xaf: {  	s6 =	sshll.u32 @!p0 s1, $0xE  }
0xb0: {  	s6 =	sor.u32 @!p0 $0x4000, s6;
	s5 =	simm.s32 @!p0 $0x1B8D  }
0xb1: {  	s4 =	sshll.u32 @!p0 s4, $0x11;
	s6 =	sadd.s32 @!p0 $0x11B8D, s6;
	_ =	swait.eq @!p0 [sflag:s5], $0x1  }
0xb2: {  	s4 =	sor.u32 @!p0 s4, s6;
	[sflag:s5] =	ssyncadd.s32 @!p0 $0xFFFFFFFF  }
0xb3: {  	s25 =	simm.s32 $0x1B8E;
	s24 =	sld [smem:$0x3FFE];
	[sflag:s4] =	ssyncadd.remote.s32 @!p0 $0x1  }
0xb4: {  	s26 =	simm.s32 $execute0_lowered;
	[smem:$0x3FD2] =	sst s25  }
0xb5: {  	s5 =	sshll.u32 s26, $0x1;
	_ =	strace $0x8000004C;
	[dreg:$0x1] =	wrdreg $0xFFFFFFFF  }
0xb6: {  	s28 =	simm.s32 $_size_execute0_lowered;
	s3 =	sadd.s32 s3, s5;
	[dreg:$0x0] =	wrdreg $0x0  }
0xb7: {  	s5 =	sshll.u32 s28, $0x1;
	[dreg:$0x2] =	wrdreg s3  }
0xb8: {  	[dreg:$0x3] =	wrdreg s5  }
0xb9: {  	[dreg:$0x4] =	wrdreg $0xC0  }
0xba: {  	_ =	task [dreg:s22], $0x5FFFF  }
0xbb: {  	[dreg:$0x1] =	wrdreg $0xFFFFFFFF  }
0xbc: {  	[dreg:$0x0] =	wrdreg $0x60  }
0xbd: {  	[dreg:$0x2] =	wrdreg s24  }
0xbe: {  	[dreg:$0x3] =	wrdreg $0x81800  }
0xbf: {  	[dreg:$0x4] =	wrdreg $0xA  }
0xc0: {  	_ =	task.clear_ibuf [dreg:s22], $0x5FFFF;
	_ =	strace $0x9000004C  }
0xc1: {  	s29 =	simm.s32 $0xA;
	_ =	strace $0x8000004E  }
0xc2: {  	_ =	swait.ge [sflag:s29], $0x1  }
0xc3: {  	[sflag:s29] =	ssyncadd.s32 $0xFFFFFFFF  }
0xc4: {  	_ =	strace $0x9000004E  }
0xc5: {  	_ =	sfence  }
0xc6: {  	s30 =	sld [smem:$0x0];
	_ =	sdelay $0x2  }
0xc7: {  	s31 =	sshll.u32 s1, $0xD;
	s1 =	sshrl.u32 s1, $0x2  }
0xc8: {  	s4 =	sand.u32 $0x4000, s31;
	s1 =	sadd.s32 s1, s30  }
0xc9: {  	s0 =	sor.u32 s4, s0;
	s1 =	sshll.u32 s1, $0x11  }
0xca: {  	s0 =	sor.u32 s1, s0  }
0xcb: {  	s0 =	sadd.s32 $0x8F2B, s0  }
0xcc: {  	[sflag:s0] =	ssyncadd.remote.s32 $0x1  }
0xcd: {  	_ =	sfence.sel $0xFFFF  }
0xce: {  	[dreg:$0x0] =	wrdreg $0xFFFFFFFF;
	(pc) =	sbr.abs _section_cstart, $3  }
0xcf: {  	[dreg:$0x1] =	wrdreg $0xFFFFFFFF  }
0xd0: {  	_ =	task.clear_ibuf [dreg:s22], $0x2FFFF;
	_ =	strace $0x9FFFFFFF  }
0xd1: {  	(tm) =	ssettm $0x7FFFFFFF  }
tec
execute0_lowered:
.L_overlay_start_1:
0x0: {  	(tag) =	ssettag $0x1  }
0x1: {  	s4 =	rddreg [dreg:$0x0]  }
0x2: {  	s2 =	rddreg [dreg:$0x1]  }
0x3: {  	s0 =	rddreg [dreg:$0x2]  }
0x4: {  	s5 =	srdreg.scid;
	s3 =	simm.s32 $0x0;
	s1 =	stileid.u32  }
0x5: {  	s13 =	simm.s32 $0x80;
	s14 =	simm.s32 $0x100;
	s15 =	simm.s32 $0x4180  }
0x6: {  	s16 =	simm.s32 $0x0;
	s5 =	sand.u32 $0x1, s5;
	[smem:$0x7FF] =	sst s3  }
0x7: {  	s6 =	sshll.u32 s1, $0xD;
	s8 =	sshll.u32 s1, $0x12;
	s29 =	sshll.u32 s1, $0x6  }
0x8: {  	s7 =	sshll.u32 s5, $0xC;
	_ =	strace $0x8000004D;
	s9 =	ssub.s32 $0x2, s5  }
0x9: {  	v16 =	vlaneseq.u32;
	s10 =	sadd.s32 s8, s4;
	s28 =	sshrl.u32 s8, $0x2;
	s30 =	sshll.u32 s5, $0x11  }
0xa: {  	v0 =	vand.u32 $0x7, v16;
	v1 =	vshrl.u32 v16, $0x3;
	s5 =	sor.u32 $0x1C01, s29;
	s7 =	sor.u32 s7, s6;
	s26 =	sshrl.u32 s9, $0x1  }
0xb: {  	v16 =	vor.u32 $0x78, v16;
	v2 =	vor.u32 $0x8, v0;
	v3 =	vor.u32 $0x10, v0;
	s6 =	sadd.s32 s6, s4;
	s12 =	sadd.s32 s28, s2;
	s31 =	sadd.s32 s30, s10  }
0xc: {  	v4 =	vor.u32 $0x18, v0;
	v5 =	vor.u32 $0x20, v0;
	v6 =	vor.u32 $0x28, v0;
	s7 =	sshrl.u32 s7, $0x3;
	s8 =	sadd.s32 $0x7400, s31;
	s10 =	sshrl.u32 s12, $0x3  }
0xd: {  	v7 =	vor.u32 $0x30, v0;
	v8 =	vor.u32 $0x38, v0;
	v9 =	vor.u32 $0x40, v0;
	s11 =	sadd.s32 s7, s4;
	s4 =	sadd.s32 $0x834600, s6;
	s6 =	sadd.s32 s30, s6  }
0xe: {  	v10 =	vor.u32 $0x48, v0;
	v11 =	vor.u32 $0x50, v0;
	v12 =	vor.u32 $0x58, v0;
	s12 =	simm.s32 $0x180;
	s7 =	ssub.s32 s9, s26;
	s6 =	sadd.s32 $0x854600, s6  }
0xf: {  	v13 =	vor.u32 $0x60, v0;
	v14 =	vor.u32 $0x68, v0;
	v15 =	vor.u32 $0x70, v0;
	s7 =	smax.u32 s7, $0x1;
	s9 =	sadd.s32 $0x3400, s11;
	s11 =	simm.s32 $0x1  }
.LBB2_1:
0x10: {  	[spmem:s10], [sflag:s5] =	dma.local [hbm:s4], $0x2000  }
0x11: {  	_ =	swait.ge [sflag:s11], $0x2000  }
0x12: {  	[sflag:s11] =	ssyncset.done $0x0  }
0x13: {  	[sflag:s11] =	ssyncadd.s32 $0xFFFFE000  }
0x14: {  	s17 =	sadd.s32 $0x0, s9;
	[bflag:$0x0] =	sbarrier.arrive $0xFFFF  }
0x15: {  	[tilespmem:s3], [sflag:$0x1] =	stream.linear.gather [hbm4b:s17+s3], $0x80, $0x38;
	[tilespmem:$0x18180] =	vst v63  }
0x16: {  	_ =	swait.ge [sflag:s11], $0x80  }
0x17: {  	[sflag:s11] =	ssyncset.done $0x0  }
0x18: {  	[sflag:s11] =	ssyncadd.s32 $0xFFFFFF80  }
0x19: {  	[tilespmem:s12], [sflag:$0x1] =	stream.linear.gather [hbm4b:s8+s3], $0x8000, $0x38;
	[tilespmem:$0x18180] =	vst v63  }
0x1a: {  	_ =	swait.ge [sflag:s11], $0x8000  }
0x1b: {  	[sflag:s11] =	ssyncset.done $0x0  }
0x1c: {  	[sflag:s11] =	ssyncadd.s32 $0xFFFF8000  }
0x1d: {  	v17 =	vld.idx.msk [tilespmem:v0+s3+$0x0], $0xffff;
	_ =	sdelay $0x4  }
0x1e: {  	v17 =	vshll.u32 v17, $0x1  }
0x1f: {  	v17 =	vor.u32 v1, v17  }
0x20: {  	[tilespmem:$0x80] =	vst v17  }
0x21: {  	v17 =	vld.idx.msk [tilespmem:v2+s3+$0x0], $0xffff;
	_ =	sdelay $0x4  }
0x22: {  	v17 =	vshll.u32 v17, $0x1  }
0x23: {  	v17 =	vor.u32 v1, v17  }
0x24: {  	[tilespmem:$0x90] =	vst v17  }
0x25: {  	v17 =	vld.idx.msk [tilespmem:v3+s3+$0x0], $0xffff;
	_ =	sdelay $0x4  }
0x26: {  	v17 =	vshll.u32 v17, $0x1  }
0x27: {  	v17 =	vor.u32 v1, v17  }
0x28: {  	[tilespmem:$0xA0] =	vst v17  }
0x29: {  	v17 =	vld.idx.msk [tilespmem:v4+s3+$0x0], $0xffff;
	_ =	sdelay $0x4  }
0x2a: {  	v17 =	vshll.u32 v17, $0x1  }
0x2b: {  	v17 =	vor.u32 v1, v17  }
0x2c: {  	[tilespmem:$0xB0] =	vst v17  }
0x2d: {  	v17 =	vld.idx.msk [tilespmem:v5+s3+$0x0], $0xffff;
	_ =	sdelay $0x4  }
0x2e: {  	v17 =	vshll.u32 v17, $0x1  }
0x2f: {  	v17 =	vor.u32 v1, v17  }
0x30: {  	[tilespmem:$0xC0] =	vst v17  }
0x31: {  	v17 =	vld.idx.msk [tilespmem:v6+s3+$0x0], $0xffff;
	_ =	sdelay $0x4  }
0x32: {  	v17 =	vshll.u32 v17, $0x1  }
0x33: {  	v17 =	vor.u32 v1, v17  }
0x34: {  	[tilespmem:$0xD0] =	vst v17  }
0x35: {  	v17 =	vld.idx.msk [tilespmem:v7+s3+$0x0], $0xffff;
	_ =	sdelay $0x4  }
0x36: {  	v17 =	vshll.u32 v17, $0x1  }
0x37: {  	v17 =	vor.u32 v1, v17  }
0x38: {  	[tilespmem:$0xE0] =	vst v17  }
0x39: {  	v17 =	vld.idx.msk [tilespmem:v8+s3+$0x0], $0xffff;
	_ =	sdelay $0x4  }
0x3a: {  	v17 =	vshll.u32 v17, $0x1  }
0x3b: {  	v17 =	vor.u32 v1, v17  }
0x3c: {  	[tilespmem:$0xF0] =	vst v17  }
0x3d: {  	v17 =	vld.idx.msk [tilespmem:v9+s3+$0x0], $0xffff;
	_ =	sdelay $0x4  }
0x3e: {  	v17 =	vshll.u32 v17, $0x1  }
0x3f: {  	v17 =	vor.u32 v1, v17  }
0x40: {  	[tilespmem:$0x100] =	vst v17  }
0x41: {  	v17 =	vld.idx.msk [tilespmem:v10+s3+$0x0], $0xffff;
	_ =	sdelay $0x4  }
0x42: {  	v17 =	vshll.u32 v17, $0x1  }
0x43: {  	v17 =	vor.u32 v1, v17  }
0x44: {  	[tilespmem:$0x110] =	vst v17  }
0x45: {  	v17 =	vld.idx.msk [tilespmem:v11+s3+$0x0], $0xffff;
	_ =	sdelay $0x4  }
0x46: {  	v17 =	vshll.u32 v17, $0x1  }
0x47: {  	v17 =	vor.u32 v1, v17  }
0x48: {  	[tilespmem:$0x120] =	vst v17  }
0x49: {  	v17 =	vld.idx.msk [tilespmem:v12+s3+$0x0], $0xffff;
	_ =	sdelay $0x4  }
0x4a: {  	v17 =	vshll.u32 v17, $0x1  }
0x4b: {  	v17 =	vor.u32 v1, v17  }
0x4c: {  	[tilespmem:$0x130] =	vst v17  }
0x4d: {  	v17 =	vld.idx.msk [tilespmem:v13+s3+$0x0], $0xffff;
	_ =	sdelay $0x4  }
0x4e: {  	v17 =	vshll.u32 v17, $0x1  }
0x4f: {  	v17 =	vor.u32 v1, v17  }
0x50: {  	[tilespmem:$0x140] =	vst v17  }
0x51: {  	v17 =	vld.idx.msk [tilespmem:v14+s3+$0x0], $0xffff;
	_ =	sdelay $0x4  }
0x52: {  	v17 =	vshll.u32 v17, $0x1  }
0x53: {  	v17 =	vor.u32 v1, v17  }
0x54: {  	[tilespmem:$0x150] =	vst v17  }
0x55: {  	v17 =	vld.idx.msk [tilespmem:v15+s3+$0x0], $0xffff;
	_ =	sdelay $0x4  }
0x56: {  	v17 =	vshll.u32 v17, $0x1  }
0x57: {  	v17 =	vor.u32 v1, v17  }
0x58: {  	[tilespmem:$0x160] =	vst v17  }
0x59: {  	v17 =	vld.idx.msk [tilespmem:v16+s3+$0x0], $0xffff;
	_ =	sdelay $0x4  }
0x5a: {  	v17 =	vshll.u32 v17, $0x1  }
0x5b: {  	v17 =	vor.u32 v1, v17  }
0x5c: {  	[tilespmem:$0x170] =	vst v17  }
0x5d: {  	[spmem:s2] =	stream.indirect.scatter.add.f32 [tilespmem:s12], [sflag:$0x1], $0x80, s13, s13, $0xb8;
	[tilespmem:$0x18180] =	vst v63  }
0x5e: {  	_ =	swait.ge [sflag:s11], $0x4000  }
0x5f: {  	[sflag:s11] =	ssyncset.done $0x0  }
0x60: {  	[sflag:s11] =	ssyncadd.s32 $0xFFFFC000  }
0x61: {  	[spmem:s2] =	stream.indirect.scatter.add.f32 [tilespmem:s15], [sflag:$0x1], $0x80, s14, s13, $0xb8;
	[tilespmem:$0x18180] =	vst v63  }
0x62: {  	s18 =	simm.s32 $0x10;
	_ =	swait.ge [sflag:s11], $0x4000  }
0x63: {  	s20 =	simm.s32 $0x20;
	s17 =	sadd.s32 $0x1000, s8;
	[sflag:s11] =	ssyncset.done $0x0  }
.LBB2_2:
0x64: {  	s21 =	sadd.s32 s18, s9  }
0x65: {  	[sflag:s11] =	ssyncadd.s32 $0xFFFFC000;
	s18 =	smov.u32 s20;
	s19 =	sadd.s32 $0x10, s20  }
0x66: {  	[tilespmem:s3], [sflag:$0x1] =	stream.linear.gather [hbm4b:s21+s3], $0x80, $0x38;
	[tilespmem:$0x18180] =	vst v63  }
0x67: {  	p0 =	sne.s32 s20, $0x1F0;
	_ =	swait.ge [sflag:s11], $0x80  }
0x68: {  	[sflag:s11] =	ssyncset.done $0x0  }
0x69: {  	[sflag:s11] =	ssyncadd.s32 $0xFFFFFF80  }
0x6a: {  	[tilespmem:s12], [sflag:$0x1] =	stream.linear.gather [hbm4b:s17+s3], $0x8000, $0x38;
	[tilespmem:$0x18180] =	vst v63  }
0x6b: {  	_ =	swait.ge [sflag:s11], $0x8000  }
0x6c: {  	[sflag:s11] =	ssyncset.done $0x0  }
0x6d: {  	[sflag:s11] =	ssyncadd.s32 $0xFFFF8000  }
0x6e: {  	v17 =	vld.idx.msk [tilespmem:v0+s3+$0x0], $0xffff;
	_ =	sdelay $0x5  }
0x6f: {  	v17 =	vshll.u32 v17, $0x1  }
0x70: {  	v17 =	vor.u32 v1, v17  }
0x71: {  	[tilespmem:$0x80] =	vst v17  }
0x72: {  	v17 =	vld.idx.msk [tilespmem:v2+s3+$0x0], $0xffff;
	_ =	sdelay $0x5  }
0x73: {  	v17 =	vshll.u32 v17, $0x1  }
0x74: {  	v17 =	vor.u32 v1, v17  }
0x75: {  	[tilespmem:$0x90] =	vst v17  }
0x76: {  	v17 =	vld.idx.msk [tilespmem:v3+s3+$0x0], $0xffff;
	_ =	sdelay $0x5  }
0x77: {  	v17 =	vshll.u32 v17, $0x1  }
0x78: {  	v17 =	vor.u32 v1, v17  }
0x79: {  	[tilespmem:$0xA0] =	vst v17  }
0x7a: {  	v17 =	vld.idx.msk [tilespmem:v4+s3+$0x0], $0xffff;
	_ =	sdelay $0x5  }
0x7b: {  	v17 =	vshll.u32 v17, $0x1  }
0x7c: {  	v17 =	vor.u32 v1, v17  }
0x7d: {  	[tilespmem:$0xB0] =	vst v17  }
0x7e: {  	v17 =	vld.idx.msk [tilespmem:v5+s3+$0x0], $0xffff;
	_ =	sdelay $0x5  }
0x7f: {  	v17 =	vshll.u32 v17, $0x1  }
0x80: {  	v17 =	vor.u32 v1, v17  }
0x81: {  	[tilespmem:$0xC0] =	vst v17  }
0x82: {  	v17 =	vld.idx.msk [tilespmem:v6+s3+$0x0], $0xffff;
	_ =	sdelay $0x5  }
0x83: {  	v17 =	vshll.u32 v17, $0x1  }
0x84: {  	v17 =	vor.u32 v1, v17  }
0x85: {  	[tilespmem:$0xD0] =	vst v17  }
0x86: {  	v17 =	vld.idx.msk [tilespmem:v7+s3+$0x0], $0xffff;
	_ =	sdelay $0x5  }
0x87: {  	v17 =	vshll.u32 v17, $0x1  }
0x88: {  	v17 =	vor.u32 v1, v17  }
0x89: {  	[tilespmem:$0xE0] =	vst v17  }
0x8a: {  	v17 =	vld.idx.msk [tilespmem:v8+s3+$0x0], $0xffff;
	_ =	sdelay $0x5  }
0x8b: {  	v17 =	vshll.u32 v17, $0x1  }
0x8c: {  	v17 =	vor.u32 v1, v17  }
0x8d: {  	[tilespmem:$0xF0] =	vst v17  }
0x8e: {  	v17 =	vld.idx.msk [tilespmem:v9+s3+$0x0], $0xffff;
	_ =	sdelay $0x5  }
0x8f: {  	v17 =	vshll.u32 v17, $0x1  }
0x90: {  	v17 =	vor.u32 v1, v17  }
0x91: {  	[tilespmem:$0x100] =	vst v17  }
0x92: {  	v17 =	vld.idx.msk [tilespmem:v10+s3+$0x0], $0xffff;
	_ =	sdelay $0x5  }
0x93: {  	v17 =	vshll.u32 v17, $0x1  }
0x94: {  	v17 =	vor.u32 v1, v17  }
0x95: {  	[tilespmem:$0x110] =	vst v17  }
0x96: {  	v17 =	vld.idx.msk [tilespmem:v11+s3+$0x0], $0xffff;
	_ =	sdelay $0x5  }
0x97: {  	v17 =	vshll.u32 v17, $0x1  }
0x98: {  	v17 =	vor.u32 v1, v17  }
0x99: {  	[tilespmem:$0x120] =	vst v17  }
0x9a: {  	v17 =	vld.idx.msk [tilespmem:v12+s3+$0x0], $0xffff;
	_ =	sdelay $0x5  }
0x9b: {  	v17 =	vshll.u32 v17, $0x1  }
0x9c: {  	v17 =	vor.u32 v1, v17  }
0x9d: {  	[tilespmem:$0x130] =	vst v17  }
0x9e: {  	v17 =	vld.idx.msk [tilespmem:v13+s3+$0x0], $0xffff;
	_ =	sdelay $0x5  }
0x9f: {  	v17 =	vshll.u32 v17, $0x1  }
0xa0: {  	v17 =	vor.u32 v1, v17  }
0xa1: {  	[tilespmem:$0x140] =	vst v17  }
0xa2: {  	v17 =	vld.idx.msk [tilespmem:v14+s3+$0x0], $0xffff;
	_ =	sdelay $0x5  }
0xa3: {  	v17 =	vshll.u32 v17, $0x1  }
0xa4: {  	v17 =	vor.u32 v1, v17  }
0xa5: {  	[tilespmem:$0x150] =	vst v17  }
0xa6: {  	v17 =	vld.idx.msk [tilespmem:v15+s3+$0x0], $0xffff;
	_ =	sdelay $0x5  }
0xa7: {  	v17 =	vshll.u32 v17, $0x1  }
0xa8: {  	v17 =	vor.u32 v1, v17  }
0xa9: {  	[tilespmem:$0x160] =	vst v17  }
0xaa: {  	v17 =	vld.idx.msk [tilespmem:v16+s3+$0x0], $0xffff;
	_ =	sdelay $0x5  }
0xab: {  	v17 =	vshll.u32 v17, $0x1  }
0xac: {  	v17 =	vor.u32 v1, v17  }
0xad: {  	[tilespmem:$0x170] =	vst v17  }
0xae: {  	[spmem:s2] =	stream.indirect.scatter.add.f32 [tilespmem:s12], [sflag:$0x1], $0x80, s13, s13, $0xb8;
	[tilespmem:$0x18180] =	vst v63  }
0xaf: {  	_ =	swait.ge [sflag:s11], $0x4000  }
.Ltmp0:
0xb0: {  	[sflag:s11] =	ssyncset.done $0x0;
	(pc) =	sbr.rel @p0 .LBB2_2-.Ltmp0, $4  }
0xb1: {  	[sflag:s11] =	ssyncadd.s32 $0xFFFFC000  }
0xb2: {  	[spmem:s2] =	stream.indirect.scatter.add.f32 [tilespmem:s15], [sflag:$0x1], $0x80, s14, s13, $0xb8;
	[tilespmem:$0x18180] =	vst v63  }
0xb3: {  	_ =	swait.ge [sflag:s11], $0x4000  }
0xb4: {  	s20 =	smov.u32 s19;
	s17 =	sadd.s32 $0x1000, s17;
	[sflag:s11] =	ssyncset.done $0x0  }
0xb5: {  	s18 =	sadd.s32 s18, s9;
	[sflag:s11] =	ssyncadd.s32 $0xFFFFC000  }
0xb6: {  	[tilespmem:s3], [sflag:$0x1] =	stream.linear.gather [hbm4b:s18+s3], $0x80, $0x38;
	[tilespmem:$0x18180] =	vst v63  }
0xb7: {  	_ =	swait.ge [sflag:s11], $0x80  }
0xb8: {  	[sflag:s11] =	ssyncset.done $0x0  }
0xb9: {  	[sflag:s11] =	ssyncadd.s32 $0xFFFFFF80  }
0xba: {  	[tilespmem:s12], [sflag:$0x1] =	stream.linear.gather [hbm4b:s17+s3], $0x8000, $0x38;
	[tilespmem:$0x18180] =	vst v63  }
0xbb: {  	_ =	swait.ge [sflag:s11], $0x8000  }
0xbc: {  	[sflag:s11] =	ssyncset.done $0x0  }
0xbd: {  	[sflag:s11] =	ssyncadd.s32 $0xFFFF8000  }
0xbe: {  	v17 =	vld.idx.msk [tilespmem:v0+s3+$0x0], $0xffff;
	_ =	sdelay $0x4  }
0xbf: {  	v17 =	vshll.u32 v17, $0x1  }
0xc0: {  	v17 =	vor.u32 v1, v17  }
0xc1: {  	[tilespmem:$0x80] =	vst v17  }
0xc2: {  	v17 =	vld.idx.msk [tilespmem:v2+s3+$0x0], $0xffff;
	_ =	sdelay $0x4  }
0xc3: {  	v17 =	vshll.u32 v17, $0x1  }
0xc4: {  	v17 =	vor.u32 v1, v17  }
0xc5: {  	[tilespmem:$0x90] =	vst v17  }
0xc6: {  	v17 =	vld.idx.msk [tilespmem:v3+s3+$0x0], $0xffff;
	_ =	sdelay $0x4  }
0xc7: {  	v17 =	vshll.u32 v17, $0x1  }
0xc8: {  	v17 =	vor.u32 v1, v17  }
0xc9: {  	[tilespmem:$0xA0] =	vst v17  }
0xca: {  	v17 =	vld.idx.msk [tilespmem:v4+s3+$0x0], $0xffff;
	_ =	sdelay $0x4  }
0xcb: {  	v17 =	vshll.u32 v17, $0x1  }
0xcc: {  	v17 =	vor.u32 v1, v17  }
0xcd: {  	[tilespmem:$0xB0] =	vst v17  }
0xce: {  	v17 =	vld.idx.msk [tilespmem:v5+s3+$0x0], $0xffff;
	_ =	sdelay $0x4  }
0xcf: {  	v17 =	vshll.u32 v17, $0x1  }
0xd0: {  	v17 =	vor.u32 v1, v17  }
0xd1: {  	[tilespmem:$0xC0] =	vst v17  }
0xd2: {  	v17 =	vld.idx.msk [tilespmem:v6+s3+$0x0], $0xffff;
	_ =	sdelay $0x4  }
0xd3: {  	v17 =	vshll.u32 v17, $0x1  }
0xd4: {  	v17 =	vor.u32 v1, v17  }
0xd5: {  	[tilespmem:$0xD0] =	vst v17  }
0xd6: {  	v17 =	vld.idx.msk [tilespmem:v7+s3+$0x0], $0xffff;
	_ =	sdelay $0x4  }
0xd7: {  	v17 =	vshll.u32 v17, $0x1  }
0xd8: {  	v17 =	vor.u32 v1, v17  }
0xd9: {  	[tilespmem:$0xE0] =	vst v17  }
0xda: {  	v17 =	vld.idx.msk [tilespmem:v8+s3+$0x0], $0xffff;
	_ =	sdelay $0x4  }
0xdb: {  	v17 =	vshll.u32 v17, $0x1  }
0xdc: {  	v17 =	vor.u32 v1, v17  }
0xdd: {  	[tilespmem:$0xF0] =	vst v17  }
0xde: {  	v17 =	vld.idx.msk [tilespmem:v9+s3+$0x0], $0xffff;
	_ =	sdelay $0x4  }
0xdf: {  	v17 =	vshll.u32 v17, $0x1  }
0xe0: {  	v17 =	vor.u32 v1, v17  }
0xe1: {  	[tilespmem:$0x100] =	vst v17  }
0xe2: {  	v17 =	vld.idx.msk [tilespmem:v10+s3+$0x0], $0xffff;
	_ =	sdelay $0x4  }
0xe3: {  	v17 =	vshll.u32 v17, $0x1  }
0xe4: {  	v17 =	vor.u32 v1, v17  }
0xe5: {  	[tilespmem:$0x110] =	vst v17  }
0xe6: {  	v17 =	vld.idx.msk [tilespmem:v11+s3+$0x0], $0xffff;
	_ =	sdelay $0x4  }
0xe7: {  	v17 =	vshll.u32 v17, $0x1  }
0xe8: {  	v17 =	vor.u32 v1, v17  }
0xe9: {  	[tilespmem:$0x120] =	vst v17  }
0xea: {  	v17 =	vld.idx.msk [tilespmem:v12+s3+$0x0], $0xffff;
	_ =	sdelay $0x4  }
0xeb: {  	v17 =	vshll.u32 v17, $0x1  }
0xec: {  	v17 =	vor.u32 v1, v17  }
0xed: {  	[tilespmem:$0x130] =	vst v17  }
0xee: {  	v17 =	vld.idx.msk [tilespmem:v13+s3+$0x0], $0xffff;
	_ =	sdelay $0x4  }
0xef: {  	v17 =	vshll.u32 v17, $0x1  }
0xf0: {  	v17 =	vor.u32 v1, v17  }
0xf1: {  	[tilespmem:$0x140] =	vst v17  }
0xf2: {  	v17 =	vld.idx.msk [tilespmem:v14+s3+$0x0], $0xffff;
	_ =	sdelay $0x4  }
0xf3: {  	v17 =	vshll.u32 v17, $0x1  }
0xf4: {  	v17 =	vor.u32 v1, v17  }
0xf5: {  	[tilespmem:$0x150] =	vst v17  }
0xf6: {  	v17 =	vld.idx.msk [tilespmem:v15+s3+$0x0], $0xffff;
	_ =	sdelay $0x4  }
0xf7: {  	v17 =	vshll.u32 v17, $0x1  }
0xf8: {  	v17 =	vor.u32 v1, v17  }
0xf9: {  	[tilespmem:$0x160] =	vst v17  }
0xfa: {  	v17 =	vld.idx.msk [tilespmem:v16+s3+$0x0], $0xffff;
	_ =	sdelay $0x4  }
0xfb: {  	v17 =	vshll.u32 v17, $0x1  }
0xfc: {  	v17 =	vor.u32 v1, v17  }
0xfd: {  	[tilespmem:$0x170] =	vst v17  }
0xfe: {  	[spmem:s2] =	stream.indirect.scatter.add.f32 [tilespmem:s12], [sflag:$0x1], $0x80, s13, s13, $0xb8;
	[tilespmem:$0x18180] =	vst v63  }
0xff: {  	_ =	swait.ge [sflag:s11], $0x4000  }
0x100: {  	[sflag:s11] =	ssyncset.done $0x0  }
0x101: {  	[sflag:s11] =	ssyncadd.s32 $0xFFFFC000  }
0x102: {  	[spmem:s2] =	stream.indirect.scatter.add.f32 [tilespmem:s15], [sflag:$0x1], $0x80, s14, s13, $0xb8;
	[tilespmem:$0x18180] =	vst v63  }
0x103: {  	_ =	swait.ge [sflag:s11], $0x4000  }
0x104: {  	s16 =	sadd.s32 $0x1, s16;
	[sflag:s11] =	ssyncset.done $0x0  }
0x105: {  	p0 =	sne.s32 s16, s7;
	[sflag:s11] =	ssyncadd.s32 $0xFFFFC000  }
.Ltmp1:
0x106: {  	[bflag:$0x0] =	sbarrier.arrive $0xFFFF;
	(pc) =	sbr.rel @p0 .LBB2_1-.Ltmp1, $4  }
0x107: {  	[hbm:s6], [sflag:s5] =	dma.local [spmem:s10], $0x2000  }
0x108: {  	_ =	swait.ge [sflag:s11], $0x2000  }
0x109: {  	[sflag:s11] =	ssyncset.done $0x0  }
0x10a: {  	[sflag:s11] =	ssyncadd.s32 $0xFFFFE000  }
0x10b: {  	_ =	sfence.sel $0x180000  }
0x10c: {  	[bflag:$0x0] =	sbarrier.arrive $0xFFFF  }
0x10d: {  	p0 =	sne.s32 s1, $0x0;
	_ =	strace $0x9000004D  }
0x10e: {  	s0 =	sadd.s32 @!p0 $0x100000, s0;
	[bflag:$0x2] =	sbarrier.arrive $0xFFFF  }
0x10f: {  	[sflag:s0] =	ssyncadd.tile.s32 @!p0 $0x1;
	_ =	shalt  }
.Lfunc_end2:
_tile_overlayer_lowered:
.L_overlay_start_2:
0x110: {  	(tag) =	ssettag $0x2  }
0x111: {  	s0 =	rddreg [dreg:$0x0];
	s2 =	stileid.u32  }
0x112: {  	s1 =	rddreg [dreg:$0x1];
	p0 =	sne.s32 s2, $0x0  }
0x113: {  	s3 =	rddreg [dreg:$0x2];
	[bflag:$0x3] =	sbarrier.arrive $0xFFFF;
	s2 =	simm.s32 @!p0 $0x1C01  }
0x114: {  	[timem:s3], [sflag:s2] =	dma.local @!p0 [hbm:s0], s1  }
0x115: {  	s0 =	simm.s32 @!p0 $0x1  }
0x116: {  	_ =	swait.ge @!p0 [sflag:s0], s1  }
0x117: {  	s1 =	ssub.s32 @!p0 $0x0, s1;
	[sflag:s0] =	ssyncset.done @!p0 $0x0  }
0x118: {  	[sflag:s0] =	ssyncadd.s32 @!p0 s1  }
0x119: {  	[bflag:$0x3] =	sbarrier.arrive $0xFFFF  }
0x11a: {  	_ =	shalt  }

</sc_bundles>
